<compile_context>
chip_gen: v7x
topology: tpu7x:2x2x1
jax: 0.10.2.dev20260603
libtpu: 0.0.44.dev20260713+nightly
codegen_flags: <defaults>
</compile_context>

<pallas_src>
import functools

import jax
import jax.numpy as jnp
from jax import lax
from jax.experimental import pallas as pl
from jax.experimental.pallas import tpu as pltpu
from jax.experimental.pallas import tpu_sc as plsc

N = 10000
E = 320000
D = 128
S = 4
ORDER = 4

NC = 2
NS = 16
NW = NC * NS
C = 128
KCH = 81
EPT = KCH * C
E_PAD = NW * EPT
PAD = E_PAD - E
N_ACC = 10112
RPT = N_ACC // NS
N_DUMMY = N_ACC - N

_mesh = plsc.VectorSubcoreMesh(core_axis_name="c", subcore_axis_name="s",
                               num_cores=NC, num_subcores=NS)



LANE_IN = 64


@functools.partial(
    pl.kernel,
    out_type=jax.ShapeDtypeStruct((NC, N_ACC, D), jnp.float32),
    mesh=_mesh,
    scratch_types=[
        pltpu.VMEM((KCH, C), jnp.int32),
        pltpu.VMEM((KCH, C), jnp.int32),
        pltpu.VMEM((C, D), jnp.float32),
        pltpu.VMEM_SHARED((N_ACC, D), jnp.float32),
        pltpu.SemaphoreType.DMA,
    ],
)
def _sc_degrees(src_hbm, dst_hbm, onesa_hbm, onesb_hbm, ztile_hbm,
                deg_hbm, sidx, didx, buf, acc, dsem):
    c = lax.axis_index("c")
    s = lax.axis_index("s")
    w = c * NS + s
    for z in range(RPT // C):
        pltpu.sync_copy(ztile_hbm, acc.at[pl.ds(s * RPT + z * C, C)])
    if RPT % C:
        pltpu.sync_copy(ztile_hbm.at[pl.ds(0, RPT % C)],
                        acc.at[pl.ds(s * RPT + (RPT // C) * C, RPT % C)])
    pltpu.sync_copy(src_hbm.at[w], sidx)
    pltpu.sync_copy(dst_hbm.at[w], didx)
    pltpu.sync_copy(onesa_hbm, buf)
    plsc.subcore_barrier()

    @pl.loop(0, KCH)
    def _(j):
        pltpu.async_copy(buf, acc.at[sidx.at[j]], dsem, add=True)

    @pl.loop(0, KCH)
    def _(j):
        pltpu.make_async_copy(onesa_hbm, buf, dsem).wait()

    pltpu.sync_copy(onesb_hbm, buf)

    @pl.loop(0, KCH)
    def _(j):
        pltpu.async_copy(buf, acc.at[didx.at[j]], dsem, add=True)

    @pl.loop(0, KCH)
    def _(j):
        pltpu.make_async_copy(onesa_hbm, buf, dsem).wait()

    plsc.subcore_barrier()
    pltpu.sync_copy(acc.at[pl.ds(s * RPT, RPT)],
                    deg_hbm.at[c, pl.ds(s * RPT, RPT)])


@functools.partial(
    pl.kernel,
    out_type=jax.ShapeDtypeStruct((NC, N_ACC, D), jnp.float32),
    mesh=_mesh,
    scratch_types=[
        pltpu.VMEM((C,), jnp.int32),
        pltpu.VMEM((C,), jnp.int32),
        pltpu.VMEM((C,), jnp.int32),
        pltpu.VMEM((C,), jnp.int32),
        pltpu.VMEM((C,), jnp.int32),
        pltpu.VMEM((C,), jnp.int32),
        pltpu.VMEM((C, D), jnp.float32),
        pltpu.VMEM((C, D), jnp.float32),
        pltpu.VMEM((C, D), jnp.float32),
        pltpu.VMEM_SHARED((N_ACC, D), jnp.float32),
        pltpu.SemaphoreType.DMA,
        pltpu.SemaphoreType.DMA,
        pltpu.SemaphoreType.DMA,
        pltpu.SemaphoreType.DMA,
        pltpu.SemaphoreType.DMA,
        pltpu.SemaphoreType.DMA,
        pltpu.SemaphoreType.DMA,
        pltpu.SemaphoreType.DMA,
        pltpu.SemaphoreType.DMA,
        pltpu.SemaphoreType.DMA,
        pltpu.SemaphoreType.DMA,
        pltpu.SemaphoreType.DMA,
    ],
)
def _sc_hop(u_hbm, src_hbm, dst_hbm, ztile_hbm, part_hbm,
            sib0, sib1, sib2, dib0, dib1, dib2, gb0, gb1, gb2, acc,
            is0, is1, is2, id0, id1, id2, gs0, gs1, gs2, ss0, ss1, ss2):
    c = lax.axis_index("c")
    s = lax.axis_index("s")
    w = c * NS + s
    sib = (sib0, sib1, sib2)
    dib = (dib0, dib1, dib2)
    gb = (gb0, gb1, gb2)
    isem = (is0, is1, is2)
    idsem = (id0, id1, id2)
    gsem = (gs0, gs1, gs2)
    ssem = (ss0, ss1, ss2)
    for z in range(RPT // C):
        pltpu.sync_copy(ztile_hbm, acc.at[pl.ds(s * RPT + z * C, C)])
    if RPT % C:
        pltpu.sync_copy(ztile_hbm.at[pl.ds(0, RPT % C)],
                        acc.at[pl.ds(s * RPT + (RPT // C) * C, RPT % C)])
    plsc.subcore_barrier()

    def fire_sidx(j, b):
        pltpu.async_copy(src_hbm.at[w, j], sib[b], isem[b])

    def fire_didx(j, b):
        pltpu.async_copy(dst_hbm.at[w, j], dib[b], idsem[b])

    def fire_gather(b):
        pltpu.async_copy(u_hbm.at[sib[b]], gb[b], gsem[b])

    def fire_scatter(b):
        pltpu.async_copy(gb[b], acc.at[dib[b]], ssem[b], add=True)

    def wait_idx(sem, ref):
        pltpu.make_async_copy(src_hbm.at[w, 0], ref, sem).wait()

    def wait_buf(sem, b):
        pltpu.make_async_copy(ztile_hbm, gb[b], sem).wait()

    fire_sidx(0, 0)
    fire_sidx(1, 1)
    fire_sidx(2, 2)
    fire_didx(0, 0)
    fire_didx(1, 1)
    wait_idx(isem[0], sib[0])
    fire_gather(0)
    wait_idx(isem[1], sib[1])
    fire_gather(1)
    fire_didx(2, 2)
    wait_idx(isem[2], sib[2])
    fire_gather(2)
    wait_buf(gsem[0], 0)
    wait_idx(idsem[0], dib[0])
    fire_scatter(0)
    fire_sidx(3, 0)

    @pl.loop(1, KCH // 3)
    def _(t):
        j0 = 3 * t
        for b in range(3):
            j = j0 + b
            c2 = (b + 1) % 3
            pltpu.make_async_copy(ztile_hbm, gb[b], ssem[b]).wait()
            pltpu.async_copy(dst_hbm.at[w, j], dib[b], idsem[b])
            pltpu.make_async_copy(src_hbm.at[w, 0], sib[b], isem[b]).wait()
            pltpu.async_copy(u_hbm.at[sib[b]], gb[b], gsem[b])
            pltpu.make_async_copy(ztile_hbm, gb[c2], gsem[c2]).wait()
            pltpu.make_async_copy(src_hbm.at[w, 0], dib[c2],
                                  idsem[c2]).wait()
            pltpu.async_copy(gb[c2], acc.at[dib[c2]], ssem[c2], add=True)
            jn = jnp.where(j + 1 < KCH, j + 1, 0)
            pltpu.async_copy(src_hbm.at[w, jn], sib[c2], isem[c2])

    bL2 = (KCH - 2) % 3
    bL1 = (KCH - 1) % 3
    wait_buf(gsem[bL2], bL2)
    wait_idx(idsem[bL2], dib[bL2])
    fire_scatter(bL2)
    wait_buf(gsem[bL1], bL1)
    wait_idx(idsem[bL1], dib[bL1])
    fire_scatter(bL1)
    for b in range(3):
        pltpu.make_async_copy(ztile_hbm, gb[b], ssem[b]).wait()
    wait_idx(isem[(KCH) % 3], sib[(KCH) % 3])
    plsc.subcore_barrier()
    pltpu.sync_copy(acc.at[pl.ds(s * RPT, RPT)],
                    part_hbm.at[c, pl.ds(s * RPT, RPT)])



_R2 = 1264
_RF = 2000


def _prep_body(deg_ref, x_ref, u0_ref, p_ref, di_ref):
    do = deg_ref[0, :, 0:1] + deg_ref[1, :, 0:1]
    dI = deg_ref[0, :, LANE_IN:LANE_IN + 1] + deg_ref[1, :, LANE_IN:LANE_IN + 1]
    rdo = lax.rsqrt(jnp.maximum(do, 1.0))
    rdi = lax.rsqrt(jnp.maximum(dI, 1.0))
    u0_ref[...] = x_ref[...] * rdo
    p_ref[...] = rdo * rdi
    di_ref[...] = rdi


_tc_prep = pl.pallas_call(
    _prep_body,
    grid=(N_ACC // _R2,),
    in_specs=[
        pl.BlockSpec((NC, _R2, D), lambda i: (0, i, 0)),
        pl.BlockSpec((_R2, D), lambda i: (i, 0)),
    ],
    out_specs=[
        pl.BlockSpec((_R2, D), lambda i: (i, 0)),
        pl.BlockSpec((_R2, 1), lambda i: (i, 0)),
        pl.BlockSpec((_R2, 1), lambda i: (i, 0)),
    ],
    out_shape=[
        jax.ShapeDtypeStruct((N_ACC, D), jnp.float32),
        jax.ShapeDtypeStruct((N_ACC, 1), jnp.float32),
        jax.ShapeDtypeStruct((N_ACC, 1), jnp.float32),
    ],
)


def _comb_body(part_ref, p_ref, v_ref, u_ref):
    v = part_ref[0] + part_ref[1]
    v_ref[...] = v
    u_ref[...] = v * p_ref[...]


_tc_combine = pl.pallas_call(
    _comb_body,
    grid=(N_ACC // _R2,),
    in_specs=[
        pl.BlockSpec((NC, _R2, D), lambda i: (0, i, 0)),
        pl.BlockSpec((_R2, 1), lambda i: (i, 0)),
    ],
    out_specs=[
        pl.BlockSpec((_R2, D), lambda i: (i, 0)),
        pl.BlockSpec((_R2, D), lambda i: (i, 0)),
    ],
    out_shape=[
        jax.ShapeDtypeStruct((N_ACC, D), jnp.float32),
        jax.ShapeDtypeStruct((N_ACC, D), jnp.float32),
    ],
)


def _final_body(co_ref, x_ref, v1_ref, v2_ref, v3_ref, p4_ref, di_ref,
                out_ref):
    di_col = di_ref[...]
    vs = (v1_ref[...], v2_ref[...], v3_ref[...], p4_ref[0] + p4_ref[1])
    for si in range(S):
        acc = co_ref[si, 1] * vs[0]
        for k in range(1, ORDER):
            acc = acc + co_ref[si, k + 1] * vs[k]
        out_ref[si] = co_ref[si, 0] * x_ref[...] + di_col * acc


_tc_final = pl.pallas_call(
    _final_body,
    grid=(N // _RF,),
    in_specs=[
        pl.BlockSpec(memory_space=pltpu.SMEM),
        pl.BlockSpec((_RF, D), lambda i: (i, 0)),
        pl.BlockSpec((_RF, D), lambda i: (i, 0)),
        pl.BlockSpec((_RF, D), lambda i: (i, 0)),
        pl.BlockSpec((_RF, D), lambda i: (i, 0)),
        pl.BlockSpec((NC, _RF, D), lambda i: (0, i, 0)),
        pl.BlockSpec((_RF, 1), lambda i: (i, 0)),
    ],
    out_specs=pl.BlockSpec((S, _RF, D), lambda i: (0, i, 0)),
    out_shape=jax.ShapeDtypeStruct((S, N, D), jnp.float32),
)



def kernel(x, edge_index, coeffs):
    src = edge_index[0].astype(jnp.int32)
    dst = edge_index[1].astype(jnp.int32)

    pad_iota = jnp.arange(PAD, dtype=jnp.int32)
    dummy = N + pad_iota % N_DUMMY
    src_g = jnp.concatenate([src, pad_iota % N]).reshape(NW, KCH, C)
    dst_p = jnp.concatenate([dst, dummy]).reshape(NW, KCH, C)
    src_d = jnp.concatenate([src, dummy]).reshape(NW, KCH, C)

    x_p = jnp.pad(x, ((0, N_ACC - N), (0, 0)))
    lane = lax.broadcasted_iota(jnp.int32, (C, D), 1)
    onesa = jnp.where(lane == 0, 1.0, 0.0).astype(jnp.float32)
    onesb = jnp.where(lane == LANE_IN, 1.0, 0.0).astype(jnp.float32)
    ztile = jnp.zeros((C, D), jnp.float32)

    deg_p = _sc_degrees(src_d, dst_p, onesa, onesb, ztile)
    u, p, di = _tc_prep(deg_p, x_p)

    vs = []
    for k in range(ORDER):
        part = _sc_hop(u, src_g, dst_p, ztile)
        if k < ORDER - 1:
            v, u = _tc_combine(part, p)
            vs.append(v)

    return _tc_final(coeffs, x_p, vs[0], vs[1], vs[2], part, di)

# --- scband reference (transcript-rebuilt; emitter-appended) ---
"""Pipeline reference for scband-reachability-times-xmodel-83408264888624 (READ-ONLY COPY).

The authoritative reference and input builder live on the scoring server;
editing this copy changes nothing except your own understanding.
"""

import jax, jax.numpy as jnp
import numpy as np

N = 10000
E = 320000
D = 128
S = 4      # number of coefficient series (filters)
ORDER = 4  # polynomial order -> coeffs has ORDER+1 columns
# adj_seq: all 'X' orientations, i.e. symmetric normalization DAD = D^{-1/2} A D^{-1/2}


def setup_inputs(seed: int = 0) -> dict:
    key = jax.random.key(seed)
    k1, k2, k3 = jax.random.split(key, 3)
    x = jax.random.normal(k1, (N, D), dtype=jnp.float32)
    edge_index = jax.random.randint(k2, (2, E), 0, N, dtype=jnp.int32)
    # learned parameter of coeffs_obj (RWLCoefficientsModel): coeffs_obj() -> [S, ORDER+1]
    coeffs = jax.random.normal(k3, (S, ORDER + 1), dtype=jnp.float32) * 0.1
    return {"x": x, "edge_index": edge_index, "coeffs": coeffs}


def reference(x, edge_index, coeffs):
    src = edge_index[0]
    dst = edge_index[1]
    ones = jnp.ones((E,), dtype=jnp.float32)
    deg_out = jax.ops.segment_sum(ones, src, num_segments=N)
    deg_in = jax.ops.segment_sum(ones, dst, num_segments=N)
    deg_out = jnp.maximum(deg_out, 1.0)
    deg_in = jnp.maximum(deg_in, 1.0)
    # symmetric normalized edge weights for DAD (orientation 'X')
    w = 1.0 / jnp.sqrt(deg_out[src] * deg_in[dst])

    def spmm_dad(m):
        # (DAD @ m)[i] = sum over edges with dst==i of w_e * m[src_e]
        return jax.ops.segment_sum(w[:, None] * m[src], dst, num_segments=N)

    monome = x
    out = coeffs[:, 0][:, None, None] * monome[None, :, :]
    for k in range(ORDER):
        monome = spmm_dad(monome)
        out = out + coeffs[:, k + 1][:, None, None] * monome[None, :, :]
    return out  # [S, N, D]

if __name__ == "__main__":
    import jax
    _d = setup_inputs()
    print(jax.jit(kernel)(*tuple(_d.values())))

</pallas_src>

<mosaic_0001>
#map = affine_map<(d0, d1) -> (0, 0)>
#map1 = affine_map<(d0, d1) -> (0, 0, 0)>
module attributes {stable_mosaic.version = 14 : i64} {
  func.func @_sc_hop(%arg0: i32, %arg1: i32, %arg2: memref<10112x128xf32, #tpu.memory_space<hbm>>, %arg3: memref<32x81x128xi32, #tpu.memory_space<hbm>>, %arg4: memref<32x81x128xi32, #tpu.memory_space<hbm>>, %arg5: memref<128x128xf32, #tpu.memory_space<hbm>>, %arg6: memref<2x10112x128xf32, #tpu.memory_space<hbm>>, %arg7: memref<128xi32, #tpu.memory_space<vmem>>, %arg8: memref<128xi32, #tpu.memory_space<vmem>>, %arg9: memref<128xi32, #tpu.memory_space<vmem>>, %arg10: memref<128xi32, #tpu.memory_space<vmem>>, %arg11: memref<128xi32, #tpu.memory_space<vmem>>, %arg12: memref<128xi32, #tpu.memory_space<vmem>>, %arg13: memref<128x128xf32, #tpu.memory_space<vmem>>, %arg14: memref<128x128xf32, #tpu.memory_space<vmem>>, %arg15: memref<128x128xf32, #tpu.memory_space<vmem>>, %arg16: memref<10112x128xf32, #tpu.memory_space<vmem_shared>>, %arg17: memref<!tpu.dma_semaphore, #tpu.memory_space<semaphore_mem>>, %arg18: memref<!tpu.dma_semaphore, #tpu.memory_space<semaphore_mem>>, %arg19: memref<!tpu.dma_semaphore, #tpu.memory_space<semaphore_mem>>, %arg20: memref<!tpu.dma_semaphore, #tpu.memory_space<semaphore_mem>>, %arg21: memref<!tpu.dma_semaphore, #tpu.memory_space<semaphore_mem>>, %arg22: memref<!tpu.dma_semaphore, #tpu.memory_space<semaphore_mem>>, %arg23: memref<!tpu.dma_semaphore, #tpu.memory_space<semaphore_mem>>, %arg24: memref<!tpu.dma_semaphore, #tpu.memory_space<semaphore_mem>>, %arg25: memref<!tpu.dma_semaphore, #tpu.memory_space<semaphore_mem>>, %arg26: memref<!tpu.dma_semaphore, #tpu.memory_space<semaphore_mem>>, %arg27: memref<!tpu.dma_semaphore, #tpu.memory_space<semaphore_mem>>, %arg28: memref<!tpu.dma_semaphore, #tpu.memory_space<semaphore_mem>>) attributes {dimension_semantics = [#tpu.dimension_semantics<core_parallel>, #tpu.dimension_semantics<subcore_parallel>], iteration_bounds = array<i64: 2, 16>, scalar_prefetch = 0 : i64, scratch_operands = 22 : i64, tpu.core_type = #tpu.core_type<sc_vector_subcore>, window_params = [{transform_indices = #map}, {transform_indices = #map1}, {transform_indices = #map1}, {transform_indices = #map}, {transform_indices = #map1}]} {
    %mul3A = arith.constant 16 : i32
    %mul3A_0 = arith.muli %arg0, %mul3A : i32
    %add3A = arith.addi %mul3A_0, %arg1 : i32
    %mul3A_1 = arith.constant 632 : i32
    %mul3A_2 = arith.muli %arg1, %mul3A_1 : i32
    %add3A_3 = arith.constant 0 : i32
    %add3A_4 = arith.addi %mul3A_2, %add3A_3 : i32
    "tpu.region"() ({
      %run_scoped3A = tpu.sem_alloc : memref<!tpu.dma_semaphore, #tpu.memory_space<semaphore_mem>>
      %dma_start3A_144 = arith.constant 0 : i32
      %dma_start3A_145 = tpu.memref_slice %arg16[%add3A_4, %dma_start3A_144] : memref<10112x128xf32, #tpu.memory_space<vmem_shared>> -> memref<128x128xf32, #tpu.memory_space<vmem_shared>>
      tpu.enqueue_dma source(%arg5 : memref<128x128xf32, #tpu.memory_space<hbm>>) target(%dma_start3A_145 : memref<128x128xf32, #tpu.memory_space<vmem_shared>>) target_semaphore(%run_scoped3A : memref<!tpu.dma_semaphore, #tpu.memory_space<semaphore_mem>>)
      %dma_wait3A_146 = arith.constant 0 : i32
      %dma_wait3A_147 = tpu.memref_slice %arg16[%add3A_4, %dma_wait3A_146] : memref<10112x128xf32, #tpu.memory_space<vmem_shared>> -> memref<128x128xf32, #tpu.memory_space<vmem_shared>>
      tpu.wait_dma2 semaphore(%run_scoped3A : memref<!tpu.dma_semaphore, #tpu.memory_space<semaphore_mem>>) src(%arg5 : memref<128x128xf32, #tpu.memory_space<hbm>>) dst(%dma_wait3A_147 : memref<128x128xf32, #tpu.memory_space<vmem_shared>>)
      tpu.yield
    }) : () -> ()
    %mul3A_5 = arith.constant 632 : i32
    %mul3A_6 = arith.muli %arg1, %mul3A_5 : i32
    %add3A_7 = arith.constant 128 : i32
    %add3A_8 = arith.addi %mul3A_6, %add3A_7 : i32
    "tpu.region"() ({
      %run_scoped3A = tpu.sem_alloc : memref<!tpu.dma_semaphore, #tpu.memory_space<semaphore_mem>>
      %dma_start3A_144 = arith.constant 0 : i32
      %dma_start3A_145 = tpu.memref_slice %arg16[%add3A_8, %dma_start3A_144] : memref<10112x128xf32, #tpu.memory_space<vmem_shared>> -> memref<128x128xf32, #tpu.memory_space<vmem_shared>>
      tpu.enqueue_dma source(%arg5 : memref<128x128xf32, #tpu.memory_space<hbm>>) target(%dma_start3A_145 : memref<128x128xf32, #tpu.memory_space<vmem_shared>>) target_semaphore(%run_scoped3A : memref<!tpu.dma_semaphore, #tpu.memory_space<semaphore_mem>>)
      %dma_wait3A_146 = arith.constant 0 : i32
      %dma_wait3A_147 = tpu.memref_slice %arg16[%add3A_8, %dma_wait3A_146] : memref<10112x128xf32, #tpu.memory_space<vmem_shared>> -> memref<128x128xf32, #tpu.memory_space<vmem_shared>>
      tpu.wait_dma2 semaphore(%run_scoped3A : memref<!tpu.dma_semaphore, #tpu.memory_space<semaphore_mem>>) src(%arg5 : memref<128x128xf32, #tpu.memory_space<hbm>>) dst(%dma_wait3A_147 : memref<128x128xf32, #tpu.memory_space<vmem_shared>>)
      tpu.yield
    }) : () -> ()
    %mul3A_9 = arith.constant 632 : i32
    %mul3A_10 = arith.muli %arg1, %mul3A_9 : i32
    %add3A_11 = arith.constant 256 : i32
    %add3A_12 = arith.addi %mul3A_10, %add3A_11 : i32
    "tpu.region"() ({
      %run_scoped3A = tpu.sem_alloc : memref<!tpu.dma_semaphore, #tpu.memory_space<semaphore_mem>>
      %dma_start3A_144 = arith.constant 0 : i32
      %dma_start3A_145 = tpu.memref_slice %arg16[%add3A_12, %dma_start3A_144] : memref<10112x128xf32, #tpu.memory_space<vmem_shared>> -> memref<128x128xf32, #tpu.memory_space<vmem_shared>>
      tpu.enqueue_dma source(%arg5 : memref<128x128xf32, #tpu.memory_space<hbm>>) target(%dma_start3A_145 : memref<128x128xf32, #tpu.memory_space<vmem_shared>>) target_semaphore(%run_scoped3A : memref<!tpu.dma_semaphore, #tpu.memory_space<semaphore_mem>>)
      %dma_wait3A_146 = arith.constant 0 : i32
      %dma_wait3A_147 = tpu.memref_slice %arg16[%add3A_12, %dma_wait3A_146] : memref<10112x128xf32, #tpu.memory_space<vmem_shared>> -> memref<128x128xf32, #tpu.memory_space<vmem_shared>>
      tpu.wait_dma2 semaphore(%run_scoped3A : memref<!tpu.dma_semaphore, #tpu.memory_space<semaphore_mem>>) src(%arg5 : memref<128x128xf32, #tpu.memory_space<hbm>>) dst(%dma_wait3A_147 : memref<128x128xf32, #tpu.memory_space<vmem_shared>>)
      tpu.yield
    }) : () -> ()
    %mul3A_13 = arith.constant 632 : i32
    %mul3A_14 = arith.muli %arg1, %mul3A_13 : i32
    %add3A_15 = arith.constant 384 : i32
    %add3A_16 = arith.addi %mul3A_14, %add3A_15 : i32
    "tpu.region"() ({
      %run_scoped3A = tpu.sem_alloc : memref<!tpu.dma_semaphore, #tpu.memory_space<semaphore_mem>>
      %dma_start3A_144 = arith.constant 0 : i32
      %dma_start3A_145 = tpu.memref_slice %arg16[%add3A_16, %dma_start3A_144] : memref<10112x128xf32, #tpu.memory_space<vmem_shared>> -> memref<128x128xf32, #tpu.memory_space<vmem_shared>>
      tpu.enqueue_dma source(%arg5 : memref<128x128xf32, #tpu.memory_space<hbm>>) target(%dma_start3A_145 : memref<128x128xf32, #tpu.memory_space<vmem_shared>>) target_semaphore(%run_scoped3A : memref<!tpu.dma_semaphore, #tpu.memory_space<semaphore_mem>>)
      %dma_wait3A_146 = arith.constant 0 : i32
      %dma_wait3A_147 = tpu.memref_slice %arg16[%add3A_16, %dma_wait3A_146] : memref<10112x128xf32, #tpu.memory_space<vmem_shared>> -> memref<128x128xf32, #tpu.memory_space<vmem_shared>>
      tpu.wait_dma2 semaphore(%run_scoped3A : memref<!tpu.dma_semaphore, #tpu.memory_space<semaphore_mem>>) src(%arg5 : memref<128x128xf32, #tpu.memory_space<hbm>>) dst(%dma_wait3A_147 : memref<128x128xf32, #tpu.memory_space<vmem_shared>>)
      tpu.yield
    }) : () -> ()
    %mul3A_17 = arith.constant 632 : i32
    %mul3A_18 = arith.muli %arg1, %mul3A_17 : i32
    %add3A_19 = arith.constant 512 : i32
    %add3A_20 = arith.addi %mul3A_18, %add3A_19 : i32
    "tpu.region"() ({
      %run_scoped3A = tpu.sem_alloc : memref<!tpu.dma_semaphore, #tpu.memory_space<semaphore_mem>>
      %dma_start3A_144 = arith.constant 0 : i32
      %dma_start3A_145 = tpu.memref_slice %arg16[%add3A_20, %dma_start3A_144] : memref<10112x128xf32, #tpu.memory_space<vmem_shared>> -> memref<120x128xf32, #tpu.memory_space<vmem_shared>>
      %dma_start3A_146 = arith.constant 0 : i32
      %dma_start3A_147 = arith.constant 0 : i32
      %dma_start3A_148 = tpu.memref_slice %arg5[%dma_start3A_146, %dma_start3A_147] : memref<128x128xf32, #tpu.memory_space<hbm>> -> memref<120x128xf32, #tpu.memory_space<hbm>>
      tpu.enqueue_dma source(%dma_start3A_148 : memref<120x128xf32, #tpu.memory_space<hbm>>) target(%dma_start3A_145 : memref<120x128xf32, #tpu.memory_space<vmem_shared>>) target_semaphore(%run_scoped3A : memref<!tpu.dma_semaphore, #tpu.memory_space<semaphore_mem>>)
      %dma_wait3A_149 = arith.constant 0 : i32
      %dma_wait3A_150 = tpu.memref_slice %arg16[%add3A_20, %dma_wait3A_149] : memref<10112x128xf32, #tpu.memory_space<vmem_shared>> -> memref<120x128xf32, #tpu.memory_space<vmem_shared>>
      %dma_wait3A_151 = arith.constant 0 : i32
      %dma_wait3A_152 = arith.constant 0 : i32
      %dma_wait3A_153 = tpu.memref_slice %arg5[%dma_wait3A_151, %dma_wait3A_152] : memref<128x128xf32, #tpu.memory_space<hbm>> -> memref<120x128xf32, #tpu.memory_space<hbm>>
      tpu.wait_dma2 semaphore(%run_scoped3A : memref<!tpu.dma_semaphore, #tpu.memory_space<semaphore_mem>>) src(%dma_wait3A_153 : memref<120x128xf32, #tpu.memory_space<hbm>>) dst(%dma_wait3A_150 : memref<120x128xf32, #tpu.memory_space<vmem_shared>>)
      tpu.yield
    }) : () -> ()
    %barrier3A = arith.constant 0 : index
    tpu.barrier barrier_id(%barrier3A)
    %dma_start3A = arith.constant 0 : i32
    %dma_start3A_21 = arith.constant 0 : i32
    %dma_start3A_22 = tpu.memref_slice %arg3[%add3A, %dma_start3A, %dma_start3A_21] : memref<32x81x128xi32, #tpu.memory_space<hbm>> -> memref<1x1x128xi32, #tpu.memory_space<hbm>>
    %dma_start3A_23 = tpu.memref_squeeze %dma_start3A_22 : memref<1x1x128xi32, #tpu.memory_space<hbm>> -> memref<128xi32, #tpu.memory_space<hbm>>
    %dma_start3A_24 = arith.constant 0 : i32
    %dma_start3A_25 = tpu.memref_slice %arg3[%add3A, %dma_start3A, %dma_start3A_24] : memref<32x81x128xi32, #tpu.memory_space<hbm>> -> memref<1x1x128xi32, #tpu.memory_space<hbm>>
    %dma_start3A_26 = tpu.memref_squeeze %dma_start3A_25 : memref<1x1x128xi32, #tpu.memory_space<hbm>> -> memref<128xi32, #tpu.memory_space<hbm>>
    tpu.enqueue_dma source(%dma_start3A_26 : memref<128xi32, #tpu.memory_space<hbm>>) target(%arg7 : memref<128xi32, #tpu.memory_space<vmem>>) target_semaphore(%arg17 : memref<!tpu.dma_semaphore, #tpu.memory_space<semaphore_mem>>)
    %dma_start3A_27 = arith.constant 1 : i32
    %dma_start3A_28 = arith.constant 0 : i32
    %dma_start3A_29 = tpu.memref_slice %arg3[%add3A, %dma_start3A_27, %dma_start3A_28] : memref<32x81x128xi32, #tpu.memory_space<hbm>> -> memref<1x1x128xi32, #tpu.memory_space<hbm>>
    %dma_start3A_30 = tpu.memref_squeeze %dma_start3A_29 : memref<1x1x128xi32, #tpu.memory_space<hbm>> -> memref<128xi32, #tpu.memory_space<hbm>>
    %dma_start3A_31 = arith.constant 0 : i32
    %dma_start3A_32 = tpu.memref_slice %arg3[%add3A, %dma_start3A_27, %dma_start3A_31] : memref<32x81x128xi32, #tpu.memory_space<hbm>> -> memref<1x1x128xi32, #tpu.memory_space<hbm>>
    %dma_start3A_33 = tpu.memref_squeeze %dma_start3A_32 : memref<1x1x128xi32, #tpu.memory_space<hbm>> -> memref<128xi32, #tpu.memory_space<hbm>>
    tpu.enqueue_dma source(%dma_start3A_33 : memref<128xi32, #tpu.memory_space<hbm>>) target(%arg8 : memref<128xi32, #tpu.memory_space<vmem>>) target_semaphore(%arg18 : memref<!tpu.dma_semaphore, #tpu.memory_space<semaphore_mem>>)
    %dma_start3A_34 = arith.constant 2 : i32
    %dma_start3A_35 = arith.constant 0 : i32
    %dma_start3A_36 = tpu.memref_slice %arg3[%add3A, %dma_start3A_34, %dma_start3A_35] : memref<32x81x128xi32, #tpu.memory_space<hbm>> -> memref<1x1x128xi32, #tpu.memory_space<hbm>>
    %dma_start3A_37 = tpu.memref_squeeze %dma_start3A_36 : memref<1x1x128xi32, #tpu.memory_space<hbm>> -> memref<128xi32, #tpu.memory_space<hbm>>
    %dma_start3A_38 = arith.constant 0 : i32
    %dma_start3A_39 = tpu.memref_slice %arg3[%add3A, %dma_start3A_34, %dma_start3A_38] : memref<32x81x128xi32, #tpu.memory_space<hbm>> -> memref<1x1x128xi32, #tpu.memory_space<hbm>>
    %dma_start3A_40 = tpu.memref_squeeze %dma_start3A_39 : memref<1x1x128xi32, #tpu.memory_space<hbm>> -> memref<128xi32, #tpu.memory_space<hbm>>
    tpu.enqueue_dma source(%dma_start3A_40 : memref<128xi32, #tpu.memory_space<hbm>>) target(%arg9 : memref<128xi32, #tpu.memory_space<vmem>>) target_semaphore(%arg19 : memref<!tpu.dma_semaphore, #tpu.memory_space<semaphore_mem>>)
    %dma_start3A_41 = arith.constant 0 : i32
    %dma_start3A_42 = arith.constant 0 : i32
    %dma_start3A_43 = tpu.memref_slice %arg4[%add3A, %dma_start3A_41, %dma_start3A_42] : memref<32x81x128xi32, #tpu.memory_space<hbm>> -> memref<1x1x128xi32, #tpu.memory_space<hbm>>
    %dma_start3A_44 = tpu.memref_squeeze %dma_start3A_43 : memref<1x1x128xi32, #tpu.memory_space<hbm>> -> memref<128xi32, #tpu.memory_space<hbm>>
    %dma_start3A_45 = arith.constant 0 : i32
    %dma_start3A_46 = tpu.memref_slice %arg4[%add3A, %dma_start3A_41, %dma_start3A_45] : memref<32x81x128xi32, #tpu.memory_space<hbm>> -> memref<1x1x128xi32, #tpu.memory_space<hbm>>
    %dma_start3A_47 = tpu.memref_squeeze %dma_start3A_46 : memref<1x1x128xi32, #tpu.memory_space<hbm>> -> memref<128xi32, #tpu.memory_space<hbm>>
    tpu.enqueue_dma source(%dma_start3A_47 : memref<128xi32, #tpu.memory_space<hbm>>) target(%arg10 : memref<128xi32, #tpu.memory_space<vmem>>) target_semaphore(%arg20 : memref<!tpu.dma_semaphore, #tpu.memory_space<semaphore_mem>>)
    %dma_start3A_48 = arith.constant 1 : i32
    %dma_start3A_49 = arith.constant 0 : i32
    %dma_start3A_50 = tpu.memref_slice %arg4[%add3A, %dma_start3A_48, %dma_start3A_49] : memref<32x81x128xi32, #tpu.memory_space<hbm>> -> memref<1x1x128xi32, #tpu.memory_space<hbm>>
    %dma_start3A_51 = tpu.memref_squeeze %dma_start3A_50 : memref<1x1x128xi32, #tpu.memory_space<hbm>> -> memref<128xi32, #tpu.memory_space<hbm>>
    %dma_start3A_52 = arith.constant 0 : i32
    %dma_start3A_53 = tpu.memref_slice %arg4[%add3A, %dma_start3A_48, %dma_start3A_52] : memref<32x81x128xi32, #tpu.memory_space<hbm>> -> memref<1x1x128xi32, #tpu.memory_space<hbm>>
    %dma_start3A_54 = tpu.memref_squeeze %dma_start3A_53 : memref<1x1x128xi32, #tpu.memory_space<hbm>> -> memref<128xi32, #tpu.memory_space<hbm>>
    tpu.enqueue_dma source(%dma_start3A_54 : memref<128xi32, #tpu.memory_space<hbm>>) target(%arg11 : memref<128xi32, #tpu.memory_space<vmem>>) target_semaphore(%arg21 : memref<!tpu.dma_semaphore, #tpu.memory_space<semaphore_mem>>)
    %dma_wait3A = arith.constant 0 : i32
    %dma_wait3A_55 = arith.constant 0 : i32
    %dma_wait3A_56 = tpu.memref_slice %arg3[%add3A, %dma_wait3A, %dma_wait3A_55] : memref<32x81x128xi32, #tpu.memory_space<hbm>> -> memref<1x1x128xi32, #tpu.memory_space<hbm>>
    %dma_wait3A_57 = tpu.memref_squeeze %dma_wait3A_56 : memref<1x1x128xi32, #tpu.memory_space<hbm>> -> memref<128xi32, #tpu.memory_space<hbm>>
    %dma_wait3A_58 = arith.constant 0 : i32
    %dma_wait3A_59 = tpu.memref_slice %arg3[%add3A, %dma_wait3A, %dma_wait3A_58] : memref<32x81x128xi32, #tpu.memory_space<hbm>> -> memref<1x1x128xi32, #tpu.memory_space<hbm>>
    %dma_wait3A_60 = tpu.memref_squeeze %dma_wait3A_59 : memref<1x1x128xi32, #tpu.memory_space<hbm>> -> memref<128xi32, #tpu.memory_space<hbm>>
    tpu.wait_dma2 semaphore(%arg17 : memref<!tpu.dma_semaphore, #tpu.memory_space<semaphore_mem>>) src(%dma_wait3A_60 : memref<128xi32, #tpu.memory_space<hbm>>) dst(%arg7 : memref<128xi32, #tpu.memory_space<vmem>>)
    %dma_start3A_61 = arith.constant 0 : i32
    %dma_start3A_62 = arith.constant 0 : i32
    %dma_start3A_63 = tpu.memref_slice %arg2[%dma_start3A_61, %dma_start3A_62] : memref<10112x128xf32, #tpu.memory_space<hbm>> -> memref<10112x128xf32, #tpu.memory_space<hbm>>
    tpu.enqueue_indirect_dma source(%dma_start3A_63 : memref<10112x128xf32, #tpu.memory_space<hbm>>) target(%arg13 : memref<128x128xf32, #tpu.memory_space<vmem>>) offsets(%arg7 : memref<128xi32, #tpu.memory_space<vmem>>) semaphore(%arg23 : memref<!tpu.dma_semaphore, #tpu.memory_space<semaphore_mem>>)
    %dma_wait3A_64 = arith.constant 0 : i32
    %dma_wait3A_65 = arith.constant 0 : i32
    %dma_wait3A_66 = tpu.memref_slice %arg3[%add3A, %dma_wait3A_64, %dma_wait3A_65] : memref<32x81x128xi32, #tpu.memory_space<hbm>> -> memref<1x1x128xi32, #tpu.memory_space<hbm>>
    %dma_wait3A_67 = tpu.memref_squeeze %dma_wait3A_66 : memref<1x1x128xi32, #tpu.memory_space<hbm>> -> memref<128xi32, #tpu.memory_space<hbm>>
    %dma_wait3A_68 = arith.constant 0 : i32
    %dma_wait3A_69 = tpu.memref_slice %arg3[%add3A, %dma_wait3A_64, %dma_wait3A_68] : memref<32x81x128xi32, #tpu.memory_space<hbm>> -> memref<1x1x128xi32, #tpu.memory_space<hbm>>
    %dma_wait3A_70 = tpu.memref_squeeze %dma_wait3A_69 : memref<1x1x128xi32, #tpu.memory_space<hbm>> -> memref<128xi32, #tpu.memory_space<hbm>>
    tpu.wait_dma2 semaphore(%arg18 : memref<!tpu.dma_semaphore, #tpu.memory_space<semaphore_mem>>) src(%dma_wait3A_70 : memref<128xi32, #tpu.memory_space<hbm>>) dst(%arg8 : memref<128xi32, #tpu.memory_space<vmem>>)
    %dma_start3A_71 = arith.constant 0 : i32
    %dma_start3A_72 = arith.constant 0 : i32
    %dma_start3A_73 = tpu.memref_slice %arg2[%dma_start3A_71, %dma_start3A_72] : memref<10112x128xf32, #tpu.memory_space<hbm>> -> memref<10112x128xf32, #tpu.memory_space<hbm>>
    tpu.enqueue_indirect_dma source(%dma_start3A_73 : memref<10112x128xf32, #tpu.memory_space<hbm>>) target(%arg14 : memref<128x128xf32, #tpu.memory_space<vmem>>) offsets(%arg8 : memref<128xi32, #tpu.memory_space<vmem>>) semaphore(%arg24 : memref<!tpu.dma_semaphore, #tpu.memory_space<semaphore_mem>>)
    %dma_start3A_74 = arith.constant 2 : i32
    %dma_start3A_75 = arith.constant 0 : i32
    %dma_start3A_76 = tpu.memref_slice %arg4[%add3A, %dma_start3A_74, %dma_start3A_75] : memref<32x81x128xi32, #tpu.memory_space<hbm>> -> memref<1x1x128xi32, #tpu.memory_space<hbm>>
    %dma_start3A_77 = tpu.memref_squeeze %dma_start3A_76 : memref<1x1x128xi32, #tpu.memory_space<hbm>> -> memref<128xi32, #tpu.memory_space<hbm>>
    %dma_start3A_78 = arith.constant 0 : i32
    %dma_start3A_79 = tpu.memref_slice %arg4[%add3A, %dma_start3A_74, %dma_start3A_78] : memref<32x81x128xi32, #tpu.memory_space<hbm>> -> memref<1x1x128xi32, #tpu.memory_space<hbm>>
    %dma_start3A_80 = tpu.memref_squeeze %dma_start3A_79 : memref<1x1x128xi32, #tpu.memory_space<hbm>> -> memref<128xi32, #tpu.memory_space<hbm>>
    tpu.enqueue_dma source(%dma_start3A_80 : memref<128xi32, #tpu.memory_space<hbm>>) target(%arg12 : memref<128xi32, #tpu.memory_space<vmem>>) target_semaphore(%arg22 : memref<!tpu.dma_semaphore, #tpu.memory_space<semaphore_mem>>)
    %dma_wait3A_81 = arith.constant 0 : i32
    %dma_wait3A_82 = arith.constant 0 : i32
    %dma_wait3A_83 = tpu.memref_slice %arg3[%add3A, %dma_wait3A_81, %dma_wait3A_82] : memref<32x81x128xi32, #tpu.memory_space<hbm>> -> memref<1x1x128xi32, #tpu.memory_space<hbm>>
    %dma_wait3A_84 = tpu.memref_squeeze %dma_wait3A_83 : memref<1x1x128xi32, #tpu.memory_space<hbm>> -> memref<128xi32, #tpu.memory_space<hbm>>
    %dma_wait3A_85 = arith.constant 0 : i32
    %dma_wait3A_86 = tpu.memref_slice %arg3[%add3A, %dma_wait3A_81, %dma_wait3A_85] : memref<32x81x128xi32, #tpu.memory_space<hbm>> -> memref<1x1x128xi32, #tpu.memory_space<hbm>>
    %dma_wait3A_87 = tpu.memref_squeeze %dma_wait3A_86 : memref<1x1x128xi32, #tpu.memory_space<hbm>> -> memref<128xi32, #tpu.memory_space<hbm>>
    tpu.wait_dma2 semaphore(%arg19 : memref<!tpu.dma_semaphore, #tpu.memory_space<semaphore_mem>>) src(%dma_wait3A_87 : memref<128xi32, #tpu.memory_space<hbm>>) dst(%arg9 : memref<128xi32, #tpu.memory_space<vmem>>)
    %dma_start3A_88 = arith.constant 0 : i32
    %dma_start3A_89 = arith.constant 0 : i32
    %dma_start3A_90 = tpu.memref_slice %arg2[%dma_start3A_88, %dma_start3A_89] : memref<10112x128xf32, #tpu.memory_space<hbm>> -> memref<10112x128xf32, #tpu.memory_space<hbm>>
    tpu.enqueue_indirect_dma source(%dma_start3A_90 : memref<10112x128xf32, #tpu.memory_space<hbm>>) target(%arg15 : memref<128x128xf32, #tpu.memory_space<vmem>>) offsets(%arg9 : memref<128xi32, #tpu.memory_space<vmem>>) semaphore(%arg25 : memref<!tpu.dma_semaphore, #tpu.memory_space<semaphore_mem>>)
    tpu.wait_dma2 semaphore(%arg23 : memref<!tpu.dma_semaphore, #tpu.memory_space<semaphore_mem>>) src(%arg5 : memref<128x128xf32, #tpu.memory_space<hbm>>) dst(%arg13 : memref<128x128xf32, #tpu.memory_space<vmem>>)
    %dma_wait3A_91 = arith.constant 0 : i32
    %dma_wait3A_92 = arith.constant 0 : i32
    %dma_wait3A_93 = tpu.memref_slice %arg3[%add3A, %dma_wait3A_91, %dma_wait3A_92] : memref<32x81x128xi32, #tpu.memory_space<hbm>> -> memref<1x1x128xi32, #tpu.memory_space<hbm>>
    %dma_wait3A_94 = tpu.memref_squeeze %dma_wait3A_93 : memref<1x1x128xi32, #tpu.memory_space<hbm>> -> memref<128xi32, #tpu.memory_space<hbm>>
    %dma_wait3A_95 = arith.constant 0 : i32
    %dma_wait3A_96 = tpu.memref_slice %arg3[%add3A, %dma_wait3A_91, %dma_wait3A_95] : memref<32x81x128xi32, #tpu.memory_space<hbm>> -> memref<1x1x128xi32, #tpu.memory_space<hbm>>
    %dma_wait3A_97 = tpu.memref_squeeze %dma_wait3A_96 : memref<1x1x128xi32, #tpu.memory_space<hbm>> -> memref<128xi32, #tpu.memory_space<hbm>>
    tpu.wait_dma2 semaphore(%arg20 : memref<!tpu.dma_semaphore, #tpu.memory_space<semaphore_mem>>) src(%dma_wait3A_97 : memref<128xi32, #tpu.memory_space<hbm>>) dst(%arg10 : memref<128xi32, #tpu.memory_space<vmem>>)
    %dma_start3A_98 = arith.constant 0 : i32
    %dma_start3A_99 = arith.constant 0 : i32
    %dma_start3A_100 = tpu.memref_slice %arg16[%dma_start3A_98, %dma_start3A_99] : memref<10112x128xf32, #tpu.memory_space<vmem_shared>> -> memref<10112x128xf32, #tpu.memory_space<vmem_shared>>
    tpu.enqueue_indirect_dma source(%arg13 : memref<128x128xf32, #tpu.memory_space<vmem>>) target(%dma_start3A_100 : memref<10112x128xf32, #tpu.memory_space<vmem_shared>>) offsets(%arg10 : memref<128xi32, #tpu.memory_space<vmem>>) semaphore(%arg26 : memref<!tpu.dma_semaphore, #tpu.memory_space<semaphore_mem>>) {add = true}
    %dma_start3A_101 = arith.constant 3 : i32
    %dma_start3A_102 = arith.constant 0 : i32
    %dma_start3A_103 = tpu.memref_slice %arg3[%add3A, %dma_start3A_101, %dma_start3A_102] : memref<32x81x128xi32, #tpu.memory_space<hbm>> -> memref<1x1x128xi32, #tpu.memory_space<hbm>>
    %dma_start3A_104 = tpu.memref_squeeze %dma_start3A_103 : memref<1x1x128xi32, #tpu.memory_space<hbm>> -> memref<128xi32, #tpu.memory_space<hbm>>
    %dma_start3A_105 = arith.constant 0 : i32
    %dma_start3A_106 = tpu.memref_slice %arg3[%add3A, %dma_start3A_101, %dma_start3A_105] : memref<32x81x128xi32, #tpu.memory_space<hbm>> -> memref<1x1x128xi32, #tpu.memory_space<hbm>>
    %dma_start3A_107 = tpu.memref_squeeze %dma_start3A_106 : memref<1x1x128xi32, #tpu.memory_space<hbm>> -> memref<128xi32, #tpu.memory_space<hbm>>
    tpu.enqueue_dma source(%dma_start3A_107 : memref<128xi32, #tpu.memory_space<hbm>>) target(%arg7 : memref<128xi32, #tpu.memory_space<vmem>>) target_semaphore(%arg17 : memref<!tpu.dma_semaphore, #tpu.memory_space<semaphore_mem>>)
    %scan3A = arith.constant 0 : i32
    %scan3A_108 = arith.constant 26 : i32
    %scan3A_109 = arith.addi %scan3A, %scan3A_108 : i32
    %scan3A_110 = arith.constant 1 : i32
    scf.for %scan3A_144 = %scan3A to %scan3A_109 step %scan3A_110  : i32 {
      %mul3A_145 = arith.constant 1 : i32
      %mul3A_146 = arith.muli %scan3A_144, %mul3A_145 : i32
      %add3A_147 = arith.constant 1 : i32
      %add3A_148 = arith.addi %add3A_147, %mul3A_146 : i32
      %mul3A_149 = arith.constant 3 : i32
      %mul3A_150 = arith.muli %mul3A_149, %add3A_148 : i32
      %add3A_151 = arith.constant 0 : i32
      %add3A_152 = arith.addi %mul3A_150, %add3A_151 : i32
      tpu.wait_dma2 semaphore(%arg26 : memref<!tpu.dma_semaphore, #tpu.memory_space<semaphore_mem>>) src(%arg5 : memref<128x128xf32, #tpu.memory_space<hbm>>) dst(%arg13 : memref<128x128xf32, #tpu.memory_space<vmem>>)
      %dma_start3A_153 = arith.constant 0 : i32
      %dma_start3A_154 = tpu.memref_slice %arg4[%add3A, %add3A_152, %dma_start3A_153] : memref<32x81x128xi32, #tpu.memory_space<hbm>> -> memref<1x1x128xi32, #tpu.memory_space<hbm>>
      %dma_start3A_155 = tpu.memref_squeeze %dma_start3A_154 : memref<1x1x128xi32, #tpu.memory_space<hbm>> -> memref<128xi32, #tpu.memory_space<hbm>>
      %dma_start3A_156 = arith.constant 0 : i32
      %dma_start3A_157 = tpu.memref_slice %arg4[%add3A, %add3A_152, %dma_start3A_156] : memref<32x81x128xi32, #tpu.memory_space<hbm>> -> memref<1x1x128xi32, #tpu.memory_space<hbm>>
      %dma_start3A_158 = tpu.memref_squeeze %dma_start3A_157 : memref<1x1x128xi32, #tpu.memory_space<hbm>> -> memref<128xi32, #tpu.memory_space<hbm>>
      tpu.enqueue_dma source(%dma_start3A_158 : memref<128xi32, #tpu.memory_space<hbm>>) target(%arg10 : memref<128xi32, #tpu.memory_space<vmem>>) target_semaphore(%arg20 : memref<!tpu.dma_semaphore, #tpu.memory_space<semaphore_mem>>)
      %dma_wait3A_159 = arith.constant 0 : i32
      %dma_wait3A_160 = arith.constant 0 : i32
      %dma_wait3A_161 = tpu.memref_slice %arg3[%add3A, %dma_wait3A_159, %dma_wait3A_160] : memref<32x81x128xi32, #tpu.memory_space<hbm>> -> memref<1x1x128xi32, #tpu.memory_space<hbm>>
      %dma_wait3A_162 = tpu.memref_squeeze %dma_wait3A_161 : memref<1x1x128xi32, #tpu.memory_space<hbm>> -> memref<128xi32, #tpu.memory_space<hbm>>
      %dma_wait3A_163 = arith.constant 0 : i32
      %dma_wait3A_164 = tpu.memref_slice %arg3[%add3A, %dma_wait3A_159, %dma_wait3A_163] : memref<32x81x128xi32, #tpu.memory_space<hbm>> -> memref<1x1x128xi32, #tpu.memory_space<hbm>>
      %dma_wait3A_165 = tpu.memref_squeeze %dma_wait3A_164 : memref<1x1x128xi32, #tpu.memory_space<hbm>> -> memref<128xi32, #tpu.memory_space<hbm>>
      tpu.wait_dma2 semaphore(%arg17 : memref<!tpu.dma_semaphore, #tpu.memory_space<semaphore_mem>>) src(%dma_wait3A_165 : memref<128xi32, #tpu.memory_space<hbm>>) dst(%arg7 : memref<128xi32, #tpu.memory_space<vmem>>)
      %dma_start3A_166 = arith.constant 0 : i32
      %dma_start3A_167 = arith.constant 0 : i32
      %dma_start3A_168 = tpu.memref_slice %arg2[%dma_start3A_166, %dma_start3A_167] : memref<10112x128xf32, #tpu.memory_space<hbm>> -> memref<10112x128xf32, #tpu.memory_space<hbm>>
      tpu.enqueue_indirect_dma source(%dma_start3A_168 : memref<10112x128xf32, #tpu.memory_space<hbm>>) target(%arg13 : memref<128x128xf32, #tpu.memory_space<vmem>>) offsets(%arg7 : memref<128xi32, #tpu.memory_space<vmem>>) semaphore(%arg23 : memref<!tpu.dma_semaphore, #tpu.memory_space<semaphore_mem>>)
      tpu.wait_dma2 semaphore(%arg24 : memref<!tpu.dma_semaphore, #tpu.memory_space<semaphore_mem>>) src(%arg5 : memref<128x128xf32, #tpu.memory_space<hbm>>) dst(%arg14 : memref<128x128xf32, #tpu.memory_space<vmem>>)
      %dma_wait3A_169 = arith.constant 0 : i32
      %dma_wait3A_170 = arith.constant 0 : i32
      %dma_wait3A_171 = tpu.memref_slice %arg3[%add3A, %dma_wait3A_169, %dma_wait3A_170] : memref<32x81x128xi32, #tpu.memory_space<hbm>> -> memref<1x1x128xi32, #tpu.memory_space<hbm>>
      %dma_wait3A_172 = tpu.memref_squeeze %dma_wait3A_171 : memref<1x1x128xi32, #tpu.memory_space<hbm>> -> memref<128xi32, #tpu.memory_space<hbm>>
      %dma_wait3A_173 = arith.constant 0 : i32
      %dma_wait3A_174 = tpu.memref_slice %arg3[%add3A, %dma_wait3A_169, %dma_wait3A_173] : memref<32x81x128xi32, #tpu.memory_space<hbm>> -> memref<1x1x128xi32, #tpu.memory_space<hbm>>
      %dma_wait3A_175 = tpu.memref_squeeze %dma_wait3A_174 : memref<1x1x128xi32, #tpu.memory_space<hbm>> -> memref<128xi32, #tpu.memory_space<hbm>>
      tpu.wait_dma2 semaphore(%arg21 : memref<!tpu.dma_semaphore, #tpu.memory_space<semaphore_mem>>) src(%dma_wait3A_175 : memref<128xi32, #tpu.memory_space<hbm>>) dst(%arg11 : memref<128xi32, #tpu.memory_space<vmem>>)
      %dma_start3A_176 = arith.constant 0 : i32
      %dma_start3A_177 = arith.constant 0 : i32
      %dma_start3A_178 = tpu.memref_slice %arg16[%dma_start3A_176, %dma_start3A_177] : memref<10112x128xf32, #tpu.memory_space<vmem_shared>> -> memref<10112x128xf32, #tpu.memory_space<vmem_shared>>
      tpu.enqueue_indirect_dma source(%arg14 : memref<128x128xf32, #tpu.memory_space<vmem>>) target(%dma_start3A_178 : memref<10112x128xf32, #tpu.memory_space<vmem_shared>>) offsets(%arg11 : memref<128xi32, #tpu.memory_space<vmem>>) semaphore(%arg27 : memref<!tpu.dma_semaphore, #tpu.memory_space<semaphore_mem>>) {add = true}
      %add3A_179 = arith.constant 1 : i32
      %add3A_180 = arith.addi %add3A_152, %add3A_179 : i32
      %lt3A = arith.constant 81 : i32
      %lt3A_181 = arith.cmpi slt, %add3A_180, %lt3A : i32
      %add3A_182 = arith.constant 1 : i32
      %add3A_183 = arith.addi %add3A_152, %add3A_182 : i32
      %jit3A = arith.constant 0 : i32
      %select_n3A = arith.select %lt3A_181, %add3A_183, %jit3A : i32
      %dma_start3A_184 = arith.constant 0 : i32
      %dma_start3A_185 = tpu.memref_slice %arg3[%add3A, %select_n3A, %dma_start3A_184] : memref<32x81x128xi32, #tpu.memory_space<hbm>> -> memref<1x1x128xi32, #tpu.memory_space<hbm>>
      %dma_start3A_186 = tpu.memref_squeeze %dma_start3A_185 : memref<1x1x128xi32, #tpu.memory_space<hbm>> -> memref<128xi32, #tpu.memory_space<hbm>>
      %dma_start3A_187 = arith.constant 0 : i32
      %dma_start3A_188 = tpu.memref_slice %arg3[%add3A, %select_n3A, %dma_start3A_187] : memref<32x81x128xi32, #tpu.memory_space<hbm>> -> memref<1x1x128xi32, #tpu.memory_space<hbm>>
      %dma_start3A_189 = tpu.memref_squeeze %dma_start3A_188 : memref<1x1x128xi32, #tpu.memory_space<hbm>> -> memref<128xi32, #tpu.memory_space<hbm>>
      tpu.enqueue_dma source(%dma_start3A_189 : memref<128xi32, #tpu.memory_space<hbm>>) target(%arg8 : memref<128xi32, #tpu.memory_space<vmem>>) target_semaphore(%arg18 : memref<!tpu.dma_semaphore, #tpu.memory_space<semaphore_mem>>)
      %add3A_190 = arith.constant 1 : i32
      %add3A_191 = arith.addi %mul3A_150, %add3A_190 : i32
      tpu.wait_dma2 semaphore(%arg27 : memref<!tpu.dma_semaphore, #tpu.memory_space<semaphore_mem>>) src(%arg5 : memref<128x128xf32, #tpu.memory_space<hbm>>) dst(%arg14 : memref<128x128xf32, #tpu.memory_space<vmem>>)
      %dma_start3A_192 = arith.constant 0 : i32
      %dma_start3A_193 = tpu.memref_slice %arg4[%add3A, %add3A_191, %dma_start3A_192] : memref<32x81x128xi32, #tpu.memory_space<hbm>> -> memref<1x1x128xi32, #tpu.memory_space<hbm>>
      %dma_start3A_194 = tpu.memref_squeeze %dma_start3A_193 : memref<1x1x128xi32, #tpu.memory_space<hbm>> -> memref<128xi32, #tpu.memory_space<hbm>>
      %dma_start3A_195 = arith.constant 0 : i32
      %dma_start3A_196 = tpu.memref_slice %arg4[%add3A, %add3A_191, %dma_start3A_195] : memref<32x81x128xi32, #tpu.memory_space<hbm>> -> memref<1x1x128xi32, #tpu.memory_space<hbm>>
      %dma_start3A_197 = tpu.memref_squeeze %dma_start3A_196 : memref<1x1x128xi32, #tpu.memory_space<hbm>> -> memref<128xi32, #tpu.memory_space<hbm>>
      tpu.enqueue_dma source(%dma_start3A_197 : memref<128xi32, #tpu.memory_space<hbm>>) target(%arg11 : memref<128xi32, #tpu.memory_space<vmem>>) target_semaphore(%arg21 : memref<!tpu.dma_semaphore, #tpu.memory_space<semaphore_mem>>)
      %dma_wait3A_198 = arith.constant 0 : i32
      %dma_wait3A_199 = arith.constant 0 : i32
      %dma_wait3A_200 = tpu.memref_slice %arg3[%add3A, %dma_wait3A_198, %dma_wait3A_199] : memref<32x81x128xi32, #tpu.memory_space<hbm>> -> memref<1x1x128xi32, #tpu.memory_space<hbm>>
      %dma_wait3A_201 = tpu.memref_squeeze %dma_wait3A_200 : memref<1x1x128xi32, #tpu.memory_space<hbm>> -> memref<128xi32, #tpu.memory_space<hbm>>
      %dma_wait3A_202 = arith.constant 0 : i32
      %dma_wait3A_203 = tpu.memref_slice %arg3[%add3A, %dma_wait3A_198, %dma_wait3A_202] : memref<32x81x128xi32, #tpu.memory_space<hbm>> -> memref<1x1x128xi32, #tpu.memory_space<hbm>>
      %dma_wait3A_204 = tpu.memref_squeeze %dma_wait3A_203 : memref<1x1x128xi32, #tpu.memory_space<hbm>> -> memref<128xi32, #tpu.memory_space<hbm>>
      tpu.wait_dma2 semaphore(%arg18 : memref<!tpu.dma_semaphore, #tpu.memory_space<semaphore_mem>>) src(%dma_wait3A_204 : memref<128xi32, #tpu.memory_space<hbm>>) dst(%arg8 : memref<128xi32, #tpu.memory_space<vmem>>)
      %dma_start3A_205 = arith.constant 0 : i32
      %dma_start3A_206 = arith.constant 0 : i32
      %dma_start3A_207 = tpu.memref_slice %arg2[%dma_start3A_205, %dma_start3A_206] : memref<10112x128xf32, #tpu.memory_space<hbm>> -> memref<10112x128xf32, #tpu.memory_space<hbm>>
      tpu.enqueue_indirect_dma source(%dma_start3A_207 : memref<10112x128xf32, #tpu.memory_space<hbm>>) target(%arg14 : memref<128x128xf32, #tpu.memory_space<vmem>>) offsets(%arg8 : memref<128xi32, #tpu.memory_space<vmem>>) semaphore(%arg24 : memref<!tpu.dma_semaphore, #tpu.memory_space<semaphore_mem>>)
      tpu.wait_dma2 semaphore(%arg25 : memref<!tpu.dma_semaphore, #tpu.memory_space<semaphore_mem>>) src(%arg5 : memref<128x128xf32, #tpu.memory_space<hbm>>) dst(%arg15 : memref<128x128xf32, #tpu.memory_space<vmem>>)
      %dma_wait3A_208 = arith.constant 0 : i32
      %dma_wait3A_209 = arith.constant 0 : i32
      %dma_wait3A_210 = tpu.memref_slice %arg3[%add3A, %dma_wait3A_208, %dma_wait3A_209] : memref<32x81x128xi32, #tpu.memory_space<hbm>> -> memref<1x1x128xi32, #tpu.memory_space<hbm>>
      %dma_wait3A_211 = tpu.memref_squeeze %dma_wait3A_210 : memref<1x1x128xi32, #tpu.memory_space<hbm>> -> memref<128xi32, #tpu.memory_space<hbm>>
      %dma_wait3A_212 = arith.constant 0 : i32
      %dma_wait3A_213 = tpu.memref_slice %arg3[%add3A, %dma_wait3A_208, %dma_wait3A_212] : memref<32x81x128xi32, #tpu.memory_space<hbm>> -> memref<1x1x128xi32, #tpu.memory_space<hbm>>
      %dma_wait3A_214 = tpu.memref_squeeze %dma_wait3A_213 : memref<1x1x128xi32, #tpu.memory_space<hbm>> -> memref<128xi32, #tpu.memory_space<hbm>>
      tpu.wait_dma2 semaphore(%arg22 : memref<!tpu.dma_semaphore, #tpu.memory_space<semaphore_mem>>) src(%dma_wait3A_214 : memref<128xi32, #tpu.memory_space<hbm>>) dst(%arg12 : memref<128xi32, #tpu.memory_space<vmem>>)
      %dma_start3A_215 = arith.constant 0 : i32
      %dma_start3A_216 = arith.constant 0 : i32
      %dma_start3A_217 = tpu.memref_slice %arg16[%dma_start3A_215, %dma_start3A_216] : memref<10112x128xf32, #tpu.memory_space<vmem_shared>> -> memref<10112x128xf32, #tpu.memory_space<vmem_shared>>
      tpu.enqueue_indirect_dma source(%arg15 : memref<128x128xf32, #tpu.memory_space<vmem>>) target(%dma_start3A_217 : memref<10112x128xf32, #tpu.memory_space<vmem_shared>>) offsets(%arg12 : memref<128xi32, #tpu.memory_space<vmem>>) semaphore(%arg28 : memref<!tpu.dma_semaphore, #tpu.memory_space<semaphore_mem>>) {add = true}
      %add3A_218 = arith.constant 1 : i32
      %add3A_219 = arith.addi %add3A_191, %add3A_218 : i32
      %lt3A_220 = arith.constant 81 : i32
      %lt3A_221 = arith.cmpi slt, %add3A_219, %lt3A_220 : i32
      %add3A_222 = arith.constant 1 : i32
      %add3A_223 = arith.addi %add3A_191, %add3A_222 : i32
      %jit3A_224 = arith.constant 0 : i32
      %select_n3A_225 = arith.select %lt3A_221, %add3A_223, %jit3A_224 : i32
      %dma_start3A_226 = arith.constant 0 : i32
      %dma_start3A_227 = tpu.memref_slice %arg3[%add3A, %select_n3A_225, %dma_start3A_226] : memref<32x81x128xi32, #tpu.memory_space<hbm>> -> memref<1x1x128xi32, #tpu.memory_space<hbm>>
      %dma_start3A_228 = tpu.memref_squeeze %dma_start3A_227 : memref<1x1x128xi32, #tpu.memory_space<hbm>> -> memref<128xi32, #tpu.memory_space<hbm>>
      %dma_start3A_229 = arith.constant 0 : i32
      %dma_start3A_230 = tpu.memref_slice %arg3[%add3A, %select_n3A_225, %dma_start3A_229] : memref<32x81x128xi32, #tpu.memory_space<hbm>> -> memref<1x1x128xi32, #tpu.memory_space<hbm>>
      %dma_start3A_231 = tpu.memref_squeeze %dma_start3A_230 : memref<1x1x128xi32, #tpu.memory_space<hbm>> -> memref<128xi32, #tpu.memory_space<hbm>>
      tpu.enqueue_dma source(%dma_start3A_231 : memref<128xi32, #tpu.memory_space<hbm>>) target(%arg9 : memref<128xi32, #tpu.memory_space<vmem>>) target_semaphore(%arg19 : memref<!tpu.dma_semaphore, #tpu.memory_space<semaphore_mem>>)
      %add3A_232 = arith.constant 2 : i32
      %add3A_233 = arith.addi %mul3A_150, %add3A_232 : i32
      tpu.wait_dma2 semaphore(%arg28 : memref<!tpu.dma_semaphore, #tpu.memory_space<semaphore_mem>>) src(%arg5 : memref<128x128xf32, #tpu.memory_space<hbm>>) dst(%arg15 : memref<128x128xf32, #tpu.memory_space<vmem>>)
      %dma_start3A_234 = arith.constant 0 : i32
      %dma_start3A_235 = tpu.memref_slice %arg4[%add3A, %add3A_233, %dma_start3A_234] : memref<32x81x128xi32, #tpu.memory_space<hbm>> -> memref<1x1x128xi32, #tpu.memory_space<hbm>>
      %dma_start3A_236 = tpu.memref_squeeze %dma_start3A_235 : memref<1x1x128xi32, #tpu.memory_space<hbm>> -> memref<128xi32, #tpu.memory_space<hbm>>
      %dma_start3A_237 = arith.constant 0 : i32
      %dma_start3A_238 = tpu.memref_slice %arg4[%add3A, %add3A_233, %dma_start3A_237] : memref<32x81x128xi32, #tpu.memory_space<hbm>> -> memref<1x1x128xi32, #tpu.memory_space<hbm>>
      %dma_start3A_239 = tpu.memref_squeeze %dma_start3A_238 : memref<1x1x128xi32, #tpu.memory_space<hbm>> -> memref<128xi32, #tpu.memory_space<hbm>>
      tpu.enqueue_dma source(%dma_start3A_239 : memref<128xi32, #tpu.memory_space<hbm>>) target(%arg12 : memref<128xi32, #tpu.memory_space<vmem>>) target_semaphore(%arg22 : memref<!tpu.dma_semaphore, #tpu.memory_space<semaphore_mem>>)
      %dma_wait3A_240 = arith.constant 0 : i32
      %dma_wait3A_241 = arith.constant 0 : i32
      %dma_wait3A_242 = tpu.memref_slice %arg3[%add3A, %dma_wait3A_240, %dma_wait3A_241] : memref<32x81x128xi32, #tpu.memory_space<hbm>> -> memref<1x1x128xi32, #tpu.memory_space<hbm>>
      %dma_wait3A_243 = tpu.memref_squeeze %dma_wait3A_242 : memref<1x1x128xi32, #tpu.memory_space<hbm>> -> memref<128xi32, #tpu.memory_space<hbm>>
      %dma_wait3A_244 = arith.constant 0 : i32
      %dma_wait3A_245 = tpu.memref_slice %arg3[%add3A, %dma_wait3A_240, %dma_wait3A_244] : memref<32x81x128xi32, #tpu.memory_space<hbm>> -> memref<1x1x128xi32, #tpu.memory_space<hbm>>
      %dma_wait3A_246 = tpu.memref_squeeze %dma_wait3A_245 : memref<1x1x128xi32, #tpu.memory_space<hbm>> -> memref<128xi32, #tpu.memory_space<hbm>>
      tpu.wait_dma2 semaphore(%arg19 : memref<!tpu.dma_semaphore, #tpu.memory_space<semaphore_mem>>) src(%dma_wait3A_246 : memref<128xi32, #tpu.memory_space<hbm>>) dst(%arg9 : memref<128xi32, #tpu.memory_space<vmem>>)
      %dma_start3A_247 = arith.constant 0 : i32
      %dma_start3A_248 = arith.constant 0 : i32
      %dma_start3A_249 = tpu.memref_slice %arg2[%dma_start3A_247, %dma_start3A_248] : memref<10112x128xf32, #tpu.memory_space<hbm>> -> memref<10112x128xf32, #tpu.memory_space<hbm>>
      tpu.enqueue_indirect_dma source(%dma_start3A_249 : memref<10112x128xf32, #tpu.memory_space<hbm>>) target(%arg15 : memref<128x128xf32, #tpu.memory_space<vmem>>) offsets(%arg9 : memref<128xi32, #tpu.memory_space<vmem>>) semaphore(%arg25 : memref<!tpu.dma_semaphore, #tpu.memory_space<semaphore_mem>>)
      tpu.wait_dma2 semaphore(%arg23 : memref<!tpu.dma_semaphore, #tpu.memory_space<semaphore_mem>>) src(%arg5 : memref<128x128xf32, #tpu.memory_space<hbm>>) dst(%arg13 : memref<128x128xf32, #tpu.memory_space<vmem>>)
      %dma_wait3A_250 = arith.constant 0 : i32
      %dma_wait3A_251 = arith.constant 0 : i32
      %dma_wait3A_252 = tpu.memref_slice %arg3[%add3A, %dma_wait3A_250, %dma_wait3A_251] : memref<32x81x128xi32, #tpu.memory_space<hbm>> -> memref<1x1x128xi32, #tpu.memory_space<hbm>>
      %dma_wait3A_253 = tpu.memref_squeeze %dma_wait3A_252 : memref<1x1x128xi32, #tpu.memory_space<hbm>> -> memref<128xi32, #tpu.memory_space<hbm>>
      %dma_wait3A_254 = arith.constant 0 : i32
      %dma_wait3A_255 = tpu.memref_slice %arg3[%add3A, %dma_wait3A_250, %dma_wait3A_254] : memref<32x81x128xi32, #tpu.memory_space<hbm>> -> memref<1x1x128xi32, #tpu.memory_space<hbm>>
      %dma_wait3A_256 = tpu.memref_squeeze %dma_wait3A_255 : memref<1x1x128xi32, #tpu.memory_space<hbm>> -> memref<128xi32, #tpu.memory_space<hbm>>
      tpu.wait_dma2 semaphore(%arg20 : memref<!tpu.dma_semaphore, #tpu.memory_space<semaphore_mem>>) src(%dma_wait3A_256 : memref<128xi32, #tpu.memory_space<hbm>>) dst(%arg10 : memref<128xi32, #tpu.memory_space<vmem>>)
      %dma_start3A_257 = arith.constant 0 : i32
      %dma_start3A_258 = arith.constant 0 : i32
      %dma_start3A_259 = tpu.memref_slice %arg16[%dma_start3A_257, %dma_start3A_258] : memref<10112x128xf32, #tpu.memory_space<vmem_shared>> -> memref<10112x128xf32, #tpu.memory_space<vmem_shared>>
      tpu.enqueue_indirect_dma source(%arg13 : memref<128x128xf32, #tpu.memory_space<vmem>>) target(%dma_start3A_259 : memref<10112x128xf32, #tpu.memory_space<vmem_shared>>) offsets(%arg10 : memref<128xi32, #tpu.memory_space<vmem>>) semaphore(%arg26 : memref<!tpu.dma_semaphore, #tpu.memory_space<semaphore_mem>>) {add = true}
      %add3A_260 = arith.constant 1 : i32
      %add3A_261 = arith.addi %add3A_233, %add3A_260 : i32
      %lt3A_262 = arith.constant 81 : i32
      %lt3A_263 = arith.cmpi slt, %add3A_261, %lt3A_262 : i32
      %add3A_264 = arith.constant 1 : i32
      %add3A_265 = arith.addi %add3A_233, %add3A_264 : i32
      %jit3A_266 = arith.constant 0 : i32
      %select_n3A_267 = arith.select %lt3A_263, %add3A_265, %jit3A_266 : i32
      %dma_start3A_268 = arith.constant 0 : i32
      %dma_start3A_269 = tpu.memref_slice %arg3[%add3A, %select_n3A_267, %dma_start3A_268] : memref<32x81x128xi32, #tpu.memory_space<hbm>> -> memref<1x1x128xi32, #tpu.memory_space<hbm>>
      %dma_start3A_270 = tpu.memref_squeeze %dma_start3A_269 : memref<1x1x128xi32, #tpu.memory_space<hbm>> -> memref<128xi32, #tpu.memory_space<hbm>>
      %dma_start3A_271 = arith.constant 0 : i32
      %dma_start3A_272 = tpu.memref_slice %arg3[%add3A, %select_n3A_267, %dma_start3A_271] : memref<32x81x128xi32, #tpu.memory_space<hbm>> -> memref<1x1x128xi32, #tpu.memory_space<hbm>>
      %dma_start3A_273 = tpu.memref_squeeze %dma_start3A_272 : memref<1x1x128xi32, #tpu.memory_space<hbm>> -> memref<128xi32, #tpu.memory_space<hbm>>
      tpu.enqueue_dma source(%dma_start3A_273 : memref<128xi32, #tpu.memory_space<hbm>>) target(%arg7 : memref<128xi32, #tpu.memory_space<vmem>>) target_semaphore(%arg17 : memref<!tpu.dma_semaphore, #tpu.memory_space<semaphore_mem>>)
    }
    %scan3A_111 = arith.constant 26 : i32
    tpu.wait_dma2 semaphore(%arg24 : memref<!tpu.dma_semaphore, #tpu.memory_space<semaphore_mem>>) src(%arg5 : memref<128x128xf32, #tpu.memory_space<hbm>>) dst(%arg14 : memref<128x128xf32, #tpu.memory_space<vmem>>)
    %dma_wait3A_112 = arith.constant 0 : i32
    %dma_wait3A_113 = arith.constant 0 : i32
    %dma_wait3A_114 = tpu.memref_slice %arg3[%add3A, %dma_wait3A_112, %dma_wait3A_113] : memref<32x81x128xi32, #tpu.memory_space<hbm>> -> memref<1x1x128xi32, #tpu.memory_space<hbm>>
    %dma_wait3A_115 = tpu.memref_squeeze %dma_wait3A_114 : memref<1x1x128xi32, #tpu.memory_space<hbm>> -> memref<128xi32, #tpu.memory_space<hbm>>
    %dma_wait3A_116 = arith.constant 0 : i32
    %dma_wait3A_117 = tpu.memref_slice %arg3[%add3A, %dma_wait3A_112, %dma_wait3A_116] : memref<32x81x128xi32, #tpu.memory_space<hbm>> -> memref<1x1x128xi32, #tpu.memory_space<hbm>>
    %dma_wait3A_118 = tpu.memref_squeeze %dma_wait3A_117 : memref<1x1x128xi32, #tpu.memory_space<hbm>> -> memref<128xi32, #tpu.memory_space<hbm>>
    tpu.wait_dma2 semaphore(%arg21 : memref<!tpu.dma_semaphore, #tpu.memory_space<semaphore_mem>>) src(%dma_wait3A_118 : memref<128xi32, #tpu.memory_space<hbm>>) dst(%arg11 : memref<128xi32, #tpu.memory_space<vmem>>)
    %dma_start3A_119 = arith.constant 0 : i32
    %dma_start3A_120 = arith.constant 0 : i32
    %dma_start3A_121 = tpu.memref_slice %arg16[%dma_start3A_119, %dma_start3A_120] : memref<10112x128xf32, #tpu.memory_space<vmem_shared>> -> memref<10112x128xf32, #tpu.memory_space<vmem_shared>>
    tpu.enqueue_indirect_dma source(%arg14 : memref<128x128xf32, #tpu.memory_space<vmem>>) target(%dma_start3A_121 : memref<10112x128xf32, #tpu.memory_space<vmem_shared>>) offsets(%arg11 : memref<128xi32, #tpu.memory_space<vmem>>) semaphore(%arg27 : memref<!tpu.dma_semaphore, #tpu.memory_space<semaphore_mem>>) {add = true}
    tpu.wait_dma2 semaphore(%arg25 : memref<!tpu.dma_semaphore, #tpu.memory_space<semaphore_mem>>) src(%arg5 : memref<128x128xf32, #tpu.memory_space<hbm>>) dst(%arg15 : memref<128x128xf32, #tpu.memory_space<vmem>>)
    %dma_wait3A_122 = arith.constant 0 : i32
    %dma_wait3A_123 = arith.constant 0 : i32
    %dma_wait3A_124 = tpu.memref_slice %arg3[%add3A, %dma_wait3A_122, %dma_wait3A_123] : memref<32x81x128xi32, #tpu.memory_space<hbm>> -> memref<1x1x128xi32, #tpu.memory_space<hbm>>
    %dma_wait3A_125 = tpu.memref_squeeze %dma_wait3A_124 : memref<1x1x128xi32, #tpu.memory_space<hbm>> -> memref<128xi32, #tpu.memory_space<hbm>>
    %dma_wait3A_126 = arith.constant 0 : i32
    %dma_wait3A_127 = tpu.memref_slice %arg3[%add3A, %dma_wait3A_122, %dma_wait3A_126] : memref<32x81x128xi32, #tpu.memory_space<hbm>> -> memref<1x1x128xi32, #tpu.memory_space<hbm>>
    %dma_wait3A_128 = tpu.memref_squeeze %dma_wait3A_127 : memref<1x1x128xi32, #tpu.memory_space<hbm>> -> memref<128xi32, #tpu.memory_space<hbm>>
    tpu.wait_dma2 semaphore(%arg22 : memref<!tpu.dma_semaphore, #tpu.memory_space<semaphore_mem>>) src(%dma_wait3A_128 : memref<128xi32, #tpu.memory_space<hbm>>) dst(%arg12 : memref<128xi32, #tpu.memory_space<vmem>>)
    %dma_start3A_129 = arith.constant 0 : i32
    %dma_start3A_130 = arith.constant 0 : i32
    %dma_start3A_131 = tpu.memref_slice %arg16[%dma_start3A_129, %dma_start3A_130] : memref<10112x128xf32, #tpu.memory_space<vmem_shared>> -> memref<10112x128xf32, #tpu.memory_space<vmem_shared>>
    tpu.enqueue_indirect_dma source(%arg15 : memref<128x128xf32, #tpu.memory_space<vmem>>) target(%dma_start3A_131 : memref<10112x128xf32, #tpu.memory_space<vmem_shared>>) offsets(%arg12 : memref<128xi32, #tpu.memory_space<vmem>>) semaphore(%arg28 : memref<!tpu.dma_semaphore, #tpu.memory_space<semaphore_mem>>) {add = true}
    tpu.wait_dma2 semaphore(%arg26 : memref<!tpu.dma_semaphore, #tpu.memory_space<semaphore_mem>>) src(%arg5 : memref<128x128xf32, #tpu.memory_space<hbm>>) dst(%arg13 : memref<128x128xf32, #tpu.memory_space<vmem>>)
    tpu.wait_dma2 semaphore(%arg27 : memref<!tpu.dma_semaphore, #tpu.memory_space<semaphore_mem>>) src(%arg5 : memref<128x128xf32, #tpu.memory_space<hbm>>) dst(%arg14 : memref<128x128xf32, #tpu.memory_space<vmem>>)
    tpu.wait_dma2 semaphore(%arg28 : memref<!tpu.dma_semaphore, #tpu.memory_space<semaphore_mem>>) src(%arg5 : memref<128x128xf32, #tpu.memory_space<hbm>>) dst(%arg15 : memref<128x128xf32, #tpu.memory_space<vmem>>)
    %dma_wait3A_132 = arith.constant 0 : i32
    %dma_wait3A_133 = arith.constant 0 : i32
    %dma_wait3A_134 = tpu.memref_slice %arg3[%add3A, %dma_wait3A_132, %dma_wait3A_133] : memref<32x81x128xi32, #tpu.memory_space<hbm>> -> memref<1x1x128xi32, #tpu.memory_space<hbm>>
    %dma_wait3A_135 = tpu.memref_squeeze %dma_wait3A_134 : memref<1x1x128xi32, #tpu.memory_space<hbm>> -> memref<128xi32, #tpu.memory_space<hbm>>
    %dma_wait3A_136 = arith.constant 0 : i32
    %dma_wait3A_137 = tpu.memref_slice %arg3[%add3A, %dma_wait3A_132, %dma_wait3A_136] : memref<32x81x128xi32, #tpu.memory_space<hbm>> -> memref<1x1x128xi32, #tpu.memory_space<hbm>>
    %dma_wait3A_138 = tpu.memref_squeeze %dma_wait3A_137 : memref<1x1x128xi32, #tpu.memory_space<hbm>> -> memref<128xi32, #tpu.memory_space<hbm>>
    tpu.wait_dma2 semaphore(%arg17 : memref<!tpu.dma_semaphore, #tpu.memory_space<semaphore_mem>>) src(%dma_wait3A_138 : memref<128xi32, #tpu.memory_space<hbm>>) dst(%arg7 : memref<128xi32, #tpu.memory_space<vmem>>)
    %barrier3A_139 = arith.constant 0 : index
    tpu.barrier barrier_id(%barrier3A_139)
    %mul3A_140 = arith.constant 632 : i32
    %mul3A_141 = arith.muli %arg1, %mul3A_140 : i32
    %mul3A_142 = arith.constant 632 : i32
    %mul3A_143 = arith.muli %arg1, %mul3A_142 : i32
    "tpu.region"() ({
      %run_scoped3A = tpu.sem_alloc : memref<!tpu.dma_semaphore, #tpu.memory_space<semaphore_mem>>
      %dma_start3A_144 = arith.constant 0 : i32
      %dma_start3A_145 = tpu.memref_slice %arg6[%arg0, %mul3A_143, %dma_start3A_144] : memref<2x10112x128xf32, #tpu.memory_space<hbm>> -> memref<1x632x128xf32, #tpu.memory_space<hbm>>
      %dma_start3A_146 = tpu.memref_squeeze %dma_start3A_145 : memref<1x632x128xf32, #tpu.memory_space<hbm>> -> memref<632x128xf32, #tpu.memory_space<hbm>>
      %dma_start3A_147 = arith.constant 0 : i32
      %dma_start3A_148 = tpu.memref_slice %arg16[%mul3A_141, %dma_start3A_147] : memref<10112x128xf32, #tpu.memory_space<vmem_shared>> -> memref<632x128xf32, #tpu.memory_space<vmem_shared>>
      tpu.enqueue_dma source(%dma_start3A_148 : memref<632x128xf32, #tpu.memory_space<vmem_shared>>) target(%dma_start3A_146 : memref<632x128xf32, #tpu.memory_space<hbm>>) target_semaphore(%run_scoped3A : memref<!tpu.dma_semaphore, #tpu.memory_space<semaphore_mem>>)
      %dma_wait3A_149 = arith.constant 0 : i32
      %dma_wait3A_150 = tpu.memref_slice %arg6[%arg0, %mul3A_143, %dma_wait3A_149] : memref<2x10112x128xf32, #tpu.memory_space<hbm>> -> memref<1x632x128xf32, #tpu.memory_space<hbm>>
      %dma_wait3A_151 = tpu.memref_squeeze %dma_wait3A_150 : memref<1x632x128xf32, #tpu.memory_space<hbm>> -> memref<632x128xf32, #tpu.memory_space<hbm>>
      %dma_wait3A_152 = arith.constant 0 : i32
      %dma_wait3A_153 = tpu.memref_slice %arg16[%mul3A_141, %dma_wait3A_152] : memref<10112x128xf32, #tpu.memory_space<vmem_shared>> -> memref<632x128xf32, #tpu.memory_space<vmem_shared>>
      tpu.wait_dma2 semaphore(%run_scoped3A : memref<!tpu.dma_semaphore, #tpu.memory_space<semaphore_mem>>) src(%dma_wait3A_153 : memref<632x128xf32, #tpu.memory_space<vmem_shared>>) dst(%dma_wait3A_151 : memref<632x128xf32, #tpu.memory_space<hbm>>)
      tpu.yield
    }) : () -> ()
    return
  }
}

#map = affine_map<(d0, d1) -> (0, 0)>
#map1 = affine_map<(d0, d1) -> (0, 0, 0)>
module attributes {stable_mosaic.version = 14 : i64} {
  func.func @_sc_hop(%arg0: i32, %arg1: i32, %arg2: memref<10112x128xf32, #tpu.memory_space<hbm>>, %arg3: memref<32x81x128xi32, #tpu.memory_space<hbm>>, %arg4: memref<32x81x128xi32, #tpu.memory_space<hbm>>, %arg5: memref<128x128xf32, #tpu.memory_space<hbm>>, %arg6: memref<2x10112x128xf32, #tpu.memory_space<hbm>>, %arg7: memref<128xi32, #tpu.memory_space<vmem>>, %arg8: memref<128xi32, #tpu.memory_space<vmem>>, %arg9: memref<128xi32, #tpu.memory_space<vmem>>, %arg10: memref<128xi32, #tpu.memory_space<vmem>>, %arg11: memref<128xi32, #tpu.memory_space<vmem>>, %arg12: memref<128xi32, #tpu.memory_space<vmem>>, %arg13: memref<128x128xf32, #tpu.memory_space<vmem>>, %arg14: memref<128x128xf32, #tpu.memory_space<vmem>>, %arg15: memref<128x128xf32, #tpu.memory_space<vmem>>, %arg16: memref<10112x128xf32, #tpu.memory_space<vmem_shared>>, %arg17: memref<!tpu.dma_semaphore, #tpu.memory_space<semaphore_mem>>, %arg18: memref<!tpu.dma_semaphore, #tpu.memory_space<semaphore_mem>>, %arg19: memref<!tpu.dma_semaphore, #tpu.memory_space<semaphore_mem>>, %arg20: memref<!tpu.dma_semaphore, #tpu.memory_space<semaphore_mem>>, %arg21: memref<!tpu.dma_semaphore, #tpu.memory_space<semaphore_mem>>, %arg22: memref<!tpu.dma_semaphore, #tpu.memory_space<semaphore_mem>>, %arg23: memref<!tpu.dma_semaphore, #tpu.memory_space<semaphore_mem>>, %arg24: memref<!tpu.dma_semaphore, #tpu.memory_space<semaphore_mem>>, %arg25: memref<!tpu.dma_semaphore, #tpu.memory_space<semaphore_mem>>, %arg26: memref<!tpu.dma_semaphore, #tpu.memory_space<semaphore_mem>>, %arg27: memref<!tpu.dma_semaphore, #tpu.memory_space<semaphore_mem>>, %arg28: memref<!tpu.dma_semaphore, #tpu.memory_space<semaphore_mem>>) attributes {dimension_semantics = [#tpu.dimension_semantics<core_parallel>, #tpu.dimension_semantics<subcore_parallel>], iteration_bounds = array<i64: 2, 16>, scalar_prefetch = 0 : i64, scratch_operands = 22 : i64, tpu.core_type = #tpu.core_type<sc_vector_subcore>, window_params = [{transform_indices = #map}, {transform_indices = #map1}, {transform_indices = #map1}, {transform_indices = #map}, {transform_indices = #map1}]} {
    %mul3A = arith.constant 16 : i32
    %mul3A_0 = arith.muli %arg0, %mul3A : i32
    %add3A = arith.addi %mul3A_0, %arg1 : i32
    %mul3A_1 = arith.constant 632 : i32
    %mul3A_2 = arith.muli %arg1, %mul3A_1 : i32
    %add3A_3 = arith.constant 0 : i32
    %add3A_4 = arith.addi %mul3A_2, %add3A_3 : i32
    "tpu.region"() ({
      %run_scoped3A = tpu.sem_alloc : memref<!tpu.dma_semaphore, #tpu.memory_space<semaphore_mem>>
      %dma_start3A_144 = arith.constant 0 : i32
      %dma_start3A_145 = tpu.memref_slice %arg16[%add3A_4, %dma_start3A_144] : memref<10112x128xf32, #tpu.memory_space<vmem_shared>> -> memref<128x128xf32, #tpu.memory_space<vmem_shared>>
      tpu.enqueue_dma source(%arg5 : memref<128x128xf32, #tpu.memory_space<hbm>>) target(%dma_start3A_145 : memref<128x128xf32, #tpu.memory_space<vmem_shared>>) target_semaphore(%run_scoped3A : memref<!tpu.dma_semaphore, #tpu.memory_space<semaphore_mem>>)
      %dma_wait3A_146 = arith.constant 0 : i32
      %dma_wait3A_147 = tpu.memref_slice %arg16[%add3A_4, %dma_wait3A_146] : memref<10112x128xf32, #tpu.memory_space<vmem_shared>> -> memref<128x128xf32, #tpu.memory_space<vmem_shared>>
      tpu.wait_dma2 semaphore(%run_scoped3A : memref<!tpu.dma_semaphore, #tpu.memory_space<semaphore_mem>>) src(%arg5 : memref<128x128xf32, #tpu.memory_space<hbm>>) dst(%dma_wait3A_147 : memref<128x128xf32, #tpu.memory_space<vmem_shared>>)
      tpu.yield
    }) : () -> ()
    %mul3A_5 = arith.constant 632 : i32
    %mul3A_6 = arith.muli %arg1, %mul3A_5 : i32
    %add3A_7 = arith.constant 128 : i32
    %add3A_8 = arith.addi %mul3A_6, %add3A_7 : i32
    "tpu.region"() ({
      %run_scoped3A = tpu.sem_alloc : memref<!tpu.dma_semaphore, #tpu.memory_space<semaphore_mem>>
      %dma_start3A_144 = arith.constant 0 : i32
      %dma_start3A_145 = tpu.memref_slice %arg16[%add3A_8, %dma_start3A_144] : memref<10112x128xf32, #tpu.memory_space<vmem_shared>> -> memref<128x128xf32, #tpu.memory_space<vmem_shared>>
      tpu.enqueue_dma source(%arg5 : memref<128x128xf32, #tpu.memory_space<hbm>>) target(%dma_start3A_145 : memref<128x128xf32, #tpu.memory_space<vmem_shared>>) target_semaphore(%run_scoped3A : memref<!tpu.dma_semaphore, #tpu.memory_space<semaphore_mem>>)
      %dma_wait3A_146 = arith.constant 0 : i32
      %dma_wait3A_147 = tpu.memref_slice %arg16[%add3A_8, %dma_wait3A_146] : memref<10112x128xf32, #tpu.memory_space<vmem_shared>> -> memref<128x128xf32, #tpu.memory_space<vmem_shared>>
      tpu.wait_dma2 semaphore(%run_scoped3A : memref<!tpu.dma_semaphore, #tpu.memory_space<semaphore_mem>>) src(%arg5 : memref<128x128xf32, #tpu.memory_space<hbm>>) dst(%dma_wait3A_147 : memref<128x128xf32, #tpu.memory_space<vmem_shared>>)
      tpu.yield
    }) : () -> ()
    %mul3A_9 = arith.constant 632 : i32
    %mul3A_10 = arith.muli %arg1, %mul3A_9 : i32
    %add3A_11 = arith.constant 256 : i32
    %add3A_12 = arith.addi %mul3A_10, %add3A_11 : i32
    "tpu.region"() ({
      %run_scoped3A = tpu.sem_alloc : memref<!tpu.dma_semaphore, #tpu.memory_space<semaphore_mem>>
      %dma_start3A_144 = arith.constant 0 : i32
      %dma_start3A_145 = tpu.memref_slice %arg16[%add3A_12, %dma_start3A_144] : memref<10112x128xf32, #tpu.memory_space<vmem_shared>> -> memref<128x128xf32, #tpu.memory_space<vmem_shared>>
      tpu.enqueue_dma source(%arg5 : memref<128x128xf32, #tpu.memory_space<hbm>>) target(%dma_start3A_145 : memref<128x128xf32, #tpu.memory_space<vmem_shared>>) target_semaphore(%run_scoped3A : memref<!tpu.dma_semaphore, #tpu.memory_space<semaphore_mem>>)
      %dma_wait3A_146 = arith.constant 0 : i32
      %dma_wait3A_147 = tpu.memref_slice %arg16[%add3A_12, %dma_wait3A_146] : memref<10112x128xf32, #tpu.memory_space<vmem_shared>> -> memref<128x128xf32, #tpu.memory_space<vmem_shared>>
      tpu.wait_dma2 semaphore(%run_scoped3A : memref<!tpu.dma_semaphore, #tpu.memory_space<semaphore_mem>>) src(%arg5 : memref<128x128xf32, #tpu.memory_space<hbm>>) dst(%dma_wait3A_147 : memref<128x128xf32, #tpu.memory_space<vmem_shared>>)
      tpu.yield
    }) : () -> ()
    %mul3A_13 = arith.constant 632 : i32
    %mul3A_14 = arith.muli %arg1, %mul3A_13 : i32
    %add3A_15 = arith.constant 384 : i32
    %add3A_16 = arith.addi %mul3A_14, %add3A_15 : i32
    "tpu.region"() ({
      %run_scoped3A = tpu.sem_alloc : memref<!tpu.dma_semaphore, #tpu.memory_space<semaphore_mem>>
      %dma_start3A_144 = arith.constant 0 : i32
      %dma_start3A_145 = tpu.memref_slice %arg16[%add3A_16, %dma_start3A_144] : memref<10112x128xf32, #tpu.memory_space<vmem_shared>> -> memref<128x128xf32, #tpu.memory_space<vmem_shared>>
      tpu.enqueue_dma source(%arg5 : memref<128x128xf32, #tpu.memory_space<hbm>>) target(%dma_start3A_145 : memref<128x128xf32, #tpu.memory_space<vmem_shared>>) target_semaphore(%run_scoped3A : memref<!tpu.dma_semaphore, #tpu.memory_space<semaphore_mem>>)
      %dma_wait3A_146 = arith.constant 0 : i32
      %dma_wait3A_147 = tpu.memref_slice %arg16[%add3A_16, %dma_wait3A_146] : memref<10112x128xf32, #tpu.memory_space<vmem_shared>> -> memref<128x128xf32, #tpu.memory_space<vmem_shared>>
      tpu.wait_dma2 semaphore(%run_scoped3A : memref<!tpu.dma_semaphore, #tpu.memory_space<semaphore_mem>>) src(%arg5 : memref<128x128xf32, #tpu.memory_space<hbm>>) dst(%dma_wait3A_147 : memref<128x128xf32, #tpu.memory_space<vmem_shared>>)
      tpu.yield
    }) : () -> ()
    %mul3A_17 = arith.constant 632 : i32
    %mul3A_18 = arith.muli %arg1, %mul3A_17 : i32
    %add3A_19 = arith.constant 512 : i32
    %add3A_20 = arith.addi %mul3A_18, %add3A_19 : i32
    "tpu.region"() ({
      %run_scoped3A = tpu.sem_alloc : memref<!tpu.dma_semaphore, #tpu.memory_space<semaphore_mem>>
      %dma_start3A_144 = arith.constant 0 : i32
      %dma_start3A_145 = tpu.memref_slice %arg16[%add3A_20, %dma_start3A_144] : memref<10112x128xf32, #tpu.memory_space<vmem_shared>> -> memref<120x128xf32, #tpu.memory_space<vmem_shared>>
      %dma_start3A_146 = arith.constant 0 : i32
      %dma_start3A_147 = arith.constant 0 : i32
      %dma_start3A_148 = tpu.memref_slice %arg5[%dma_start3A_146, %dma_start3A_147] : memref<128x128xf32, #tpu.memory_space<hbm>> -> memref<120x128xf32, #tpu.memory_space<hbm>>
      tpu.enqueue_dma source(%dma_start3A_148 : memref<120x128xf32, #tpu.memory_space<hbm>>) target(%dma_start3A_145 : memref<120x128xf32, #tpu.memory_space<vmem_shared>>) target_semaphore(%run_scoped3A : memref<!tpu.dma_semaphore, #tpu.memory_space<semaphore_mem>>)
      %dma_wait3A_149 = arith.constant 0 : i32
      %dma_wait3A_150 = tpu.memref_slice %arg16[%add3A_20, %dma_wait3A_149] : memref<10112x128xf32, #tpu.memory_space<vmem_shared>> -> memref<120x128xf32, #tpu.memory_space<vmem_shared>>
      %dma_wait3A_151 = arith.constant 0 : i32
      %dma_wait3A_152 = arith.constant 0 : i32
      %dma_wait3A_153 = tpu.memref_slice %arg5[%dma_wait3A_151, %dma_wait3A_152] : memref<128x128xf32, #tpu.memory_space<hbm>> -> memref<120x128xf32, #tpu.memory_space<hbm>>
      tpu.wait_dma2 semaphore(%run_scoped3A : memref<!tpu.dma_semaphore, #tpu.memory_space<semaphore_mem>>) src(%dma_wait3A_153 : memref<120x128xf32, #tpu.memory_space<hbm>>) dst(%dma_wait3A_150 : memref<120x128xf32, #tpu.memory_space<vmem_shared>>)
      tpu.yield
    }) : () -> ()
    %barrier3A = arith.constant 0 : index
    tpu.barrier barrier_id(%barrier3A)
    %dma_start3A = arith.constant 0 : i32
    %dma_start3A_21 = arith.constant 0 : i32
    %dma_start3A_22 = tpu.memref_slice %arg3[%add3A, %dma_start3A, %dma_start3A_21] : memref<32x81x128xi32, #tpu.memory_space<hbm>> -> memref<1x1x128xi32, #tpu.memory_space<hbm>>
    %dma_start3A_23 = tpu.memref_squeeze %dma_start3A_22 : memref<1x1x128xi32, #tpu.memory_space<hbm>> -> memref<128xi32, #tpu.memory_space<hbm>>
    %dma_start3A_24 = arith.constant 0 : i32
    %dma_start3A_25 = tpu.memref_slice %arg3[%add3A, %dma_start3A, %dma_start3A_24] : memref<32x81x128xi32, #tpu.memory_space<hbm>> -> memref<1x1x128xi32, #tpu.memory_space<hbm>>
    %dma_start3A_26 = tpu.memref_squeeze %dma_start3A_25 : memref<1x1x128xi32, #tpu.memory_space<hbm>> -> memref<128xi32, #tpu.memory_space<hbm>>
    tpu.enqueue_dma source(%dma_start3A_26 : memref<128xi32, #tpu.memory_space<hbm>>) target(%arg7 : memref<128xi32, #tpu.memory_space<vmem>>) target_semaphore(%arg17 : memref<!tpu.dma_semaphore, #tpu.memory_space<semaphore_mem>>)
    %dma_start3A_27 = arith.constant 1 : i32
    %dma_start3A_28 = arith.constant 0 : i32
    %dma_start3A_29 = tpu.memref_slice %arg3[%add3A, %dma_start3A_27, %dma_start3A_28] : memref<32x81x128xi32, #tpu.memory_space<hbm>> -> memref<1x1x128xi32, #tpu.memory_space<hbm>>
    %dma_start3A_30 = tpu.memref_squeeze %dma_start3A_29 : memref<1x1x128xi32, #tpu.memory_space<hbm>> -> memref<128xi32, #tpu.memory_space<hbm>>
    %dma_start3A_31 = arith.constant 0 : i32
    %dma_start3A_32 = tpu.memref_slice %arg3[%add3A, %dma_start3A_27, %dma_start3A_31] : memref<32x81x128xi32, #tpu.memory_space<hbm>> -> memref<1x1x128xi32, #tpu.memory_space<hbm>>
    %dma_start3A_33 = tpu.memref_squeeze %dma_start3A_32 : memref<1x1x128xi32, #tpu.memory_space<hbm>> -> memref<128xi32, #tpu.memory_space<hbm>>
    tpu.enqueue_dma source(%dma_start3A_33 : memref<128xi32, #tpu.memory_space<hbm>>) target(%arg8 : memref<128xi32, #tpu.memory_space<vmem>>) target_semaphore(%arg18 : memref<!tpu.dma_semaphore, #tpu.memory_space<semaphore_mem>>)
    %dma_start3A_34 = arith.constant 2 : i32
    %dma_start3A_35 = arith.constant 0 : i32
    %dma_start3A_36 = tpu.memref_slice %arg3[%add3A, %dma_start3A_34, %dma_start3A_35] : memref<32x81x128xi32, #tpu.memory_space<hbm>> -> memref<1x1x128xi32, #tpu.memory_space<hbm>>
    %dma_start3A_37 = tpu.memref_squeeze %dma_start3A_36 : memref<1x1x128xi32, #tpu.memory_space<hbm>> -> memref<128xi32, #tpu.memory_space<hbm>>
    %dma_start3A_38 = arith.constant 0 : i32
    %dma_start3A_39 = tpu.memref_slice %arg3[%add3A, %dma_start3A_34, %dma_start3A_38] : memref<32x81x128xi32, #tpu.memory_space<hbm>> -> memref<1x1x128xi32, #tpu.memory_space<hbm>>
    %dma_start3A_40 = tpu.memref_squeeze %dma_start3A_39 : memref<1x1x128xi32, #tpu.memory_space<hbm>> -> memref<128xi32, #tpu.memory_space<hbm>>
    tpu.enqueue_dma source(%dma_start3A_40 : memref<128xi32, #tpu.memory_space<hbm>>) target(%arg9 : memref<128xi32, #tpu.memory_space<vmem>>) target_semaphore(%arg19 : memref<!tpu.dma_semaphore, #tpu.memory_space<semaphore_mem>>)
    %dma_start3A_41 = arith.constant 0 : i32
    %dma_start3A_42 = arith.constant 0 : i32
    %dma_start3A_43 = tpu.memref_slice %arg4[%add3A, %dma_start3A_41, %dma_start3A_42] : memref<32x81x128xi32, #tpu.memory_space<hbm>> -> memref<1x1x128xi32, #tpu.memory_space<hbm>>
    %dma_start3A_44 = tpu.memref_squeeze %dma_start3A_43 : memref<1x1x128xi32, #tpu.memory_space<hbm>> -> memref<128xi32, #tpu.memory_space<hbm>>
    %dma_start3A_45 = arith.constant 0 : i32
    %dma_start3A_46 = tpu.memref_slice %arg4[%add3A, %dma_start3A_41, %dma_start3A_45] : memref<32x81x128xi32, #tpu.memory_space<hbm>> -> memref<1x1x128xi32, #tpu.memory_space<hbm>>
    %dma_start3A_47 = tpu.memref_squeeze %dma_start3A_46 : memref<1x1x128xi32, #tpu.memory_space<hbm>> -> memref<128xi32, #tpu.memory_space<hbm>>
    tpu.enqueue_dma source(%dma_start3A_47 : memref<128xi32, #tpu.memory_space<hbm>>) target(%arg10 : memref<128xi32, #tpu.memory_space<vmem>>) target_semaphore(%arg20 : memref<!tpu.dma_semaphore, #tpu.memory_space<semaphore_mem>>)
    %dma_start3A_48 = arith.constant 1 : i32
    %dma_start3A_49 = arith.constant 0 : i32
    %dma_start3A_50 = tpu.memref_slice %arg4[%add3A, %dma_start3A_48, %dma_start3A_49] : memref<32x81x128xi32, #tpu.memory_space<hbm>> -> memref<1x1x128xi32, #tpu.memory_space<hbm>>
    %dma_start3A_51 = tpu.memref_squeeze %dma_start3A_50 : memref<1x1x128xi32, #tpu.memory_space<hbm>> -> memref<128xi32, #tpu.memory_space<hbm>>
    %dma_start3A_52 = arith.constant 0 : i32
    %dma_start3A_53 = tpu.memref_slice %arg4[%add3A, %dma_start3A_48, %dma_start3A_52] : memref<32x81x128xi32, #tpu.memory_space<hbm>> -> memref<1x1x128xi32, #tpu.memory_space<hbm>>
    %dma_start3A_54 = tpu.memref_squeeze %dma_start3A_53 : memref<1x1x128xi32, #tpu.memory_space<hbm>> -> memref<128xi32, #tpu.memory_space<hbm>>
    tpu.enqueue_dma source(%dma_start3A_54 : memref<128xi32, #tpu.memory_space<hbm>>) target(%arg11 : memref<128xi32, #tpu.memory_space<vmem>>) target_semaphore(%arg21 : memref<!tpu.dma_semaphore, #tpu.memory_space<semaphore_mem>>)
    %dma_wait3A = arith.constant 0 : i32
    %dma_wait3A_55 = arith.constant 0 : i32
    %dma_wait3A_56 = tpu.memref_slice %arg3[%add3A, %dma_wait3A, %dma_wait3A_55] : memref<32x81x128xi32, #tpu.memory_space<hbm>> -> memref<1x1x128xi32, #tpu.memory_space<hbm>>
    %dma_wait3A_57 = tpu.memref_squeeze %dma_wait3A_56 : memref<1x1x128xi32, #tpu.memory_space<hbm>> -> memref<128xi32, #tpu.memory_space<hbm>>
    %dma_wait3A_58 = arith.constant 0 : i32
    %dma_wait3A_59 = tpu.memref_slice %arg3[%add3A, %dma_wait3A, %dma_wait3A_58] : memref<32x81x128xi32, #tpu.memory_space<hbm>> -> memref<1x1x128xi32, #tpu.memory_space<hbm>>
    %dma_wait3A_60 = tpu.memref_squeeze %dma_wait3A_59 : memref<1x1x128xi32, #tpu.memory_space<hbm>> -> memref<128xi32, #tpu.memory_space<hbm>>
    tpu.wait_dma2 semaphore(%arg17 : memref<!tpu.dma_semaphore, #tpu.memory_space<semaphore_mem>>) src(%dma_wait3A_60 : memref<128xi32, #tpu.memory_space<hbm>>) dst(%arg7 : memref<128xi32, #tpu.memory_space<vmem>>)
    %dma_start3A_61 = arith.constant 0 : i32
    %dma_start3A_62 = arith.constant 0 : i32
    %dma_start3A_63 = tpu.memref_slice %arg2[%dma_start3A_61, %dma_start3A_62] : memref<10112x128xf32, #tpu.memory_space<hbm>> -> memref<10112x128xf32, #tpu.memory_space<hbm>>
    tpu.enqueue_indirect_dma source(%dma_start3A_63 : memref<10112x128xf32, #tpu.memory_space<hbm>>) target(%arg13 : memref<128x128xf32, #tpu.memory_space<vmem>>) offsets(%arg7 : memref<128xi32, #tpu.memory_space<vmem>>) semaphore(%arg23 : memref<!tpu.dma_semaphore, #tpu.memory_space<semaphore_mem>>)
    %dma_wait3A_64 = arith.constant 0 : i32
    %dma_wait3A_65 = arith.constant 0 : i32
    %dma_wait3A_66 = tpu.memref_slice %arg3[%add3A, %dma_wait3A_64, %dma_wait3A_65] : memref<32x81x128xi32, #tpu.memory_space<hbm>> -> memref<1x1x128xi32, #tpu.memory_space<hbm>>
    %dma_wait3A_67 = tpu.memref_squeeze %dma_wait3A_66 : memref<1x1x128xi32, #tpu.memory_space<hbm>> -> memref<128xi32, #tpu.memory_space<hbm>>
    %dma_wait3A_68 = arith.constant 0 : i32
    %dma_wait3A_69 = tpu.memref_slice %arg3[%add3A, %dma_wait3A_64, %dma_wait3A_68] : memref<32x81x128xi32, #tpu.memory_space<hbm>> -> memref<1x1x128xi32, #tpu.memory_space<hbm>>
    %dma_wait3A_70 = tpu.memref_squeeze %dma_wait3A_69 : memref<1x1x128xi32, #tpu.memory_space<hbm>> -> memref<128xi32, #tpu.memory_space<hbm>>
    tpu.wait_dma2 semaphore(%arg18 : memref<!tpu.dma_semaphore, #tpu.memory_space<semaphore_mem>>) src(%dma_wait3A_70 : memref<128xi32, #tpu.memory_space<hbm>>) dst(%arg8 : memref<128xi32, #tpu.memory_space<vmem>>)
    %dma_start3A_71 = arith.constant 0 : i32
    %dma_start3A_72 = arith.constant 0 : i32
    %dma_start3A_73 = tpu.memref_slice %arg2[%dma_start3A_71, %dma_start3A_72] : memref<10112x128xf32, #tpu.memory_space<hbm>> -> memref<10112x128xf32, #tpu.memory_space<hbm>>
    tpu.enqueue_indirect_dma source(%dma_start3A_73 : memref<10112x128xf32, #tpu.memory_space<hbm>>) target(%arg14 : memref<128x128xf32, #tpu.memory_space<vmem>>) offsets(%arg8 : memref<128xi32, #tpu.memory_space<vmem>>) semaphore(%arg24 : memref<!tpu.dma_semaphore, #tpu.memory_space<semaphore_mem>>)
    %dma_start3A_74 = arith.constant 2 : i32
    %dma_start3A_75 = arith.constant 0 : i32
    %dma_start3A_76 = tpu.memref_slice %arg4[%add3A, %dma_start3A_74, %dma_start3A_75] : memref<32x81x128xi32, #tpu.memory_space<hbm>> -> memref<1x1x128xi32, #tpu.memory_space<hbm>>
    %dma_start3A_77 = tpu.memref_squeeze %dma_start3A_76 : memref<1x1x128xi32, #tpu.memory_space<hbm>> -> memref<128xi32, #tpu.memory_space<hbm>>
    %dma_start3A_78 = arith.constant 0 : i32
    %dma_start3A_79 = tpu.memref_slice %arg4[%add3A, %dma_start3A_74, %dma_start3A_78] : memref<32x81x128xi32, #tpu.memory_space<hbm>> -> memref<1x1x128xi32, #tpu.memory_space<hbm>>
    %dma_start3A_80 = tpu.memref_squeeze %dma_start3A_79 : memref<1x1x128xi32, #tpu.memory_space<hbm>> -> memref<128xi32, #tpu.memory_space<hbm>>
    tpu.enqueue_dma source(%dma_start3A_80 : memref<128xi32, #tpu.memory_space<hbm>>) target(%arg12 : memref<128xi32, #tpu.memory_space<vmem>>) target_semaphore(%arg22 : memref<!tpu.dma_semaphore, #tpu.memory_space<semaphore_mem>>)
    %dma_wait3A_81 = arith.constant 0 : i32
    %dma_wait3A_82 = arith.constant 0 : i32
    %dma_wait3A_83 = tpu.memref_slice %arg3[%add3A, %dma_wait3A_81, %dma_wait3A_82] : memref<32x81x128xi32, #tpu.memory_space<hbm>> -> memref<1x1x128xi32, #tpu.memory_space<hbm>>
    %dma_wait3A_84 = tpu.memref_squeeze %dma_wait3A_83 : memref<1x1x128xi32, #tpu.memory_space<hbm>> -> memref<128xi32, #tpu.memory_space<hbm>>
    %dma_wait3A_85 = arith.constant 0 : i32
    %dma_wait3A_86 = tpu.memref_slice %arg3[%add3A, %dma_wait3A_81, %dma_wait3A_85] : memref<32x81x128xi32, #tpu.memory_space<hbm>> -> memref<1x1x128xi32, #tpu.memory_space<hbm>>
    %dma_wait3A_87 = tpu.memref_squeeze %dma_wait3A_86 : memref<1x1x128xi32, #tpu.memory_space<hbm>> -> memref<128xi32, #tpu.memory_space<hbm>>
    tpu.wait_dma2 semaphore(%arg19 : memref<!tpu.dma_semaphore, #tpu.memory_space<semaphore_mem>>) src(%dma_wait3A_87 : memref<128xi32, #tpu.memory_space<hbm>>) dst(%arg9 : memref<128xi32, #tpu.memory_space<vmem>>)
    %dma_start3A_88 = arith.constant 0 : i32
    %dma_start3A_89 = arith.constant 0 : i32
    %dma_start3A_90 = tpu.memref_slice %arg2[%dma_start3A_88, %dma_start3A_89] : memref<10112x128xf32, #tpu.memory_space<hbm>> -> memref<10112x128xf32, #tpu.memory_space<hbm>>
    tpu.enqueue_indirect_dma source(%dma_start3A_90 : memref<10112x128xf32, #tpu.memory_space<hbm>>) target(%arg15 : memref<128x128xf32, #tpu.memory_space<vmem>>) offsets(%arg9 : memref<128xi32, #tpu.memory_space<vmem>>) semaphore(%arg25 : memref<!tpu.dma_semaphore, #tpu.memory_space<semaphore_mem>>)
    tpu.wait_dma2 semaphore(%arg23 : memref<!tpu.dma_semaphore, #tpu.memory_space<semaphore_mem>>) src(%arg5 : memref<128x128xf32, #tpu.memory_space<hbm>>) dst(%arg13 : memref<128x128xf32, #tpu.memory_space<vmem>>)
    %dma_wait3A_91 = arith.constant 0 : i32
    %dma_wait3A_92 = arith.constant 0 : i32
    %dma_wait3A_93 = tpu.memref_slice %arg3[%add3A, %dma_wait3A_91, %dma_wait3A_92] : memref<32x81x128xi32, #tpu.memory_space<hbm>> -> memref<1x1x128xi32, #tpu.memory_space<hbm>>
    %dma_wait3A_94 = tpu.memref_squeeze %dma_wait3A_93 : memref<1x1x128xi32, #tpu.memory_space<hbm>> -> memref<128xi32, #tpu.memory_space<hbm>>
    %dma_wait3A_95 = arith.constant 0 : i32
    %dma_wait3A_96 = tpu.memref_slice %arg3[%add3A, %dma_wait3A_91, %dma_wait3A_95] : memref<32x81x128xi32, #tpu.memory_space<hbm>> -> memref<1x1x128xi32, #tpu.memory_space<hbm>>
    %dma_wait3A_97 = tpu.memref_squeeze %dma_wait3A_96 : memref<1x1x128xi32, #tpu.memory_space<hbm>> -> memref<128xi32, #tpu.memory_space<hbm>>
    tpu.wait_dma2 semaphore(%arg20 : memref<!tpu.dma_semaphore, #tpu.memory_space<semaphore_mem>>) src(%dma_wait3A_97 : memref<128xi32, #tpu.memory_space<hbm>>) dst(%arg10 : memref<128xi32, #tpu.memory_space<vmem>>)
    %dma_start3A_98 = arith.constant 0 : i32
    %dma_start3A_99 = arith.constant 0 : i32
    %dma_start3A_100 = tpu.memref_slice %arg16[%dma_start3A_98, %dma_start3A_99] : memref<10112x128xf32, #tpu.memory_space<vmem_shared>> -> memref<10112x128xf32, #tpu.memory_space<vmem_shared>>
    tpu.enqueue_indirect_dma source(%arg13 : memref<128x128xf32, #tpu.memory_space<vmem>>) target(%dma_start3A_100 : memref<10112x128xf32, #tpu.memory_space<vmem_shared>>) offsets(%arg10 : memref<128xi32, #tpu.memory_space<vmem>>) semaphore(%arg26 : memref<!tpu.dma_semaphore, #tpu.memory_space<semaphore_mem>>) {add = true}
    %dma_start3A_101 = arith.constant 3 : i32
    %dma_start3A_102 = arith.constant 0 : i32
    %dma_start3A_103 = tpu.memref_slice %arg3[%add3A, %dma_start3A_101, %dma_start3A_102] : memref<32x81x128xi32, #tpu.memory_space<hbm>> -> memref<1x1x128xi32, #tpu.memory_space<hbm>>
    %dma_start3A_104 = tpu.memref_squeeze %dma_start3A_103 : memref<1x1x128xi32, #tpu.memory_space<hbm>> -> memref<128xi32, #tpu.memory_space<hbm>>
    %dma_start3A_105 = arith.constant 0 : i32
    %dma_start3A_106 = tpu.memref_slice %arg3[%add3A, %dma_start3A_101, %dma_start3A_105] : memref<32x81x128xi32, #tpu.memory_space<hbm>> -> memref<1x1x128xi32, #tpu.memory_space<hbm>>
    %dma_start3A_107 = tpu.memref_squeeze %dma_start3A_106 : memref<1x1x128xi32, #tpu.memory_space<hbm>> -> memref<128xi32, #tpu.memory_space<hbm>>
    tpu.enqueue_dma source(%dma_start3A_107 : memref<128xi32, #tpu.memory_space<hbm>>) target(%arg7 : memref<128xi32, #tpu.memory_space<vmem>>) target_semaphore(%arg17 : memref<!tpu.dma_semaphore, #tpu.memory_space<semaphore_mem>>)
    %scan3A = arith.constant 0 : i32
    %scan3A_108 = arith.constant 26 : i32
    %scan3A_109 = arith.addi %scan3A, %scan3A_108 : i32
    %scan3A_110 = arith.constant 1 : i32
    scf.for %scan3A_144 = %scan3A to %scan3A_109 step %scan3A_110  : i32 {
      %mul3A_145 = arith.constant 1 : i32
      %mul3A_146 = arith.muli %scan3A_144, %mul3A_145 : i32
      %add3A_147 = arith.constant 1 : i32
      %add3A_148 = arith.addi %add3A_147, %mul3A_146 : i32
      %mul3A_149 = arith.constant 3 : i32
      %mul3A_150 = arith.muli %mul3A_149, %add3A_148 : i32
      %add3A_151 = arith.constant 0 : i32
      %add3A_152 = arith.addi %mul3A_150, %add3A_151 : i32
      tpu.wait_dma2 semaphore(%arg26 : memref<!tpu.dma_semaphore, #tpu.memory_space<semaphore_mem>>) src(%arg5 : memref<128x128xf32, #tpu.memory_space<hbm>>) dst(%arg13 : memref<128x128xf32, #tpu.memory_space<vmem>>)
      %dma_start3A_153 = arith.constant 0 : i32
      %dma_start3A_154 = tpu.memref_slice %arg4[%add3A, %add3A_152, %dma_start3A_153] : memref<32x81x128xi32, #tpu.memory_space<hbm>> -> memref<1x1x128xi32, #tpu.memory_space<hbm>>
      %dma_start3A_155 = tpu.memref_squeeze %dma_start3A_154 : memref<1x1x128xi32, #tpu.memory_space<hbm>> -> memref<128xi32, #tpu.memory_space<hbm>>
      %dma_start3A_156 = arith.constant 0 : i32
      %dma_start3A_157 = tpu.memref_slice %arg4[%add3A, %add3A_152, %dma_start3A_156] : memref<32x81x128xi32, #tpu.memory_space<hbm>> -> memref<1x1x128xi32, #tpu.memory_space<hbm>>
      %dma_start3A_158 = tpu.memref_squeeze %dma_start3A_157 : memref<1x1x128xi32, #tpu.memory_space<hbm>> -> memref<128xi32, #tpu.memory_space<hbm>>
      tpu.enqueue_dma source(%dma_start3A_158 : memref<128xi32, #tpu.memory_space<hbm>>) target(%arg10 : memref<128xi32, #tpu.memory_space<vmem>>) target_semaphore(%arg20 : memref<!tpu.dma_semaphore, #tpu.memory_space<semaphore_mem>>)
      %dma_wait3A_159 = arith.constant 0 : i32
      %dma_wait3A_160 = arith.constant 0 : i32
      %dma_wait3A_161 = tpu.memref_slice %arg3[%add3A, %dma_wait3A_159, %dma_wait3A_160] : memref<32x81x128xi32, #tpu.memory_space<hbm>> -> memref<1x1x128xi32, #tpu.memory_space<hbm>>
      %dma_wait3A_162 = tpu.memref_squeeze %dma_wait3A_161 : memref<1x1x128xi32, #tpu.memory_space<hbm>> -> memref<128xi32, #tpu.memory_space<hbm>>
      %dma_wait3A_163 = arith.constant 0 : i32
      %dma_wait3A_164 = tpu.memref_slice %arg3[%add3A, %dma_wait3A_159, %dma_wait3A_163] : memref<32x81x128xi32, #tpu.memory_space<hbm>> -> memref<1x1x128xi32, #tpu.memory_space<hbm>>
      %dma_wait3A_165 = tpu.memref_squeeze %dma_wait3A_164 : memref<1x1x128xi32, #tpu.memory_space<hbm>> -> memref<128xi32, #tpu.memory_space<hbm>>
      tpu.wait_dma2 semaphore(%arg17 : memref<!tpu.dma_semaphore, #tpu.memory_space<semaphore_mem>>) src(%dma_wait3A_165 : memref<128xi32, #tpu.memory_space<hbm>>) dst(%arg7 : memref<128xi32, #tpu.memory_space<vmem>>)
      %dma_start3A_166 = arith.constant 0 : i32
      %dma_start3A_167 = arith.constant 0 : i32
      %dma_start3A_168 = tpu.memref_slice %arg2[%dma_start3A_166, %dma_start3A_167] : memref<10112x128xf32, #tpu.memory_space<hbm>> -> memref<10112x128xf32, #tpu.memory_space<hbm>>
      tpu.enqueue_indirect_dma source(%dma_start3A_168 : memref<10112x128xf32, #tpu.memory_space<hbm>>) target(%arg13 : memref<128x128xf32, #tpu.memory_space<vmem>>) offsets(%arg7 : memref<128xi32, #tpu.memory_space<vmem>>) semaphore(%arg23 : memref<!tpu.dma_semaphore, #tpu.memory_space<semaphore_mem>>)
      tpu.wait_dma2 semaphore(%arg24 : memref<!tpu.dma_semaphore, #tpu.memory_space<semaphore_mem>>) src(%arg5 : memref<128x128xf32, #tpu.memory_space<hbm>>) dst(%arg14 : memref<128x128xf32, #tpu.memory_space<vmem>>)
      %dma_wait3A_169 = arith.constant 0 : i32
      %dma_wait3A_170 = arith.constant 0 : i32
      %dma_wait3A_171 = tpu.memref_slice %arg3[%add3A, %dma_wait3A_169, %dma_wait3A_170] : memref<32x81x128xi32, #tpu.memory_space<hbm>> -> memref<1x1x128xi32, #tpu.memory_space<hbm>>
      %dma_wait3A_172 = tpu.memref_squeeze %dma_wait3A_171 : memref<1x1x128xi32, #tpu.memory_space<hbm>> -> memref<128xi32, #tpu.memory_space<hbm>>
      %dma_wait3A_173 = arith.constant 0 : i32
      %dma_wait3A_174 = tpu.memref_slice %arg3[%add3A, %dma_wait3A_169, %dma_wait3A_173] : memref<32x81x128xi32, #tpu.memory_space<hbm>> -> memref<1x1x128xi32, #tpu.memory_space<hbm>>
      %dma_wait3A_175 = tpu.memref_squeeze %dma_wait3A_174 : memref<1x1x128xi32, #tpu.memory_space<hbm>> -> memref<128xi32, #tpu.memory_space<hbm>>
      tpu.wait_dma2 semaphore(%arg21 : memref<!tpu.dma_semaphore, #tpu.memory_space<semaphore_mem>>) src(%dma_wait3A_175 : memref<128xi32, #tpu.memory_space<hbm>>) dst(%arg11 : memref<128xi32, #tpu.memory_space<vmem>>)
      %dma_start3A_176 = arith.constant 0 : i32
      %dma_start3A_177 = arith.constant 0 : i32
      %dma_start3A_178 = tpu.memref_slice %arg16[%dma_start3A_176, %dma_start3A_177] : memref<10112x128xf32, #tpu.memory_space<vmem_shared>> -> memref<10112x128xf32, #tpu.memory_space<vmem_shared>>
      tpu.enqueue_indirect_dma source(%arg14 : memref<128x128xf32, #tpu.memory_space<vmem>>) target(%dma_start3A_178 : memref<10112x128xf32, #tpu.memory_space<vmem_shared>>) offsets(%arg11 : memref<128xi32, #tpu.memory_space<vmem>>) semaphore(%arg27 : memref<!tpu.dma_semaphore, #tpu.memory_space<semaphore_mem>>) {add = true}
      %add3A_179 = arith.constant 1 : i32
      %add3A_180 = arith.addi %add3A_152, %add3A_179 : i32
      %lt3A = arith.constant 81 : i32
      %lt3A_181 = arith.cmpi slt, %add3A_180, %lt3A : i32
      %add3A_182 = arith.constant 1 : i32
      %add3A_183 = arith.addi %add3A_152, %add3A_182 : i32
      %jit3A = arith.constant 0 : i32
      %select_n3A = arith.select %lt3A_181, %add3A_183, %jit3A : i32
      %dma_start3A_184 = arith.constant 0 : i32
      %dma_start3A_185 = tpu.memref_slice %arg3[%add3A, %select_n3A, %dma_start3A_184] : memref<32x81x128xi32, #tpu.memory_space<hbm>> -> memref<1x1x128xi32, #tpu.memory_space<hbm>>
      %dma_start3A_186 = tpu.memref_squeeze %dma_start3A_185 : memref<1x1x128xi32, #tpu.memory_space<hbm>> -> memref<128xi32, #tpu.memory_space<hbm>>
      %dma_start3A_187 = arith.constant 0 : i32
      %dma_start3A_188 = tpu.memref_slice %arg3[%add3A, %select_n3A, %dma_start3A_187] : memref<32x81x128xi32, #tpu.memory_space<hbm>> -> memref<1x1x128xi32, #tpu.memory_space<hbm>>
      %dma_start3A_189 = tpu.memref_squeeze %dma_start3A_188 : memref<1x1x128xi32, #tpu.memory_space<hbm>> -> memref<128xi32, #tpu.memory_space<hbm>>
      tpu.enqueue_dma source(%dma_start3A_189 : memref<128xi32, #tpu.memory_space<hbm>>) target(%arg8 : memref<128xi32, #tpu.memory_space<vmem>>) target_semaphore(%arg18 : memref<!tpu.dma_semaphore, #tpu.memory_space<semaphore_mem>>)
      %add3A_190 = arith.constant 1 : i32
      %add3A_191 = arith.addi %mul3A_150, %add3A_190 : i32
      tpu.wait_dma2 semaphore(%arg27 : memref<!tpu.dma_semaphore, #tpu.memory_space<semaphore_mem>>) src(%arg5 : memref<128x128xf32, #tpu.memory_space<hbm>>) dst(%arg14 : memref<128x128xf32, #tpu.memory_space<vmem>>)
      %dma_start3A_192 = arith.constant 0 : i32
      %dma_start3A_193 = tpu.memref_slice %arg4[%add3A, %add3A_191, %dma_start3A_192] : memref<32x81x128xi32, #tpu.memory_space<hbm>> -> memref<1x1x128xi32, #tpu.memory_space<hbm>>
      %dma_start3A_194 = tpu.memref_squeeze %dma_start3A_193 : memref<1x1x128xi32, #tpu.memory_space<hbm>> -> memref<128xi32, #tpu.memory_space<hbm>>
      %dma_start3A_195 = arith.constant 0 : i32
      %dma_start3A_196 = tpu.memref_slice %arg4[%add3A, %add3A_191, %dma_start3A_195] : memref<32x81x128xi32, #tpu.memory_space<hbm>> -> memref<1x1x128xi32, #tpu.memory_space<hbm>>
      %dma_start3A_197 = tpu.memref_squeeze %dma_start3A_196 : memref<1x1x128xi32, #tpu.memory_space<hbm>> -> memref<128xi32, #tpu.memory_space<hbm>>
      tpu.enqueue_dma source(%dma_start3A_197 : memref<128xi32, #tpu.memory_space<hbm>>) target(%arg11 : memref<128xi32, #tpu.memory_space<vmem>>) target_semaphore(%arg21 : memref<!tpu.dma_semaphore, #tpu.memory_space<semaphore_mem>>)
      %dma_wait3A_198 = arith.constant 0 : i32
      %dma_wait3A_199 = arith.constant 0 : i32
      %dma_wait3A_200 = tpu.memref_slice %arg3[%add3A, %dma_wait3A_198, %dma_wait3A_199] : memref<32x81x128xi32, #tpu.memory_space<hbm>> -> memref<1x1x128xi32, #tpu.memory_space<hbm>>
      %dma_wait3A_201 = tpu.memref_squeeze %dma_wait3A_200 : memref<1x1x128xi32, #tpu.memory_space<hbm>> -> memref<128xi32, #tpu.memory_space<hbm>>
      %dma_wait3A_202 = arith.constant 0 : i32
      %dma_wait3A_203 = tpu.memref_slice %arg3[%add3A, %dma_wait3A_198, %dma_wait3A_202] : memref<32x81x128xi32, #tpu.memory_space<hbm>> -> memref<1x1x128xi32, #tpu.memory_space<hbm>>
      %dma_wait3A_204 = tpu.memref_squeeze %dma_wait3A_203 : memref<1x1x128xi32, #tpu.memory_space<hbm>> -> memref<128xi32, #tpu.memory_space<hbm>>
      tpu.wait_dma2 semaphore(%arg18 : memref<!tpu.dma_semaphore, #tpu.memory_space<semaphore_mem>>) src(%dma_wait3A_204 : memref<128xi32, #tpu.memory_space<hbm>>) dst(%arg8 : memref<128xi32, #tpu.memory_space<vmem>>)
      %dma_start3A_205 = arith.constant 0 : i32
      %dma_start3A_206 = arith.constant 0 : i32
      %dma_start3A_207 = tpu.memref_slice %arg2[%dma_start3A_205, %dma_start3A_206] : memref<10112x128xf32, #tpu.memory_space<hbm>> -> memref<10112x128xf32, #tpu.memory_space<hbm>>
      tpu.enqueue_indirect_dma source(%dma_start3A_207 : memref<10112x128xf32, #tpu.memory_space<hbm>>) target(%arg14 : memref<128x128xf32, #tpu.memory_space<vmem>>) offsets(%arg8 : memref<128xi32, #tpu.memory_space<vmem>>) semaphore(%arg24 : memref<!tpu.dma_semaphore, #tpu.memory_space<semaphore_mem>>)
      tpu.wait_dma2 semaphore(%arg25 : memref<!tpu.dma_semaphore, #tpu.memory_space<semaphore_mem>>) src(%arg5 : memref<128x128xf32, #tpu.memory_space<hbm>>) dst(%arg15 : memref<128x128xf32, #tpu.memory_space<vmem>>)
      %dma_wait3A_208 = arith.constant 0 : i32
      %dma_wait3A_209 = arith.constant 0 : i32
      %dma_wait3A_210 = tpu.memref_slice %arg3[%add3A, %dma_wait3A_208, %dma_wait3A_209] : memref<32x81x128xi32, #tpu.memory_space<hbm>> -> memref<1x1x128xi32, #tpu.memory_space<hbm>>
      %dma_wait3A_211 = tpu.memref_squeeze %dma_wait3A_210 : memref<1x1x128xi32, #tpu.memory_space<hbm>> -> memref<128xi32, #tpu.memory_space<hbm>>
      %dma_wait3A_212 = arith.constant 0 : i32
      %dma_wait3A_213 = tpu.memref_slice %arg3[%add3A, %dma_wait3A_208, %dma_wait3A_212] : memref<32x81x128xi32, #tpu.memory_space<hbm>> -> memref<1x1x128xi32, #tpu.memory_space<hbm>>
      %dma_wait3A_214 = tpu.memref_squeeze %dma_wait3A_213 : memref<1x1x128xi32, #tpu.memory_space<hbm>> -> memref<128xi32, #tpu.memory_space<hbm>>
      tpu.wait_dma2 semaphore(%arg22 : memref<!tpu.dma_semaphore, #tpu.memory_space<semaphore_mem>>) src(%dma_wait3A_214 : memref<128xi32, #tpu.memory_space<hbm>>) dst(%arg12 : memref<128xi32, #tpu.memory_space<vmem>>)
      %dma_start3A_215 = arith.constant 0 : i32
      %dma_start3A_216 = arith.constant 0 : i32
      %dma_start3A_217 = tpu.memref_slice %arg16[%dma_start3A_215, %dma_start3A_216] : memref<10112x128xf32, #tpu.memory_space<vmem_shared>> -> memref<10112x128xf32, #tpu.memory_space<vmem_shared>>
      tpu.enqueue_indirect_dma source(%arg15 : memref<128x128xf32, #tpu.memory_space<vmem>>) target(%dma_start3A_217 : memref<10112x128xf32, #tpu.memory_space<vmem_shared>>) offsets(%arg12 : memref<128xi32, #tpu.memory_space<vmem>>) semaphore(%arg28 : memref<!tpu.dma_semaphore, #tpu.memory_space<semaphore_mem>>) {add = true}
      %add3A_218 = arith.constant 1 : i32
      %add3A_219 = arith.addi %add3A_191, %add3A_218 : i32
      %lt3A_220 = arith.constant 81 : i32
      %lt3A_221 = arith.cmpi slt, %add3A_219, %lt3A_220 : i32
      %add3A_222 = arith.constant 1 : i32
      %add3A_223 = arith.addi %add3A_191, %add3A_222 : i32
      %jit3A_224 = arith.constant 0 : i32
      %select_n3A_225 = arith.select %lt3A_221, %add3A_223, %jit3A_224 : i32
      %dma_start3A_226 = arith.constant 0 : i32
      %dma_start3A_227 = tpu.memref_slice %arg3[%add3A, %select_n3A_225, %dma_start3A_226] : memref<32x81x128xi32, #tpu.memory_space<hbm>> -> memref<1x1x128xi32, #tpu.memory_space<hbm>>
      %dma_start3A_228 = tpu.memref_squeeze %dma_start3A_227 : memref<1x1x128xi32, #tpu.memory_space<hbm>> -> memref<128xi32, #tpu.memory_space<hbm>>
      %dma_start3A_229 = arith.constant 0 : i32
      %dma_start3A_230 = tpu.memref_slice %arg3[%add3A, %select_n3A_225, %dma_start3A_229] : memref<32x81x128xi32, #tpu.memory_space<hbm>> -> memref<1x1x128xi32, #tpu.memory_space<hbm>>
      %dma_start3A_231 = tpu.memref_squeeze %dma_start3A_230 : memref<1x1x128xi32, #tpu.memory_space<hbm>> -> memref<128xi32, #tpu.memory_space<hbm>>
      tpu.enqueue_dma source(%dma_start3A_231 : memref<128xi32, #tpu.memory_space<hbm>>) target(%arg9 : memref<128xi32, #tpu.memory_space<vmem>>) target_semaphore(%arg19 : memref<!tpu.dma_semaphore, #tpu.memory_space<semaphore_mem>>)
      %add3A_232 = arith.constant 2 : i32
      %add3A_233 = arith.addi %mul3A_150, %add3A_232 : i32
      tpu.wait_dma2 semaphore(%arg28 : memref<!tpu.dma_semaphore, #tpu.memory_space<semaphore_mem>>) src(%arg5 : memref<128x128xf32, #tpu.memory_space<hbm>>) dst(%arg15 : memref<128x128xf32, #tpu.memory_space<vmem>>)
      %dma_start3A_234 = arith.constant 0 : i32
      %dma_start3A_235 = tpu.memref_slice %arg4[%add3A, %add3A_233, %dma_start3A_234] : memref<32x81x128xi32, #tpu.memory_space<hbm>> -> memref<1x1x128xi32, #tpu.memory_space<hbm>>
      %dma_start3A_236 = tpu.memref_squeeze %dma_start3A_235 : memref<1x1x128xi32, #tpu.memory_space<hbm>> -> memref<128xi32, #tpu.memory_space<hbm>>
      %dma_start3A_237 = arith.constant 0 : i32
      %dma_start3A_238 = tpu.memref_slice %arg4[%add3A, %add3A_233, %dma_start3A_237] : memref<32x81x128xi32, #tpu.memory_space<hbm>> -> memref<1x1x128xi32, #tpu.memory_space<hbm>>
      %dma_start3A_239 = tpu.memref_squeeze %dma_start3A_238 : memref<1x1x128xi32, #tpu.memory_space<hbm>> -> memref<128xi32, #tpu.memory_space<hbm>>
      tpu.enqueue_dma source(%dma_start3A_239 : memref<128xi32, #tpu.memory_space<hbm>>) target(%arg12 : memref<128xi32, #tpu.memory_space<vmem>>) target_semaphore(%arg22 : memref<!tpu.dma_semaphore, #tpu.memory_space<semaphore_mem>>)
      %dma_wait3A_240 = arith.constant 0 : i32
      %dma_wait3A_241 = arith.constant 0 : i32
      %dma_wait3A_242 = tpu.memref_slice %arg3[%add3A, %dma_wait3A_240, %dma_wait3A_241] : memref<32x81x128xi32, #tpu.memory_space<hbm>> -> memref<1x1x128xi32, #tpu.memory_space<hbm>>
      %dma_wait3A_243 = tpu.memref_squeeze %dma_wait3A_242 : memref<1x1x128xi32, #tpu.memory_space<hbm>> -> memref<128xi32, #tpu.memory_space<hbm>>
      %dma_wait3A_244 = arith.constant 0 : i32
      %dma_wait3A_245 = tpu.memref_slice %arg3[%add3A, %dma_wait3A_240, %dma_wait3A_244] : memref<32x81x128xi32, #tpu.memory_space<hbm>> -> memref<1x1x128xi32, #tpu.memory_space<hbm>>
      %dma_wait3A_246 = tpu.memref_squeeze %dma_wait3A_245 : memref<1x1x128xi32, #tpu.memory_space<hbm>> -> memref<128xi32, #tpu.memory_space<hbm>>
      tpu.wait_dma2 semaphore(%arg19 : memref<!tpu.dma_semaphore, #tpu.memory_space<semaphore_mem>>) src(%dma_wait3A_246 : memref<128xi32, #tpu.memory_space<hbm>>) dst(%arg9 : memref<128xi32, #tpu.memory_space<vmem>>)
      %dma_start3A_247 = arith.constant 0 : i32
      %dma_start3A_248 = arith.constant 0 : i32
      %dma_start3A_249 = tpu.memref_slice %arg2[%dma_start3A_247, %dma_start3A_248] : memref<10112x128xf32, #tpu.memory_space<hbm>> -> memref<10112x128xf32, #tpu.memory_space<hbm>>
      tpu.enqueue_indirect_dma source(%dma_start3A_249 : memref<10112x128xf32, #tpu.memory_space<hbm>>) target(%arg15 : memref<128x128xf32, #tpu.memory_space<vmem>>) offsets(%arg9 : memref<128xi32, #tpu.memory_space<vmem>>) semaphore(%arg25 : memref<!tpu.dma_semaphore, #tpu.memory_space<semaphore_mem>>)
      tpu.wait_dma2 semaphore(%arg23 : memref<!tpu.dma_semaphore, #tpu.memory_space<semaphore_mem>>) src(%arg5 : memref<128x128xf32, #tpu.memory_space<hbm>>) dst(%arg13 : memref<128x128xf32, #tpu.memory_space<vmem>>)
      %dma_wait3A_250 = arith.constant 0 : i32
      %dma_wait3A_251 = arith.constant 0 : i32
      %dma_wait3A_252 = tpu.memref_slice %arg3[%add3A, %dma_wait3A_250, %dma_wait3A_251] : memref<32x81x128xi32, #tpu.memory_space<hbm>> -> memref<1x1x128xi32, #tpu.memory_space<hbm>>
      %dma_wait3A_253 = tpu.memref_squeeze %dma_wait3A_252 : memref<1x1x128xi32, #tpu.memory_space<hbm>> -> memref<128xi32, #tpu.memory_space<hbm>>
      %dma_wait3A_254 = arith.constant 0 : i32
      %dma_wait3A_255 = tpu.memref_slice %arg3[%add3A, %dma_wait3A_250, %dma_wait3A_254] : memref<32x81x128xi32, #tpu.memory_space<hbm>> -> memref<1x1x128xi32, #tpu.memory_space<hbm>>
      %dma_wait3A_256 = tpu.memref_squeeze %dma_wait3A_255 : memref<1x1x128xi32, #tpu.memory_space<hbm>> -> memref<128xi32, #tpu.memory_space<hbm>>
      tpu.wait_dma2 semaphore(%arg20 : memref<!tpu.dma_semaphore, #tpu.memory_space<semaphore_mem>>) src(%dma_wait3A_256 : memref<128xi32, #tpu.memory_space<hbm>>) dst(%arg10 : memref<128xi32, #tpu.memory_space<vmem>>)
      %dma_start3A_257 = arith.constant 0 : i32
      %dma_start3A_258 = arith.constant 0 : i32
      %dma_start3A_259 = tpu.memref_slice %arg16[%dma_start3A_257, %dma_start3A_258] : memref<10112x128xf32, #tpu.memory_space<vmem_shared>> -> memref<10112x128xf32, #tpu.memory_space<vmem_shared>>
      tpu.enqueue_indirect_dma source(%arg13 : memref<128x128xf32, #tpu.memory_space<vmem>>) target(%dma_start3A_259 : memref<10112x128xf32, #tpu.memory_space<vmem_shared>>) offsets(%arg10 : memref<128xi32, #tpu.memory_space<vmem>>) semaphore(%arg26 : memref<!tpu.dma_semaphore, #tpu.memory_space<semaphore_mem>>) {add = true}
      %add3A_260 = arith.constant 1 : i32
      %add3A_261 = arith.addi %add3A_233, %add3A_260 : i32
      %lt3A_262 = arith.constant 81 : i32
      %lt3A_263 = arith.cmpi slt, %add3A_261, %lt3A_262 : i32
      %add3A_264 = arith.constant 1 : i32
      %add3A_265 = arith.addi %add3A_233, %add3A_264 : i32
      %jit3A_266 = arith.constant 0 : i32
      %select_n3A_267 = arith.select %lt3A_263, %add3A_265, %jit3A_266 : i32
      %dma_start3A_268 = arith.constant 0 : i32
      %dma_start3A_269 = tpu.memref_slice %arg3[%add3A, %select_n3A_267, %dma_start3A_268] : memref<32x81x128xi32, #tpu.memory_space<hbm>> -> memref<1x1x128xi32, #tpu.memory_space<hbm>>
      %dma_start3A_270 = tpu.memref_squeeze %dma_start3A_269 : memref<1x1x128xi32, #tpu.memory_space<hbm>> -> memref<128xi32, #tpu.memory_space<hbm>>
      %dma_start3A_271 = arith.constant 0 : i32
      %dma_start3A_272 = tpu.memref_slice %arg3[%add3A, %select_n3A_267, %dma_start3A_271] : memref<32x81x128xi32, #tpu.memory_space<hbm>> -> memref<1x1x128xi32, #tpu.memory_space<hbm>>
      %dma_start3A_273 = tpu.memref_squeeze %dma_start3A_272 : memref<1x1x128xi32, #tpu.memory_space<hbm>> -> memref<128xi32, #tpu.memory_space<hbm>>
      tpu.enqueue_dma source(%dma_start3A_273 : memref<128xi32, #tpu.memory_space<hbm>>) target(%arg7 : memref<128xi32, #tpu.memory_space<vmem>>) target_semaphore(%arg17 : memref<!tpu.dma_semaphore, #tpu.memory_space<semaphore_mem>>)
    }
    %scan3A_111 = arith.constant 26 : i32
    tpu.wait_dma2 semaphore(%arg24 : memref<!tpu.dma_semaphore, #tpu.memory_space<semaphore_mem>>) src(%arg5 : memref<128x128xf32, #tpu.memory_space<hbm>>) dst(%arg14 : memref<128x128xf32, #tpu.memory_space<vmem>>)
    %dma_wait3A_112 = arith.constant 0 : i32
    %dma_wait3A_113 = arith.constant 0 : i32
    %dma_wait3A_114 = tpu.memref_slice %arg3[%add3A, %dma_wait3A_112, %dma_wait3A_113] : memref<32x81x128xi32, #tpu.memory_space<hbm>> -> memref<1x1x128xi32, #tpu.memory_space<hbm>>
    %dma_wait3A_115 = tpu.memref_squeeze %dma_wait3A_114 : memref<1x1x128xi32, #tpu.memory_space<hbm>> -> memref<128xi32, #tpu.memory_space<hbm>>
    %dma_wait3A_116 = arith.constant 0 : i32
    %dma_wait3A_117 = tpu.memref_slice %arg3[%add3A, %dma_wait3A_112, %dma_wait3A_116] : memref<32x81x128xi32, #tpu.memory_space<hbm>> -> memref<1x1x128xi32, #tpu.memory_space<hbm>>
    %dma_wait3A_118 = tpu.memref_squeeze %dma_wait3A_117 : memref<1x1x128xi32, #tpu.memory_space<hbm>> -> memref<128xi32, #tpu.memory_space<hbm>>
    tpu.wait_dma2 semaphore(%arg21 : memref<!tpu.dma_semaphore, #tpu.memory_space<semaphore_mem>>) src(%dma_wait3A_118 : memref<128xi32, #tpu.memory_space<hbm>>) dst(%arg11 : memref<128xi32, #tpu.memory_space<vmem>>)
    %dma_start3A_119 = arith.constant 0 : i32
    %dma_start3A_120 = arith.constant 0 : i32
    %dma_start3A_121 = tpu.memref_slice %arg16[%dma_start3A_119, %dma_start3A_120] : memref<10112x128xf32, #tpu.memory_space<vmem_shared>> -> memref<10112x128xf32, #tpu.memory_space<vmem_shared>>
    tpu.enqueue_indirect_dma source(%arg14 : memref<128x128xf32, #tpu.memory_space<vmem>>) target(%dma_start3A_121 : memref<10112x128xf32, #tpu.memory_space<vmem_shared>>) offsets(%arg11 : memref<128xi32, #tpu.memory_space<vmem>>) semaphore(%arg27 : memref<!tpu.dma_semaphore, #tpu.memory_space<semaphore_mem>>) {add = true}
    tpu.wait_dma2 semaphore(%arg25 : memref<!tpu.dma_semaphore, #tpu.memory_space<semaphore_mem>>) src(%arg5 : memref<128x128xf32, #tpu.memory_space<hbm>>) dst(%arg15 : memref<128x128xf32, #tpu.memory_space<vmem>>)
    %dma_wait3A_122 = arith.constant 0 : i32
    %dma_wait3A_123 = arith.constant 0 : i32
    %dma_wait3A_124 = tpu.memref_slice %arg3[%add3A, %dma_wait3A_122, %dma_wait3A_123] : memref<32x81x128xi32, #tpu.memory_space<hbm>> -> memref<1x1x128xi32, #tpu.memory_space<hbm>>
    %dma_wait3A_125 = tpu.memref_squeeze %dma_wait3A_124 : memref<1x1x128xi32, #tpu.memory_space<hbm>> -> memref<128xi32, #tpu.memory_space<hbm>>
    %dma_wait3A_126 = arith.constant 0 : i32
    %dma_wait3A_127 = tpu.memref_slice %arg3[%add3A, %dma_wait3A_122, %dma_wait3A_126] : memref<32x81x128xi32, #tpu.memory_space<hbm>> -> memref<1x1x128xi32, #tpu.memory_space<hbm>>
    %dma_wait3A_128 = tpu.memref_squeeze %dma_wait3A_127 : memref<1x1x128xi32, #tpu.memory_space<hbm>> -> memref<128xi32, #tpu.memory_space<hbm>>
    tpu.wait_dma2 semaphore(%arg22 : memref<!tpu.dma_semaphore, #tpu.memory_space<semaphore_mem>>) src(%dma_wait3A_128 : memref<128xi32, #tpu.memory_space<hbm>>) dst(%arg12 : memref<128xi32, #tpu.memory_space<vmem>>)
    %dma_start3A_129 = arith.constant 0 : i32
    %dma_start3A_130 = arith.constant 0 : i32
    %dma_start3A_131 = tpu.memref_slice %arg16[%dma_start3A_129, %dma_start3A_130] : memref<10112x128xf32, #tpu.memory_space<vmem_shared>> -> memref<10112x128xf32, #tpu.memory_space<vmem_shared>>
    tpu.enqueue_indirect_dma source(%arg15 : memref<128x128xf32, #tpu.memory_space<vmem>>) target(%dma_start3A_131 : memref<10112x128xf32, #tpu.memory_space<vmem_shared>>) offsets(%arg12 : memref<128xi32, #tpu.memory_space<vmem>>) semaphore(%arg28 : memref<!tpu.dma_semaphore, #tpu.memory_space<semaphore_mem>>) {add = true}
    tpu.wait_dma2 semaphore(%arg26 : memref<!tpu.dma_semaphore, #tpu.memory_space<semaphore_mem>>) src(%arg5 : memref<128x128xf32, #tpu.memory_space<hbm>>) dst(%arg13 : memref<128x128xf32, #tpu.memory_space<vmem>>)
    tpu.wait_dma2 semaphore(%arg27 : memref<!tpu.dma_semaphore, #tpu.memory_space<semaphore_mem>>) src(%arg5 : memref<128x128xf32, #tpu.memory_space<hbm>>) dst(%arg14 : memref<128x128xf32, #tpu.memory_space<vmem>>)
    tpu.wait_dma2 semaphore(%arg28 : memref<!tpu.dma_semaphore, #tpu.memory_space<semaphore_mem>>) src(%arg5 : memref<128x128xf32, #tpu.memory_space<hbm>>) dst(%arg15 : memref<128x128xf32, #tpu.memory_space<vmem>>)
    %dma_wait3A_132 = arith.constant 0 : i32
    %dma_wait3A_133 = arith.constant 0 : i32
    %dma_wait3A_134 = tpu.memref_slice %arg3[%add3A, %dma_wait3A_132, %dma_wait3A_133] : memref<32x81x128xi32, #tpu.memory_space<hbm>> -> memref<1x1x128xi32, #tpu.memory_space<hbm>>
    %dma_wait3A_135 = tpu.memref_squeeze %dma_wait3A_134 : memref<1x1x128xi32, #tpu.memory_space<hbm>> -> memref<128xi32, #tpu.memory_space<hbm>>
    %dma_wait3A_136 = arith.constant 0 : i32
    %dma_wait3A_137 = tpu.memref_slice %arg3[%add3A, %dma_wait3A_132, %dma_wait3A_136] : memref<32x81x128xi32, #tpu.memory_space<hbm>> -> memref<1x1x128xi32, #tpu.memory_space<hbm>>
    %dma_wait3A_138 = tpu.memref_squeeze %dma_wait3A_137 : memref<1x1x128xi32, #tpu.memory_space<hbm>> -> memref<128xi32, #tpu.memory_space<hbm>>
    tpu.wait_dma2 semaphore(%arg17 : memref<!tpu.dma_semaphore, #tpu.memory_space<semaphore_mem>>) src(%dma_wait3A_138 : memref<128xi32, #tpu.memory_space<hbm>>) dst(%arg7 : memref<128xi32, #tpu.memory_space<vmem>>)
    %barrier3A_139 = arith.constant 0 : index
    tpu.barrier barrier_id(%barrier3A_139)
    %mul3A_140 = arith.constant 632 : i32
    %mul3A_141 = arith.muli %arg1, %mul3A_140 : i32
    %mul3A_142 = arith.constant 632 : i32
    %mul3A_143 = arith.muli %arg1, %mul3A_142 : i32
    "tpu.region"() ({
      %run_scoped3A = tpu.sem_alloc : memref<!tpu.dma_semaphore, #tpu.memory_space<semaphore_mem>>
      %dma_start3A_144 = arith.constant 0 : i32
      %dma_start3A_145 = tpu.memref_slice %arg6[%arg0, %mul3A_143, %dma_start3A_144] : memref<2x10112x128xf32, #tpu.memory_space<hbm>> -> memref<1x632x128xf32, #tpu.memory_space<hbm>>
      %dma_start3A_146 = tpu.memref_squeeze %dma_start3A_145 : memref<1x632x128xf32, #tpu.memory_space<hbm>> -> memref<632x128xf32, #tpu.memory_space<hbm>>
      %dma_start3A_147 = arith.constant 0 : i32
      %dma_start3A_148 = tpu.memref_slice %arg16[%mul3A_141, %dma_start3A_147] : memref<10112x128xf32, #tpu.memory_space<vmem_shared>> -> memref<632x128xf32, #tpu.memory_space<vmem_shared>>
      tpu.enqueue_dma source(%dma_start3A_148 : memref<632x128xf32, #tpu.memory_space<vmem_shared>>) target(%dma_start3A_146 : memref<632x128xf32, #tpu.memory_space<hbm>>) target_semaphore(%run_scoped3A : memref<!tpu.dma_semaphore, #tpu.memory_space<semaphore_mem>>)
      %dma_wait3A_149 = arith.constant 0 : i32
      %dma_wait3A_150 = tpu.memref_slice %arg6[%arg0, %mul3A_143, %dma_wait3A_149] : memref<2x10112x128xf32, #tpu.memory_space<hbm>> -> memref<1x632x128xf32, #tpu.memory_space<hbm>>
      %dma_wait3A_151 = tpu.memref_squeeze %dma_wait3A_150 : memref<1x632x128xf32, #tpu.memory_space<hbm>> -> memref<632x128xf32, #tpu.memory_space<hbm>>
      %dma_wait3A_152 = arith.constant 0 : i32
      %dma_wait3A_153 = tpu.memref_slice %arg16[%mul3A_141, %dma_wait3A_152] : memref<10112x128xf32, #tpu.memory_space<vmem_shared>> -> memref<632x128xf32, #tpu.memory_space<vmem_shared>>
      tpu.wait_dma2 semaphore(%run_scoped3A : memref<!tpu.dma_semaphore, #tpu.memory_space<semaphore_mem>>) src(%dma_wait3A_153 : memref<632x128xf32, #tpu.memory_space<vmem_shared>>) dst(%dma_wait3A_151 : memref<632x128xf32, #tpu.memory_space<hbm>>)
      tpu.yield
    }) : () -> ()
    return
  }
}

#map = affine_map<(d0, d1) -> (0, 0, 0)>
#map1 = affine_map<(d0, d1) -> (0, 0)>
module attributes {stable_mosaic.version = 14 : i64} {
  func.func @_sc_degrees(%arg0: i32, %arg1: i32, %arg2: memref<32x81x128xi32, #tpu.memory_space<hbm>>, %arg3: memref<32x81x128xi32, #tpu.memory_space<hbm>>, %arg4: memref<128x128xf32, #tpu.memory_space<hbm>>, %arg5: memref<128x128xf32, #tpu.memory_space<hbm>>, %arg6: memref<128x128xf32, #tpu.memory_space<hbm>>, %arg7: memref<2x10112x128xf32, #tpu.memory_space<hbm>>, %arg8: memref<81x128xi32, #tpu.memory_space<vmem>>, %arg9: memref<81x128xi32, #tpu.memory_space<vmem>>, %arg10: memref<128x128xf32, #tpu.memory_space<vmem>>, %arg11: memref<10112x128xf32, #tpu.memory_space<vmem_shared>>, %arg12: memref<!tpu.dma_semaphore, #tpu.memory_space<semaphore_mem>>) attributes {dimension_semantics = [#tpu.dimension_semantics<core_parallel>, #tpu.dimension_semantics<subcore_parallel>], iteration_bounds = array<i64: 2, 16>, scalar_prefetch = 0 : i64, scratch_operands = 5 : i64, tpu.core_type = #tpu.core_type<sc_vector_subcore>, window_params = [{transform_indices = #map}, {transform_indices = #map}, {transform_indices = #map1}, {transform_indices = #map1}, {transform_indices = #map1}, {transform_indices = #map}]} {
    %mul3A = arith.constant 16 : i32
    %mul3A_0 = arith.muli %arg0, %mul3A : i32
    %add3A = arith.addi %mul3A_0, %arg1 : i32
    %mul3A_1 = arith.constant 632 : i32
    %mul3A_2 = arith.muli %arg1, %mul3A_1 : i32
    %add3A_3 = arith.constant 0 : i32
    %add3A_4 = arith.addi %mul3A_2, %add3A_3 : i32
    "tpu.region"() ({
      %run_scoped3A = tpu.sem_alloc : memref<!tpu.dma_semaphore, #tpu.memory_space<semaphore_mem>>
      %dma_start3A = arith.constant 0 : i32
      %dma_start3A_45 = tpu.memref_slice %arg11[%add3A_4, %dma_start3A] : memref<10112x128xf32, #tpu.memory_space<vmem_shared>> -> memref<128x128xf32, #tpu.memory_space<vmem_shared>>
      tpu.enqueue_dma source(%arg6 : memref<128x128xf32, #tpu.memory_space<hbm>>) target(%dma_start3A_45 : memref<128x128xf32, #tpu.memory_space<vmem_shared>>) target_semaphore(%run_scoped3A : memref<!tpu.dma_semaphore, #tpu.memory_space<semaphore_mem>>)
      %dma_wait3A = arith.constant 0 : i32
      %dma_wait3A_46 = tpu.memref_slice %arg11[%add3A_4, %dma_wait3A] : memref<10112x128xf32, #tpu.memory_space<vmem_shared>> -> memref<128x128xf32, #tpu.memory_space<vmem_shared>>
      tpu.wait_dma2 semaphore(%run_scoped3A : memref<!tpu.dma_semaphore, #tpu.memory_space<semaphore_mem>>) src(%arg6 : memref<128x128xf32, #tpu.memory_space<hbm>>) dst(%dma_wait3A_46 : memref<128x128xf32, #tpu.memory_space<vmem_shared>>)
      tpu.yield
    }) : () -> ()
    %mul3A_5 = arith.constant 632 : i32
    %mul3A_6 = arith.muli %arg1, %mul3A_5 : i32
    %add3A_7 = arith.constant 128 : i32
    %add3A_8 = arith.addi %mul3A_6, %add3A_7 : i32
    "tpu.region"() ({
      %run_scoped3A = tpu.sem_alloc : memref<!tpu.dma_semaphore, #tpu.memory_space<semaphore_mem>>
      %dma_start3A = arith.constant 0 : i32
      %dma_start3A_45 = tpu.memref_slice %arg11[%add3A_8, %dma_start3A] : memref<10112x128xf32, #tpu.memory_space<vmem_shared>> -> memref<128x128xf32, #tpu.memory_space<vmem_shared>>
      tpu.enqueue_dma source(%arg6 : memref<128x128xf32, #tpu.memory_space<hbm>>) target(%dma_start3A_45 : memref<128x128xf32, #tpu.memory_space<vmem_shared>>) target_semaphore(%run_scoped3A : memref<!tpu.dma_semaphore, #tpu.memory_space<semaphore_mem>>)
      %dma_wait3A = arith.constant 0 : i32
      %dma_wait3A_46 = tpu.memref_slice %arg11[%add3A_8, %dma_wait3A] : memref<10112x128xf32, #tpu.memory_space<vmem_shared>> -> memref<128x128xf32, #tpu.memory_space<vmem_shared>>
      tpu.wait_dma2 semaphore(%run_scoped3A : memref<!tpu.dma_semaphore, #tpu.memory_space<semaphore_mem>>) src(%arg6 : memref<128x128xf32, #tpu.memory_space<hbm>>) dst(%dma_wait3A_46 : memref<128x128xf32, #tpu.memory_space<vmem_shared>>)
      tpu.yield
    }) : () -> ()
    %mul3A_9 = arith.constant 632 : i32
    %mul3A_10 = arith.muli %arg1, %mul3A_9 : i32
    %add3A_11 = arith.constant 256 : i32
    %add3A_12 = arith.addi %mul3A_10, %add3A_11 : i32
    "tpu.region"() ({
      %run_scoped3A = tpu.sem_alloc : memref<!tpu.dma_semaphore, #tpu.memory_space<semaphore_mem>>
      %dma_start3A = arith.constant 0 : i32
      %dma_start3A_45 = tpu.memref_slice %arg11[%add3A_12, %dma_start3A] : memref<10112x128xf32, #tpu.memory_space<vmem_shared>> -> memref<128x128xf32, #tpu.memory_space<vmem_shared>>
      tpu.enqueue_dma source(%arg6 : memref<128x128xf32, #tpu.memory_space<hbm>>) target(%dma_start3A_45 : memref<128x128xf32, #tpu.memory_space<vmem_shared>>) target_semaphore(%run_scoped3A : memref<!tpu.dma_semaphore, #tpu.memory_space<semaphore_mem>>)
      %dma_wait3A = arith.constant 0 : i32
      %dma_wait3A_46 = tpu.memref_slice %arg11[%add3A_12, %dma_wait3A] : memref<10112x128xf32, #tpu.memory_space<vmem_shared>> -> memref<128x128xf32, #tpu.memory_space<vmem_shared>>
      tpu.wait_dma2 semaphore(%run_scoped3A : memref<!tpu.dma_semaphore, #tpu.memory_space<semaphore_mem>>) src(%arg6 : memref<128x128xf32, #tpu.memory_space<hbm>>) dst(%dma_wait3A_46 : memref<128x128xf32, #tpu.memory_space<vmem_shared>>)
      tpu.yield
    }) : () -> ()
    %mul3A_13 = arith.constant 632 : i32
    %mul3A_14 = arith.muli %arg1, %mul3A_13 : i32
    %add3A_15 = arith.constant 384 : i32
    %add3A_16 = arith.addi %mul3A_14, %add3A_15 : i32
    "tpu.region"() ({
      %run_scoped3A = tpu.sem_alloc : memref<!tpu.dma_semaphore, #tpu.memory_space<semaphore_mem>>
      %dma_start3A = arith.constant 0 : i32
      %dma_start3A_45 = tpu.memref_slice %arg11[%add3A_16, %dma_start3A] : memref<10112x128xf32, #tpu.memory_space<vmem_shared>> -> memref<128x128xf32, #tpu.memory_space<vmem_shared>>
      tpu.enqueue_dma source(%arg6 : memref<128x128xf32, #tpu.memory_space<hbm>>) target(%dma_start3A_45 : memref<128x128xf32, #tpu.memory_space<vmem_shared>>) target_semaphore(%run_scoped3A : memref<!tpu.dma_semaphore, #tpu.memory_space<semaphore_mem>>)
      %dma_wait3A = arith.constant 0 : i32
      %dma_wait3A_46 = tpu.memref_slice %arg11[%add3A_16, %dma_wait3A] : memref<10112x128xf32, #tpu.memory_space<vmem_shared>> -> memref<128x128xf32, #tpu.memory_space<vmem_shared>>
      tpu.wait_dma2 semaphore(%run_scoped3A : memref<!tpu.dma_semaphore, #tpu.memory_space<semaphore_mem>>) src(%arg6 : memref<128x128xf32, #tpu.memory_space<hbm>>) dst(%dma_wait3A_46 : memref<128x128xf32, #tpu.memory_space<vmem_shared>>)
      tpu.yield
    }) : () -> ()
    %mul3A_17 = arith.constant 632 : i32
    %mul3A_18 = arith.muli %arg1, %mul3A_17 : i32
    %add3A_19 = arith.constant 512 : i32
    %add3A_20 = arith.addi %mul3A_18, %add3A_19 : i32
    "tpu.region"() ({
      %run_scoped3A = tpu.sem_alloc : memref<!tpu.dma_semaphore, #tpu.memory_space<semaphore_mem>>
      %dma_start3A = arith.constant 0 : i32
      %dma_start3A_45 = tpu.memref_slice %arg11[%add3A_20, %dma_start3A] : memref<10112x128xf32, #tpu.memory_space<vmem_shared>> -> memref<120x128xf32, #tpu.memory_space<vmem_shared>>
      %dma_start3A_46 = arith.constant 0 : i32
      %dma_start3A_47 = arith.constant 0 : i32
      %dma_start3A_48 = tpu.memref_slice %arg6[%dma_start3A_46, %dma_start3A_47] : memref<128x128xf32, #tpu.memory_space<hbm>> -> memref<120x128xf32, #tpu.memory_space<hbm>>
      tpu.enqueue_dma source(%dma_start3A_48 : memref<120x128xf32, #tpu.memory_space<hbm>>) target(%dma_start3A_45 : memref<120x128xf32, #tpu.memory_space<vmem_shared>>) target_semaphore(%run_scoped3A : memref<!tpu.dma_semaphore, #tpu.memory_space<semaphore_mem>>)
      %dma_wait3A = arith.constant 0 : i32
      %dma_wait3A_49 = tpu.memref_slice %arg11[%add3A_20, %dma_wait3A] : memref<10112x128xf32, #tpu.memory_space<vmem_shared>> -> memref<120x128xf32, #tpu.memory_space<vmem_shared>>
      %dma_wait3A_50 = arith.constant 0 : i32
      %dma_wait3A_51 = arith.constant 0 : i32
      %dma_wait3A_52 = tpu.memref_slice %arg6[%dma_wait3A_50, %dma_wait3A_51] : memref<128x128xf32, #tpu.memory_space<hbm>> -> memref<120x128xf32, #tpu.memory_space<hbm>>
      tpu.wait_dma2 semaphore(%run_scoped3A : memref<!tpu.dma_semaphore, #tpu.memory_space<semaphore_mem>>) src(%dma_wait3A_52 : memref<120x128xf32, #tpu.memory_space<hbm>>) dst(%dma_wait3A_49 : memref<120x128xf32, #tpu.memory_space<vmem_shared>>)
      tpu.yield
    }) : () -> ()
    "tpu.region"() ({
      %run_scoped3A = tpu.sem_alloc : memref<!tpu.dma_semaphore, #tpu.memory_space<semaphore_mem>>
      %dma_start3A = arith.constant 0 : i32
      %dma_start3A_45 = arith.constant 0 : i32
      %dma_start3A_46 = tpu.memref_slice %arg2[%add3A, %dma_start3A, %dma_start3A_45] : memref<32x81x128xi32, #tpu.memory_space<hbm>> -> memref<1x81x128xi32, #tpu.memory_space<hbm>>
      %dma_start3A_47 = tpu.memref_squeeze %dma_start3A_46 : memref<1x81x128xi32, #tpu.memory_space<hbm>> -> memref<81x128xi32, #tpu.memory_space<hbm>>
      %dma_start3A_48 = arith.constant 0 : i32
      %dma_start3A_49 = arith.constant 0 : i32
      %dma_start3A_50 = tpu.memref_slice %arg2[%add3A, %dma_start3A_48, %dma_start3A_49] : memref<32x81x128xi32, #tpu.memory_space<hbm>> -> memref<1x81x128xi32, #tpu.memory_space<hbm>>
      %dma_start3A_51 = tpu.memref_squeeze %dma_start3A_50 : memref<1x81x128xi32, #tpu.memory_space<hbm>> -> memref<81x128xi32, #tpu.memory_space<hbm>>
      tpu.enqueue_dma source(%dma_start3A_51 : memref<81x128xi32, #tpu.memory_space<hbm>>) target(%arg8 : memref<81x128xi32, #tpu.memory_space<vmem>>) target_semaphore(%run_scoped3A : memref<!tpu.dma_semaphore, #tpu.memory_space<semaphore_mem>>)
      %dma_wait3A = arith.constant 0 : i32
      %dma_wait3A_52 = arith.constant 0 : i32
      %dma_wait3A_53 = tpu.memref_slice %arg2[%add3A, %dma_wait3A, %dma_wait3A_52] : memref<32x81x128xi32, #tpu.memory_space<hbm>> -> memref<1x81x128xi32, #tpu.memory_space<hbm>>
      %dma_wait3A_54 = tpu.memref_squeeze %dma_wait3A_53 : memref<1x81x128xi32, #tpu.memory_space<hbm>> -> memref<81x128xi32, #tpu.memory_space<hbm>>
      %dma_wait3A_55 = arith.constant 0 : i32
      %dma_wait3A_56 = arith.constant 0 : i32
      %dma_wait3A_57 = tpu.memref_slice %arg2[%add3A, %dma_wait3A_55, %dma_wait3A_56] : memref<32x81x128xi32, #tpu.memory_space<hbm>> -> memref<1x81x128xi32, #tpu.memory_space<hbm>>
      %dma_wait3A_58 = tpu.memref_squeeze %dma_wait3A_57 : memref<1x81x128xi32, #tpu.memory_space<hbm>> -> memref<81x128xi32, #tpu.memory_space<hbm>>
      tpu.wait_dma2 semaphore(%run_scoped3A : memref<!tpu.dma_semaphore, #tpu.memory_space<semaphore_mem>>) src(%dma_wait3A_58 : memref<81x128xi32, #tpu.memory_space<hbm>>) dst(%arg8 : memref<81x128xi32, #tpu.memory_space<vmem>>)
      tpu.yield
    }) : () -> ()
    "tpu.region"() ({
      %run_scoped3A = tpu.sem_alloc : memref<!tpu.dma_semaphore, #tpu.memory_space<semaphore_mem>>
      %dma_start3A = arith.constant 0 : i32
      %dma_start3A_45 = arith.constant 0 : i32
      %dma_start3A_46 = tpu.memref_slice %arg3[%add3A, %dma_start3A, %dma_start3A_45] : memref<32x81x128xi32, #tpu.memory_space<hbm>> -> memref<1x81x128xi32, #tpu.memory_space<hbm>>
      %dma_start3A_47 = tpu.memref_squeeze %dma_start3A_46 : memref<1x81x128xi32, #tpu.memory_space<hbm>> -> memref<81x128xi32, #tpu.memory_space<hbm>>
      %dma_start3A_48 = arith.constant 0 : i32
      %dma_start3A_49 = arith.constant 0 : i32
      %dma_start3A_50 = tpu.memref_slice %arg3[%add3A, %dma_start3A_48, %dma_start3A_49] : memref<32x81x128xi32, #tpu.memory_space<hbm>> -> memref<1x81x128xi32, #tpu.memory_space<hbm>>
      %dma_start3A_51 = tpu.memref_squeeze %dma_start3A_50 : memref<1x81x128xi32, #tpu.memory_space<hbm>> -> memref<81x128xi32, #tpu.memory_space<hbm>>
      tpu.enqueue_dma source(%dma_start3A_51 : memref<81x128xi32, #tpu.memory_space<hbm>>) target(%arg9 : memref<81x128xi32, #tpu.memory_space<vmem>>) target_semaphore(%run_scoped3A : memref<!tpu.dma_semaphore, #tpu.memory_space<semaphore_mem>>)
      %dma_wait3A = arith.constant 0 : i32
      %dma_wait3A_52 = arith.constant 0 : i32
      %dma_wait3A_53 = tpu.memref_slice %arg3[%add3A, %dma_wait3A, %dma_wait3A_52] : memref<32x81x128xi32, #tpu.memory_space<hbm>> -> memref<1x81x128xi32, #tpu.memory_space<hbm>>
      %dma_wait3A_54 = tpu.memref_squeeze %dma_wait3A_53 : memref<1x81x128xi32, #tpu.memory_space<hbm>> -> memref<81x128xi32, #tpu.memory_space<hbm>>
      %dma_wait3A_55 = arith.constant 0 : i32
      %dma_wait3A_56 = arith.constant 0 : i32
      %dma_wait3A_57 = tpu.memref_slice %arg3[%add3A, %dma_wait3A_55, %dma_wait3A_56] : memref<32x81x128xi32, #tpu.memory_space<hbm>> -> memref<1x81x128xi32, #tpu.memory_space<hbm>>
      %dma_wait3A_58 = tpu.memref_squeeze %dma_wait3A_57 : memref<1x81x128xi32, #tpu.memory_space<hbm>> -> memref<81x128xi32, #tpu.memory_space<hbm>>
      tpu.wait_dma2 semaphore(%run_scoped3A : memref<!tpu.dma_semaphore, #tpu.memory_space<semaphore_mem>>) src(%dma_wait3A_58 : memref<81x128xi32, #tpu.memory_space<hbm>>) dst(%arg9 : memref<81x128xi32, #tpu.memory_space<vmem>>)
      tpu.yield
    }) : () -> ()
    "tpu.region"() ({
      %run_scoped3A = tpu.sem_alloc : memref<!tpu.dma_semaphore, #tpu.memory_space<semaphore_mem>>
      tpu.enqueue_dma source(%arg4 : memref<128x128xf32, #tpu.memory_space<hbm>>) target(%arg10 : memref<128x128xf32, #tpu.memory_space<vmem>>) target_semaphore(%run_scoped3A : memref<!tpu.dma_semaphore, #tpu.memory_space<semaphore_mem>>)
      tpu.wait_dma2 semaphore(%run_scoped3A : memref<!tpu.dma_semaphore, #tpu.memory_space<semaphore_mem>>) src(%arg4 : memref<128x128xf32, #tpu.memory_space<hbm>>) dst(%arg10 : memref<128x128xf32, #tpu.memory_space<vmem>>)
      tpu.yield
    }) : () -> ()
    %barrier3A = arith.constant 0 : index
    tpu.barrier barrier_id(%barrier3A)
    %scan3A = arith.constant 0 : i32
    %scan3A_21 = arith.constant 81 : i32
    %scan3A_22 = arith.addi %scan3A, %scan3A_21 : i32
    %scan3A_23 = arith.constant 1 : i32
    scf.for %scan3A_45 = %scan3A to %scan3A_22 step %scan3A_23  : i32 {
      %mul3A_46 = arith.constant 1 : i32
      %mul3A_47 = arith.muli %scan3A_45, %mul3A_46 : i32
      %add3A_48 = arith.constant 0 : i32
      %add3A_49 = arith.addi %add3A_48, %mul3A_47 : i32
      %dma_start3A = arith.constant 0 : i32
      %dma_start3A_50 = tpu.memref_slice %arg8[%add3A_49, %dma_start3A] : memref<81x128xi32, #tpu.memory_space<vmem>> -> memref<1x128xi32, #tpu.memory_space<vmem>>
      %dma_start3A_51 = tpu.memref_squeeze %dma_start3A_50 : memref<1x128xi32, #tpu.memory_space<vmem>> -> memref<128xi32, #tpu.memory_space<vmem>>
      %dma_start3A_52 = arith.constant 0 : i32
      %dma_start3A_53 = arith.constant 0 : i32
      %dma_start3A_54 = tpu.memref_slice %arg11[%dma_start3A_52, %dma_start3A_53] : memref<10112x128xf32, #tpu.memory_space<vmem_shared>> -> memref<10112x128xf32, #tpu.memory_space<vmem_shared>>
      tpu.enqueue_indirect_dma source(%arg10 : memref<128x128xf32, #tpu.memory_space<vmem>>) target(%dma_start3A_54 : memref<10112x128xf32, #tpu.memory_space<vmem_shared>>) offsets(%dma_start3A_51 : memref<128xi32, #tpu.memory_space<vmem>>) semaphore(%arg12 : memref<!tpu.dma_semaphore, #tpu.memory_space<semaphore_mem>>) {add = true}
    }
    %scan3A_24 = arith.constant 81 : i32
    %scan3A_25 = arith.constant 0 : i32
    %scan3A_26 = arith.constant 81 : i32
    %scan3A_27 = arith.addi %scan3A_25, %scan3A_26 : i32
    %scan3A_28 = arith.constant 1 : i32
    scf.for %scan3A_45 = %scan3A_25 to %scan3A_27 step %scan3A_28  : i32 {
      %mul3A_46 = arith.constant 1 : i32
      %mul3A_47 = arith.muli %scan3A_45, %mul3A_46 : i32
      %add3A_48 = arith.constant 0 : i32
      %add3A_49 = arith.addi %add3A_48, %mul3A_47 : i32
      tpu.wait_dma2 semaphore(%arg12 : memref<!tpu.dma_semaphore, #tpu.memory_space<semaphore_mem>>) src(%arg4 : memref<128x128xf32, #tpu.memory_space<hbm>>) dst(%arg10 : memref<128x128xf32, #tpu.memory_space<vmem>>)
    }
    %scan3A_29 = arith.constant 81 : i32
    "tpu.region"() ({
      %run_scoped3A = tpu.sem_alloc : memref<!tpu.dma_semaphore, #tpu.memory_space<semaphore_mem>>
      tpu.enqueue_dma source(%arg5 : memref<128x128xf32, #tpu.memory_space<hbm>>) target(%arg10 : memref<128x128xf32, #tpu.memory_space<vmem>>) target_semaphore(%run_scoped3A : memref<!tpu.dma_semaphore, #tpu.memory_space<semaphore_mem>>)
      tpu.wait_dma2 semaphore(%run_scoped3A : memref<!tpu.dma_semaphore, #tpu.memory_space<semaphore_mem>>) src(%arg5 : memref<128x128xf32, #tpu.memory_space<hbm>>) dst(%arg10 : memref<128x128xf32, #tpu.memory_space<vmem>>)
      tpu.yield
    }) : () -> ()
    %scan3A_30 = arith.constant 0 : i32
    %scan3A_31 = arith.constant 81 : i32
    %scan3A_32 = arith.addi %scan3A_30, %scan3A_31 : i32
    %scan3A_33 = arith.constant 1 : i32
    scf.for %scan3A_45 = %scan3A_30 to %scan3A_32 step %scan3A_33  : i32 {
      %mul3A_46 = arith.constant 1 : i32
      %mul3A_47 = arith.muli %scan3A_45, %mul3A_46 : i32
      %add3A_48 = arith.constant 0 : i32
      %add3A_49 = arith.addi %add3A_48, %mul3A_47 : i32
      %dma_start3A = arith.constant 0 : i32
      %dma_start3A_50 = tpu.memref_slice %arg9[%add3A_49, %dma_start3A] : memref<81x128xi32, #tpu.memory_space<vmem>> -> memref<1x128xi32, #tpu.memory_space<vmem>>
      %dma_start3A_51 = tpu.memref_squeeze %dma_start3A_50 : memref<1x128xi32, #tpu.memory_space<vmem>> -> memref<128xi32, #tpu.memory_space<vmem>>
      %dma_start3A_52 = arith.constant 0 : i32
      %dma_start3A_53 = arith.constant 0 : i32
      %dma_start3A_54 = tpu.memref_slice %arg11[%dma_start3A_52, %dma_start3A_53] : memref<10112x128xf32, #tpu.memory_space<vmem_shared>> -> memref<10112x128xf32, #tpu.memory_space<vmem_shared>>
      tpu.enqueue_indirect_dma source(%arg10 : memref<128x128xf32, #tpu.memory_space<vmem>>) target(%dma_start3A_54 : memref<10112x128xf32, #tpu.memory_space<vmem_shared>>) offsets(%dma_start3A_51 : memref<128xi32, #tpu.memory_space<vmem>>) semaphore(%arg12 : memref<!tpu.dma_semaphore, #tpu.memory_space<semaphore_mem>>) {add = true}
    }
    %scan3A_34 = arith.constant 81 : i32
    %scan3A_35 = arith.constant 0 : i32
    %scan3A_36 = arith.constant 81 : i32
    %scan3A_37 = arith.addi %scan3A_35, %scan3A_36 : i32
    %scan3A_38 = arith.constant 1 : i32
    scf.for %scan3A_45 = %scan3A_35 to %scan3A_37 step %scan3A_38  : i32 {
      %mul3A_46 = arith.constant 1 : i32
      %mul3A_47 = arith.muli %scan3A_45, %mul3A_46 : i32
      %add3A_48 = arith.constant 0 : i32
      %add3A_49 = arith.addi %add3A_48, %mul3A_47 : i32
      tpu.wait_dma2 semaphore(%arg12 : memref<!tpu.dma_semaphore, #tpu.memory_space<semaphore_mem>>) src(%arg4 : memref<128x128xf32, #tpu.memory_space<hbm>>) dst(%arg10 : memref<128x128xf32, #tpu.memory_space<vmem>>)
    }
    %scan3A_39 = arith.constant 81 : i32
    %barrier3A_40 = arith.constant 0 : index
    tpu.barrier barrier_id(%barrier3A_40)
    %mul3A_41 = arith.constant 632 : i32
    %mul3A_42 = arith.muli %arg1, %mul3A_41 : i32
    %mul3A_43 = arith.constant 632 : i32
    %mul3A_44 = arith.muli %arg1, %mul3A_43 : i32
    "tpu.region"() ({
      %run_scoped3A = tpu.sem_alloc : memref<!tpu.dma_semaphore, #tpu.memory_space<semaphore_mem>>
      %dma_start3A = arith.constant 0 : i32
      %dma_start3A_45 = tpu.memref_slice %arg7[%arg0, %mul3A_44, %dma_start3A] : memref<2x10112x128xf32, #tpu.memory_space<hbm>> -> memref<1x632x128xf32, #tpu.memory_space<hbm>>
      %dma_start3A_46 = tpu.memref_squeeze %dma_start3A_45 : memref<1x632x128xf32, #tpu.memory_space<hbm>> -> memref<632x128xf32, #tpu.memory_space<hbm>>
      %dma_start3A_47 = arith.constant 0 : i32
      %dma_start3A_48 = tpu.memref_slice %arg11[%mul3A_42, %dma_start3A_47] : memref<10112x128xf32, #tpu.memory_space<vmem_shared>> -> memref<632x128xf32, #tpu.memory_space<vmem_shared>>
      tpu.enqueue_dma source(%dma_start3A_48 : memref<632x128xf32, #tpu.memory_space<vmem_shared>>) target(%dma_start3A_46 : memref<632x128xf32, #tpu.memory_space<hbm>>) target_semaphore(%run_scoped3A : memref<!tpu.dma_semaphore, #tpu.memory_space<semaphore_mem>>)
      %dma_wait3A = arith.constant 0 : i32
      %dma_wait3A_49 = tpu.memref_slice %arg7[%arg0, %mul3A_44, %dma_wait3A] : memref<2x10112x128xf32, #tpu.memory_space<hbm>> -> memref<1x632x128xf32, #tpu.memory_space<hbm>>
      %dma_wait3A_50 = tpu.memref_squeeze %dma_wait3A_49 : memref<1x632x128xf32, #tpu.memory_space<hbm>> -> memref<632x128xf32, #tpu.memory_space<hbm>>
      %dma_wait3A_51 = arith.constant 0 : i32
      %dma_wait3A_52 = tpu.memref_slice %arg11[%mul3A_42, %dma_wait3A_51] : memref<10112x128xf32, #tpu.memory_space<vmem_shared>> -> memref<632x128xf32, #tpu.memory_space<vmem_shared>>
      tpu.wait_dma2 semaphore(%run_scoped3A : memref<!tpu.dma_semaphore, #tpu.memory_space<semaphore_mem>>) src(%dma_wait3A_52 : memref<632x128xf32, #tpu.memory_space<vmem_shared>>) dst(%dma_wait3A_50 : memref<632x128xf32, #tpu.memory_space<hbm>>)
      tpu.yield
    }) : () -> ()
    return
  }
}

#map = affine_map<(d0, d1) -> (0, 0)>
#map1 = affine_map<(d0, d1) -> (0, 0, 0)>
module attributes {stable_mosaic.version = 14 : i64} {
  func.func @_sc_hop(%arg0: i32, %arg1: i32, %arg2: memref<10112x128xf32, #tpu.memory_space<hbm>>, %arg3: memref<32x81x128xi32, #tpu.memory_space<hbm>>, %arg4: memref<32x81x128xi32, #tpu.memory_space<hbm>>, %arg5: memref<128x128xf32, #tpu.memory_space<hbm>>, %arg6: memref<2x10112x128xf32, #tpu.memory_space<hbm>>, %arg7: memref<128xi32, #tpu.memory_space<vmem>>, %arg8: memref<128xi32, #tpu.memory_space<vmem>>, %arg9: memref<128xi32, #tpu.memory_space<vmem>>, %arg10: memref<128xi32, #tpu.memory_space<vmem>>, %arg11: memref<128xi32, #tpu.memory_space<vmem>>, %arg12: memref<128xi32, #tpu.memory_space<vmem>>, %arg13: memref<128x128xf32, #tpu.memory_space<vmem>>, %arg14: memref<128x128xf32, #tpu.memory_space<vmem>>, %arg15: memref<128x128xf32, #tpu.memory_space<vmem>>, %arg16: memref<10112x128xf32, #tpu.memory_space<vmem_shared>>, %arg17: memref<!tpu.dma_semaphore, #tpu.memory_space<semaphore_mem>>, %arg18: memref<!tpu.dma_semaphore, #tpu.memory_space<semaphore_mem>>, %arg19: memref<!tpu.dma_semaphore, #tpu.memory_space<semaphore_mem>>, %arg20: memref<!tpu.dma_semaphore, #tpu.memory_space<semaphore_mem>>, %arg21: memref<!tpu.dma_semaphore, #tpu.memory_space<semaphore_mem>>, %arg22: memref<!tpu.dma_semaphore, #tpu.memory_space<semaphore_mem>>, %arg23: memref<!tpu.dma_semaphore, #tpu.memory_space<semaphore_mem>>, %arg24: memref<!tpu.dma_semaphore, #tpu.memory_space<semaphore_mem>>, %arg25: memref<!tpu.dma_semaphore, #tpu.memory_space<semaphore_mem>>, %arg26: memref<!tpu.dma_semaphore, #tpu.memory_space<semaphore_mem>>, %arg27: memref<!tpu.dma_semaphore, #tpu.memory_space<semaphore_mem>>, %arg28: memref<!tpu.dma_semaphore, #tpu.memory_space<semaphore_mem>>) attributes {dimension_semantics = [#tpu.dimension_semantics<core_parallel>, #tpu.dimension_semantics<subcore_parallel>], iteration_bounds = array<i64: 2, 16>, scalar_prefetch = 0 : i64, scratch_operands = 22 : i64, tpu.core_type = #tpu.core_type<sc_vector_subcore>, window_params = [{transform_indices = #map}, {transform_indices = #map1}, {transform_indices = #map1}, {transform_indices = #map}, {transform_indices = #map1}]} {
    %mul3A = arith.constant 16 : i32
    %mul3A_0 = arith.muli %arg0, %mul3A : i32
    %add3A = arith.addi %mul3A_0, %arg1 : i32
    %mul3A_1 = arith.constant 632 : i32
    %mul3A_2 = arith.muli %arg1, %mul3A_1 : i32
    %add3A_3 = arith.constant 0 : i32
    %add3A_4 = arith.addi %mul3A_2, %add3A_3 : i32
    "tpu.region"() ({
      %run_scoped3A = tpu.sem_alloc : memref<!tpu.dma_semaphore, #tpu.memory_space<semaphore_mem>>
      %dma_start3A_144 = arith.constant 0 : i32
      %dma_start3A_145 = tpu.memref_slice %arg16[%add3A_4, %dma_start3A_144] : memref<10112x128xf32, #tpu.memory_space<vmem_shared>> -> memref<128x128xf32, #tpu.memory_space<vmem_shared>>
      tpu.enqueue_dma source(%arg5 : memref<128x128xf32, #tpu.memory_space<hbm>>) target(%dma_start3A_145 : memref<128x128xf32, #tpu.memory_space<vmem_shared>>) target_semaphore(%run_scoped3A : memref<!tpu.dma_semaphore, #tpu.memory_space<semaphore_mem>>)
      %dma_wait3A_146 = arith.constant 0 : i32
      %dma_wait3A_147 = tpu.memref_slice %arg16[%add3A_4, %dma_wait3A_146] : memref<10112x128xf32, #tpu.memory_space<vmem_shared>> -> memref<128x128xf32, #tpu.memory_space<vmem_shared>>
      tpu.wait_dma2 semaphore(%run_scoped3A : memref<!tpu.dma_semaphore, #tpu.memory_space<semaphore_mem>>) src(%arg5 : memref<128x128xf32, #tpu.memory_space<hbm>>) dst(%dma_wait3A_147 : memref<128x128xf32, #tpu.memory_space<vmem_shared>>)
      tpu.yield
    }) : () -> ()
    %mul3A_5 = arith.constant 632 : i32
    %mul3A_6 = arith.muli %arg1, %mul3A_5 : i32
    %add3A_7 = arith.constant 128 : i32
    %add3A_8 = arith.addi %mul3A_6, %add3A_7 : i32
    "tpu.region"() ({
      %run_scoped3A = tpu.sem_alloc : memref<!tpu.dma_semaphore, #tpu.memory_space<semaphore_mem>>
      %dma_start3A_144 = arith.constant 0 : i32
      %dma_start3A_145 = tpu.memref_slice %arg16[%add3A_8, %dma_start3A_144] : memref<10112x128xf32, #tpu.memory_space<vmem_shared>> -> memref<128x128xf32, #tpu.memory_space<vmem_shared>>
      tpu.enqueue_dma source(%arg5 : memref<128x128xf32, #tpu.memory_space<hbm>>) target(%dma_start3A_145 : memref<128x128xf32, #tpu.memory_space<vmem_shared>>) target_semaphore(%run_scoped3A : memref<!tpu.dma_semaphore, #tpu.memory_space<semaphore_mem>>)
      %dma_wait3A_146 = arith.constant 0 : i32
      %dma_wait3A_147 = tpu.memref_slice %arg16[%add3A_8, %dma_wait3A_146] : memref<10112x128xf32, #tpu.memory_space<vmem_shared>> -> memref<128x128xf32, #tpu.memory_space<vmem_shared>>
      tpu.wait_dma2 semaphore(%run_scoped3A : memref<!tpu.dma_semaphore, #tpu.memory_space<semaphore_mem>>) src(%arg5 : memref<128x128xf32, #tpu.memory_space<hbm>>) dst(%dma_wait3A_147 : memref<128x128xf32, #tpu.memory_space<vmem_shared>>)
      tpu.yield
    }) : () -> ()
    %mul3A_9 = arith.constant 632 : i32
    %mul3A_10 = arith.muli %arg1, %mul3A_9 : i32
    %add3A_11 = arith.constant 256 : i32
    %add3A_12 = arith.addi %mul3A_10, %add3A_11 : i32
    "tpu.region"() ({
      %run_scoped3A = tpu.sem_alloc : memref<!tpu.dma_semaphore, #tpu.memory_space<semaphore_mem>>
      %dma_start3A_144 = arith.constant 0 : i32
      %dma_start3A_145 = tpu.memref_slice %arg16[%add3A_12, %dma_start3A_144] : memref<10112x128xf32, #tpu.memory_space<vmem_shared>> -> memref<128x128xf32, #tpu.memory_space<vmem_shared>>
      tpu.enqueue_dma source(%arg5 : memref<128x128xf32, #tpu.memory_space<hbm>>) target(%dma_start3A_145 : memref<128x128xf32, #tpu.memory_space<vmem_shared>>) target_semaphore(%run_scoped3A : memref<!tpu.dma_semaphore, #tpu.memory_space<semaphore_mem>>)
      %dma_wait3A_146 = arith.constant 0 : i32
      %dma_wait3A_147 = tpu.memref_slice %arg16[%add3A_12, %dma_wait3A_146] : memref<10112x128xf32, #tpu.memory_space<vmem_shared>> -> memref<128x128xf32, #tpu.memory_space<vmem_shared>>
      tpu.wait_dma2 semaphore(%run_scoped3A : memref<!tpu.dma_semaphore, #tpu.memory_space<semaphore_mem>>) src(%arg5 : memref<128x128xf32, #tpu.memory_space<hbm>>) dst(%dma_wait3A_147 : memref<128x128xf32, #tpu.memory_space<vmem_shared>>)
      tpu.yield
    }) : () -> ()
    %mul3A_13 = arith.constant 632 : i32
    %mul3A_14 = arith.muli %arg1, %mul3A_13 : i32
    %add3A_15 = arith.constant 384 : i32
    %add3A_16 = arith.addi %mul3A_14, %add3A_15 : i32
    "tpu.region"() ({
      %run_scoped3A = tpu.sem_alloc : memref<!tpu.dma_semaphore, #tpu.memory_space<semaphore_mem>>
      %dma_start3A_144 = arith.constant 0 : i32
      %dma_start3A_145 = tpu.memref_slice %arg16[%add3A_16, %dma_start3A_144] : memref<10112x128xf32, #tpu.memory_space<vmem_shared>> -> memref<128x128xf32, #tpu.memory_space<vmem_shared>>
      tpu.enqueue_dma source(%arg5 : memref<128x128xf32, #tpu.memory_space<hbm>>) target(%dma_start3A_145 : memref<128x128xf32, #tpu.memory_space<vmem_shared>>) target_semaphore(%run_scoped3A : memref<!tpu.dma_semaphore, #tpu.memory_space<semaphore_mem>>)
      %dma_wait3A_146 = arith.constant 0 : i32
      %dma_wait3A_147 = tpu.memref_slice %arg16[%add3A_16, %dma_wait3A_146] : memref<10112x128xf32, #tpu.memory_space<vmem_shared>> -> memref<128x128xf32, #tpu.memory_space<vmem_shared>>
      tpu.wait_dma2 semaphore(%run_scoped3A : memref<!tpu.dma_semaphore, #tpu.memory_space<semaphore_mem>>) src(%arg5 : memref<128x128xf32, #tpu.memory_space<hbm>>) dst(%dma_wait3A_147 : memref<128x128xf32, #tpu.memory_space<vmem_shared>>)
      tpu.yield
    }) : () -> ()
    %mul3A_17 = arith.constant 632 : i32
    %mul3A_18 = arith.muli %arg1, %mul3A_17 : i32
    %add3A_19 = arith.constant 512 : i32
    %add3A_20 = arith.addi %mul3A_18, %add3A_19 : i32
    "tpu.region"() ({
      %run_scoped3A = tpu.sem_alloc : memref<!tpu.dma_semaphore, #tpu.memory_space<semaphore_mem>>
      %dma_start3A_144 = arith.constant 0 : i32
      %dma_start3A_145 = tpu.memref_slice %arg16[%add3A_20, %dma_start3A_144] : memref<10112x128xf32, #tpu.memory_space<vmem_shared>> -> memref<120x128xf32, #tpu.memory_space<vmem_shared>>
      %dma_start3A_146 = arith.constant 0 : i32
      %dma_start3A_147 = arith.constant 0 : i32
      %dma_start3A_148 = tpu.memref_slice %arg5[%dma_start3A_146, %dma_start3A_147] : memref<128x128xf32, #tpu.memory_space<hbm>> -> memref<120x128xf32, #tpu.memory_space<hbm>>
      tpu.enqueue_dma source(%dma_start3A_148 : memref<120x128xf32, #tpu.memory_space<hbm>>) target(%dma_start3A_145 : memref<120x128xf32, #tpu.memory_space<vmem_shared>>) target_semaphore(%run_scoped3A : memref<!tpu.dma_semaphore, #tpu.memory_space<semaphore_mem>>)
      %dma_wait3A_149 = arith.constant 0 : i32
      %dma_wait3A_150 = tpu.memref_slice %arg16[%add3A_20, %dma_wait3A_149] : memref<10112x128xf32, #tpu.memory_space<vmem_shared>> -> memref<120x128xf32, #tpu.memory_space<vmem_shared>>
      %dma_wait3A_151 = arith.constant 0 : i32
      %dma_wait3A_152 = arith.constant 0 : i32
      %dma_wait3A_153 = tpu.memref_slice %arg5[%dma_wait3A_151, %dma_wait3A_152] : memref<128x128xf32, #tpu.memory_space<hbm>> -> memref<120x128xf32, #tpu.memory_space<hbm>>
      tpu.wait_dma2 semaphore(%run_scoped3A : memref<!tpu.dma_semaphore, #tpu.memory_space<semaphore_mem>>) src(%dma_wait3A_153 : memref<120x128xf32, #tpu.memory_space<hbm>>) dst(%dma_wait3A_150 : memref<120x128xf32, #tpu.memory_space<vmem_shared>>)
      tpu.yield
    }) : () -> ()
    %barrier3A = arith.constant 0 : index
    tpu.barrier barrier_id(%barrier3A)
    %dma_start3A = arith.constant 0 : i32
    %dma_start3A_21 = arith.constant 0 : i32
    %dma_start3A_22 = tpu.memref_slice %arg3[%add3A, %dma_start3A, %dma_start3A_21] : memref<32x81x128xi32, #tpu.memory_space<hbm>> -> memref<1x1x128xi32, #tpu.memory_space<hbm>>
    %dma_start3A_23 = tpu.memref_squeeze %dma_start3A_22 : memref<1x1x128xi32, #tpu.memory_space<hbm>> -> memref<128xi32, #tpu.memory_space<hbm>>
    %dma_start3A_24 = arith.constant 0 : i32
    %dma_start3A_25 = tpu.memref_slice %arg3[%add3A, %dma_start3A, %dma_start3A_24] : memref<32x81x128xi32, #tpu.memory_space<hbm>> -> memref<1x1x128xi32, #tpu.memory_space<hbm>>
    %dma_start3A_26 = tpu.memref_squeeze %dma_start3A_25 : memref<1x1x128xi32, #tpu.memory_space<hbm>> -> memref<128xi32, #tpu.memory_space<hbm>>
    tpu.enqueue_dma source(%dma_start3A_26 : memref<128xi32, #tpu.memory_space<hbm>>) target(%arg7 : memref<128xi32, #tpu.memory_space<vmem>>) target_semaphore(%arg17 : memref<!tpu.dma_semaphore, #tpu.memory_space<semaphore_mem>>)
    %dma_start3A_27 = arith.constant 1 : i32
    %dma_start3A_28 = arith.constant 0 : i32
    %dma_start3A_29 = tpu.memref_slice %arg3[%add3A, %dma_start3A_27, %dma_start3A_28] : memref<32x81x128xi32, #tpu.memory_space<hbm>> -> memref<1x1x128xi32, #tpu.memory_space<hbm>>
    %dma_start3A_30 = tpu.memref_squeeze %dma_start3A_29 : memref<1x1x128xi32, #tpu.memory_space<hbm>> -> memref<128xi32, #tpu.memory_space<hbm>>
    %dma_start3A_31 = arith.constant 0 : i32
    %dma_start3A_32 = tpu.memref_slice %arg3[%add3A, %dma_start3A_27, %dma_start3A_31] : memref<32x81x128xi32, #tpu.memory_space<hbm>> -> memref<1x1x128xi32, #tpu.memory_space<hbm>>
    %dma_start3A_33 = tpu.memref_squeeze %dma_start3A_32 : memref<1x1x128xi32, #tpu.memory_space<hbm>> -> memref<128xi32, #tpu.memory_space<hbm>>
    tpu.enqueue_dma source(%dma_start3A_33 : memref<128xi32, #tpu.memory_space<hbm>>) target(%arg8 : memref<128xi32, #tpu.memory_space<vmem>>) target_semaphore(%arg18 : memref<!tpu.dma_semaphore, #tpu.memory_space<semaphore_mem>>)
    %dma_start3A_34 = arith.constant 2 : i32
    %dma_start3A_35 = arith.constant 0 : i32
    %dma_start3A_36 = tpu.memref_slice %arg3[%add3A, %dma_start3A_34, %dma_start3A_35] : memref<32x81x128xi32, #tpu.memory_space<hbm>> -> memref<1x1x128xi32, #tpu.memory_space<hbm>>
    %dma_start3A_37 = tpu.memref_squeeze %dma_start3A_36 : memref<1x1x128xi32, #tpu.memory_space<hbm>> -> memref<128xi32, #tpu.memory_space<hbm>>
    %dma_start3A_38 = arith.constant 0 : i32
    %dma_start3A_39 = tpu.memref_slice %arg3[%add3A, %dma_start3A_34, %dma_start3A_38] : memref<32x81x128xi32, #tpu.memory_space<hbm>> -> memref<1x1x128xi32, #tpu.memory_space<hbm>>
    %dma_start3A_40 = tpu.memref_squeeze %dma_start3A_39 : memref<1x1x128xi32, #tpu.memory_space<hbm>> -> memref<128xi32, #tpu.memory_space<hbm>>
    tpu.enqueue_dma source(%dma_start3A_40 : memref<128xi32, #tpu.memory_space<hbm>>) target(%arg9 : memref<128xi32, #tpu.memory_space<vmem>>) target_semaphore(%arg19 : memref<!tpu.dma_semaphore, #tpu.memory_space<semaphore_mem>>)
    %dma_start3A_41 = arith.constant 0 : i32
    %dma_start3A_42 = arith.constant 0 : i32
    %dma_start3A_43 = tpu.memref_slice %arg4[%add3A, %dma_start3A_41, %dma_start3A_42] : memref<32x81x128xi32, #tpu.memory_space<hbm>> -> memref<1x1x128xi32, #tpu.memory_space<hbm>>
    %dma_start3A_44 = tpu.memref_squeeze %dma_start3A_43 : memref<1x1x128xi32, #tpu.memory_space<hbm>> -> memref<128xi32, #tpu.memory_space<hbm>>
    %dma_start3A_45 = arith.constant 0 : i32
    %dma_start3A_46 = tpu.memref_slice %arg4[%add3A, %dma_start3A_41, %dma_start3A_45] : memref<32x81x128xi32, #tpu.memory_space<hbm>> -> memref<1x1x128xi32, #tpu.memory_space<hbm>>
    %dma_start3A_47 = tpu.memref_squeeze %dma_start3A_46 : memref<1x1x128xi32, #tpu.memory_space<hbm>> -> memref<128xi32, #tpu.memory_space<hbm>>
    tpu.enqueue_dma source(%dma_start3A_47 : memref<128xi32, #tpu.memory_space<hbm>>) target(%arg10 : memref<128xi32, #tpu.memory_space<vmem>>) target_semaphore(%arg20 : memref<!tpu.dma_semaphore, #tpu.memory_space<semaphore_mem>>)
    %dma_start3A_48 = arith.constant 1 : i32
    %dma_start3A_49 = arith.constant 0 : i32
    %dma_start3A_50 = tpu.memref_slice %arg4[%add3A, %dma_start3A_48, %dma_start3A_49] : memref<32x81x128xi32, #tpu.memory_space<hbm>> -> memref<1x1x128xi32, #tpu.memory_space<hbm>>
    %dma_start3A_51 = tpu.memref_squeeze %dma_start3A_50 : memref<1x1x128xi32, #tpu.memory_space<hbm>> -> memref<128xi32, #tpu.memory_space<hbm>>
    %dma_start3A_52 = arith.constant 0 : i32
    %dma_start3A_53 = tpu.memref_slice %arg4[%add3A, %dma_start3A_48, %dma_start3A_52] : memref<32x81x128xi32, #tpu.memory_space<hbm>> -> memref<1x1x128xi32, #tpu.memory_space<hbm>>
    %dma_start3A_54 = tpu.memref_squeeze %dma_start3A_53 : memref<1x1x128xi32, #tpu.memory_space<hbm>> -> memref<128xi32, #tpu.memory_space<hbm>>
    tpu.enqueue_dma source(%dma_start3A_54 : memref<128xi32, #tpu.memory_space<hbm>>) target(%arg11 : memref<128xi32, #tpu.memory_space<vmem>>) target_semaphore(%arg21 : memref<!tpu.dma_semaphore, #tpu.memory_space<semaphore_mem>>)
    %dma_wait3A = arith.constant 0 : i32
    %dma_wait3A_55 = arith.constant 0 : i32
    %dma_wait3A_56 = tpu.memref_slice %arg3[%add3A, %dma_wait3A, %dma_wait3A_55] : memref<32x81x128xi32, #tpu.memory_space<hbm>> -> memref<1x1x128xi32, #tpu.memory_space<hbm>>
    %dma_wait3A_57 = tpu.memref_squeeze %dma_wait3A_56 : memref<1x1x128xi32, #tpu.memory_space<hbm>> -> memref<128xi32, #tpu.memory_space<hbm>>
    %dma_wait3A_58 = arith.constant 0 : i32
    %dma_wait3A_59 = tpu.memref_slice %arg3[%add3A, %dma_wait3A, %dma_wait3A_58] : memref<32x81x128xi32, #tpu.memory_space<hbm>> -> memref<1x1x128xi32, #tpu.memory_space<hbm>>
    %dma_wait3A_60 = tpu.memref_squeeze %dma_wait3A_59 : memref<1x1x128xi32, #tpu.memory_space<hbm>> -> memref<128xi32, #tpu.memory_space<hbm>>
    tpu.wait_dma2 semaphore(%arg17 : memref<!tpu.dma_semaphore, #tpu.memory_space<semaphore_mem>>) src(%dma_wait3A_60 : memref<128xi32, #tpu.memory_space<hbm>>) dst(%arg7 : memref<128xi32, #tpu.memory_space<vmem>>)
    %dma_start3A_61 = arith.constant 0 : i32
    %dma_start3A_62 = arith.constant 0 : i32
    %dma_start3A_63 = tpu.memref_slice %arg2[%dma_start3A_61, %dma_start3A_62] : memref<10112x128xf32, #tpu.memory_space<hbm>> -> memref<10112x128xf32, #tpu.memory_space<hbm>>
    tpu.enqueue_indirect_dma source(%dma_start3A_63 : memref<10112x128xf32, #tpu.memory_space<hbm>>) target(%arg13 : memref<128x128xf32, #tpu.memory_space<vmem>>) offsets(%arg7 : memref<128xi32, #tpu.memory_space<vmem>>) semaphore(%arg23 : memref<!tpu.dma_semaphore, #tpu.memory_space<semaphore_mem>>)
    %dma_wait3A_64 = arith.constant 0 : i32
    %dma_wait3A_65 = arith.constant 0 : i32
    %dma_wait3A_66 = tpu.memref_slice %arg3[%add3A, %dma_wait3A_64, %dma_wait3A_65] : memref<32x81x128xi32, #tpu.memory_space<hbm>> -> memref<1x1x128xi32, #tpu.memory_space<hbm>>
    %dma_wait3A_67 = tpu.memref_squeeze %dma_wait3A_66 : memref<1x1x128xi32, #tpu.memory_space<hbm>> -> memref<128xi32, #tpu.memory_space<hbm>>
    %dma_wait3A_68 = arith.constant 0 : i32
    %dma_wait3A_69 = tpu.memref_slice %arg3[%add3A, %dma_wait3A_64, %dma_wait3A_68] : memref<32x81x128xi32, #tpu.memory_space<hbm>> -> memref<1x1x128xi32, #tpu.memory_space<hbm>>
    %dma_wait3A_70 = tpu.memref_squeeze %dma_wait3A_69 : memref<1x1x128xi32, #tpu.memory_space<hbm>> -> memref<128xi32, #tpu.memory_space<hbm>>
    tpu.wait_dma2 semaphore(%arg18 : memref<!tpu.dma_semaphore, #tpu.memory_space<semaphore_mem>>) src(%dma_wait3A_70 : memref<128xi32, #tpu.memory_space<hbm>>) dst(%arg8 : memref<128xi32, #tpu.memory_space<vmem>>)
    %dma_start3A_71 = arith.constant 0 : i32
    %dma_start3A_72 = arith.constant 0 : i32
    %dma_start3A_73 = tpu.memref_slice %arg2[%dma_start3A_71, %dma_start3A_72] : memref<10112x128xf32, #tpu.memory_space<hbm>> -> memref<10112x128xf32, #tpu.memory_space<hbm>>
    tpu.enqueue_indirect_dma source(%dma_start3A_73 : memref<10112x128xf32, #tpu.memory_space<hbm>>) target(%arg14 : memref<128x128xf32, #tpu.memory_space<vmem>>) offsets(%arg8 : memref<128xi32, #tpu.memory_space<vmem>>) semaphore(%arg24 : memref<!tpu.dma_semaphore, #tpu.memory_space<semaphore_mem>>)
    %dma_start3A_74 = arith.constant 2 : i32
    %dma_start3A_75 = arith.constant 0 : i32
    %dma_start3A_76 = tpu.memref_slice %arg4[%add3A, %dma_start3A_74, %dma_start3A_75] : memref<32x81x128xi32, #tpu.memory_space<hbm>> -> memref<1x1x128xi32, #tpu.memory_space<hbm>>
    %dma_start3A_77 = tpu.memref_squeeze %dma_start3A_76 : memref<1x1x128xi32, #tpu.memory_space<hbm>> -> memref<128xi32, #tpu.memory_space<hbm>>
    %dma_start3A_78 = arith.constant 0 : i32
    %dma_start3A_79 = tpu.memref_slice %arg4[%add3A, %dma_start3A_74, %dma_start3A_78] : memref<32x81x128xi32, #tpu.memory_space<hbm>> -> memref<1x1x128xi32, #tpu.memory_space<hbm>>
    %dma_start3A_80 = tpu.memref_squeeze %dma_start3A_79 : memref<1x1x128xi32, #tpu.memory_space<hbm>> -> memref<128xi32, #tpu.memory_space<hbm>>
    tpu.enqueue_dma source(%dma_start3A_80 : memref<128xi32, #tpu.memory_space<hbm>>) target(%arg12 : memref<128xi32, #tpu.memory_space<vmem>>) target_semaphore(%arg22 : memref<!tpu.dma_semaphore, #tpu.memory_space<semaphore_mem>>)
    %dma_wait3A_81 = arith.constant 0 : i32
    %dma_wait3A_82 = arith.constant 0 : i32
    %dma_wait3A_83 = tpu.memref_slice %arg3[%add3A, %dma_wait3A_81, %dma_wait3A_82] : memref<32x81x128xi32, #tpu.memory_space<hbm>> -> memref<1x1x128xi32, #tpu.memory_space<hbm>>
    %dma_wait3A_84 = tpu.memref_squeeze %dma_wait3A_83 : memref<1x1x128xi32, #tpu.memory_space<hbm>> -> memref<128xi32, #tpu.memory_space<hbm>>
    %dma_wait3A_85 = arith.constant 0 : i32
    %dma_wait3A_86 = tpu.memref_slice %arg3[%add3A, %dma_wait3A_81, %dma_wait3A_85] : memref<32x81x128xi32, #tpu.memory_space<hbm>> -> memref<1x1x128xi32, #tpu.memory_space<hbm>>
    %dma_wait3A_87 = tpu.memref_squeeze %dma_wait3A_86 : memref<1x1x128xi32, #tpu.memory_space<hbm>> -> memref<128xi32, #tpu.memory_space<hbm>>
    tpu.wait_dma2 semaphore(%arg19 : memref<!tpu.dma_semaphore, #tpu.memory_space<semaphore_mem>>) src(%dma_wait3A_87 : memref<128xi32, #tpu.memory_space<hbm>>) dst(%arg9 : memref<128xi32, #tpu.memory_space<vmem>>)
    %dma_start3A_88 = arith.constant 0 : i32
    %dma_start3A_89 = arith.constant 0 : i32
    %dma_start3A_90 = tpu.memref_slice %arg2[%dma_start3A_88, %dma_start3A_89] : memref<10112x128xf32, #tpu.memory_space<hbm>> -> memref<10112x128xf32, #tpu.memory_space<hbm>>
    tpu.enqueue_indirect_dma source(%dma_start3A_90 : memref<10112x128xf32, #tpu.memory_space<hbm>>) target(%arg15 : memref<128x128xf32, #tpu.memory_space<vmem>>) offsets(%arg9 : memref<128xi32, #tpu.memory_space<vmem>>) semaphore(%arg25 : memref<!tpu.dma_semaphore, #tpu.memory_space<semaphore_mem>>)
    tpu.wait_dma2 semaphore(%arg23 : memref<!tpu.dma_semaphore, #tpu.memory_space<semaphore_mem>>) src(%arg5 : memref<128x128xf32, #tpu.memory_space<hbm>>) dst(%arg13 : memref<128x128xf32, #tpu.memory_space<vmem>>)
    %dma_wait3A_91 = arith.constant 0 : i32
    %dma_wait3A_92 = arith.constant 0 : i32
    %dma_wait3A_93 = tpu.memref_slice %arg3[%add3A, %dma_wait3A_91, %dma_wait3A_92] : memref<32x81x128xi32, #tpu.memory_space<hbm>> -> memref<1x1x128xi32, #tpu.memory_space<hbm>>
    %dma_wait3A_94 = tpu.memref_squeeze %dma_wait3A_93 : memref<1x1x128xi32, #tpu.memory_space<hbm>> -> memref<128xi32, #tpu.memory_space<hbm>>
    %dma_wait3A_95 = arith.constant 0 : i32
    %dma_wait3A_96 = tpu.memref_slice %arg3[%add3A, %dma_wait3A_91, %dma_wait3A_95] : memref<32x81x128xi32, #tpu.memory_space<hbm>> -> memref<1x1x128xi32, #tpu.memory_space<hbm>>
    %dma_wait3A_97 = tpu.memref_squeeze %dma_wait3A_96 : memref<1x1x128xi32, #tpu.memory_space<hbm>> -> memref<128xi32, #tpu.memory_space<hbm>>
    tpu.wait_dma2 semaphore(%arg20 : memref<!tpu.dma_semaphore, #tpu.memory_space<semaphore_mem>>) src(%dma_wait3A_97 : memref<128xi32, #tpu.memory_space<hbm>>) dst(%arg10 : memref<128xi32, #tpu.memory_space<vmem>>)
    %dma_start3A_98 = arith.constant 0 : i32
    %dma_start3A_99 = arith.constant 0 : i32
    %dma_start3A_100 = tpu.memref_slice %arg16[%dma_start3A_98, %dma_start3A_99] : memref<10112x128xf32, #tpu.memory_space<vmem_shared>> -> memref<10112x128xf32, #tpu.memory_space<vmem_shared>>
    tpu.enqueue_indirect_dma source(%arg13 : memref<128x128xf32, #tpu.memory_space<vmem>>) target(%dma_start3A_100 : memref<10112x128xf32, #tpu.memory_space<vmem_shared>>) offsets(%arg10 : memref<128xi32, #tpu.memory_space<vmem>>) semaphore(%arg26 : memref<!tpu.dma_semaphore, #tpu.memory_space<semaphore_mem>>) {add = true}
    %dma_start3A_101 = arith.constant 3 : i32
    %dma_start3A_102 = arith.constant 0 : i32
    %dma_start3A_103 = tpu.memref_slice %arg3[%add3A, %dma_start3A_101, %dma_start3A_102] : memref<32x81x128xi32, #tpu.memory_space<hbm>> -> memref<1x1x128xi32, #tpu.memory_space<hbm>>
    %dma_start3A_104 = tpu.memref_squeeze %dma_start3A_103 : memref<1x1x128xi32, #tpu.memory_space<hbm>> -> memref<128xi32, #tpu.memory_space<hbm>>
    %dma_start3A_105 = arith.constant 0 : i32
    %dma_start3A_106 = tpu.memref_slice %arg3[%add3A, %dma_start3A_101, %dma_start3A_105] : memref<32x81x128xi32, #tpu.memory_space<hbm>> -> memref<1x1x128xi32, #tpu.memory_space<hbm>>
    %dma_start3A_107 = tpu.memref_squeeze %dma_start3A_106 : memref<1x1x128xi32, #tpu.memory_space<hbm>> -> memref<128xi32, #tpu.memory_space<hbm>>
    tpu.enqueue_dma source(%dma_start3A_107 : memref<128xi32, #tpu.memory_space<hbm>>) target(%arg7 : memref<128xi32, #tpu.memory_space<vmem>>) target_semaphore(%arg17 : memref<!tpu.dma_semaphore, #tpu.memory_space<semaphore_mem>>)
    %scan3A = arith.constant 0 : i32
    %scan3A_108 = arith.constant 26 : i32
    %scan3A_109 = arith.addi %scan3A, %scan3A_108 : i32
    %scan3A_110 = arith.constant 1 : i32
    scf.for %scan3A_144 = %scan3A to %scan3A_109 step %scan3A_110  : i32 {
      %mul3A_145 = arith.constant 1 : i32
      %mul3A_146 = arith.muli %scan3A_144, %mul3A_145 : i32
      %add3A_147 = arith.constant 1 : i32
      %add3A_148 = arith.addi %add3A_147, %mul3A_146 : i32
      %mul3A_149 = arith.constant 3 : i32
      %mul3A_150 = arith.muli %mul3A_149, %add3A_148 : i32
      %add3A_151 = arith.constant 0 : i32
      %add3A_152 = arith.addi %mul3A_150, %add3A_151 : i32
      tpu.wait_dma2 semaphore(%arg26 : memref<!tpu.dma_semaphore, #tpu.memory_space<semaphore_mem>>) src(%arg5 : memref<128x128xf32, #tpu.memory_space<hbm>>) dst(%arg13 : memref<128x128xf32, #tpu.memory_space<vmem>>)
      %dma_start3A_153 = arith.constant 0 : i32
      %dma_start3A_154 = tpu.memref_slice %arg4[%add3A, %add3A_152, %dma_start3A_153] : memref<32x81x128xi32, #tpu.memory_space<hbm>> -> memref<1x1x128xi32, #tpu.memory_space<hbm>>
      %dma_start3A_155 = tpu.memref_squeeze %dma_start3A_154 : memref<1x1x128xi32, #tpu.memory_space<hbm>> -> memref<128xi32, #tpu.memory_space<hbm>>
      %dma_start3A_156 = arith.constant 0 : i32
      %dma_start3A_157 = tpu.memref_slice %arg4[%add3A, %add3A_152, %dma_start3A_156] : memref<32x81x128xi32, #tpu.memory_space<hbm>> -> memref<1x1x128xi32, #tpu.memory_space<hbm>>
      %dma_start3A_158 = tpu.memref_squeeze %dma_start3A_157 : memref<1x1x128xi32, #tpu.memory_space<hbm>> -> memref<128xi32, #tpu.memory_space<hbm>>
      tpu.enqueue_dma source(%dma_start3A_158 : memref<128xi32, #tpu.memory_space<hbm>>) target(%arg10 : memref<128xi32, #tpu.memory_space<vmem>>) target_semaphore(%arg20 : memref<!tpu.dma_semaphore, #tpu.memory_space<semaphore_mem>>)
      %dma_wait3A_159 = arith.constant 0 : i32
      %dma_wait3A_160 = arith.constant 0 : i32
      %dma_wait3A_161 = tpu.memref_slice %arg3[%add3A, %dma_wait3A_159, %dma_wait3A_160] : memref<32x81x128xi32, #tpu.memory_space<hbm>> -> memref<1x1x128xi32, #tpu.memory_space<hbm>>
      %dma_wait3A_162 = tpu.memref_squeeze %dma_wait3A_161 : memref<1x1x128xi32, #tpu.memory_space<hbm>> -> memref<128xi32, #tpu.memory_space<hbm>>
      %dma_wait3A_163 = arith.constant 0 : i32
      %dma_wait3A_164 = tpu.memref_slice %arg3[%add3A, %dma_wait3A_159, %dma_wait3A_163] : memref<32x81x128xi32, #tpu.memory_space<hbm>> -> memref<1x1x128xi32, #tpu.memory_space<hbm>>
      %dma_wait3A_165 = tpu.memref_squeeze %dma_wait3A_164 : memref<1x1x128xi32, #tpu.memory_space<hbm>> -> memref<128xi32, #tpu.memory_space<hbm>>
      tpu.wait_dma2 semaphore(%arg17 : memref<!tpu.dma_semaphore, #tpu.memory_space<semaphore_mem>>) src(%dma_wait3A_165 : memref<128xi32, #tpu.memory_space<hbm>>) dst(%arg7 : memref<128xi32, #tpu.memory_space<vmem>>)
      %dma_start3A_166 = arith.constant 0 : i32
      %dma_start3A_167 = arith.constant 0 : i32
      %dma_start3A_168 = tpu.memref_slice %arg2[%dma_start3A_166, %dma_start3A_167] : memref<10112x128xf32, #tpu.memory_space<hbm>> -> memref<10112x128xf32, #tpu.memory_space<hbm>>
      tpu.enqueue_indirect_dma source(%dma_start3A_168 : memref<10112x128xf32, #tpu.memory_space<hbm>>) target(%arg13 : memref<128x128xf32, #tpu.memory_space<vmem>>) offsets(%arg7 : memref<128xi32, #tpu.memory_space<vmem>>) semaphore(%arg23 : memref<!tpu.dma_semaphore, #tpu.memory_space<semaphore_mem>>)
      tpu.wait_dma2 semaphore(%arg24 : memref<!tpu.dma_semaphore, #tpu.memory_space<semaphore_mem>>) src(%arg5 : memref<128x128xf32, #tpu.memory_space<hbm>>) dst(%arg14 : memref<128x128xf32, #tpu.memory_space<vmem>>)
      %dma_wait3A_169 = arith.constant 0 : i32
      %dma_wait3A_170 = arith.constant 0 : i32
      %dma_wait3A_171 = tpu.memref_slice %arg3[%add3A, %dma_wait3A_169, %dma_wait3A_170] : memref<32x81x128xi32, #tpu.memory_space<hbm>> -> memref<1x1x128xi32, #tpu.memory_space<hbm>>
      %dma_wait3A_172 = tpu.memref_squeeze %dma_wait3A_171 : memref<1x1x128xi32, #tpu.memory_space<hbm>> -> memref<128xi32, #tpu.memory_space<hbm>>
      %dma_wait3A_173 = arith.constant 0 : i32
      %dma_wait3A_174 = tpu.memref_slice %arg3[%add3A, %dma_wait3A_169, %dma_wait3A_173] : memref<32x81x128xi32, #tpu.memory_space<hbm>> -> memref<1x1x128xi32, #tpu.memory_space<hbm>>
      %dma_wait3A_175 = tpu.memref_squeeze %dma_wait3A_174 : memref<1x1x128xi32, #tpu.memory_space<hbm>> -> memref<128xi32, #tpu.memory_space<hbm>>
      tpu.wait_dma2 semaphore(%arg21 : memref<!tpu.dma_semaphore, #tpu.memory_space<semaphore_mem>>) src(%dma_wait3A_175 : memref<128xi32, #tpu.memory_space<hbm>>) dst(%arg11 : memref<128xi32, #tpu.memory_space<vmem>>)
      %dma_start3A_176 = arith.constant 0 : i32
      %dma_start3A_177 = arith.constant 0 : i32
      %dma_start3A_178 = tpu.memref_slice %arg16[%dma_start3A_176, %dma_start3A_177] : memref<10112x128xf32, #tpu.memory_space<vmem_shared>> -> memref<10112x128xf32, #tpu.memory_space<vmem_shared>>
      tpu.enqueue_indirect_dma source(%arg14 : memref<128x128xf32, #tpu.memory_space<vmem>>) target(%dma_start3A_178 : memref<10112x128xf32, #tpu.memory_space<vmem_shared>>) offsets(%arg11 : memref<128xi32, #tpu.memory_space<vmem>>) semaphore(%arg27 : memref<!tpu.dma_semaphore, #tpu.memory_space<semaphore_mem>>) {add = true}
      %add3A_179 = arith.constant 1 : i32
      %add3A_180 = arith.addi %add3A_152, %add3A_179 : i32
      %lt3A = arith.constant 81 : i32
      %lt3A_181 = arith.cmpi slt, %add3A_180, %lt3A : i32
      %add3A_182 = arith.constant 1 : i32
      %add3A_183 = arith.addi %add3A_152, %add3A_182 : i32
      %jit3A = arith.constant 0 : i32
      %select_n3A = arith.select %lt3A_181, %add3A_183, %jit3A : i32
      %dma_start3A_184 = arith.constant 0 : i32
      %dma_start3A_185 = tpu.memref_slice %arg3[%add3A, %select_n3A, %dma_start3A_184] : memref<32x81x128xi32, #tpu.memory_space<hbm>> -> memref<1x1x128xi32, #tpu.memory_space<hbm>>
      %dma_start3A_186 = tpu.memref_squeeze %dma_start3A_185 : memref<1x1x128xi32, #tpu.memory_space<hbm>> -> memref<128xi32, #tpu.memory_space<hbm>>
      %dma_start3A_187 = arith.constant 0 : i32
      %dma_start3A_188 = tpu.memref_slice %arg3[%add3A, %select_n3A, %dma_start3A_187] : memref<32x81x128xi32, #tpu.memory_space<hbm>> -> memref<1x1x128xi32, #tpu.memory_space<hbm>>
      %dma_start3A_189 = tpu.memref_squeeze %dma_start3A_188 : memref<1x1x128xi32, #tpu.memory_space<hbm>> -> memref<128xi32, #tpu.memory_space<hbm>>
      tpu.enqueue_dma source(%dma_start3A_189 : memref<128xi32, #tpu.memory_space<hbm>>) target(%arg8 : memref<128xi32, #tpu.memory_space<vmem>>) target_semaphore(%arg18 : memref<!tpu.dma_semaphore, #tpu.memory_space<semaphore_mem>>)
      %add3A_190 = arith.constant 1 : i32
      %add3A_191 = arith.addi %mul3A_150, %add3A_190 : i32
      tpu.wait_dma2 semaphore(%arg27 : memref<!tpu.dma_semaphore, #tpu.memory_space<semaphore_mem>>) src(%arg5 : memref<128x128xf32, #tpu.memory_space<hbm>>) dst(%arg14 : memref<128x128xf32, #tpu.memory_space<vmem>>)
      %dma_start3A_192 = arith.constant 0 : i32
      %dma_start3A_193 = tpu.memref_slice %arg4[%add3A, %add3A_191, %dma_start3A_192] : memref<32x81x128xi32, #tpu.memory_space<hbm>> -> memref<1x1x128xi32, #tpu.memory_space<hbm>>
      %dma_start3A_194 = tpu.memref_squeeze %dma_start3A_193 : memref<1x1x128xi32, #tpu.memory_space<hbm>> -> memref<128xi32, #tpu.memory_space<hbm>>
      %dma_start3A_195 = arith.constant 0 : i32
      %dma_start3A_196 = tpu.memref_slice %arg4[%add3A, %add3A_191, %dma_start3A_195] : memref<32x81x128xi32, #tpu.memory_space<hbm>> -> memref<1x1x128xi32, #tpu.memory_space<hbm>>
      %dma_start3A_197 = tpu.memref_squeeze %dma_start3A_196 : memref<1x1x128xi32, #tpu.memory_space<hbm>> -> memref<128xi32, #tpu.memory_space<hbm>>
      tpu.enqueue_dma source(%dma_start3A_197 : memref<128xi32, #tpu.memory_space<hbm>>) target(%arg11 : memref<128xi32, #tpu.memory_space<vmem>>) target_semaphore(%arg21 : memref<!tpu.dma_semaphore, #tpu.memory_space<semaphore_mem>>)
      %dma_wait3A_198 = arith.constant 0 : i32
      %dma_wait3A_199 = arith.constant 0 : i32
      %dma_wait3A_200 = tpu.memref_slice %arg3[%add3A, %dma_wait3A_198, %dma_wait3A_199] : memref<32x81x128xi32, #tpu.memory_space<hbm>> -> memref<1x1x128xi32, #tpu.memory_space<hbm>>
      %dma_wait3A_201 = tpu.memref_squeeze %dma_wait3A_200 : memref<1x1x128xi32, #tpu.memory_space<hbm>> -> memref<128xi32, #tpu.memory_space<hbm>>
      %dma_wait3A_202 = arith.constant 0 : i32
      %dma_wait3A_203 = tpu.memref_slice %arg3[%add3A, %dma_wait3A_198, %dma_wait3A_202] : memref<32x81x128xi32, #tpu.memory_space<hbm>> -> memref<1x1x128xi32, #tpu.memory_space<hbm>>
      %dma_wait3A_204 = tpu.memref_squeeze %dma_wait3A_203 : memref<1x1x128xi32, #tpu.memory_space<hbm>> -> memref<128xi32, #tpu.memory_space<hbm>>
      tpu.wait_dma2 semaphore(%arg18 : memref<!tpu.dma_semaphore, #tpu.memory_space<semaphore_mem>>) src(%dma_wait3A_204 : memref<128xi32, #tpu.memory_space<hbm>>) dst(%arg8 : memref<128xi32, #tpu.memory_space<vmem>>)
      %dma_start3A_205 = arith.constant 0 : i32
      %dma_start3A_206 = arith.constant 0 : i32
      %dma_start3A_207 = tpu.memref_slice %arg2[%dma_start3A_205, %dma_start3A_206] : memref<10112x128xf32, #tpu.memory_space<hbm>> -> memref<10112x128xf32, #tpu.memory_space<hbm>>
      tpu.enqueue_indirect_dma source(%dma_start3A_207 : memref<10112x128xf32, #tpu.memory_space<hbm>>) target(%arg14 : memref<128x128xf32, #tpu.memory_space<vmem>>) offsets(%arg8 : memref<128xi32, #tpu.memory_space<vmem>>) semaphore(%arg24 : memref<!tpu.dma_semaphore, #tpu.memory_space<semaphore_mem>>)
      tpu.wait_dma2 semaphore(%arg25 : memref<!tpu.dma_semaphore, #tpu.memory_space<semaphore_mem>>) src(%arg5 : memref<128x128xf32, #tpu.memory_space<hbm>>) dst(%arg15 : memref<128x128xf32, #tpu.memory_space<vmem>>)
      %dma_wait3A_208 = arith.constant 0 : i32
      %dma_wait3A_209 = arith.constant 0 : i32
      %dma_wait3A_210 = tpu.memref_slice %arg3[%add3A, %dma_wait3A_208, %dma_wait3A_209] : memref<32x81x128xi32, #tpu.memory_space<hbm>> -> memref<1x1x128xi32, #tpu.memory_space<hbm>>
      %dma_wait3A_211 = tpu.memref_squeeze %dma_wait3A_210 : memref<1x1x128xi32, #tpu.memory_space<hbm>> -> memref<128xi32, #tpu.memory_space<hbm>>
      %dma_wait3A_212 = arith.constant 0 : i32
      %dma_wait3A_213 = tpu.memref_slice %arg3[%add3A, %dma_wait3A_208, %dma_wait3A_212] : memref<32x81x128xi32, #tpu.memory_space<hbm>> -> memref<1x1x128xi32, #tpu.memory_space<hbm>>
      %dma_wait3A_214 = tpu.memref_squeeze %dma_wait3A_213 : memref<1x1x128xi32, #tpu.memory_space<hbm>> -> memref<128xi32, #tpu.memory_space<hbm>>
      tpu.wait_dma2 semaphore(%arg22 : memref<!tpu.dma_semaphore, #tpu.memory_space<semaphore_mem>>) src(%dma_wait3A_214 : memref<128xi32, #tpu.memory_space<hbm>>) dst(%arg12 : memref<128xi32, #tpu.memory_space<vmem>>)
      %dma_start3A_215 = arith.constant 0 : i32
      %dma_start3A_216 = arith.constant 0 : i32
      %dma_start3A_217 = tpu.memref_slice %arg16[%dma_start3A_215, %dma_start3A_216] : memref<10112x128xf32, #tpu.memory_space<vmem_shared>> -> memref<10112x128xf32, #tpu.memory_space<vmem_shared>>
      tpu.enqueue_indirect_dma source(%arg15 : memref<128x128xf32, #tpu.memory_space<vmem>>) target(%dma_start3A_217 : memref<10112x128xf32, #tpu.memory_space<vmem_shared>>) offsets(%arg12 : memref<128xi32, #tpu.memory_space<vmem>>) semaphore(%arg28 : memref<!tpu.dma_semaphore, #tpu.memory_space<semaphore_mem>>) {add = true}
      %add3A_218 = arith.constant 1 : i32
      %add3A_219 = arith.addi %add3A_191, %add3A_218 : i32
      %lt3A_220 = arith.constant 81 : i32
      %lt3A_221 = arith.cmpi slt, %add3A_219, %lt3A_220 : i32
      %add3A_222 = arith.constant 1 : i32
      %add3A_223 = arith.addi %add3A_191, %add3A_222 : i32
      %jit3A_224 = arith.constant 0 : i32
      %select_n3A_225 = arith.select %lt3A_221, %add3A_223, %jit3A_224 : i32
      %dma_start3A_226 = arith.constant 0 : i32
      %dma_start3A_227 = tpu.memref_slice %arg3[%add3A, %select_n3A_225, %dma_start3A_226] : memref<32x81x128xi32, #tpu.memory_space<hbm>> -> memref<1x1x128xi32, #tpu.memory_space<hbm>>
      %dma_start3A_228 = tpu.memref_squeeze %dma_start3A_227 : memref<1x1x128xi32, #tpu.memory_space<hbm>> -> memref<128xi32, #tpu.memory_space<hbm>>
      %dma_start3A_229 = arith.constant 0 : i32
      %dma_start3A_230 = tpu.memref_slice %arg3[%add3A, %select_n3A_225, %dma_start3A_229] : memref<32x81x128xi32, #tpu.memory_space<hbm>> -> memref<1x1x128xi32, #tpu.memory_space<hbm>>
      %dma_start3A_231 = tpu.memref_squeeze %dma_start3A_230 : memref<1x1x128xi32, #tpu.memory_space<hbm>> -> memref<128xi32, #tpu.memory_space<hbm>>
      tpu.enqueue_dma source(%dma_start3A_231 : memref<128xi32, #tpu.memory_space<hbm>>) target(%arg9 : memref<128xi32, #tpu.memory_space<vmem>>) target_semaphore(%arg19 : memref<!tpu.dma_semaphore, #tpu.memory_space<semaphore_mem>>)
      %add3A_232 = arith.constant 2 : i32
      %add3A_233 = arith.addi %mul3A_150, %add3A_232 : i32
      tpu.wait_dma2 semaphore(%arg28 : memref<!tpu.dma_semaphore, #tpu.memory_space<semaphore_mem>>) src(%arg5 : memref<128x128xf32, #tpu.memory_space<hbm>>) dst(%arg15 : memref<128x128xf32, #tpu.memory_space<vmem>>)
      %dma_start3A_234 = arith.constant 0 : i32
      %dma_start3A_235 = tpu.memref_slice %arg4[%add3A, %add3A_233, %dma_start3A_234] : memref<32x81x128xi32, #tpu.memory_space<hbm>> -> memref<1x1x128xi32, #tpu.memory_space<hbm>>
      %dma_start3A_236 = tpu.memref_squeeze %dma_start3A_235 : memref<1x1x128xi32, #tpu.memory_space<hbm>> -> memref<128xi32, #tpu.memory_space<hbm>>
      %dma_start3A_237 = arith.constant 0 : i32
      %dma_start3A_238 = tpu.memref_slice %arg4[%add3A, %add3A_233, %dma_start3A_237] : memref<32x81x128xi32, #tpu.memory_space<hbm>> -> memref<1x1x128xi32, #tpu.memory_space<hbm>>
      %dma_start3A_239 = tpu.memref_squeeze %dma_start3A_238 : memref<1x1x128xi32, #tpu.memory_space<hbm>> -> memref<128xi32, #tpu.memory_space<hbm>>
      tpu.enqueue_dma source(%dma_start3A_239 : memref<128xi32, #tpu.memory_space<hbm>>) target(%arg12 : memref<128xi32, #tpu.memory_space<vmem>>) target_semaphore(%arg22 : memref<!tpu.dma_semaphore, #tpu.memory_space<semaphore_mem>>)
      %dma_wait3A_240 = arith.constant 0 : i32
      %dma_wait3A_241 = arith.constant 0 : i32
      %dma_wait3A_242 = tpu.memref_slice %arg3[%add3A, %dma_wait3A_240, %dma_wait3A_241] : memref<32x81x128xi32, #tpu.memory_space<hbm>> -> memref<1x1x128xi32, #tpu.memory_space<hbm>>
      %dma_wait3A_243 = tpu.memref_squeeze %dma_wait3A_242 : memref<1x1x128xi32, #tpu.memory_space<hbm>> -> memref<128xi32, #tpu.memory_space<hbm>>
      %dma_wait3A_244 = arith.constant 0 : i32
      %dma_wait3A_245 = tpu.memref_slice %arg3[%add3A, %dma_wait3A_240, %dma_wait3A_244] : memref<32x81x128xi32, #tpu.memory_space<hbm>> -> memref<1x1x128xi32, #tpu.memory_space<hbm>>
      %dma_wait3A_246 = tpu.memref_squeeze %dma_wait3A_245 : memref<1x1x128xi32, #tpu.memory_space<hbm>> -> memref<128xi32, #tpu.memory_space<hbm>>
      tpu.wait_dma2 semaphore(%arg19 : memref<!tpu.dma_semaphore, #tpu.memory_space<semaphore_mem>>) src(%dma_wait3A_246 : memref<128xi32, #tpu.memory_space<hbm>>) dst(%arg9 : memref<128xi32, #tpu.memory_space<vmem>>)
      %dma_start3A_247 = arith.constant 0 : i32
      %dma_start3A_248 = arith.constant 0 : i32
      %dma_start3A_249 = tpu.memref_slice %arg2[%dma_start3A_247, %dma_start3A_248] : memref<10112x128xf32, #tpu.memory_space<hbm>> -> memref<10112x128xf32, #tpu.memory_space<hbm>>
      tpu.enqueue_indirect_dma source(%dma_start3A_249 : memref<10112x128xf32, #tpu.memory_space<hbm>>) target(%arg15 : memref<128x128xf32, #tpu.memory_space<vmem>>) offsets(%arg9 : memref<128xi32, #tpu.memory_space<vmem>>) semaphore(%arg25 : memref<!tpu.dma_semaphore, #tpu.memory_space<semaphore_mem>>)
      tpu.wait_dma2 semaphore(%arg23 : memref<!tpu.dma_semaphore, #tpu.memory_space<semaphore_mem>>) src(%arg5 : memref<128x128xf32, #tpu.memory_space<hbm>>) dst(%arg13 : memref<128x128xf32, #tpu.memory_space<vmem>>)
      %dma_wait3A_250 = arith.constant 0 : i32
      %dma_wait3A_251 = arith.constant 0 : i32
      %dma_wait3A_252 = tpu.memref_slice %arg3[%add3A, %dma_wait3A_250, %dma_wait3A_251] : memref<32x81x128xi32, #tpu.memory_space<hbm>> -> memref<1x1x128xi32, #tpu.memory_space<hbm>>
      %dma_wait3A_253 = tpu.memref_squeeze %dma_wait3A_252 : memref<1x1x128xi32, #tpu.memory_space<hbm>> -> memref<128xi32, #tpu.memory_space<hbm>>
      %dma_wait3A_254 = arith.constant 0 : i32
      %dma_wait3A_255 = tpu.memref_slice %arg3[%add3A, %dma_wait3A_250, %dma_wait3A_254] : memref<32x81x128xi32, #tpu.memory_space<hbm>> -> memref<1x1x128xi32, #tpu.memory_space<hbm>>
      %dma_wait3A_256 = tpu.memref_squeeze %dma_wait3A_255 : memref<1x1x128xi32, #tpu.memory_space<hbm>> -> memref<128xi32, #tpu.memory_space<hbm>>
      tpu.wait_dma2 semaphore(%arg20 : memref<!tpu.dma_semaphore, #tpu.memory_space<semaphore_mem>>) src(%dma_wait3A_256 : memref<128xi32, #tpu.memory_space<hbm>>) dst(%arg10 : memref<128xi32, #tpu.memory_space<vmem>>)
      %dma_start3A_257 = arith.constant 0 : i32
      %dma_start3A_258 = arith.constant 0 : i32
      %dma_start3A_259 = tpu.memref_slice %arg16[%dma_start3A_257, %dma_start3A_258] : memref<10112x128xf32, #tpu.memory_space<vmem_shared>> -> memref<10112x128xf32, #tpu.memory_space<vmem_shared>>
      tpu.enqueue_indirect_dma source(%arg13 : memref<128x128xf32, #tpu.memory_space<vmem>>) target(%dma_start3A_259 : memref<10112x128xf32, #tpu.memory_space<vmem_shared>>) offsets(%arg10 : memref<128xi32, #tpu.memory_space<vmem>>) semaphore(%arg26 : memref<!tpu.dma_semaphore, #tpu.memory_space<semaphore_mem>>) {add = true}
      %add3A_260 = arith.constant 1 : i32
      %add3A_261 = arith.addi %add3A_233, %add3A_260 : i32
      %lt3A_262 = arith.constant 81 : i32
      %lt3A_263 = arith.cmpi slt, %add3A_261, %lt3A_262 : i32
      %add3A_264 = arith.constant 1 : i32
      %add3A_265 = arith.addi %add3A_233, %add3A_264 : i32
      %jit3A_266 = arith.constant 0 : i32
      %select_n3A_267 = arith.select %lt3A_263, %add3A_265, %jit3A_266 : i32
      %dma_start3A_268 = arith.constant 0 : i32
      %dma_start3A_269 = tpu.memref_slice %arg3[%add3A, %select_n3A_267, %dma_start3A_268] : memref<32x81x128xi32, #tpu.memory_space<hbm>> -> memref<1x1x128xi32, #tpu.memory_space<hbm>>
      %dma_start3A_270 = tpu.memref_squeeze %dma_start3A_269 : memref<1x1x128xi32, #tpu.memory_space<hbm>> -> memref<128xi32, #tpu.memory_space<hbm>>
      %dma_start3A_271 = arith.constant 0 : i32
      %dma_start3A_272 = tpu.memref_slice %arg3[%add3A, %select_n3A_267, %dma_start3A_271] : memref<32x81x128xi32, #tpu.memory_space<hbm>> -> memref<1x1x128xi32, #tpu.memory_space<hbm>>
      %dma_start3A_273 = tpu.memref_squeeze %dma_start3A_272 : memref<1x1x128xi32, #tpu.memory_space<hbm>> -> memref<128xi32, #tpu.memory_space<hbm>>
      tpu.enqueue_dma source(%dma_start3A_273 : memref<128xi32, #tpu.memory_space<hbm>>) target(%arg7 : memref<128xi32, #tpu.memory_space<vmem>>) target_semaphore(%arg17 : memref<!tpu.dma_semaphore, #tpu.memory_space<semaphore_mem>>)
    }
    %scan3A_111 = arith.constant 26 : i32
    tpu.wait_dma2 semaphore(%arg24 : memref<!tpu.dma_semaphore, #tpu.memory_space<semaphore_mem>>) src(%arg5 : memref<128x128xf32, #tpu.memory_space<hbm>>) dst(%arg14 : memref<128x128xf32, #tpu.memory_space<vmem>>)
    %dma_wait3A_112 = arith.constant 0 : i32
    %dma_wait3A_113 = arith.constant 0 : i32
    %dma_wait3A_114 = tpu.memref_slice %arg3[%add3A, %dma_wait3A_112, %dma_wait3A_113] : memref<32x81x128xi32, #tpu.memory_space<hbm>> -> memref<1x1x128xi32, #tpu.memory_space<hbm>>
    %dma_wait3A_115 = tpu.memref_squeeze %dma_wait3A_114 : memref<1x1x128xi32, #tpu.memory_space<hbm>> -> memref<128xi32, #tpu.memory_space<hbm>>
    %dma_wait3A_116 = arith.constant 0 : i32
    %dma_wait3A_117 = tpu.memref_slice %arg3[%add3A, %dma_wait3A_112, %dma_wait3A_116] : memref<32x81x128xi32, #tpu.memory_space<hbm>> -> memref<1x1x128xi32, #tpu.memory_space<hbm>>
    %dma_wait3A_118 = tpu.memref_squeeze %dma_wait3A_117 : memref<1x1x128xi32, #tpu.memory_space<hbm>> -> memref<128xi32, #tpu.memory_space<hbm>>
    tpu.wait_dma2 semaphore(%arg21 : memref<!tpu.dma_semaphore, #tpu.memory_space<semaphore_mem>>) src(%dma_wait3A_118 : memref<128xi32, #tpu.memory_space<hbm>>) dst(%arg11 : memref<128xi32, #tpu.memory_space<vmem>>)
    %dma_start3A_119 = arith.constant 0 : i32
    %dma_start3A_120 = arith.constant 0 : i32
    %dma_start3A_121 = tpu.memref_slice %arg16[%dma_start3A_119, %dma_start3A_120] : memref<10112x128xf32, #tpu.memory_space<vmem_shared>> -> memref<10112x128xf32, #tpu.memory_space<vmem_shared>>
    tpu.enqueue_indirect_dma source(%arg14 : memref<128x128xf32, #tpu.memory_space<vmem>>) target(%dma_start3A_121 : memref<10112x128xf32, #tpu.memory_space<vmem_shared>>) offsets(%arg11 : memref<128xi32, #tpu.memory_space<vmem>>) semaphore(%arg27 : memref<!tpu.dma_semaphore, #tpu.memory_space<semaphore_mem>>) {add = true}
    tpu.wait_dma2 semaphore(%arg25 : memref<!tpu.dma_semaphore, #tpu.memory_space<semaphore_mem>>) src(%arg5 : memref<128x128xf32, #tpu.memory_space<hbm>>) dst(%arg15 : memref<128x128xf32, #tpu.memory_space<vmem>>)
    %dma_wait3A_122 = arith.constant 0 : i32
    %dma_wait3A_123 = arith.constant 0 : i32
    %dma_wait3A_124 = tpu.memref_slice %arg3[%add3A, %dma_wait3A_122, %dma_wait3A_123] : memref<32x81x128xi32, #tpu.memory_space<hbm>> -> memref<1x1x128xi32, #tpu.memory_space<hbm>>
    %dma_wait3A_125 = tpu.memref_squeeze %dma_wait3A_124 : memref<1x1x128xi32, #tpu.memory_space<hbm>> -> memref<128xi32, #tpu.memory_space<hbm>>
    %dma_wait3A_126 = arith.constant 0 : i32
    %dma_wait3A_127 = tpu.memref_slice %arg3[%add3A, %dma_wait3A_122, %dma_wait3A_126] : memref<32x81x128xi32, #tpu.memory_space<hbm>> -> memref<1x1x128xi32, #tpu.memory_space<hbm>>
    %dma_wait3A_128 = tpu.memref_squeeze %dma_wait3A_127 : memref<1x1x128xi32, #tpu.memory_space<hbm>> -> memref<128xi32, #tpu.memory_space<hbm>>
    tpu.wait_dma2 semaphore(%arg22 : memref<!tpu.dma_semaphore, #tpu.memory_space<semaphore_mem>>) src(%dma_wait3A_128 : memref<128xi32, #tpu.memory_space<hbm>>) dst(%arg12 : memref<128xi32, #tpu.memory_space<vmem>>)
    %dma_start3A_129 = arith.constant 0 : i32
    %dma_start3A_130 = arith.constant 0 : i32
    %dma_start3A_131 = tpu.memref_slice %arg16[%dma_start3A_129, %dma_start3A_130] : memref<10112x128xf32, #tpu.memory_space<vmem_shared>> -> memref<10112x128xf32, #tpu.memory_space<vmem_shared>>
    tpu.enqueue_indirect_dma source(%arg15 : memref<128x128xf32, #tpu.memory_space<vmem>>) target(%dma_start3A_131 : memref<10112x128xf32, #tpu.memory_space<vmem_shared>>) offsets(%arg12 : memref<128xi32, #tpu.memory_space<vmem>>) semaphore(%arg28 : memref<!tpu.dma_semaphore, #tpu.memory_space<semaphore_mem>>) {add = true}
    tpu.wait_dma2 semaphore(%arg26 : memref<!tpu.dma_semaphore, #tpu.memory_space<semaphore_mem>>) src(%arg5 : memref<128x128xf32, #tpu.memory_space<hbm>>) dst(%arg13 : memref<128x128xf32, #tpu.memory_space<vmem>>)
    tpu.wait_dma2 semaphore(%arg27 : memref<!tpu.dma_semaphore, #tpu.memory_space<semaphore_mem>>) src(%arg5 : memref<128x128xf32, #tpu.memory_space<hbm>>) dst(%arg14 : memref<128x128xf32, #tpu.memory_space<vmem>>)
    tpu.wait_dma2 semaphore(%arg28 : memref<!tpu.dma_semaphore, #tpu.memory_space<semaphore_mem>>) src(%arg5 : memref<128x128xf32, #tpu.memory_space<hbm>>) dst(%arg15 : memref<128x128xf32, #tpu.memory_space<vmem>>)
    %dma_wait3A_132 = arith.constant 0 : i32
    %dma_wait3A_133 = arith.constant 0 : i32
    %dma_wait3A_134 = tpu.memref_slice %arg3[%add3A, %dma_wait3A_132, %dma_wait3A_133] : memref<32x81x128xi32, #tpu.memory_space<hbm>> -> memref<1x1x128xi32, #tpu.memory_space<hbm>>
    %dma_wait3A_135 = tpu.memref_squeeze %dma_wait3A_134 : memref<1x1x128xi32, #tpu.memory_space<hbm>> -> memref<128xi32, #tpu.memory_space<hbm>>
    %dma_wait3A_136 = arith.constant 0 : i32
    %dma_wait3A_137 = tpu.memref_slice %arg3[%add3A, %dma_wait3A_132, %dma_wait3A_136] : memref<32x81x128xi32, #tpu.memory_space<hbm>> -> memref<1x1x128xi32, #tpu.memory_space<hbm>>
    %dma_wait3A_138 = tpu.memref_squeeze %dma_wait3A_137 : memref<1x1x128xi32, #tpu.memory_space<hbm>> -> memref<128xi32, #tpu.memory_space<hbm>>
    tpu.wait_dma2 semaphore(%arg17 : memref<!tpu.dma_semaphore, #tpu.memory_space<semaphore_mem>>) src(%dma_wait3A_138 : memref<128xi32, #tpu.memory_space<hbm>>) dst(%arg7 : memref<128xi32, #tpu.memory_space<vmem>>)
    %barrier3A_139 = arith.constant 0 : index
    tpu.barrier barrier_id(%barrier3A_139)
    %mul3A_140 = arith.constant 632 : i32
    %mul3A_141 = arith.muli %arg1, %mul3A_140 : i32
    %mul3A_142 = arith.constant 632 : i32
    %mul3A_143 = arith.muli %arg1, %mul3A_142 : i32
    "tpu.region"() ({
      %run_scoped3A = tpu.sem_alloc : memref<!tpu.dma_semaphore, #tpu.memory_space<semaphore_mem>>
      %dma_start3A_144 = arith.constant 0 : i32
      %dma_start3A_145 = tpu.memref_slice %arg6[%arg0, %mul3A_143, %dma_start3A_144] : memref<2x10112x128xf32, #tpu.memory_space<hbm>> -> memref<1x632x128xf32, #tpu.memory_space<hbm>>
      %dma_start3A_146 = tpu.memref_squeeze %dma_start3A_145 : memref<1x632x128xf32, #tpu.memory_space<hbm>> -> memref<632x128xf32, #tpu.memory_space<hbm>>
      %dma_start3A_147 = arith.constant 0 : i32
      %dma_start3A_148 = tpu.memref_slice %arg16[%mul3A_141, %dma_start3A_147] : memref<10112x128xf32, #tpu.memory_space<vmem_shared>> -> memref<632x128xf32, #tpu.memory_space<vmem_shared>>
      tpu.enqueue_dma source(%dma_start3A_148 : memref<632x128xf32, #tpu.memory_space<vmem_shared>>) target(%dma_start3A_146 : memref<632x128xf32, #tpu.memory_space<hbm>>) target_semaphore(%run_scoped3A : memref<!tpu.dma_semaphore, #tpu.memory_space<semaphore_mem>>)
      %dma_wait3A_149 = arith.constant 0 : i32
      %dma_wait3A_150 = tpu.memref_slice %arg6[%arg0, %mul3A_143, %dma_wait3A_149] : memref<2x10112x128xf32, #tpu.memory_space<hbm>> -> memref<1x632x128xf32, #tpu.memory_space<hbm>>
      %dma_wait3A_151 = tpu.memref_squeeze %dma_wait3A_150 : memref<1x632x128xf32, #tpu.memory_space<hbm>> -> memref<632x128xf32, #tpu.memory_space<hbm>>
      %dma_wait3A_152 = arith.constant 0 : i32
      %dma_wait3A_153 = tpu.memref_slice %arg16[%mul3A_141, %dma_wait3A_152] : memref<10112x128xf32, #tpu.memory_space<vmem_shared>> -> memref<632x128xf32, #tpu.memory_space<vmem_shared>>
      tpu.wait_dma2 semaphore(%run_scoped3A : memref<!tpu.dma_semaphore, #tpu.memory_space<semaphore_mem>>) src(%dma_wait3A_153 : memref<632x128xf32, #tpu.memory_space<vmem_shared>>) dst(%dma_wait3A_151 : memref<632x128xf32, #tpu.memory_space<hbm>>)
      tpu.yield
    }) : () -> ()
    return
  }
}

#map = affine_map<(d0, d1) -> (0, 0)>
#map1 = affine_map<(d0, d1) -> (0, 0, 0)>
module attributes {stable_mosaic.version = 14 : i64} {
  func.func @_sc_hop(%arg0: i32, %arg1: i32, %arg2: memref<10112x128xf32, #tpu.memory_space<hbm>>, %arg3: memref<32x81x128xi32, #tpu.memory_space<hbm>>, %arg4: memref<32x81x128xi32, #tpu.memory_space<hbm>>, %arg5: memref<128x128xf32, #tpu.memory_space<hbm>>, %arg6: memref<2x10112x128xf32, #tpu.memory_space<hbm>>, %arg7: memref<128xi32, #tpu.memory_space<vmem>>, %arg8: memref<128xi32, #tpu.memory_space<vmem>>, %arg9: memref<128xi32, #tpu.memory_space<vmem>>, %arg10: memref<128xi32, #tpu.memory_space<vmem>>, %arg11: memref<128xi32, #tpu.memory_space<vmem>>, %arg12: memref<128xi32, #tpu.memory_space<vmem>>, %arg13: memref<128x128xf32, #tpu.memory_space<vmem>>, %arg14: memref<128x128xf32, #tpu.memory_space<vmem>>, %arg15: memref<128x128xf32, #tpu.memory_space<vmem>>, %arg16: memref<10112x128xf32, #tpu.memory_space<vmem_shared>>, %arg17: memref<!tpu.dma_semaphore, #tpu.memory_space<semaphore_mem>>, %arg18: memref<!tpu.dma_semaphore, #tpu.memory_space<semaphore_mem>>, %arg19: memref<!tpu.dma_semaphore, #tpu.memory_space<semaphore_mem>>, %arg20: memref<!tpu.dma_semaphore, #tpu.memory_space<semaphore_mem>>, %arg21: memref<!tpu.dma_semaphore, #tpu.memory_space<semaphore_mem>>, %arg22: memref<!tpu.dma_semaphore, #tpu.memory_space<semaphore_mem>>, %arg23: memref<!tpu.dma_semaphore, #tpu.memory_space<semaphore_mem>>, %arg24: memref<!tpu.dma_semaphore, #tpu.memory_space<semaphore_mem>>, %arg25: memref<!tpu.dma_semaphore, #tpu.memory_space<semaphore_mem>>, %arg26: memref<!tpu.dma_semaphore, #tpu.memory_space<semaphore_mem>>, %arg27: memref<!tpu.dma_semaphore, #tpu.memory_space<semaphore_mem>>, %arg28: memref<!tpu.dma_semaphore, #tpu.memory_space<semaphore_mem>>) attributes {dimension_semantics = [#tpu.dimension_semantics<core_parallel>, #tpu.dimension_semantics<subcore_parallel>], iteration_bounds = array<i64: 2, 16>, scalar_prefetch = 0 : i64, scratch_operands = 22 : i64, tpu.core_type = #tpu.core_type<sc_vector_subcore>, window_params = [{transform_indices = #map}, {transform_indices = #map1}, {transform_indices = #map1}, {transform_indices = #map}, {transform_indices = #map1}]} {
    %mul3A = arith.constant 16 : i32
    %mul3A_0 = arith.muli %arg0, %mul3A : i32
    %add3A = arith.addi %mul3A_0, %arg1 : i32
    %mul3A_1 = arith.constant 632 : i32
    %mul3A_2 = arith.muli %arg1, %mul3A_1 : i32
    %add3A_3 = arith.constant 0 : i32
    %add3A_4 = arith.addi %mul3A_2, %add3A_3 : i32
    "tpu.region"() ({
      %run_scoped3A = tpu.sem_alloc : memref<!tpu.dma_semaphore, #tpu.memory_space<semaphore_mem>>
      %dma_start3A_144 = arith.constant 0 : i32
      %dma_start3A_145 = tpu.memref_slice %arg16[%add3A_4, %dma_start3A_144] : memref<10112x128xf32, #tpu.memory_space<vmem_shared>> -> memref<128x128xf32, #tpu.memory_space<vmem_shared>>
      tpu.enqueue_dma source(%arg5 : memref<128x128xf32, #tpu.memory_space<hbm>>) target(%dma_start3A_145 : memref<128x128xf32, #tpu.memory_space<vmem_shared>>) target_semaphore(%run_scoped3A : memref<!tpu.dma_semaphore, #tpu.memory_space<semaphore_mem>>)
      %dma_wait3A_146 = arith.constant 0 : i32
      %dma_wait3A_147 = tpu.memref_slice %arg16[%add3A_4, %dma_wait3A_146] : memref<10112x128xf32, #tpu.memory_space<vmem_shared>> -> memref<128x128xf32, #tpu.memory_space<vmem_shared>>
      tpu.wait_dma2 semaphore(%run_scoped3A : memref<!tpu.dma_semaphore, #tpu.memory_space<semaphore_mem>>) src(%arg5 : memref<128x128xf32, #tpu.memory_space<hbm>>) dst(%dma_wait3A_147 : memref<128x128xf32, #tpu.memory_space<vmem_shared>>)
      tpu.yield
    }) : () -> ()
    %mul3A_5 = arith.constant 632 : i32
    %mul3A_6 = arith.muli %arg1, %mul3A_5 : i32
    %add3A_7 = arith.constant 128 : i32
    %add3A_8 = arith.addi %mul3A_6, %add3A_7 : i32
    "tpu.region"() ({
      %run_scoped3A = tpu.sem_alloc : memref<!tpu.dma_semaphore, #tpu.memory_space<semaphore_mem>>
      %dma_start3A_144 = arith.constant 0 : i32
      %dma_start3A_145 = tpu.memref_slice %arg16[%add3A_8, %dma_start3A_144] : memref<10112x128xf32, #tpu.memory_space<vmem_shared>> -> memref<128x128xf32, #tpu.memory_space<vmem_shared>>
      tpu.enqueue_dma source(%arg5 : memref<128x128xf32, #tpu.memory_space<hbm>>) target(%dma_start3A_145 : memref<128x128xf32, #tpu.memory_space<vmem_shared>>) target_semaphore(%run_scoped3A : memref<!tpu.dma_semaphore, #tpu.memory_space<semaphore_mem>>)
      %dma_wait3A_146 = arith.constant 0 : i32
      %dma_wait3A_147 = tpu.memref_slice %arg16[%add3A_8, %dma_wait3A_146] : memref<10112x128xf32, #tpu.memory_space<vmem_shared>> -> memref<128x128xf32, #tpu.memory_space<vmem_shared>>
      tpu.wait_dma2 semaphore(%run_scoped3A : memref<!tpu.dma_semaphore, #tpu.memory_space<semaphore_mem>>) src(%arg5 : memref<128x128xf32, #tpu.memory_space<hbm>>) dst(%dma_wait3A_147 : memref<128x128xf32, #tpu.memory_space<vmem_shared>>)
      tpu.yield
    }) : () -> ()
    %mul3A_9 = arith.constant 632 : i32
    %mul3A_10 = arith.muli %arg1, %mul3A_9 : i32
    %add3A_11 = arith.constant 256 : i32
    %add3A_12 = arith.addi %mul3A_10, %add3A_11 : i32
    "tpu.region"() ({
      %run_scoped3A = tpu.sem_alloc : memref<!tpu.dma_semaphore, #tpu.memory_space<semaphore_mem>>
      %dma_start3A_144 = arith.constant 0 : i32
      %dma_start3A_145 = tpu.memref_slice %arg16[%add3A_12, %dma_start3A_144] : memref<10112x128xf32, #tpu.memory_space<vmem_shared>> -> memref<128x128xf32, #tpu.memory_space<vmem_shared>>
      tpu.enqueue_dma source(%arg5 : memref<128x128xf32, #tpu.memory_space<hbm>>) target(%dma_start3A_145 : memref<128x128xf32, #tpu.memory_space<vmem_shared>>) target_semaphore(%run_scoped3A : memref<!tpu.dma_semaphore, #tpu.memory_space<semaphore_mem>>)
      %dma_wait3A_146 = arith.constant 0 : i32
      %dma_wait3A_147 = tpu.memref_slice %arg16[%add3A_12, %dma_wait3A_146] : memref<10112x128xf32, #tpu.memory_space<vmem_shared>> -> memref<128x128xf32, #tpu.memory_space<vmem_shared>>
      tpu.wait_dma2 semaphore(%run_scoped3A : memref<!tpu.dma_semaphore, #tpu.memory_space<semaphore_mem>>) src(%arg5 : memref<128x128xf32, #tpu.memory_space<hbm>>) dst(%dma_wait3A_147 : memref<128x128xf32, #tpu.memory_space<vmem_shared>>)
      tpu.yield
    }) : () -> ()
    %mul3A_13 = arith.constant 632 : i32
    %mul3A_14 = arith.muli %arg1, %mul3A_13 : i32
    %add3A_15 = arith.constant 384 : i32
    %add3A_16 = arith.addi %mul3A_14, %add3A_15 : i32
    "tpu.region"() ({
      %run_scoped3A = tpu.sem_alloc : memref<!tpu.dma_semaphore, #tpu.memory_space<semaphore_mem>>
      %dma_start3A_144 = arith.constant 0 : i32
      %dma_start3A_145 = tpu.memref_slice %arg16[%add3A_16, %dma_start3A_144] : memref<10112x128xf32, #tpu.memory_space<vmem_shared>> -> memref<128x128xf32, #tpu.memory_space<vmem_shared>>
      tpu.enqueue_dma source(%arg5 : memref<128x128xf32, #tpu.memory_space<hbm>>) target(%dma_start3A_145 : memref<128x128xf32, #tpu.memory_space<vmem_shared>>) target_semaphore(%run_scoped3A : memref<!tpu.dma_semaphore, #tpu.memory_space<semaphore_mem>>)
      %dma_wait3A_146 = arith.constant 0 : i32
      %dma_wait3A_147 = tpu.memref_slice %arg16[%add3A_16, %dma_wait3A_146] : memref<10112x128xf32, #tpu.memory_space<vmem_shared>> -> memref<128x128xf32, #tpu.memory_space<vmem_shared>>
      tpu.wait_dma2 semaphore(%run_scoped3A : memref<!tpu.dma_semaphore, #tpu.memory_space<semaphore_mem>>) src(%arg5 : memref<128x128xf32, #tpu.memory_space<hbm>>) dst(%dma_wait3A_147 : memref<128x128xf32, #tpu.memory_space<vmem_shared>>)
      tpu.yield
    }) : () -> ()
    %mul3A_17 = arith.constant 632 : i32
    %mul3A_18 = arith.muli %arg1, %mul3A_17 : i32
    %add3A_19 = arith.constant 512 : i32
    %add3A_20 = arith.addi %mul3A_18, %add3A_19 : i32
    "tpu.region"() ({
      %run_scoped3A = tpu.sem_alloc : memref<!tpu.dma_semaphore, #tpu.memory_space<semaphore_mem>>
      %dma_start3A_144 = arith.constant 0 : i32
      %dma_start3A_145 = tpu.memref_slice %arg16[%add3A_20, %dma_start3A_144] : memref<10112x128xf32, #tpu.memory_space<vmem_shared>> -> memref<120x128xf32, #tpu.memory_space<vmem_shared>>
      %dma_start3A_146 = arith.constant 0 : i32
      %dma_start3A_147 = arith.constant 0 : i32
      %dma_start3A_148 = tpu.memref_slice %arg5[%dma_start3A_146, %dma_start3A_147] : memref<128x128xf32, #tpu.memory_space<hbm>> -> memref<120x128xf32, #tpu.memory_space<hbm>>
      tpu.enqueue_dma source(%dma_start3A_148 : memref<120x128xf32, #tpu.memory_space<hbm>>) target(%dma_start3A_145 : memref<120x128xf32, #tpu.memory_space<vmem_shared>>) target_semaphore(%run_scoped3A : memref<!tpu.dma_semaphore, #tpu.memory_space<semaphore_mem>>)
      %dma_wait3A_149 = arith.constant 0 : i32
      %dma_wait3A_150 = tpu.memref_slice %arg16[%add3A_20, %dma_wait3A_149] : memref<10112x128xf32, #tpu.memory_space<vmem_shared>> -> memref<120x128xf32, #tpu.memory_space<vmem_shared>>
      %dma_wait3A_151 = arith.constant 0 : i32
      %dma_wait3A_152 = arith.constant 0 : i32
      %dma_wait3A_153 = tpu.memref_slice %arg5[%dma_wait3A_151, %dma_wait3A_152] : memref<128x128xf32, #tpu.memory_space<hbm>> -> memref<120x128xf32, #tpu.memory_space<hbm>>
      tpu.wait_dma2 semaphore(%run_scoped3A : memref<!tpu.dma_semaphore, #tpu.memory_space<semaphore_mem>>) src(%dma_wait3A_153 : memref<120x128xf32, #tpu.memory_space<hbm>>) dst(%dma_wait3A_150 : memref<120x128xf32, #tpu.memory_space<vmem_shared>>)
      tpu.yield
    }) : () -> ()
    %barrier3A = arith.constant 0 : index
    tpu.barrier barrier_id(%barrier3A)
    %dma_start3A = arith.constant 0 : i32
    %dma_start3A_21 = arith.constant 0 : i32
    %dma_start3A_22 = tpu.memref_slice %arg3[%add3A, %dma_start3A, %dma_start3A_21] : memref<32x81x128xi32, #tpu.memory_space<hbm>> -> memref<1x1x128xi32, #tpu.memory_space<hbm>>
    %dma_start3A_23 = tpu.memref_squeeze %dma_start3A_22 : memref<1x1x128xi32, #tpu.memory_space<hbm>> -> memref<128xi32, #tpu.memory_space<hbm>>
    %dma_start3A_24 = arith.constant 0 : i32
    %dma_start3A_25 = tpu.memref_slice %arg3[%add3A, %dma_start3A, %dma_start3A_24] : memref<32x81x128xi32, #tpu.memory_space<hbm>> -> memref<1x1x128xi32, #tpu.memory_space<hbm>>
    %dma_start3A_26 = tpu.memref_squeeze %dma_start3A_25 : memref<1x1x128xi32, #tpu.memory_space<hbm>> -> memref<128xi32, #tpu.memory_space<hbm>>
    tpu.enqueue_dma source(%dma_start3A_26 : memref<128xi32, #tpu.memory_space<hbm>>) target(%arg7 : memref<128xi32, #tpu.memory_space<vmem>>) target_semaphore(%arg17 : memref<!tpu.dma_semaphore, #tpu.memory_space<semaphore_mem>>)
    %dma_start3A_27 = arith.constant 1 : i32
    %dma_start3A_28 = arith.constant 0 : i32
    %dma_start3A_29 = tpu.memref_slice %arg3[%add3A, %dma_start3A_27, %dma_start3A_28] : memref<32x81x128xi32, #tpu.memory_space<hbm>> -> memref<1x1x128xi32, #tpu.memory_space<hbm>>
    %dma_start3A_30 = tpu.memref_squeeze %dma_start3A_29 : memref<1x1x128xi32, #tpu.memory_space<hbm>> -> memref<128xi32, #tpu.memory_space<hbm>>
    %dma_start3A_31 = arith.constant 0 : i32
    %dma_start3A_32 = tpu.memref_slice %arg3[%add3A, %dma_start3A_27, %dma_start3A_31] : memref<32x81x128xi32, #tpu.memory_space<hbm>> -> memref<1x1x128xi32, #tpu.memory_space<hbm>>
    %dma_start3A_33 = tpu.memref_squeeze %dma_start3A_32 : memref<1x1x128xi32, #tpu.memory_space<hbm>> -> memref<128xi32, #tpu.memory_space<hbm>>
    tpu.enqueue_dma source(%dma_start3A_33 : memref<128xi32, #tpu.memory_space<hbm>>) target(%arg8 : memref<128xi32, #tpu.memory_space<vmem>>) target_semaphore(%arg18 : memref<!tpu.dma_semaphore, #tpu.memory_space<semaphore_mem>>)
    %dma_start3A_34 = arith.constant 2 : i32
    %dma_start3A_35 = arith.constant 0 : i32
    %dma_start3A_36 = tpu.memref_slice %arg3[%add3A, %dma_start3A_34, %dma_start3A_35] : memref<32x81x128xi32, #tpu.memory_space<hbm>> -> memref<1x1x128xi32, #tpu.memory_space<hbm>>
    %dma_start3A_37 = tpu.memref_squeeze %dma_start3A_36 : memref<1x1x128xi32, #tpu.memory_space<hbm>> -> memref<128xi32, #tpu.memory_space<hbm>>
    %dma_start3A_38 = arith.constant 0 : i32
    %dma_start3A_39 = tpu.memref_slice %arg3[%add3A, %dma_start3A_34, %dma_start3A_38] : memref<32x81x128xi32, #tpu.memory_space<hbm>> -> memref<1x1x128xi32, #tpu.memory_space<hbm>>
    %dma_start3A_40 = tpu.memref_squeeze %dma_start3A_39 : memref<1x1x128xi32, #tpu.memory_space<hbm>> -> memref<128xi32, #tpu.memory_space<hbm>>
    tpu.enqueue_dma source(%dma_start3A_40 : memref<128xi32, #tpu.memory_space<hbm>>) target(%arg9 : memref<128xi32, #tpu.memory_space<vmem>>) target_semaphore(%arg19 : memref<!tpu.dma_semaphore, #tpu.memory_space<semaphore_mem>>)
    %dma_start3A_41 = arith.constant 0 : i32
    %dma_start3A_42 = arith.constant 0 : i32
    %dma_start3A_43 = tpu.memref_slice %arg4[%add3A, %dma_start3A_41, %dma_start3A_42] : memref<32x81x128xi32, #tpu.memory_space<hbm>> -> memref<1x1x128xi32, #tpu.memory_space<hbm>>
    %dma_start3A_44 = tpu.memref_squeeze %dma_start3A_43 : memref<1x1x128xi32, #tpu.memory_space<hbm>> -> memref<128xi32, #tpu.memory_space<hbm>>
    %dma_start3A_45 = arith.constant 0 : i32
    %dma_start3A_46 = tpu.memref_slice %arg4[%add3A, %dma_start3A_41, %dma_start3A_45] : memref<32x81x128xi32, #tpu.memory_space<hbm>> -> memref<1x1x128xi32, #tpu.memory_space<hbm>>
    %dma_start3A_47 = tpu.memref_squeeze %dma_start3A_46 : memref<1x1x128xi32, #tpu.memory_space<hbm>> -> memref<128xi32, #tpu.memory_space<hbm>>
    tpu.enqueue_dma source(%dma_start3A_47 : memref<128xi32, #tpu.memory_space<hbm>>) target(%arg10 : memref<128xi32, #tpu.memory_space<vmem>>) target_semaphore(%arg20 : memref<!tpu.dma_semaphore, #tpu.memory_space<semaphore_mem>>)
    %dma_start3A_48 = arith.constant 1 : i32
    %dma_start3A_49 = arith.constant 0 : i32
    %dma_start3A_50 = tpu.memref_slice %arg4[%add3A, %dma_start3A_48, %dma_start3A_49] : memref<32x81x128xi32, #tpu.memory_space<hbm>> -> memref<1x1x128xi32, #tpu.memory_space<hbm>>
    %dma_start3A_51 = tpu.memref_squeeze %dma_start3A_50 : memref<1x1x128xi32, #tpu.memory_space<hbm>> -> memref<128xi32, #tpu.memory_space<hbm>>
    %dma_start3A_52 = arith.constant 0 : i32
    %dma_start3A_53 = tpu.memref_slice %arg4[%add3A, %dma_start3A_48, %dma_start3A_52] : memref<32x81x128xi32, #tpu.memory_space<hbm>> -> memref<1x1x128xi32, #tpu.memory_space<hbm>>
    %dma_start3A_54 = tpu.memref_squeeze %dma_start3A_53 : memref<1x1x128xi32, #tpu.memory_space<hbm>> -> memref<128xi32, #tpu.memory_space<hbm>>
    tpu.enqueue_dma source(%dma_start3A_54 : memref<128xi32, #tpu.memory_space<hbm>>) target(%arg11 : memref<128xi32, #tpu.memory_space<vmem>>) target_semaphore(%arg21 : memref<!tpu.dma_semaphore, #tpu.memory_space<semaphore_mem>>)
    %dma_wait3A = arith.constant 0 : i32
    %dma_wait3A_55 = arith.constant 0 : i32
    %dma_wait3A_56 = tpu.memref_slice %arg3[%add3A, %dma_wait3A, %dma_wait3A_55] : memref<32x81x128xi32, #tpu.memory_space<hbm>> -> memref<1x1x128xi32, #tpu.memory_space<hbm>>
    %dma_wait3A_57 = tpu.memref_squeeze %dma_wait3A_56 : memref<1x1x128xi32, #tpu.memory_space<hbm>> -> memref<128xi32, #tpu.memory_space<hbm>>
    %dma_wait3A_58 = arith.constant 0 : i32
    %dma_wait3A_59 = tpu.memref_slice %arg3[%add3A, %dma_wait3A, %dma_wait3A_58] : memref<32x81x128xi32, #tpu.memory_space<hbm>> -> memref<1x1x128xi32, #tpu.memory_space<hbm>>
    %dma_wait3A_60 = tpu.memref_squeeze %dma_wait3A_59 : memref<1x1x128xi32, #tpu.memory_space<hbm>> -> memref<128xi32, #tpu.memory_space<hbm>>
    tpu.wait_dma2 semaphore(%arg17 : memref<!tpu.dma_semaphore, #tpu.memory_space<semaphore_mem>>) src(%dma_wait3A_60 : memref<128xi32, #tpu.memory_space<hbm>>) dst(%arg7 : memref<128xi32, #tpu.memory_space<vmem>>)
    %dma_start3A_61 = arith.constant 0 : i32
    %dma_start3A_62 = arith.constant 0 : i32
    %dma_start3A_63 = tpu.memref_slice %arg2[%dma_start3A_61, %dma_start3A_62] : memref<10112x128xf32, #tpu.memory_space<hbm>> -> memref<10112x128xf32, #tpu.memory_space<hbm>>
    tpu.enqueue_indirect_dma source(%dma_start3A_63 : memref<10112x128xf32, #tpu.memory_space<hbm>>) target(%arg13 : memref<128x128xf32, #tpu.memory_space<vmem>>) offsets(%arg7 : memref<128xi32, #tpu.memory_space<vmem>>) semaphore(%arg23 : memref<!tpu.dma_semaphore, #tpu.memory_space<semaphore_mem>>)
    %dma_wait3A_64 = arith.constant 0 : i32
    %dma_wait3A_65 = arith.constant 0 : i32
    %dma_wait3A_66 = tpu.memref_slice %arg3[%add3A, %dma_wait3A_64, %dma_wait3A_65] : memref<32x81x128xi32, #tpu.memory_space<hbm>> -> memref<1x1x128xi32, #tpu.memory_space<hbm>>
    %dma_wait3A_67 = tpu.memref_squeeze %dma_wait3A_66 : memref<1x1x128xi32, #tpu.memory_space<hbm>> -> memref<128xi32, #tpu.memory_space<hbm>>
    %dma_wait3A_68 = arith.constant 0 : i32
    %dma_wait3A_69 = tpu.memref_slice %arg3[%add3A, %dma_wait3A_64, %dma_wait3A_68] : memref<32x81x128xi32, #tpu.memory_space<hbm>> -> memref<1x1x128xi32, #tpu.memory_space<hbm>>
    %dma_wait3A_70 = tpu.memref_squeeze %dma_wait3A_69 : memref<1x1x128xi32, #tpu.memory_space<hbm>> -> memref<128xi32, #tpu.memory_space<hbm>>
    tpu.wait_dma2 semaphore(%arg18 : memref<!tpu.dma_semaphore, #tpu.memory_space<semaphore_mem>>) src(%dma_wait3A_70 : memref<128xi32, #tpu.memory_space<hbm>>) dst(%arg8 : memref<128xi32, #tpu.memory_space<vmem>>)
    %dma_start3A_71 = arith.constant 0 : i32
    %dma_start3A_72 = arith.constant 0 : i32
    %dma_start3A_73 = tpu.memref_slice %arg2[%dma_start3A_71, %dma_start3A_72] : memref<10112x128xf32, #tpu.memory_space<hbm>> -> memref<10112x128xf32, #tpu.memory_space<hbm>>
    tpu.enqueue_indirect_dma source(%dma_start3A_73 : memref<10112x128xf32, #tpu.memory_space<hbm>>) target(%arg14 : memref<128x128xf32, #tpu.memory_space<vmem>>) offsets(%arg8 : memref<128xi32, #tpu.memory_space<vmem>>) semaphore(%arg24 : memref<!tpu.dma_semaphore, #tpu.memory_space<semaphore_mem>>)
    %dma_start3A_74 = arith.constant 2 : i32
    %dma_start3A_75 = arith.constant 0 : i32
    %dma_start3A_76 = tpu.memref_slice %arg4[%add3A, %dma_start3A_74, %dma_start3A_75] : memref<32x81x128xi32, #tpu.memory_space<hbm>> -> memref<1x1x128xi32, #tpu.memory_space<hbm>>
    %dma_start3A_77 = tpu.memref_squeeze %dma_start3A_76 : memref<1x1x128xi32, #tpu.memory_space<hbm>> -> memref<128xi32, #tpu.memory_space<hbm>>
    %dma_start3A_78 = arith.constant 0 : i32
    %dma_start3A_79 = tpu.memref_slice %arg4[%add3A, %dma_start3A_74, %dma_start3A_78] : memref<32x81x128xi32, #tpu.memory_space<hbm>> -> memref<1x1x128xi32, #tpu.memory_space<hbm>>
    %dma_start3A_80 = tpu.memref_squeeze %dma_start3A_79 : memref<1x1x128xi32, #tpu.memory_space<hbm>> -> memref<128xi32, #tpu.memory_space<hbm>>
    tpu.enqueue_dma source(%dma_start3A_80 : memref<128xi32, #tpu.memory_space<hbm>>) target(%arg12 : memref<128xi32, #tpu.memory_space<vmem>>) target_semaphore(%arg22 : memref<!tpu.dma_semaphore, #tpu.memory_space<semaphore_mem>>)
    %dma_wait3A_81 = arith.constant 0 : i32
    %dma_wait3A_82 = arith.constant 0 : i32
    %dma_wait3A_83 = tpu.memref_slice %arg3[%add3A, %dma_wait3A_81, %dma_wait3A_82] : memref<32x81x128xi32, #tpu.memory_space<hbm>> -> memref<1x1x128xi32, #tpu.memory_space<hbm>>
    %dma_wait3A_84 = tpu.memref_squeeze %dma_wait3A_83 : memref<1x1x128xi32, #tpu.memory_space<hbm>> -> memref<128xi32, #tpu.memory_space<hbm>>
    %dma_wait3A_85 = arith.constant 0 : i32
    %dma_wait3A_86 = tpu.memref_slice %arg3[%add3A, %dma_wait3A_81, %dma_wait3A_85] : memref<32x81x128xi32, #tpu.memory_space<hbm>> -> memref<1x1x128xi32, #tpu.memory_space<hbm>>
    %dma_wait3A_87 = tpu.memref_squeeze %dma_wait3A_86 : memref<1x1x128xi32, #tpu.memory_space<hbm>> -> memref<128xi32, #tpu.memory_space<hbm>>
    tpu.wait_dma2 semaphore(%arg19 : memref<!tpu.dma_semaphore, #tpu.memory_space<semaphore_mem>>) src(%dma_wait3A_87 : memref<128xi32, #tpu.memory_space<hbm>>) dst(%arg9 : memref<128xi32, #tpu.memory_space<vmem>>)
    %dma_start3A_88 = arith.constant 0 : i32
    %dma_start3A_89 = arith.constant 0 : i32
    %dma_start3A_90 = tpu.memref_slice %arg2[%dma_start3A_88, %dma_start3A_89] : memref<10112x128xf32, #tpu.memory_space<hbm>> -> memref<10112x128xf32, #tpu.memory_space<hbm>>
    tpu.enqueue_indirect_dma source(%dma_start3A_90 : memref<10112x128xf32, #tpu.memory_space<hbm>>) target(%arg15 : memref<128x128xf32, #tpu.memory_space<vmem>>) offsets(%arg9 : memref<128xi32, #tpu.memory_space<vmem>>) semaphore(%arg25 : memref<!tpu.dma_semaphore, #tpu.memory_space<semaphore_mem>>)
    tpu.wait_dma2 semaphore(%arg23 : memref<!tpu.dma_semaphore, #tpu.memory_space<semaphore_mem>>) src(%arg5 : memref<128x128xf32, #tpu.memory_space<hbm>>) dst(%arg13 : memref<128x128xf32, #tpu.memory_space<vmem>>)
    %dma_wait3A_91 = arith.constant 0 : i32
    %dma_wait3A_92 = arith.constant 0 : i32
    %dma_wait3A_93 = tpu.memref_slice %arg3[%add3A, %dma_wait3A_91, %dma_wait3A_92] : memref<32x81x128xi32, #tpu.memory_space<hbm>> -> memref<1x1x128xi32, #tpu.memory_space<hbm>>
    %dma_wait3A_94 = tpu.memref_squeeze %dma_wait3A_93 : memref<1x1x128xi32, #tpu.memory_space<hbm>> -> memref<128xi32, #tpu.memory_space<hbm>>
    %dma_wait3A_95 = arith.constant 0 : i32
    %dma_wait3A_96 = tpu.memref_slice %arg3[%add3A, %dma_wait3A_91, %dma_wait3A_95] : memref<32x81x128xi32, #tpu.memory_space<hbm>> -> memref<1x1x128xi32, #tpu.memory_space<hbm>>
    %dma_wait3A_97 = tpu.memref_squeeze %dma_wait3A_96 : memref<1x1x128xi32, #tpu.memory_space<hbm>> -> memref<128xi32, #tpu.memory_space<hbm>>
    tpu.wait_dma2 semaphore(%arg20 : memref<!tpu.dma_semaphore, #tpu.memory_space<semaphore_mem>>) src(%dma_wait3A_97 : memref<128xi32, #tpu.memory_space<hbm>>) dst(%arg10 : memref<128xi32, #tpu.memory_space<vmem>>)
    %dma_start3A_98 = arith.constant 0 : i32
    %dma_start3A_99 = arith.constant 0 : i32
    %dma_start3A_100 = tpu.memref_slice %arg16[%dma_start3A_98, %dma_start3A_99] : memref<10112x128xf32, #tpu.memory_space<vmem_shared>> -> memref<10112x128xf32, #tpu.memory_space<vmem_shared>>
    tpu.enqueue_indirect_dma source(%arg13 : memref<128x128xf32, #tpu.memory_space<vmem>>) target(%dma_start3A_100 : memref<10112x128xf32, #tpu.memory_space<vmem_shared>>) offsets(%arg10 : memref<128xi32, #tpu.memory_space<vmem>>) semaphore(%arg26 : memref<!tpu.dma_semaphore, #tpu.memory_space<semaphore_mem>>) {add = true}
    %dma_start3A_101 = arith.constant 3 : i32
    %dma_start3A_102 = arith.constant 0 : i32
    %dma_start3A_103 = tpu.memref_slice %arg3[%add3A, %dma_start3A_101, %dma_start3A_102] : memref<32x81x128xi32, #tpu.memory_space<hbm>> -> memref<1x1x128xi32, #tpu.memory_space<hbm>>
    %dma_start3A_104 = tpu.memref_squeeze %dma_start3A_103 : memref<1x1x128xi32, #tpu.memory_space<hbm>> -> memref<128xi32, #tpu.memory_space<hbm>>
    %dma_start3A_105 = arith.constant 0 : i32
    %dma_start3A_106 = tpu.memref_slice %arg3[%add3A, %dma_start3A_101, %dma_start3A_105] : memref<32x81x128xi32, #tpu.memory_space<hbm>> -> memref<1x1x128xi32, #tpu.memory_space<hbm>>
    %dma_start3A_107 = tpu.memref_squeeze %dma_start3A_106 : memref<1x1x128xi32, #tpu.memory_space<hbm>> -> memref<128xi32, #tpu.memory_space<hbm>>
    tpu.enqueue_dma source(%dma_start3A_107 : memref<128xi32, #tpu.memory_space<hbm>>) target(%arg7 : memref<128xi32, #tpu.memory_space<vmem>>) target_semaphore(%arg17 : memref<!tpu.dma_semaphore, #tpu.memory_space<semaphore_mem>>)
    %scan3A = arith.constant 0 : i32
    %scan3A_108 = arith.constant 26 : i32
    %scan3A_109 = arith.addi %scan3A, %scan3A_108 : i32
    %scan3A_110 = arith.constant 1 : i32
    scf.for %scan3A_144 = %scan3A to %scan3A_109 step %scan3A_110  : i32 {
      %mul3A_145 = arith.constant 1 : i32
      %mul3A_146 = arith.muli %scan3A_144, %mul3A_145 : i32
      %add3A_147 = arith.constant 1 : i32
      %add3A_148 = arith.addi %add3A_147, %mul3A_146 : i32
      %mul3A_149 = arith.constant 3 : i32
      %mul3A_150 = arith.muli %mul3A_149, %add3A_148 : i32
      %add3A_151 = arith.constant 0 : i32
      %add3A_152 = arith.addi %mul3A_150, %add3A_151 : i32
      tpu.wait_dma2 semaphore(%arg26 : memref<!tpu.dma_semaphore, #tpu.memory_space<semaphore_mem>>) src(%arg5 : memref<128x128xf32, #tpu.memory_space<hbm>>) dst(%arg13 : memref<128x128xf32, #tpu.memory_space<vmem>>)
      %dma_start3A_153 = arith.constant 0 : i32
      %dma_start3A_154 = tpu.memref_slice %arg4[%add3A, %add3A_152, %dma_start3A_153] : memref<32x81x128xi32, #tpu.memory_space<hbm>> -> memref<1x1x128xi32, #tpu.memory_space<hbm>>
      %dma_start3A_155 = tpu.memref_squeeze %dma_start3A_154 : memref<1x1x128xi32, #tpu.memory_space<hbm>> -> memref<128xi32, #tpu.memory_space<hbm>>
      %dma_start3A_156 = arith.constant 0 : i32
      %dma_start3A_157 = tpu.memref_slice %arg4[%add3A, %add3A_152, %dma_start3A_156] : memref<32x81x128xi32, #tpu.memory_space<hbm>> -> memref<1x1x128xi32, #tpu.memory_space<hbm>>
      %dma_start3A_158 = tpu.memref_squeeze %dma_start3A_157 : memref<1x1x128xi32, #tpu.memory_space<hbm>> -> memref<128xi32, #tpu.memory_space<hbm>>
      tpu.enqueue_dma source(%dma_start3A_158 : memref<128xi32, #tpu.memory_space<hbm>>) target(%arg10 : memref<128xi32, #tpu.memory_space<vmem>>) target_semaphore(%arg20 : memref<!tpu.dma_semaphore, #tpu.memory_space<semaphore_mem>>)
      %dma_wait3A_159 = arith.constant 0 : i32
      %dma_wait3A_160 = arith.constant 0 : i32
      %dma_wait3A_161 = tpu.memref_slice %arg3[%add3A, %dma_wait3A_159, %dma_wait3A_160] : memref<32x81x128xi32, #tpu.memory_space<hbm>> -> memref<1x1x128xi32, #tpu.memory_space<hbm>>
      %dma_wait3A_162 = tpu.memref_squeeze %dma_wait3A_161 : memref<1x1x128xi32, #tpu.memory_space<hbm>> -> memref<128xi32, #tpu.memory_space<hbm>>
      %dma_wait3A_163 = arith.constant 0 : i32
      %dma_wait3A_164 = tpu.memref_slice %arg3[%add3A, %dma_wait3A_159, %dma_wait3A_163] : memref<32x81x128xi32, #tpu.memory_space<hbm>> -> memref<1x1x128xi32, #tpu.memory_space<hbm>>
      %dma_wait3A_165 = tpu.memref_squeeze %dma_wait3A_164 : memref<1x1x128xi32, #tpu.memory_space<hbm>> -> memref<128xi32, #tpu.memory_space<hbm>>
      tpu.wait_dma2 semaphore(%arg17 : memref<!tpu.dma_semaphore, #tpu.memory_space<semaphore_mem>>) src(%dma_wait3A_165 : memref<128xi32, #tpu.memory_space<hbm>>) dst(%arg7 : memref<128xi32, #tpu.memory_space<vmem>>)
      %dma_start3A_166 = arith.constant 0 : i32
      %dma_start3A_167 = arith.constant 0 : i32
      %dma_start3A_168 = tpu.memref_slice %arg2[%dma_start3A_166, %dma_start3A_167] : memref<10112x128xf32, #tpu.memory_space<hbm>> -> memref<10112x128xf32, #tpu.memory_space<hbm>>
      tpu.enqueue_indirect_dma source(%dma_start3A_168 : memref<10112x128xf32, #tpu.memory_space<hbm>>) target(%arg13 : memref<128x128xf32, #tpu.memory_space<vmem>>) offsets(%arg7 : memref<128xi32, #tpu.memory_space<vmem>>) semaphore(%arg23 : memref<!tpu.dma_semaphore, #tpu.memory_space<semaphore_mem>>)
      tpu.wait_dma2 semaphore(%arg24 : memref<!tpu.dma_semaphore, #tpu.memory_space<semaphore_mem>>) src(%arg5 : memref<128x128xf32, #tpu.memory_space<hbm>>) dst(%arg14 : memref<128x128xf32, #tpu.memory_space<vmem>>)
      %dma_wait3A_169 = arith.constant 0 : i32
      %dma_wait3A_170 = arith.constant 0 : i32
      %dma_wait3A_171 = tpu.memref_slice %arg3[%add3A, %dma_wait3A_169, %dma_wait3A_170] : memref<32x81x128xi32, #tpu.memory_space<hbm>> -> memref<1x1x128xi32, #tpu.memory_space<hbm>>
      %dma_wait3A_172 = tpu.memref_squeeze %dma_wait3A_171 : memref<1x1x128xi32, #tpu.memory_space<hbm>> -> memref<128xi32, #tpu.memory_space<hbm>>
      %dma_wait3A_173 = arith.constant 0 : i32
      %dma_wait3A_174 = tpu.memref_slice %arg3[%add3A, %dma_wait3A_169, %dma_wait3A_173] : memref<32x81x128xi32, #tpu.memory_space<hbm>> -> memref<1x1x128xi32, #tpu.memory_space<hbm>>
      %dma_wait3A_175 = tpu.memref_squeeze %dma_wait3A_174 : memref<1x1x128xi32, #tpu.memory_space<hbm>> -> memref<128xi32, #tpu.memory_space<hbm>>
      tpu.wait_dma2 semaphore(%arg21 : memref<!tpu.dma_semaphore, #tpu.memory_space<semaphore_mem>>) src(%dma_wait3A_175 : memref<128xi32, #tpu.memory_space<hbm>>) dst(%arg11 : memref<128xi32, #tpu.memory_space<vmem>>)
      %dma_start3A_176 = arith.constant 0 : i32
      %dma_start3A_177 = arith.constant 0 : i32
      %dma_start3A_178 = tpu.memref_slice %arg16[%dma_start3A_176, %dma_start3A_177] : memref<10112x128xf32, #tpu.memory_space<vmem_shared>> -> memref<10112x128xf32, #tpu.memory_space<vmem_shared>>
      tpu.enqueue_indirect_dma source(%arg14 : memref<128x128xf32, #tpu.memory_space<vmem>>) target(%dma_start3A_178 : memref<10112x128xf32, #tpu.memory_space<vmem_shared>>) offsets(%arg11 : memref<128xi32, #tpu.memory_space<vmem>>) semaphore(%arg27 : memref<!tpu.dma_semaphore, #tpu.memory_space<semaphore_mem>>) {add = true}
      %add3A_179 = arith.constant 1 : i32
      %add3A_180 = arith.addi %add3A_152, %add3A_179 : i32
      %lt3A = arith.constant 81 : i32
      %lt3A_181 = arith.cmpi slt, %add3A_180, %lt3A : i32
      %add3A_182 = arith.constant 1 : i32
      %add3A_183 = arith.addi %add3A_152, %add3A_182 : i32
      %jit3A = arith.constant 0 : i32
      %select_n3A = arith.select %lt3A_181, %add3A_183, %jit3A : i32
      %dma_start3A_184 = arith.constant 0 : i32
      %dma_start3A_185 = tpu.memref_slice %arg3[%add3A, %select_n3A, %dma_start3A_184] : memref<32x81x128xi32, #tpu.memory_space<hbm>> -> memref<1x1x128xi32, #tpu.memory_space<hbm>>
      %dma_start3A_186 = tpu.memref_squeeze %dma_start3A_185 : memref<1x1x128xi32, #tpu.memory_space<hbm>> -> memref<128xi32, #tpu.memory_space<hbm>>
      %dma_start3A_187 = arith.constant 0 : i32
      %dma_start3A_188 = tpu.memref_slice %arg3[%add3A, %select_n3A, %dma_start3A_187] : memref<32x81x128xi32, #tpu.memory_space<hbm>> -> memref<1x1x128xi32, #tpu.memory_space<hbm>>
      %dma_start3A_189 = tpu.memref_squeeze %dma_start3A_188 : memref<1x1x128xi32, #tpu.memory_space<hbm>> -> memref<128xi32, #tpu.memory_space<hbm>>
      tpu.enqueue_dma source(%dma_start3A_189 : memref<128xi32, #tpu.memory_space<hbm>>) target(%arg8 : memref<128xi32, #tpu.memory_space<vmem>>) target_semaphore(%arg18 : memref<!tpu.dma_semaphore, #tpu.memory_space<semaphore_mem>>)
      %add3A_190 = arith.constant 1 : i32
      %add3A_191 = arith.addi %mul3A_150, %add3A_190 : i32
      tpu.wait_dma2 semaphore(%arg27 : memref<!tpu.dma_semaphore, #tpu.memory_space<semaphore_mem>>) src(%arg5 : memref<128x128xf32, #tpu.memory_space<hbm>>) dst(%arg14 : memref<128x128xf32, #tpu.memory_space<vmem>>)
      %dma_start3A_192 = arith.constant 0 : i32
      %dma_start3A_193 = tpu.memref_slice %arg4[%add3A, %add3A_191, %dma_start3A_192] : memref<32x81x128xi32, #tpu.memory_space<hbm>> -> memref<1x1x128xi32, #tpu.memory_space<hbm>>
      %dma_start3A_194 = tpu.memref_squeeze %dma_start3A_193 : memref<1x1x128xi32, #tpu.memory_space<hbm>> -> memref<128xi32, #tpu.memory_space<hbm>>
      %dma_start3A_195 = arith.constant 0 : i32
      %dma_start3A_196 = tpu.memref_slice %arg4[%add3A, %add3A_191, %dma_start3A_195] : memref<32x81x128xi32, #tpu.memory_space<hbm>> -> memref<1x1x128xi32, #tpu.memory_space<hbm>>
      %dma_start3A_197 = tpu.memref_squeeze %dma_start3A_196 : memref<1x1x128xi32, #tpu.memory_space<hbm>> -> memref<128xi32, #tpu.memory_space<hbm>>
      tpu.enqueue_dma source(%dma_start3A_197 : memref<128xi32, #tpu.memory_space<hbm>>) target(%arg11 : memref<128xi32, #tpu.memory_space<vmem>>) target_semaphore(%arg21 : memref<!tpu.dma_semaphore, #tpu.memory_space<semaphore_mem>>)
      %dma_wait3A_198 = arith.constant 0 : i32
      %dma_wait3A_199 = arith.constant 0 : i32
      %dma_wait3A_200 = tpu.memref_slice %arg3[%add3A, %dma_wait3A_198, %dma_wait3A_199] : memref<32x81x128xi32, #tpu.memory_space<hbm>> -> memref<1x1x128xi32, #tpu.memory_space<hbm>>
      %dma_wait3A_201 = tpu.memref_squeeze %dma_wait3A_200 : memref<1x1x128xi32, #tpu.memory_space<hbm>> -> memref<128xi32, #tpu.memory_space<hbm>>
      %dma_wait3A_202 = arith.constant 0 : i32
      %dma_wait3A_203 = tpu.memref_slice %arg3[%add3A, %dma_wait3A_198, %dma_wait3A_202] : memref<32x81x128xi32, #tpu.memory_space<hbm>> -> memref<1x1x128xi32, #tpu.memory_space<hbm>>
      %dma_wait3A_204 = tpu.memref_squeeze %dma_wait3A_203 : memref<1x1x128xi32, #tpu.memory_space<hbm>> -> memref<128xi32, #tpu.memory_space<hbm>>
      tpu.wait_dma2 semaphore(%arg18 : memref<!tpu.dma_semaphore, #tpu.memory_space<semaphore_mem>>) src(%dma_wait3A_204 : memref<128xi32, #tpu.memory_space<hbm>>) dst(%arg8 : memref<128xi32, #tpu.memory_space<vmem>>)
      %dma_start3A_205 = arith.constant 0 : i32
      %dma_start3A_206 = arith.constant 0 : i32
      %dma_start3A_207 = tpu.memref_slice %arg2[%dma_start3A_205, %dma_start3A_206] : memref<10112x128xf32, #tpu.memory_space<hbm>> -> memref<10112x128xf32, #tpu.memory_space<hbm>>
      tpu.enqueue_indirect_dma source(%dma_start3A_207 : memref<10112x128xf32, #tpu.memory_space<hbm>>) target(%arg14 : memref<128x128xf32, #tpu.memory_space<vmem>>) offsets(%arg8 : memref<128xi32, #tpu.memory_space<vmem>>) semaphore(%arg24 : memref<!tpu.dma_semaphore, #tpu.memory_space<semaphore_mem>>)
      tpu.wait_dma2 semaphore(%arg25 : memref<!tpu.dma_semaphore, #tpu.memory_space<semaphore_mem>>) src(%arg5 : memref<128x128xf32, #tpu.memory_space<hbm>>) dst(%arg15 : memref<128x128xf32, #tpu.memory_space<vmem>>)
      %dma_wait3A_208 = arith.constant 0 : i32
      %dma_wait3A_209 = arith.constant 0 : i32
      %dma_wait3A_210 = tpu.memref_slice %arg3[%add3A, %dma_wait3A_208, %dma_wait3A_209] : memref<32x81x128xi32, #tpu.memory_space<hbm>> -> memref<1x1x128xi32, #tpu.memory_space<hbm>>
      %dma_wait3A_211 = tpu.memref_squeeze %dma_wait3A_210 : memref<1x1x128xi32, #tpu.memory_space<hbm>> -> memref<128xi32, #tpu.memory_space<hbm>>
      %dma_wait3A_212 = arith.constant 0 : i32
      %dma_wait3A_213 = tpu.memref_slice %arg3[%add3A, %dma_wait3A_208, %dma_wait3A_212] : memref<32x81x128xi32, #tpu.memory_space<hbm>> -> memref<1x1x128xi32, #tpu.memory_space<hbm>>
      %dma_wait3A_214 = tpu.memref_squeeze %dma_wait3A_213 : memref<1x1x128xi32, #tpu.memory_space<hbm>> -> memref<128xi32, #tpu.memory_space<hbm>>
      tpu.wait_dma2 semaphore(%arg22 : memref<!tpu.dma_semaphore, #tpu.memory_space<semaphore_mem>>) src(%dma_wait3A_214 : memref<128xi32, #tpu.memory_space<hbm>>) dst(%arg12 : memref<128xi32, #tpu.memory_space<vmem>>)
      %dma_start3A_215 = arith.constant 0 : i32
      %dma_start3A_216 = arith.constant 0 : i32
      %dma_start3A_217 = tpu.memref_slice %arg16[%dma_start3A_215, %dma_start3A_216] : memref<10112x128xf32, #tpu.memory_space<vmem_shared>> -> memref<10112x128xf32, #tpu.memory_space<vmem_shared>>
      tpu.enqueue_indirect_dma source(%arg15 : memref<128x128xf32, #tpu.memory_space<vmem>>) target(%dma_start3A_217 : memref<10112x128xf32, #tpu.memory_space<vmem_shared>>) offsets(%arg12 : memref<128xi32, #tpu.memory_space<vmem>>) semaphore(%arg28 : memref<!tpu.dma_semaphore, #tpu.memory_space<semaphore_mem>>) {add = true}
      %add3A_218 = arith.constant 1 : i32
      %add3A_219 = arith.addi %add3A_191, %add3A_218 : i32
      %lt3A_220 = arith.constant 81 : i32
      %lt3A_221 = arith.cmpi slt, %add3A_219, %lt3A_220 : i32
      %add3A_222 = arith.constant 1 : i32
      %add3A_223 = arith.addi %add3A_191, %add3A_222 : i32
      %jit3A_224 = arith.constant 0 : i32
      %select_n3A_225 = arith.select %lt3A_221, %add3A_223, %jit3A_224 : i32
      %dma_start3A_226 = arith.constant 0 : i32
      %dma_start3A_227 = tpu.memref_slice %arg3[%add3A, %select_n3A_225, %dma_start3A_226] : memref<32x81x128xi32, #tpu.memory_space<hbm>> -> memref<1x1x128xi32, #tpu.memory_space<hbm>>
      %dma_start3A_228 = tpu.memref_squeeze %dma_start3A_227 : memref<1x1x128xi32, #tpu.memory_space<hbm>> -> memref<128xi32, #tpu.memory_space<hbm>>
      %dma_start3A_229 = arith.constant 0 : i32
      %dma_start3A_230 = tpu.memref_slice %arg3[%add3A, %select_n3A_225, %dma_start3A_229] : memref<32x81x128xi32, #tpu.memory_space<hbm>> -> memref<1x1x128xi32, #tpu.memory_space<hbm>>
      %dma_start3A_231 = tpu.memref_squeeze %dma_start3A_230 : memref<1x1x128xi32, #tpu.memory_space<hbm>> -> memref<128xi32, #tpu.memory_space<hbm>>
      tpu.enqueue_dma source(%dma_start3A_231 : memref<128xi32, #tpu.memory_space<hbm>>) target(%arg9 : memref<128xi32, #tpu.memory_space<vmem>>) target_semaphore(%arg19 : memref<!tpu.dma_semaphore, #tpu.memory_space<semaphore_mem>>)
      %add3A_232 = arith.constant 2 : i32
      %add3A_233 = arith.addi %mul3A_150, %add3A_232 : i32
      tpu.wait_dma2 semaphore(%arg28 : memref<!tpu.dma_semaphore, #tpu.memory_space<semaphore_mem>>) src(%arg5 : memref<128x128xf32, #tpu.memory_space<hbm>>) dst(%arg15 : memref<128x128xf32, #tpu.memory_space<vmem>>)
      %dma_start3A_234 = arith.constant 0 : i32
      %dma_start3A_235 = tpu.memref_slice %arg4[%add3A, %add3A_233, %dma_start3A_234] : memref<32x81x128xi32, #tpu.memory_space<hbm>> -> memref<1x1x128xi32, #tpu.memory_space<hbm>>
      %dma_start3A_236 = tpu.memref_squeeze %dma_start3A_235 : memref<1x1x128xi32, #tpu.memory_space<hbm>> -> memref<128xi32, #tpu.memory_space<hbm>>
      %dma_start3A_237 = arith.constant 0 : i32
      %dma_start3A_238 = tpu.memref_slice %arg4[%add3A, %add3A_233, %dma_start3A_237] : memref<32x81x128xi32, #tpu.memory_space<hbm>> -> memref<1x1x128xi32, #tpu.memory_space<hbm>>
      %dma_start3A_239 = tpu.memref_squeeze %dma_start3A_238 : memref<1x1x128xi32, #tpu.memory_space<hbm>> -> memref<128xi32, #tpu.memory_space<hbm>>
      tpu.enqueue_dma source(%dma_start3A_239 : memref<128xi32, #tpu.memory_space<hbm>>) target(%arg12 : memref<128xi32, #tpu.memory_space<vmem>>) target_semaphore(%arg22 : memref<!tpu.dma_semaphore, #tpu.memory_space<semaphore_mem>>)
      %dma_wait3A_240 = arith.constant 0 : i32
      %dma_wait3A_241 = arith.constant 0 : i32
      %dma_wait3A_242 = tpu.memref_slice %arg3[%add3A, %dma_wait3A_240, %dma_wait3A_241] : memref<32x81x128xi32, #tpu.memory_space<hbm>> -> memref<1x1x128xi32, #tpu.memory_space<hbm>>
      %dma_wait3A_243 = tpu.memref_squeeze %dma_wait3A_242 : memref<1x1x128xi32, #tpu.memory_space<hbm>> -> memref<128xi32, #tpu.memory_space<hbm>>
      %dma_wait3A_244 = arith.constant 0 : i32
      %dma_wait3A_245 = tpu.memref_slice %arg3[%add3A, %dma_wait3A_240, %dma_wait3A_244] : memref<32x81x128xi32, #tpu.memory_space<hbm>> -> memref<1x1x128xi32, #tpu.memory_space<hbm>>
      %dma_wait3A_246 = tpu.memref_squeeze %dma_wait3A_245 : memref<1x1x128xi32, #tpu.memory_space<hbm>> -> memref<128xi32, #tpu.memory_space<hbm>>
      tpu.wait_dma2 semaphore(%arg19 : memref<!tpu.dma_semaphore, #tpu.memory_space<semaphore_mem>>) src(%dma_wait3A_246 : memref<128xi32, #tpu.memory_space<hbm>>) dst(%arg9 : memref<128xi32, #tpu.memory_space<vmem>>)
      %dma_start3A_247 = arith.constant 0 : i32
      %dma_start3A_248 = arith.constant 0 : i32
      %dma_start3A_249 = tpu.memref_slice %arg2[%dma_start3A_247, %dma_start3A_248] : memref<10112x128xf32, #tpu.memory_space<hbm>> -> memref<10112x128xf32, #tpu.memory_space<hbm>>
      tpu.enqueue_indirect_dma source(%dma_start3A_249 : memref<10112x128xf32, #tpu.memory_space<hbm>>) target(%arg15 : memref<128x128xf32, #tpu.memory_space<vmem>>) offsets(%arg9 : memref<128xi32, #tpu.memory_space<vmem>>) semaphore(%arg25 : memref<!tpu.dma_semaphore, #tpu.memory_space<semaphore_mem>>)
      tpu.wait_dma2 semaphore(%arg23 : memref<!tpu.dma_semaphore, #tpu.memory_space<semaphore_mem>>) src(%arg5 : memref<128x128xf32, #tpu.memory_space<hbm>>) dst(%arg13 : memref<128x128xf32, #tpu.memory_space<vmem>>)
      %dma_wait3A_250 = arith.constant 0 : i32
      %dma_wait3A_251 = arith.constant 0 : i32
      %dma_wait3A_252 = tpu.memref_slice %arg3[%add3A, %dma_wait3A_250, %dma_wait3A_251] : memref<32x81x128xi32, #tpu.memory_space<hbm>> -> memref<1x1x128xi32, #tpu.memory_space<hbm>>
      %dma_wait3A_253 = tpu.memref_squeeze %dma_wait3A_252 : memref<1x1x128xi32, #tpu.memory_space<hbm>> -> memref<128xi32, #tpu.memory_space<hbm>>
      %dma_wait3A_254 = arith.constant 0 : i32
      %dma_wait3A_255 = tpu.memref_slice %arg3[%add3A, %dma_wait3A_250, %dma_wait3A_254] : memref<32x81x128xi32, #tpu.memory_space<hbm>> -> memref<1x1x128xi32, #tpu.memory_space<hbm>>
      %dma_wait3A_256 = tpu.memref_squeeze %dma_wait3A_255 : memref<1x1x128xi32, #tpu.memory_space<hbm>> -> memref<128xi32, #tpu.memory_space<hbm>>
      tpu.wait_dma2 semaphore(%arg20 : memref<!tpu.dma_semaphore, #tpu.memory_space<semaphore_mem>>) src(%dma_wait3A_256 : memref<128xi32, #tpu.memory_space<hbm>>) dst(%arg10 : memref<128xi32, #tpu.memory_space<vmem>>)
      %dma_start3A_257 = arith.constant 0 : i32
      %dma_start3A_258 = arith.constant 0 : i32
      %dma_start3A_259 = tpu.memref_slice %arg16[%dma_start3A_257, %dma_start3A_258] : memref<10112x128xf32, #tpu.memory_space<vmem_shared>> -> memref<10112x128xf32, #tpu.memory_space<vmem_shared>>
      tpu.enqueue_indirect_dma source(%arg13 : memref<128x128xf32, #tpu.memory_space<vmem>>) target(%dma_start3A_259 : memref<10112x128xf32, #tpu.memory_space<vmem_shared>>) offsets(%arg10 : memref<128xi32, #tpu.memory_space<vmem>>) semaphore(%arg26 : memref<!tpu.dma_semaphore, #tpu.memory_space<semaphore_mem>>) {add = true}
      %add3A_260 = arith.constant 1 : i32
      %add3A_261 = arith.addi %add3A_233, %add3A_260 : i32
      %lt3A_262 = arith.constant 81 : i32
      %lt3A_263 = arith.cmpi slt, %add3A_261, %lt3A_262 : i32
      %add3A_264 = arith.constant 1 : i32
      %add3A_265 = arith.addi %add3A_233, %add3A_264 : i32
      %jit3A_266 = arith.constant 0 : i32
      %select_n3A_267 = arith.select %lt3A_263, %add3A_265, %jit3A_266 : i32
      %dma_start3A_268 = arith.constant 0 : i32
      %dma_start3A_269 = tpu.memref_slice %arg3[%add3A, %select_n3A_267, %dma_start3A_268] : memref<32x81x128xi32, #tpu.memory_space<hbm>> -> memref<1x1x128xi32, #tpu.memory_space<hbm>>
      %dma_start3A_270 = tpu.memref_squeeze %dma_start3A_269 : memref<1x1x128xi32, #tpu.memory_space<hbm>> -> memref<128xi32, #tpu.memory_space<hbm>>
      %dma_start3A_271 = arith.constant 0 : i32
      %dma_start3A_272 = tpu.memref_slice %arg3[%add3A, %select_n3A_267, %dma_start3A_271] : memref<32x81x128xi32, #tpu.memory_space<hbm>> -> memref<1x1x128xi32, #tpu.memory_space<hbm>>
      %dma_start3A_273 = tpu.memref_squeeze %dma_start3A_272 : memref<1x1x128xi32, #tpu.memory_space<hbm>> -> memref<128xi32, #tpu.memory_space<hbm>>
      tpu.enqueue_dma source(%dma_start3A_273 : memref<128xi32, #tpu.memory_space<hbm>>) target(%arg7 : memref<128xi32, #tpu.memory_space<vmem>>) target_semaphore(%arg17 : memref<!tpu.dma_semaphore, #tpu.memory_space<semaphore_mem>>)
    }
    %scan3A_111 = arith.constant 26 : i32
    tpu.wait_dma2 semaphore(%arg24 : memref<!tpu.dma_semaphore, #tpu.memory_space<semaphore_mem>>) src(%arg5 : memref<128x128xf32, #tpu.memory_space<hbm>>) dst(%arg14 : memref<128x128xf32, #tpu.memory_space<vmem>>)
    %dma_wait3A_112 = arith.constant 0 : i32
    %dma_wait3A_113 = arith.constant 0 : i32
    %dma_wait3A_114 = tpu.memref_slice %arg3[%add3A, %dma_wait3A_112, %dma_wait3A_113] : memref<32x81x128xi32, #tpu.memory_space<hbm>> -> memref<1x1x128xi32, #tpu.memory_space<hbm>>
    %dma_wait3A_115 = tpu.memref_squeeze %dma_wait3A_114 : memref<1x1x128xi32, #tpu.memory_space<hbm>> -> memref<128xi32, #tpu.memory_space<hbm>>
    %dma_wait3A_116 = arith.constant 0 : i32
    %dma_wait3A_117 = tpu.memref_slice %arg3[%add3A, %dma_wait3A_112, %dma_wait3A_116] : memref<32x81x128xi32, #tpu.memory_space<hbm>> -> memref<1x1x128xi32, #tpu.memory_space<hbm>>
    %dma_wait3A_118 = tpu.memref_squeeze %dma_wait3A_117 : memref<1x1x128xi32, #tpu.memory_space<hbm>> -> memref<128xi32, #tpu.memory_space<hbm>>
    tpu.wait_dma2 semaphore(%arg21 : memref<!tpu.dma_semaphore, #tpu.memory_space<semaphore_mem>>) src(%dma_wait3A_118 : memref<128xi32, #tpu.memory_space<hbm>>) dst(%arg11 : memref<128xi32, #tpu.memory_space<vmem>>)
    %dma_start3A_119 = arith.constant 0 : i32
    %dma_start3A_120 = arith.constant 0 : i32
    %dma_start3A_121 = tpu.memref_slice %arg16[%dma_start3A_119, %dma_start3A_120] : memref<10112x128xf32, #tpu.memory_space<vmem_shared>> -> memref<10112x128xf32, #tpu.memory_space<vmem_shared>>
    tpu.enqueue_indirect_dma source(%arg14 : memref<128x128xf32, #tpu.memory_space<vmem>>) target(%dma_start3A_121 : memref<10112x128xf32, #tpu.memory_space<vmem_shared>>) offsets(%arg11 : memref<128xi32, #tpu.memory_space<vmem>>) semaphore(%arg27 : memref<!tpu.dma_semaphore, #tpu.memory_space<semaphore_mem>>) {add = true}
    tpu.wait_dma2 semaphore(%arg25 : memref<!tpu.dma_semaphore, #tpu.memory_space<semaphore_mem>>) src(%arg5 : memref<128x128xf32, #tpu.memory_space<hbm>>) dst(%arg15 : memref<128x128xf32, #tpu.memory_space<vmem>>)
    %dma_wait3A_122 = arith.constant 0 : i32
    %dma_wait3A_123 = arith.constant 0 : i32
    %dma_wait3A_124 = tpu.memref_slice %arg3[%add3A, %dma_wait3A_122, %dma_wait3A_123] : memref<32x81x128xi32, #tpu.memory_space<hbm>> -> memref<1x1x128xi32, #tpu.memory_space<hbm>>
    %dma_wait3A_125 = tpu.memref_squeeze %dma_wait3A_124 : memref<1x1x128xi32, #tpu.memory_space<hbm>> -> memref<128xi32, #tpu.memory_space<hbm>>
    %dma_wait3A_126 = arith.constant 0 : i32
    %dma_wait3A_127 = tpu.memref_slice %arg3[%add3A, %dma_wait3A_122, %dma_wait3A_126] : memref<32x81x128xi32, #tpu.memory_space<hbm>> -> memref<1x1x128xi32, #tpu.memory_space<hbm>>
    %dma_wait3A_128 = tpu.memref_squeeze %dma_wait3A_127 : memref<1x1x128xi32, #tpu.memory_space<hbm>> -> memref<128xi32, #tpu.memory_space<hbm>>
    tpu.wait_dma2 semaphore(%arg22 : memref<!tpu.dma_semaphore, #tpu.memory_space<semaphore_mem>>) src(%dma_wait3A_128 : memref<128xi32, #tpu.memory_space<hbm>>) dst(%arg12 : memref<128xi32, #tpu.memory_space<vmem>>)
    %dma_start3A_129 = arith.constant 0 : i32
    %dma_start3A_130 = arith.constant 0 : i32
    %dma_start3A_131 = tpu.memref_slice %arg16[%dma_start3A_129, %dma_start3A_130] : memref<10112x128xf32, #tpu.memory_space<vmem_shared>> -> memref<10112x128xf32, #tpu.memory_space<vmem_shared>>
    tpu.enqueue_indirect_dma source(%arg15 : memref<128x128xf32, #tpu.memory_space<vmem>>) target(%dma_start3A_131 : memref<10112x128xf32, #tpu.memory_space<vmem_shared>>) offsets(%arg12 : memref<128xi32, #tpu.memory_space<vmem>>) semaphore(%arg28 : memref<!tpu.dma_semaphore, #tpu.memory_space<semaphore_mem>>) {add = true}
    tpu.wait_dma2 semaphore(%arg26 : memref<!tpu.dma_semaphore, #tpu.memory_space<semaphore_mem>>) src(%arg5 : memref<128x128xf32, #tpu.memory_space<hbm>>) dst(%arg13 : memref<128x128xf32, #tpu.memory_space<vmem>>)
    tpu.wait_dma2 semaphore(%arg27 : memref<!tpu.dma_semaphore, #tpu.memory_space<semaphore_mem>>) src(%arg5 : memref<128x128xf32, #tpu.memory_space<hbm>>) dst(%arg14 : memref<128x128xf32, #tpu.memory_space<vmem>>)
    tpu.wait_dma2 semaphore(%arg28 : memref<!tpu.dma_semaphore, #tpu.memory_space<semaphore_mem>>) src(%arg5 : memref<128x128xf32, #tpu.memory_space<hbm>>) dst(%arg15 : memref<128x128xf32, #tpu.memory_space<vmem>>)
    %dma_wait3A_132 = arith.constant 0 : i32
    %dma_wait3A_133 = arith.constant 0 : i32
    %dma_wait3A_134 = tpu.memref_slice %arg3[%add3A, %dma_wait3A_132, %dma_wait3A_133] : memref<32x81x128xi32, #tpu.memory_space<hbm>> -> memref<1x1x128xi32, #tpu.memory_space<hbm>>
    %dma_wait3A_135 = tpu.memref_squeeze %dma_wait3A_134 : memref<1x1x128xi32, #tpu.memory_space<hbm>> -> memref<128xi32, #tpu.memory_space<hbm>>
    %dma_wait3A_136 = arith.constant 0 : i32
    %dma_wait3A_137 = tpu.memref_slice %arg3[%add3A, %dma_wait3A_132, %dma_wait3A_136] : memref<32x81x128xi32, #tpu.memory_space<hbm>> -> memref<1x1x128xi32, #tpu.memory_space<hbm>>
    %dma_wait3A_138 = tpu.memref_squeeze %dma_wait3A_137 : memref<1x1x128xi32, #tpu.memory_space<hbm>> -> memref<128xi32, #tpu.memory_space<hbm>>
    tpu.wait_dma2 semaphore(%arg17 : memref<!tpu.dma_semaphore, #tpu.memory_space<semaphore_mem>>) src(%dma_wait3A_138 : memref<128xi32, #tpu.memory_space<hbm>>) dst(%arg7 : memref<128xi32, #tpu.memory_space<vmem>>)
    %barrier3A_139 = arith.constant 0 : index
    tpu.barrier barrier_id(%barrier3A_139)
    %mul3A_140 = arith.constant 632 : i32
    %mul3A_141 = arith.muli %arg1, %mul3A_140 : i32
    %mul3A_142 = arith.constant 632 : i32
    %mul3A_143 = arith.muli %arg1, %mul3A_142 : i32
    "tpu.region"() ({
      %run_scoped3A = tpu.sem_alloc : memref<!tpu.dma_semaphore, #tpu.memory_space<semaphore_mem>>
      %dma_start3A_144 = arith.constant 0 : i32
      %dma_start3A_145 = tpu.memref_slice %arg6[%arg0, %mul3A_143, %dma_start3A_144] : memref<2x10112x128xf32, #tpu.memory_space<hbm>> -> memref<1x632x128xf32, #tpu.memory_space<hbm>>
      %dma_start3A_146 = tpu.memref_squeeze %dma_start3A_145 : memref<1x632x128xf32, #tpu.memory_space<hbm>> -> memref<632x128xf32, #tpu.memory_space<hbm>>
      %dma_start3A_147 = arith.constant 0 : i32
      %dma_start3A_148 = tpu.memref_slice %arg16[%mul3A_141, %dma_start3A_147] : memref<10112x128xf32, #tpu.memory_space<vmem_shared>> -> memref<632x128xf32, #tpu.memory_space<vmem_shared>>
      tpu.enqueue_dma source(%dma_start3A_148 : memref<632x128xf32, #tpu.memory_space<vmem_shared>>) target(%dma_start3A_146 : memref<632x128xf32, #tpu.memory_space<hbm>>) target_semaphore(%run_scoped3A : memref<!tpu.dma_semaphore, #tpu.memory_space<semaphore_mem>>)
      %dma_wait3A_149 = arith.constant 0 : i32
      %dma_wait3A_150 = tpu.memref_slice %arg6[%arg0, %mul3A_143, %dma_wait3A_149] : memref<2x10112x128xf32, #tpu.memory_space<hbm>> -> memref<1x632x128xf32, #tpu.memory_space<hbm>>
      %dma_wait3A_151 = tpu.memref_squeeze %dma_wait3A_150 : memref<1x632x128xf32, #tpu.memory_space<hbm>> -> memref<632x128xf32, #tpu.memory_space<hbm>>
      %dma_wait3A_152 = arith.constant 0 : i32
      %dma_wait3A_153 = tpu.memref_slice %arg16[%mul3A_141, %dma_wait3A_152] : memref<10112x128xf32, #tpu.memory_space<vmem_shared>> -> memref<632x128xf32, #tpu.memory_space<vmem_shared>>
      tpu.wait_dma2 semaphore(%run_scoped3A : memref<!tpu.dma_semaphore, #tpu.memory_space<semaphore_mem>>) src(%dma_wait3A_153 : memref<632x128xf32, #tpu.memory_space<vmem_shared>>) dst(%dma_wait3A_151 : memref<632x128xf32, #tpu.memory_space<hbm>>)
      tpu.yield
    }) : () -> ()
    return
  }
}

module attributes {stable_mosaic.version = 14 : i64} {
  func.func @_prep_body(%arg0: i32, %arg1: memref<2x1264x128xf32, #tpu.memory_space<vmem>>, %arg2: memref<1264x128xf32, #tpu.memory_space<vmem>>, %arg3: memref<1264x128xf32, #tpu.memory_space<vmem>>, %arg4: memref<1264x1xf32, #tpu.memory_space<vmem>>, %arg5: memref<1264x1xf32, #tpu.memory_space<vmem>>) attributes {dimension_semantics = [#tpu.dimension_semantics<arbitrary>], iteration_bounds = array<i64: 8>, scalar_prefetch = 0 : i64, scratch_operands = 0 : i64, tpu.core_type = #tpu.core_type<tc>, window_params = [{transform_indices = @transform_0, window_bounds = array<i64: 2, 1264, 128>}, {transform_indices = @transform_1, window_bounds = array<i64: 1264, 128>}, {transform_indices = @transform_2, window_bounds = array<i64: 1264, 128>}, {transform_indices = @transform_3, window_bounds = array<i64: 1264, 1>}, {transform_indices = @transform_4, window_bounds = array<i64: 1264, 1>}]} {
    %get3A = arith.constant 0 : index
    %get3A_0 = arith.constant 0 : index
    %get3A_1 = arith.constant 0 : index
    %get3A_2 = vector.load %arg1[%get3A, %get3A_0, %get3A_1] : memref<2x1264x128xf32, #tpu.memory_space<vmem>>, vector<1x1264x1xf32>
    %get3A_3 = vector.shape_cast %get3A_2 : vector<1x1264x1xf32> to vector<1264x1xf32>
    %get3A_4 = arith.constant 1 : index
    %get3A_5 = arith.constant 0 : index
    %get3A_6 = arith.constant 0 : index
    %get3A_7 = vector.load %arg1[%get3A_4, %get3A_5, %get3A_6] : memref<2x1264x128xf32, #tpu.memory_space<vmem>>, vector<1x1264x1xf32>
    %get3A_8 = vector.shape_cast %get3A_7 : vector<1x1264x1xf32> to vector<1264x1xf32>
    %add3A = arith.addf %get3A_3, %get3A_8 : vector<1264x1xf32>
    %get3A_9 = arith.constant 0 : index
    %get3A_10 = arith.constant 0 : index
    %get3A_11 = arith.constant 64 : index
    %get3A_12 = vector.load %arg1[%get3A_9, %get3A_10, %get3A_11] : memref<2x1264x128xf32, #tpu.memory_space<vmem>>, vector<1x1264x1xf32>
    %get3A_13 = vector.shape_cast %get3A_12 : vector<1x1264x1xf32> to vector<1264x1xf32>
    %get3A_14 = arith.constant 1 : index
    %get3A_15 = arith.constant 0 : index
    %get3A_16 = arith.constant 64 : index
    %get3A_17 = vector.load %arg1[%get3A_14, %get3A_15, %get3A_16] : memref<2x1264x128xf32, #tpu.memory_space<vmem>>, vector<1x1264x1xf32>
    %get3A_18 = vector.shape_cast %get3A_17 : vector<1x1264x1xf32> to vector<1264x1xf32>
    %add3A_19 = arith.addf %get3A_13, %get3A_18 : vector<1264x1xf32>
    %max3A = arith.constant 1.000000e+00 : f32
    %max3A_20 = vector.broadcast %max3A : f32 to vector<1264x1xf32>
    %max3A_21 = arith.maximumf %add3A, %max3A_20 : vector<1264x1xf32>
    %rsqrt3A = math.rsqrt %max3A_21 : vector<1264x1xf32>
    %max3A_22 = arith.constant 1.000000e+00 : f32
    %max3A_23 = vector.broadcast %max3A_22 : f32 to vector<1264x1xf32>
    %max3A_24 = arith.maximumf %add3A_19, %max3A_23 : vector<1264x1xf32>
    %rsqrt3A_25 = math.rsqrt %max3A_24 : vector<1264x1xf32>
    %get3A_26 = arith.constant 0 : index
    %get3A_27 = arith.constant 0 : index
    %get3A_28 = vector.load %arg2[%get3A_26, %get3A_27] : memref<1264x128xf32, #tpu.memory_space<vmem>>, vector<1264x128xf32>
    %mul3A = vector.broadcast %rsqrt3A : vector<1264x1xf32> to vector<1264x128xf32>
    %mul3A_29 = arith.mulf %get3A_28, %mul3A : vector<1264x128xf32>
    %swap3A = arith.constant 0 : index
    %swap3A_30 = arith.constant 0 : index
    %swap3A_31 = vector.load %arg3[%swap3A, %swap3A_30] : memref<1264x128xf32, #tpu.memory_space<vmem>>, vector<1264x128xf32>
    tpu.vector_store %arg3[%swap3A, %swap3A_30], %mul3A_29 {strides = array<i32>} : memref<1264x128xf32, #tpu.memory_space<vmem>>, vector<1264x128xf32>,
    %mul3A_32 = arith.mulf %rsqrt3A, %rsqrt3A_25 : vector<1264x1xf32>
    %swap3A_33 = arith.constant 0 : index
    %swap3A_34 = arith.constant 0 : index
    %swap3A_35 = vector.load %arg4[%swap3A_33, %swap3A_34] : memref<1264x1xf32, #tpu.memory_space<vmem>>, vector<1264x1xf32>
    tpu.vector_store %arg4[%swap3A_33, %swap3A_34], %mul3A_32 {strides = array<i32>} : memref<1264x1xf32, #tpu.memory_space<vmem>>, vector<1264x1xf32>,
    %swap3A_36 = arith.constant 0 : index
    %swap3A_37 = arith.constant 0 : index
    %swap3A_38 = vector.load %arg5[%swap3A_36, %swap3A_37] : memref<1264x1xf32, #tpu.memory_space<vmem>>, vector<1264x1xf32>
    tpu.vector_store %arg5[%swap3A_36, %swap3A_37], %rsqrt3A_25 {strides = array<i32>} : memref<1264x1xf32, #tpu.memory_space<vmem>>, vector<1264x1xf32>,
    return
  }
  func.func @transform_0(%arg0: i32) -> (i32, i32, i32) {
    %c0_i32 = arith.constant 0 : i32
    %c0_i32_0 = arith.constant 0 : i32
    %c0_i32_1 = arith.constant 0 : i32
    return %c0_i32, %arg0, %c0_i32_0 : i32, i32, i32
  }
  func.func @transform_1(%arg0: i32) -> (i32, i32) {
    %c0_i32 = arith.constant 0 : i32
    %c0_i32_0 = arith.constant 0 : i32
    return %arg0, %c0_i32 : i32, i32
  }
  func.func @transform_2(%arg0: i32) -> (i32, i32) {
    %c0_i32 = arith.constant 0 : i32
    %c0_i32_0 = arith.constant 0 : i32
    return %arg0, %c0_i32 : i32, i32
  }
  func.func @transform_3(%arg0: i32) -> (i32, i32) {
    %c0_i32 = arith.constant 0 : i32
    %c0_i32_0 = arith.constant 0 : i32
    return %arg0, %c0_i32 : i32, i32
  }
  func.func @transform_4(%arg0: i32) -> (i32, i32) {
    %c0_i32 = arith.constant 0 : i32
    %c0_i32_0 = arith.constant 0 : i32
    return %arg0, %c0_i32 : i32, i32
  }
}

module attributes {stable_mosaic.version = 14 : i64} {
  func.func @_comb_body(%arg0: i32, %arg1: memref<2x1264x128xf32, #tpu.memory_space<vmem>>, %arg2: memref<1264x1xf32, #tpu.memory_space<vmem>>, %arg3: memref<1264x128xf32, #tpu.memory_space<vmem>>, %arg4: memref<1264x128xf32, #tpu.memory_space<vmem>>) attributes {dimension_semantics = [#tpu.dimension_semantics<arbitrary>], iteration_bounds = array<i64: 8>, scalar_prefetch = 0 : i64, scratch_operands = 0 : i64, tpu.core_type = #tpu.core_type<tc>, window_params = [{transform_indices = @transform_0, window_bounds = array<i64: 2, 1264, 128>}, {transform_indices = @transform_1, window_bounds = array<i64: 1264, 1>}, {transform_indices = @transform_2, window_bounds = array<i64: 1264, 128>}, {transform_indices = @transform_3, window_bounds = array<i64: 1264, 128>}]} {
    %get3A = arith.constant 0 : index
    %get3A_0 = arith.constant 0 : index
    %get3A_1 = arith.constant 0 : index
    %get3A_2 = vector.load %arg1[%get3A, %get3A_0, %get3A_1] : memref<2x1264x128xf32, #tpu.memory_space<vmem>>, vector<1x1264x128xf32>
    %get3A_3 = vector.shape_cast %get3A_2 : vector<1x1264x128xf32> to vector<1264x128xf32>
    %get3A_4 = arith.constant 1 : index
    %get3A_5 = arith.constant 0 : index
    %get3A_6 = arith.constant 0 : index
    %get3A_7 = vector.load %arg1[%get3A_4, %get3A_5, %get3A_6] : memref<2x1264x128xf32, #tpu.memory_space<vmem>>, vector<1x1264x128xf32>
    %get3A_8 = vector.shape_cast %get3A_7 : vector<1x1264x128xf32> to vector<1264x128xf32>
    %add3A = arith.addf %get3A_3, %get3A_8 : vector<1264x128xf32>
    %swap3A = arith.constant 0 : index
    %swap3A_9 = arith.constant 0 : index
    %swap3A_10 = vector.load %arg3[%swap3A, %swap3A_9] : memref<1264x128xf32, #tpu.memory_space<vmem>>, vector<1264x128xf32>
    tpu.vector_store %arg3[%swap3A, %swap3A_9], %add3A {strides = array<i32>} : memref<1264x128xf32, #tpu.memory_space<vmem>>, vector<1264x128xf32>,
    %get3A_11 = arith.constant 0 : index
    %get3A_12 = arith.constant 0 : index
    %get3A_13 = vector.load %arg2[%get3A_11, %get3A_12] : memref<1264x1xf32, #tpu.memory_space<vmem>>, vector<1264x1xf32>
    %mul3A = vector.broadcast %get3A_13 : vector<1264x1xf32> to vector<1264x128xf32>
    %mul3A_14 = arith.mulf %add3A, %mul3A : vector<1264x128xf32>
    %swap3A_15 = arith.constant 0 : index
    %swap3A_16 = arith.constant 0 : index
    %swap3A_17 = vector.load %arg4[%swap3A_15, %swap3A_16] : memref<1264x128xf32, #tpu.memory_space<vmem>>, vector<1264x128xf32>
    tpu.vector_store %arg4[%swap3A_15, %swap3A_16], %mul3A_14 {strides = array<i32>} : memref<1264x128xf32, #tpu.memory_space<vmem>>, vector<1264x128xf32>,
    return
  }
  func.func @transform_0(%arg0: i32) -> (i32, i32, i32) {
    %c0_i32 = arith.constant 0 : i32
    %c0_i32_0 = arith.constant 0 : i32
    %c0_i32_1 = arith.constant 0 : i32
    return %c0_i32, %arg0, %c0_i32_0 : i32, i32, i32
  }
  func.func @transform_1(%arg0: i32) -> (i32, i32) {
    %c0_i32 = arith.constant 0 : i32
    %c0_i32_0 = arith.constant 0 : i32
    return %arg0, %c0_i32 : i32, i32
  }
  func.func @transform_2(%arg0: i32) -> (i32, i32) {
    %c0_i32 = arith.constant 0 : i32
    %c0_i32_0 = arith.constant 0 : i32
    return %arg0, %c0_i32 : i32, i32
  }
  func.func @transform_3(%arg0: i32) -> (i32, i32) {
    %c0_i32 = arith.constant 0 : i32
    %c0_i32_0 = arith.constant 0 : i32
    return %arg0, %c0_i32 : i32, i32
  }
}

module attributes {stable_mosaic.version = 14 : i64} {
  func.func @_final_body(%arg0: i32, %arg1: memref<4x5xf32, #tpu.memory_space<smem>>, %arg2: memref<2000x128xf32, #tpu.memory_space<vmem>>, %arg3: memref<2000x128xf32, #tpu.memory_space<vmem>>, %arg4: memref<2000x128xf32, #tpu.memory_space<vmem>>, %arg5: memref<2000x128xf32, #tpu.memory_space<vmem>>, %arg6: memref<2x2000x128xf32, #tpu.memory_space<vmem>>, %arg7: memref<2000x1xf32, #tpu.memory_space<vmem>>, %arg8: memref<4x2000x128xf32, #tpu.memory_space<vmem>>) attributes {dimension_semantics = [#tpu.dimension_semantics<arbitrary>], iteration_bounds = array<i64: 5>, scalar_prefetch = 0 : i64, scratch_operands = 0 : i64, tpu.core_type = #tpu.core_type<tc>, window_params = [{transform_indices = @transform_0, window_bounds = array<i64: 4, 5>}, {transform_indices = @transform_1, window_bounds = array<i64: 2000, 128>}, {transform_indices = @transform_2, window_bounds = array<i64: 2000, 128>}, {transform_indices = @transform_3, window_bounds = array<i64: 2000, 128>}, {transform_indices = @transform_4, window_bounds = array<i64: 2000, 128>}, {transform_indices = @transform_5, window_bounds = array<i64: 2, 2000, 128>}, {transform_indices = @transform_6, window_bounds = array<i64: 2000, 1>}, {transform_indices = @transform_7, window_bounds = array<i64: 4, 2000, 128>}]} {
    %get3A = arith.constant 0 : index
    %get3A_0 = arith.constant 0 : index
    %get3A_1 = vector.load %arg7[%get3A, %get3A_0] : memref<2000x1xf32, #tpu.memory_space<vmem>>, vector<2000x1xf32>
    %get3A_2 = arith.constant 0 : index
    %get3A_3 = arith.constant 0 : index
    %get3A_4 = vector.load %arg3[%get3A_2, %get3A_3] : memref<2000x128xf32, #tpu.memory_space<vmem>>, vector<2000x128xf32>
    %get3A_5 = arith.constant 0 : index
    %get3A_6 = arith.constant 0 : index
    %get3A_7 = vector.load %arg4[%get3A_5, %get3A_6] : memref<2000x128xf32, #tpu.memory_space<vmem>>, vector<2000x128xf32>
    %get3A_8 = arith.constant 0 : index
    %get3A_9 = arith.constant 0 : index
    %get3A_10 = vector.load %arg5[%get3A_8, %get3A_9] : memref<2000x128xf32, #tpu.memory_space<vmem>>, vector<2000x128xf32>
    %get3A_11 = arith.constant 0 : index
    %get3A_12 = arith.constant 0 : index
    %get3A_13 = arith.constant 0 : index
    %get3A_14 = vector.load %arg6[%get3A_11, %get3A_12, %get3A_13] : memref<2x2000x128xf32, #tpu.memory_space<vmem>>, vector<1x2000x128xf32>
    %get3A_15 = vector.shape_cast %get3A_14 : vector<1x2000x128xf32> to vector<2000x128xf32>
    %get3A_16 = arith.constant 1 : index
    %get3A_17 = arith.constant 0 : index
    %get3A_18 = arith.constant 0 : index
    %get3A_19 = vector.load %arg6[%get3A_16, %get3A_17, %get3A_18] : memref<2x2000x128xf32, #tpu.memory_space<vmem>>, vector<1x2000x128xf32>
    %get3A_20 = vector.shape_cast %get3A_19 : vector<1x2000x128xf32> to vector<2000x128xf32>
    %add3A = arith.addf %get3A_15, %get3A_20 : vector<2000x128xf32>
    %get3A_21 = arith.constant 0 : index
    %get3A_22 = arith.constant 1 : index
    %get3A_23 = memref.load %arg1[%get3A_21, %get3A_22] : memref<4x5xf32, #tpu.memory_space<smem>>
    %mul3A = vector.broadcast %get3A_23 : f32 to vector<2000x128xf32>
    %mul3A_24 = arith.mulf %mul3A, %get3A_4 : vector<2000x128xf32>
    %get3A_25 = arith.constant 0 : index
    %get3A_26 = arith.constant 2 : index
    %get3A_27 = memref.load %arg1[%get3A_25, %get3A_26] : memref<4x5xf32, #tpu.memory_space<smem>>
    %mul3A_28 = vector.broadcast %get3A_27 : f32 to vector<2000x128xf32>
    %mul3A_29 = arith.mulf %mul3A_28, %get3A_7 : vector<2000x128xf32>
    %add3A_30 = arith.addf %mul3A_24, %mul3A_29 : vector<2000x128xf32>
    %get3A_31 = arith.constant 0 : index
    %get3A_32 = arith.constant 3 : index
    %get3A_33 = memref.load %arg1[%get3A_31, %get3A_32] : memref<4x5xf32, #tpu.memory_space<smem>>
    %mul3A_34 = vector.broadcast %get3A_33 : f32 to vector<2000x128xf32>
    %mul3A_35 = arith.mulf %mul3A_34, %get3A_10 : vector<2000x128xf32>
    %add3A_36 = arith.addf %add3A_30, %mul3A_35 : vector<2000x128xf32>
    %get3A_37 = arith.constant 0 : index
    %get3A_38 = arith.constant 4 : index
    %get3A_39 = memref.load %arg1[%get3A_37, %get3A_38] : memref<4x5xf32, #tpu.memory_space<smem>>
    %mul3A_40 = vector.broadcast %get3A_39 : f32 to vector<2000x128xf32>
    %mul3A_41 = arith.mulf %mul3A_40, %add3A : vector<2000x128xf32>
    %add3A_42 = arith.addf %add3A_36, %mul3A_41 : vector<2000x128xf32>
    %get3A_43 = arith.constant 0 : index
    %get3A_44 = arith.constant 0 : index
    %get3A_45 = memref.load %arg1[%get3A_43, %get3A_44] : memref<4x5xf32, #tpu.memory_space<smem>>
    %get3A_46 = arith.constant 0 : index
    %get3A_47 = arith.constant 0 : index
    %get3A_48 = vector.load %arg2[%get3A_46, %get3A_47] : memref<2000x128xf32, #tpu.memory_space<vmem>>, vector<2000x128xf32>
    %mul3A_49 = vector.broadcast %get3A_45 : f32 to vector<2000x128xf32>
    %mul3A_50 = arith.mulf %mul3A_49, %get3A_48 : vector<2000x128xf32>
    %mul3A_51 = vector.broadcast %get3A_1 : vector<2000x1xf32> to vector<2000x128xf32>
    %mul3A_52 = arith.mulf %mul3A_51, %add3A_42 : vector<2000x128xf32>
    %add3A_53 = arith.addf %mul3A_50, %mul3A_52 : vector<2000x128xf32>
    %swap3A = arith.constant 0 : index
    %swap3A_54 = arith.constant 0 : index
    %swap3A_55 = arith.constant 0 : index
    %swap3A_56 = vector.load %arg8[%swap3A, %swap3A_54, %swap3A_55] : memref<4x2000x128xf32, #tpu.memory_space<vmem>>, vector<1x2000x128xf32>
    %swap3A_57 = vector.shape_cast %swap3A_56 : vector<1x2000x128xf32> to vector<2000x128xf32>
    %swap3A_58 = vector.shape_cast %add3A_53 : vector<2000x128xf32> to vector<1x2000x128xf32>
    tpu.vector_store %arg8[%swap3A, %swap3A_54, %swap3A_55], %swap3A_58 {strides = array<i32>} : memref<4x2000x128xf32, #tpu.memory_space<vmem>>, vector<1x2000x128xf32>,
    %get3A_59 = arith.constant 1 : index
    %get3A_60 = arith.constant 1 : index
    %get3A_61 = memref.load %arg1[%get3A_59, %get3A_60] : memref<4x5xf32, #tpu.memory_space<smem>>
    %mul3A_62 = vector.broadcast %get3A_61 : f32 to vector<2000x128xf32>
    %mul3A_63 = arith.mulf %mul3A_62, %get3A_4 : vector<2000x128xf32>
    %get3A_64 = arith.constant 1 : index
    %get3A_65 = arith.constant 2 : index
    %get3A_66 = memref.load %arg1[%get3A_64, %get3A_65] : memref<4x5xf32, #tpu.memory_space<smem>>
    %mul3A_67 = vector.broadcast %get3A_66 : f32 to vector<2000x128xf32>
    %mul3A_68 = arith.mulf %mul3A_67, %get3A_7 : vector<2000x128xf32>
    %add3A_69 = arith.addf %mul3A_63, %mul3A_68 : vector<2000x128xf32>
    %get3A_70 = arith.constant 1 : index
    %get3A_71 = arith.constant 3 : index
    %get3A_72 = memref.load %arg1[%get3A_70, %get3A_71] : memref<4x5xf32, #tpu.memory_space<smem>>
    %mul3A_73 = vector.broadcast %get3A_72 : f32 to vector<2000x128xf32>
    %mul3A_74 = arith.mulf %mul3A_73, %get3A_10 : vector<2000x128xf32>
    %add3A_75 = arith.addf %add3A_69, %mul3A_74 : vector<2000x128xf32>
    %get3A_76 = arith.constant 1 : index
    %get3A_77 = arith.constant 4 : index
    %get3A_78 = memref.load %arg1[%get3A_76, %get3A_77] : memref<4x5xf32, #tpu.memory_space<smem>>
    %mul3A_79 = vector.broadcast %get3A_78 : f32 to vector<2000x128xf32>
    %mul3A_80 = arith.mulf %mul3A_79, %add3A : vector<2000x128xf32>
    %add3A_81 = arith.addf %add3A_75, %mul3A_80 : vector<2000x128xf32>
    %get3A_82 = arith.constant 1 : index
    %get3A_83 = arith.constant 0 : index
    %get3A_84 = memref.load %arg1[%get3A_82, %get3A_83] : memref<4x5xf32, #tpu.memory_space<smem>>
    %get3A_85 = arith.constant 0 : index
    %get3A_86 = arith.constant 0 : index
    %get3A_87 = vector.load %arg2[%get3A_85, %get3A_86] : memref<2000x128xf32, #tpu.memory_space<vmem>>, vector<2000x128xf32>
    %mul3A_88 = vector.broadcast %get3A_84 : f32 to vector<2000x128xf32>
    %mul3A_89 = arith.mulf %mul3A_88, %get3A_87 : vector<2000x128xf32>
    %mul3A_90 = vector.broadcast %get3A_1 : vector<2000x1xf32> to vector<2000x128xf32>
    %mul3A_91 = arith.mulf %mul3A_90, %add3A_81 : vector<2000x128xf32>
    %add3A_92 = arith.addf %mul3A_89, %mul3A_91 : vector<2000x128xf32>
    %swap3A_93 = arith.constant 1 : index
    %swap3A_94 = arith.constant 0 : index
    %swap3A_95 = arith.constant 0 : index
    %swap3A_96 = vector.load %arg8[%swap3A_93, %swap3A_94, %swap3A_95] : memref<4x2000x128xf32, #tpu.memory_space<vmem>>, vector<1x2000x128xf32>
    %swap3A_97 = vector.shape_cast %swap3A_96 : vector<1x2000x128xf32> to vector<2000x128xf32>
    %swap3A_98 = vector.shape_cast %add3A_92 : vector<2000x128xf32> to vector<1x2000x128xf32>
    tpu.vector_store %arg8[%swap3A_93, %swap3A_94, %swap3A_95], %swap3A_98 {strides = array<i32>} : memref<4x2000x128xf32, #tpu.memory_space<vmem>>, vector<1x2000x128xf32>,
    %get3A_99 = arith.constant 2 : index
    %get3A_100 = arith.constant 1 : index
    %get3A_101 = memref.load %arg1[%get3A_99, %get3A_100] : memref<4x5xf32, #tpu.memory_space<smem>>
    %mul3A_102 = vector.broadcast %get3A_101 : f32 to vector<2000x128xf32>
    %mul3A_103 = arith.mulf %mul3A_102, %get3A_4 : vector<2000x128xf32>
    %get3A_104 = arith.constant 2 : index
    %get3A_105 = arith.constant 2 : index
    %get3A_106 = memref.load %arg1[%get3A_104, %get3A_105] : memref<4x5xf32, #tpu.memory_space<smem>>
    %mul3A_107 = vector.broadcast %get3A_106 : f32 to vector<2000x128xf32>
    %mul3A_108 = arith.mulf %mul3A_107, %get3A_7 : vector<2000x128xf32>
    %add3A_109 = arith.addf %mul3A_103, %mul3A_108 : vector<2000x128xf32>
    %get3A_110 = arith.constant 2 : index
    %get3A_111 = arith.constant 3 : index
    %get3A_112 = memref.load %arg1[%get3A_110, %get3A_111] : memref<4x5xf32, #tpu.memory_space<smem>>
    %mul3A_113 = vector.broadcast %get3A_112 : f32 to vector<2000x128xf32>
    %mul3A_114 = arith.mulf %mul3A_113, %get3A_10 : vector<2000x128xf32>
    %add3A_115 = arith.addf %add3A_109, %mul3A_114 : vector<2000x128xf32>
    %get3A_116 = arith.constant 2 : index
    %get3A_117 = arith.constant 4 : index
    %get3A_118 = memref.load %arg1[%get3A_116, %get3A_117] : memref<4x5xf32, #tpu.memory_space<smem>>
    %mul3A_119 = vector.broadcast %get3A_118 : f32 to vector<2000x128xf32>
    %mul3A_120 = arith.mulf %mul3A_119, %add3A : vector<2000x128xf32>
    %add3A_121 = arith.addf %add3A_115, %mul3A_120 : vector<2000x128xf32>
    %get3A_122 = arith.constant 2 : index
    %get3A_123 = arith.constant 0 : index
    %get3A_124 = memref.load %arg1[%get3A_122, %get3A_123] : memref<4x5xf32, #tpu.memory_space<smem>>
    %get3A_125 = arith.constant 0 : index
    %get3A_126 = arith.constant 0 : index
    %get3A_127 = vector.load %arg2[%get3A_125, %get3A_126] : memref<2000x128xf32, #tpu.memory_space<vmem>>, vector<2000x128xf32>
    %mul3A_128 = vector.broadcast %get3A_124 : f32 to vector<2000x128xf32>
    %mul3A_129 = arith.mulf %mul3A_128, %get3A_127 : vector<2000x128xf32>
    %mul3A_130 = vector.broadcast %get3A_1 : vector<2000x1xf32> to vector<2000x128xf32>
    %mul3A_131 = arith.mulf %mul3A_130, %add3A_121 : vector<2000x128xf32>
    %add3A_132 = arith.addf %mul3A_129, %mul3A_131 : vector<2000x128xf32>
    %swap3A_133 = arith.constant 2 : index
    %swap3A_134 = arith.constant 0 : index
    %swap3A_135 = arith.constant 0 : index
    %swap3A_136 = vector.load %arg8[%swap3A_133, %swap3A_134, %swap3A_135] : memref<4x2000x128xf32, #tpu.memory_space<vmem>>, vector<1x2000x128xf32>
    %swap3A_137 = vector.shape_cast %swap3A_136 : vector<1x2000x128xf32> to vector<2000x128xf32>
    %swap3A_138 = vector.shape_cast %add3A_132 : vector<2000x128xf32> to vector<1x2000x128xf32>
    tpu.vector_store %arg8[%swap3A_133, %swap3A_134, %swap3A_135], %swap3A_138 {strides = array<i32>} : memref<4x2000x128xf32, #tpu.memory_space<vmem>>, vector<1x2000x128xf32>,
    %get3A_139 = arith.constant 3 : index
    %get3A_140 = arith.constant 1 : index
    %get3A_141 = memref.load %arg1[%get3A_139, %get3A_140] : memref<4x5xf32, #tpu.memory_space<smem>>
    %mul3A_142 = vector.broadcast %get3A_141 : f32 to vector<2000x128xf32>
    %mul3A_143 = arith.mulf %mul3A_142, %get3A_4 : vector<2000x128xf32>
    %get3A_144 = arith.constant 3 : index
    %get3A_145 = arith.constant 2 : index
    %get3A_146 = memref.load %arg1[%get3A_144, %get3A_145] : memref<4x5xf32, #tpu.memory_space<smem>>
    %mul3A_147 = vector.broadcast %get3A_146 : f32 to vector<2000x128xf32>
    %mul3A_148 = arith.mulf %mul3A_147, %get3A_7 : vector<2000x128xf32>
    %add3A_149 = arith.addf %mul3A_143, %mul3A_148 : vector<2000x128xf32>
    %get3A_150 = arith.constant 3 : index
    %get3A_151 = arith.constant 3 : index
    %get3A_152 = memref.load %arg1[%get3A_150, %get3A_151] : memref<4x5xf32, #tpu.memory_space<smem>>
    %mul3A_153 = vector.broadcast %get3A_152 : f32 to vector<2000x128xf32>
    %mul3A_154 = arith.mulf %mul3A_153, %get3A_10 : vector<2000x128xf32>
    %add3A_155 = arith.addf %add3A_149, %mul3A_154 : vector<2000x128xf32>
    %get3A_156 = arith.constant 3 : index
    %get3A_157 = arith.constant 4 : index
    %get3A_158 = memref.load %arg1[%get3A_156, %get3A_157] : memref<4x5xf32, #tpu.memory_space<smem>>
    %mul3A_159 = vector.broadcast %get3A_158 : f32 to vector<2000x128xf32>
    %mul3A_160 = arith.mulf %mul3A_159, %add3A : vector<2000x128xf32>
    %add3A_161 = arith.addf %add3A_155, %mul3A_160 : vector<2000x128xf32>
    %get3A_162 = arith.constant 3 : index
    %get3A_163 = arith.constant 0 : index
    %get3A_164 = memref.load %arg1[%get3A_162, %get3A_163] : memref<4x5xf32, #tpu.memory_space<smem>>
    %get3A_165 = arith.constant 0 : index
    %get3A_166 = arith.constant 0 : index
    %get3A_167 = vector.load %arg2[%get3A_165, %get3A_166] : memref<2000x128xf32, #tpu.memory_space<vmem>>, vector<2000x128xf32>
    %mul3A_168 = vector.broadcast %get3A_164 : f32 to vector<2000x128xf32>
    %mul3A_169 = arith.mulf %mul3A_168, %get3A_167 : vector<2000x128xf32>
    %mul3A_170 = vector.broadcast %get3A_1 : vector<2000x1xf32> to vector<2000x128xf32>
    %mul3A_171 = arith.mulf %mul3A_170, %add3A_161 : vector<2000x128xf32>
    %add3A_172 = arith.addf %mul3A_169, %mul3A_171 : vector<2000x128xf32>
    %swap3A_173 = arith.constant 3 : index
    %swap3A_174 = arith.constant 0 : index
    %swap3A_175 = arith.constant 0 : index
    %swap3A_176 = vector.load %arg8[%swap3A_173, %swap3A_174, %swap3A_175] : memref<4x2000x128xf32, #tpu.memory_space<vmem>>, vector<1x2000x128xf32>
    %swap3A_177 = vector.shape_cast %swap3A_176 : vector<1x2000x128xf32> to vector<2000x128xf32>
    %swap3A_178 = vector.shape_cast %add3A_172 : vector<2000x128xf32> to vector<1x2000x128xf32>
    tpu.vector_store %arg8[%swap3A_173, %swap3A_174, %swap3A_175], %swap3A_178 {strides = array<i32>} : memref<4x2000x128xf32, #tpu.memory_space<vmem>>, vector<1x2000x128xf32>,
    return
  }
  func.func @transform_0(%arg0: i32) -> (i32, i32) {
    %c0_i32 = arith.constant 0 : i32
    %c0_i32_0 = arith.constant 0 : i32
    %c0_i32_1 = arith.constant 0 : i32
    return %c0_i32, %c0_i32_0 : i32, i32
  }
  func.func @transform_1(%arg0: i32) -> (i32, i32) {
    %c0_i32 = arith.constant 0 : i32
    %c0_i32_0 = arith.constant 0 : i32
    return %arg0, %c0_i32 : i32, i32
  }
  func.func @transform_2(%arg0: i32) -> (i32, i32) {
    %c0_i32 = arith.constant 0 : i32
    %c0_i32_0 = arith.constant 0 : i32
    return %arg0, %c0_i32 : i32, i32
  }
  func.func @transform_3(%arg0: i32) -> (i32, i32) {
    %c0_i32 = arith.constant 0 : i32
    %c0_i32_0 = arith.constant 0 : i32
    return %arg0, %c0_i32 : i32, i32
  }
  func.func @transform_4(%arg0: i32) -> (i32, i32) {
    %c0_i32 = arith.constant 0 : i32
    %c0_i32_0 = arith.constant 0 : i32
    return %arg0, %c0_i32 : i32, i32
  }
  func.func @transform_5(%arg0: i32) -> (i32, i32, i32) {
    %c0_i32 = arith.constant 0 : i32
    %c0_i32_0 = arith.constant 0 : i32
    %c0_i32_1 = arith.constant 0 : i32
    return %c0_i32, %arg0, %c0_i32_0 : i32, i32, i32
  }
  func.func @transform_6(%arg0: i32) -> (i32, i32) {
    %c0_i32 = arith.constant 0 : i32
    %c0_i32_0 = arith.constant 0 : i32
    return %arg0, %c0_i32 : i32, i32
  }
  func.func @transform_7(%arg0: i32) -> (i32, i32, i32) {
    %c0_i32 = arith.constant 0 : i32
    %c0_i32_0 = arith.constant 0 : i32
    %c0_i32_1 = arith.constant 0 : i32
    return %c0_i32, %arg0, %c0_i32_0 : i32, i32, i32
  }
}

</mosaic_0001>

<sc_bundles>
// kernel: kernel.12.cloned.1.call-start
scs
__scs_entry_jumppad:
0x0: {  	(pc) =	sbr.rel $0x88, $3  }
0x1: {  	(tag) =	ssettag $0x0;
	lr =	simm.s32 $0x1  }
0x2: {  	[smem:$0x3F9E] =	sst lr;
	_ =	strace $0xD0000000  }
0x3: {  	_ = 	snop  }
0x4: {  	_ = 	snop  }
0x5: {  	_ = 	snop  }
0x6: {  	_ = 	snop  }
0x7: {  	_ = 	snop  }
__scs_overlays_trampoline_lowered:
0x8: {  	[smem:$0x3FAD] =	sst s0  }
0x9: {  	[smem:$0x3FAE] =	sst s1  }
0xa: {  	[smem:$0x3FAF] =	sst s2  }
0xb: {  	[smem:$0x3FB0] =	sst s3  }
0xc: {  	[smem:$0x3FB1] =	sst s4  }
0xd: {  	[smem:$0x3FB2] =	sst s5  }
0xe: {  	[smem:$0x3FB3] =	sst s6  }
0xf: {  	[smem:$0x3FB4] =	sst s7  }
0x10: {  	[smem:$0x3FB5] =	sst s8  }
0x11: {  	[smem:$0x3FB6] =	sst s9;
	s0 =	simm.s32 @!p0 $0x0  }
0x12: {  	s1 =	sld [smem:$0x3F9C];
	s0 =	simm.s32 @p0 $0x1  }
0x13: {  	[smem:$0x3FB7] =	sst s0;
	s0 =	simm.s32 @!p1 $0x0  }
0x14: {  	s2 =	sld [smem:$0x3F9B];
	s0 =	simm.s32 @p1 $0x1  }
0x15: {  	[smem:$0x3FB8] =	sst s0;
	s0 =	simm.s32 @!p2 $0x0  }
0x16: {  	s3 =	sld [smem:$0x3FDB];
	s0 =	simm.s32 @p2 $0x1  }
0x17: {  	s4 =	simm.s32 $0x1BF5;
	[smem:$0x3FBA] =	sst s0  }
0x18: {  	s0 =	sld [smem:$0x3F9D];
	_ =	swait.ge [sflag:s4], $0x0  }
0x19: {  	s7 =	sld [smem:$0x3F9E]  }
0x1a: {  	s8 =	sadd.s32 $0xFFFFE003, lr  }
0x1b: {  	s9 =	sadd.s32 $0xFFFFFEF7, lr;
	s5 =	simm.s32 $0xFFFFFFFF;
	p2 =	slt.u32 s8, $0xFFFFF086  }
0x1c: {  	p1 =	slt.u32 s9, $0xF7A;
	s5 =	simm.s32 @!p2 $0x0  }
0x1d: {  	s5 =	simm.s32 @p1 $0x1;
	p0 =	seq.s32 s7, s2  }
0x1e: {  	s7 =	smul.u32 @!p0 $0xF7A, s2;
	p2 =	seq.s32 @!p0 s5, $0x0  }
0x1f: {  	s9 =	smul.u32 $0xF7A, s1;
	s8 =	simm.s32 @!p0 $0x1BF5;
	p2 =	por !p2, p0  }
0x20: {  	[sflag:s8] =	ssyncset.s32 @!p0 $0xFFFFF086;
	s6 =	sadd.s32 @!p0 s3, s7;
	s7 =	simm.s32 @!p0 $0x108  }
0x21: {  	s3 =	sadd.s32 s3, s9;
	s6 =	sadd.s32 @!p0 $0x88, s6;
	s7 =	simm.s32 @p2 $0x1082  }
0x22: {  	[simem:s7], [sflag:s8] =	dma.local @!p0 [hbm:s6], $0xF7A  }
0x23: {  	s9 =	sor.u32 $0xD0000000, s2;
	s6 =	simm.s32 $0x108;
	_ =	swait.ge @!p0 [sflag:s8], $0x0  }
0x24: {  	s3 =	sadd.s32 $0x88, s3;
	s6 =	simm.s32 @!p1 $0x1082;
	[sflag:s4] =	ssyncset.s32 $0xFFFFF086  }
0x25: {  	[simem:s6], [sflag:s4] =	dma.local [hbm:s3], $0xF7A  }
0x26: {  	[smem:$0x3F9E] =	sst s1;
	(tag) =	ssettag s2;
	_ =	strace s9  }
0x27: {  	s1 =	sld [smem:$0x3FAE]  }
0x28: {  	s2 =	sld [smem:$0x3FAF]  }
0x29: {  	s4 =	sld [smem:$0x3FB1]  }
0x2a: {  	p0 =	seq.s32 s5, $0x0;
	s5 =	sld [smem:$0x3FB2]  }
0x2b: {  	s6 =	sld [smem:$0x3FB3]  }
0x2c: {  	s7 =	sld [smem:$0x3FB4]  }
0x2d: {  	s3 =	simm.s32 $0x108;
	s8 =	sld [smem:$0x3FB5]  }
0x2e: {  	s3 =	simm.s32 @!p0 $0x1082;
	s9 =	sld [smem:$0x3FB6]  }
0x2f: {  	lr =	sadd.s32 s0, s3;
	s0 =	sld [smem:$0x3FAD]  }
0x30: {  	s3 =	sld [smem:$0x3FB0]  }
0x31: {  	[smem:$0x3FB9] =	sst s10  }
0x32: {  	s10 =	sld [smem:$0x3FB7];
	_ =	sdelay $0x3  }
0x33: {  	p0 =	seq.s32 s10, $0x1;
	s10 =	sld [smem:$0x3FB9];
	_ =	sdelay $0x3  }
0x34: {  	[smem:$0x3FB9] =	sst s10  }
0x35: {  	s10 =	sld [smem:$0x3FB8];
	_ =	sdelay $0x3  }
0x36: {  	p1 =	seq.s32 s10, $0x1;
	s10 =	sld [smem:$0x3FB9];
	_ =	sdelay $0x3  }
0x37: {  	[smem:$0x3FB9] =	sst s10  }
0x38: {  	s10 =	sld [smem:$0x3FBA]  }
0x39: {  	_ = 	snop;
	(pc) =	sbr.ind lr, $3  }
0x3a: {  	_ = 	snop  }
0x3b: {  	_ = 	snop  }
0x3c: {  	p2 =	seq.s32 s10, $0x1;
	s10 =	sld [smem:$0x3FB9]  }
0x3d: {  	_ =	shalt  }
0x3e: {  	_ =	shalt  }
0x3f: {  	_ =	shalt  }
0x40: {  	_ =	shalt  }
0x41: {  	_ =	shalt  }
0x42: {  	_ =	shalt  }
0x43: {  	_ =	shalt  }
0x44: {  	_ =	shalt  }
0x45: {  	_ =	shalt  }
0x46: {  	_ =	shalt  }
0x47: {  	_ =	shalt  }
0x48: {  	_ =	shalt  }
0x49: {  	_ =	shalt  }
0x4a: {  	_ =	shalt  }
0x4b: {  	_ =	shalt  }
0x4c: {  	_ =	shalt  }
0x4d: {  	_ =	shalt  }
0x4e: {  	_ =	shalt  }
0x4f: {  	_ =	shalt  }
0x50: {  	_ =	shalt  }
0x51: {  	_ =	shalt  }
0x52: {  	_ =	shalt  }
0x53: {  	_ =	shalt  }
0x54: {  	_ =	shalt  }
0x55: {  	_ =	shalt  }
0x56: {  	_ =	shalt  }
0x57: {  	_ =	shalt  }
0x58: {  	_ =	shalt  }
0x59: {  	_ =	shalt  }
0x5a: {  	_ =	shalt  }
0x5b: {  	_ =	shalt  }
0x5c: {  	_ =	shalt  }
0x5d: {  	_ =	shalt  }
0x5e: {  	_ =	shalt  }
0x5f: {  	_ =	shalt  }
0x60: {  	_ =	shalt  }
0x61: {  	_ =	shalt  }
0x62: {  	_ =	shalt  }
0x63: {  	_ =	shalt  }
0x64: {  	_ =	shalt  }
0x65: {  	_ =	shalt  }
0x66: {  	_ =	shalt  }
0x67: {  	_ =	shalt  }
0x68: {  	_ =	shalt  }
0x69: {  	_ =	shalt  }
0x6a: {  	_ =	shalt  }
0x6b: {  	_ =	shalt  }
0x6c: {  	_ =	shalt  }
0x6d: {  	_ =	shalt  }
0x6e: {  	_ =	shalt  }
0x6f: {  	_ =	shalt  }
0x70: {  	_ =	shalt  }
0x71: {  	_ =	shalt  }
0x72: {  	_ =	shalt  }
0x73: {  	_ =	shalt  }
0x74: {  	_ =	shalt  }
0x75: {  	_ =	shalt  }
0x76: {  	_ =	shalt  }
0x77: {  	_ =	shalt  }
0x78: {  	_ =	shalt  }
0x79: {  	_ =	shalt  }
0x7a: {  	_ =	shalt  }
0x7b: {  	_ =	shalt  }
0x7c: {  	_ =	shalt  }
0x7d: {  	_ =	shalt  }
0x7e: {  	_ =	shalt  }
0x7f: {  	_ =	shalt  }
0x80: {  	_ =	shalt  }
0x81: {  	_ =	shalt  }
0x82: {  	_ =	shalt  }
0x83: {  	_ =	shalt  }
0x84: {  	_ =	shalt  }
0x85: {  	_ =	shalt  }
0x86: {  	_ =	shalt  }
0x87: {  	_ =	shalt  }
.Lfunc_end0:
.L_simem_size_0:
called_computation_lowered:
.L_overlay_start_0:
0x88: {  	s2 =	sld [smem:$0x3FD9]  }
0x89: {  	s3 =	sld [smem:$0x3FFE];
	_ =	sdelay $0x1  }
0x8a: {  	s1 =	srdreg.scid  }
0x8b: {  	s0 =	sand.u32 $0x1, s1  }
0x8c: {  	s17 =	sshll.u32 s0, $0xA;
	s2 =	sadd.s32 s3, s2  }
0x8d: {  	s2 =	sadd.s32 s2, s17  }
0x8e: {  	[smem:$0x3FC5] =	sst s2  }
0x8f: {  	_ = 	snop  }
0x90: {  	s2 =	sld [smem:$0x3FD0];
	(tm) =	ssettm $0x1  }
0x91: {  	s18 =	sld [smem:$0x3FFB];
	_ =	sdelay $0x3  }
0x92: {  	_ =	strace s18  }
0x93: {  	s3 =	sld [smem:$0x3FFC];
	_ =	sdelay $0x3  }
0x94: {  	_ =	strace s3  }
0x95: {  	s3 =	sld [smem:$0x3FFD];
	_ =	sdelay $0x3  }
0x96: {  	_ =	strace s3  }
0x97: {  	_ =	strace $0x8FFFFFFF  }
0x98: {  	s19 =	sld [smem:$0x3FDB];
	_ =	sdelay $0x1  }
0x99: {  	s4 =	simm.s32 $_scs_section_size  }
0x9a: {  	s5 =	simm.s32 $_size__tile_overlayer_lowered;
	s6 =	simm.s32 $_tile_overlayer_lowered  }
0x9b: {  	s22 =	simm.s32 $0x1BFF;
	s21 =	sshll.u32 s6, $0x1;
	s3 =	sadd.s32 s4, s19  }
0x9c: {  	s7 =	simm.s32 $0x0;
	s20 =	sshll.u32 s5, $0x1;
	s5 =	sadd.s32 s21, s3  }
0x9d: {  	[timem:s7], [sflag:s22] =	dma.local [hbm:s5], s20  }
0x9e: {  	_ =	swait.ge [sflag:s22], s20  }
0x9f: {  	s4 =	ssub.s32 $0x0, s20;
	[sflag:s22] =	ssyncset.done $0x0  }
0xa0: {  	[sflag:s22] =	ssyncadd.s32 s4;
	_ =	sdelay $0x1  }
0xa1: {  	s23 =	simm.s32 $0x1B8B  }
0xa2: {  	_ =	swait.ge [sflag:s23], $0x1  }
0xa3: {  	[sflag:s23] =	ssyncset.done $0x0  }
0xa4: {  	s25 =	simm.s32 $0x1B8E;
	s24 =	sld [smem:$0x3FFE];
	[sflag:s23] =	ssyncadd.s32 $0xFFFFFFFF  }
0xa5: {  	s26 =	simm.s32 $execute0_lowered;
	[smem:$0x3FD2] =	sst s25  }
0xa6: {  	s5 =	sshll.u32 s26, $0x1;
	_ =	strace $0x80000046;
	[dreg:$0x1] =	wrdreg $0xFFFFFFFF  }
0xa7: {  	s28 =	simm.s32 $_size_execute0_lowered;
	s3 =	sadd.s32 s3, s5;
	[dreg:$0x0] =	wrdreg $0x0  }
0xa8: {  	s5 =	sshll.u32 s28, $0x1;
	[dreg:$0x2] =	wrdreg s3  }
0xa9: {  	[dreg:$0x3] =	wrdreg s5  }
0xaa: {  	[dreg:$0x4] =	wrdreg $0xC0  }
0xab: {  	_ =	task [dreg:s7], $0x5FFFF  }
0xac: {  	[dreg:$0x1] =	wrdreg $0xFFFFFFFF  }
0xad: {  	[dreg:$0x0] =	wrdreg $0x60  }
0xae: {  	[dreg:$0x2] =	wrdreg s24  }
0xaf: {  	[dreg:$0x3] =	wrdreg s2  }
0xb0: {  	[dreg:$0x4] =	wrdreg $0x98000  }
0xb1: {  	[dreg:$0x5] =	wrdreg $0x9  }
0xb2: {  	_ =	task.clear_ibuf [dreg:s7], $0x6FFFF;
	_ =	strace $0x90000046  }
0xb3: {  	s29 =	simm.s32 $0x9;
	_ =	strace $0x80000048  }
0xb4: {  	_ =	swait.ge [sflag:s29], $0x1  }
0xb5: {  	[sflag:s29] =	ssyncadd.s32 $0xFFFFFFFF  }
0xb6: {  	_ =	strace $0x90000048  }
0xb7: {  	_ =	sfence  }
0xb8: {  	s30 =	sld [smem:$0x0];
	_ =	sdelay $0x2  }
0xb9: {  	s31 =	sshll.u32 s1, $0xD;
	s1 =	sshrl.u32 s1, $0x2  }
0xba: {  	s3 =	sand.u32 $0x4000, s31;
	s1 =	sadd.s32 s1, s30  }
0xbb: {  	s0 =	sor.u32 s3, s0;
	s1 =	sshll.u32 s1, $0x11  }
0xbc: {  	s0 =	sor.u32 s1, s0  }
0xbd: {  	s0 =	sadd.s32 $0x8F2B, s0  }
0xbe: {  	[sflag:s0] =	ssyncadd.remote.s32 $0x1  }
0xbf: {  	_ =	sfence.sel $0xFFFF  }
0xc0: {  	[dreg:$0x0] =	wrdreg $0xFFFFFFFF;
	(pc) =	sbr.abs _section_cstart, $3  }
0xc1: {  	[dreg:$0x1] =	wrdreg $0xFFFFFFFF  }
0xc2: {  	_ =	task.clear_ibuf [dreg:s7], $0x2FFFF;
	_ =	strace $0x9FFFFFFF  }
0xc3: {  	(tm) =	ssettm $0x7FFFFFFF  }
tec
execute0_lowered:
.L_overlay_start_1:
0x0: {  	(tag) =	ssettag $0x1  }
0x1: {  	s6 =	rddreg [dreg:$0x0]  }
0x2: {  	s0 =	srdreg.scid;
	s10 =	rddreg [dreg:$0x1]  }
0x3: {  	s2 =	rddreg [dreg:$0x2];
	s3 =	simm.s32 $0x0;
	s20 =	simm.s32 $0x80  }
0x4: {  	s21 =	simm.s32 $0x1;
	s7 =	sand.u32 $0x1, s0;
	s0 =	stileid.u32  }
0x5: {  	s22 =	simm.s32 $0x0;
	[smem:$0x7FF] =	sst s3;
	s11 =	smul.u32 $0x4F000, s0  }
0x6: {  	s5 =	sadd.s32 $0x19600, s6;
	s1 =	sshll.u32 s7, $0x4;
	s13 =	smul.u32 $0x13C000, s7  }
0x7: {  	s8 =	ssub.s32 $0x2, s7;
	s29 =	sshll.u32 s0, $0x6;
	s14 =	smul.u32 $0x13C00, s0  }
0x8: {  	s4 =	sor.u32 s0, s1;
	s1 =	rddreg [dreg:$0x3];
	_ =	strace $0x80000047  }
0x9: {  	s12 =	sshrl.u32 s8, $0x1;
	s7 =	sor.u32 $0x1C02, s29;
	s4 =	smul.u32 $0x580, s4  }
0xa: {  	s28 =	sshrl.u32 s11, $0x2;
	s12 =	ssub.s32 s8, s12;
	s30 =	sadd.s32 s14, s13  }
0xb: {  	s13 =	simm.s32 $0x2;
	s15 =	sadd.s32 s28, s2;
	s31 =	sshrl.u32 s30, $0x3  }
0xc: {  	s11 =	smax.u32 s12, $0x1;
	s9 =	sadd.s32 s4, s6;
	s4 =	sadd.s32 $0x19E00, s6  }
0xd: {  	s6 =	sadd.s32 $0x1A600, s6;
	s16 =	sadd.s32 $0x4000, s15;
	s17 =	sadd.s32 $0x8000, s15  }
0xe: {  	s18 =	sadd.s32 $0xC000, s15;
	s19 =	sadd.s32 $0x10000, s15;
	s10 =	sadd.s32 s10, s31  }
0xf: {  	s12 =	sshrl.u32 s15, $0x3;
	s8 =	sadd.s32 $0xE600, s9;
	s9 =	sadd.s32 $0x3600, s9  }
0x10: {  	s14 =	sshrl.u32 s16, $0x3;
	s15 =	sshrl.u32 s17, $0x3;
	s16 =	sshrl.u32 s18, $0x3  }
0x11: {  	s17 =	sshrl.u32 s19, $0x3;
	s18 =	simm.s32 $0x2C00;
	s19 =	simm.s32 $0x5800  }
.LBB2_1:
0x12: {  	[spmem:s12], [sflag:s7] =	dma.local [hbm:s6], $0x800  }
0x13: {  	_ =	swait.ge [sflag:s13], $0x800  }
0x14: {  	[sflag:s13] =	ssyncset.done $0x0  }
0x15: {  	[sflag:s13] =	ssyncadd.s32 $0xFFFFF800  }
0x16: {  	[spmem:s14], [sflag:s7] =	dma.local [hbm:s6], $0x800  }
0x17: {  	_ =	swait.ge [sflag:s13], $0x800  }
0x18: {  	[sflag:s13] =	ssyncset.done $0x0  }
0x19: {  	[sflag:s13] =	ssyncadd.s32 $0xFFFFF800  }
0x1a: {  	[spmem:s15], [sflag:s7] =	dma.local [hbm:s6], $0x800  }
0x1b: {  	_ =	swait.ge [sflag:s13], $0x800  }
0x1c: {  	[sflag:s13] =	ssyncset.done $0x0  }
0x1d: {  	[sflag:s13] =	ssyncadd.s32 $0xFFFFF800  }
0x1e: {  	[spmem:s16], [sflag:s7] =	dma.local [hbm:s6], $0x800  }
0x1f: {  	_ =	swait.ge [sflag:s13], $0x800  }
0x20: {  	[sflag:s13] =	ssyncset.done $0x0  }
0x21: {  	[sflag:s13] =	ssyncadd.s32 $0xFFFFF800  }
0x22: {  	[spmem:s17], [sflag:s7] =	dma.local [hbm:s6], $0x780  }
0x23: {  	_ =	swait.ge [sflag:s13], $0x780  }
0x24: {  	[sflag:s13] =	ssyncset.done $0x0  }
0x25: {  	[sflag:s13] =	ssyncadd.s32 $0xFFFFF880  }
0x26: {  	[tilespmem:s3], [sflag:$0x2] =	stream.linear.gather [hbm4b:s8+s3], $0x2880, $0x38;
	[tilespmem:$0x1D400] =	vst v63  }
0x27: {  	_ =	swait.ge [sflag:s13], $0x2880  }
0x28: {  	[sflag:s13] =	ssyncset.done $0x0  }
0x29: {  	[sflag:s13] =	ssyncadd.s32 $0xFFFFD780  }
0x2a: {  	[tilespmem:s18], [sflag:$0x2] =	stream.linear.gather [hbm4b:s9+s3], $0x2880, $0x38;
	[tilespmem:$0x1D400] =	vst v63  }
0x2b: {  	_ =	swait.ge [sflag:s13], $0x2880  }
0x2c: {  	[sflag:s13] =	ssyncset.done $0x0  }
0x2d: {  	[sflag:s13] =	ssyncadd.s32 $0xFFFFD780  }
0x2e: {  	[tilespmem:s19], [sflag:$0x2] =	stream.linear.gather [hbm4b:s4+s3], $0x4000, $0x38;
	[tilespmem:$0x1D400] =	vst v63  }
0x2f: {  	_ =	swait.ge [sflag:s13], $0x4000  }
0x30: {  	[sflag:s13] =	ssyncset.done $0x0  }
0x31: {  	[sflag:s13] =	ssyncadd.s32 $0xFFFFC000  }
0x32: {  	s23 =	simm.s32 $0x0;
	[bflag:$0x0] =	sbarrier.arrive $0xFFFF  }
.LBB2_2:
0x33: {  	p0 =	sne.s32 s23, $0xA000  }
.Ltmp0:
0x34: {  	_ = 	snop;
	(pc) =	sbr.rel @p0 .LBB2_2-.Ltmp0, $3  }
0x35: {  	_ =	sdelay $0x1  }
0x36: {  	s24 =	sshra.s32 s23, $0x2;
	s23 =	sadd.s32 $0x200, s23  }
0x37: {  	[spmem:s2] =	stream.indirect.scatter.add.f32 [tilespmem:s19], [sflag:$0x1], $0x80, s24, s20, $0xb8;
	[tilespmem:$0x1D400] =	vst v63  }
0x38: {  	_ =	swait.ge [sflag:s21], $0x4000  }
0x39: {  	s23 =	simm.s32 $0x50;
	[sflag:s21] =	ssyncset.done $0x0  }
.LBB2_4:
0x3a: {  	p0 =	sne.s32 s23, $0x1;
	s23 =	sadd.s32 $0xFFFFFFFF, s23;
	[sflag:s21] =	ssyncadd.s32 $0xFFFFC000  }
.Ltmp1:
0x3b: {  	(pc) =	sbr.rel @p0 .LBB2_4-.Ltmp1, $3  }
0x3c: {  	_ =	sdelay $0x1  }
0x3d: {  	_ =	swait.ge [sflag:s21], $0x4000  }
0x3e: {  	[sflag:s21] =	ssyncset.done $0x0  }
0x3f: {  	[sflag:s21] =	ssyncadd.s32 $0xFFFFC000;
	s23 =	simm.s32 $0x0  }
0x40: {  	[tilespmem:s19], [sflag:$0x2] =	stream.linear.gather [hbm4b:s5+s23], $0x4000, $0x38;
	[tilespmem:$0x1D400] =	vst v63  }
0x41: {  	_ =	swait.ge [sflag:s13], $0x4000  }
0x42: {  	[sflag:s13] =	ssyncset.done $0x0  }
0x43: {  	[sflag:s13] =	ssyncadd.s32 $0xFFFFC000  }
.LBB2_6:
0x44: {  	p0 =	sne.s32 s23, $0xA000  }
.Ltmp2:
0x45: {  	_ = 	snop;
	(pc) =	sbr.rel @p0 .LBB2_6-.Ltmp2, $4  }
0x46: {  	_ = 	snop  }
0x47: {  	s24 =	sshra.s32 s23, $0x2  }
0x48: {  	s23 =	sadd.s32 $0x200, s23;
	s24 =	sadd.s32 $0x2C00, s24  }
0x49: {  	[spmem:s2] =	stream.indirect.scatter.add.f32 [tilespmem:s19], [sflag:$0x1], $0x80, s24, s20, $0xb8;
	[tilespmem:$0x1D400] =	vst v63  }
0x4a: {  	_ =	swait.ge [sflag:s21], $0x4000  }
0x4b: {  	s23 =	simm.s32 $0x50;
	[sflag:s21] =	ssyncset.done $0x0  }
.LBB2_8:
0x4c: {  	p0 =	sne.s32 s23, $0x1;
	s23 =	sadd.s32 $0xFFFFFFFF, s23;
	[sflag:s21] =	ssyncadd.s32 $0xFFFFC000  }
.Ltmp3:
0x4d: {  	(pc) =	sbr.rel @p0 .LBB2_8-.Ltmp3, $3  }
0x4e: {  	_ =	sdelay $0x1  }
0x4f: {  	_ =	swait.ge [sflag:s21], $0x4000  }
0x50: {  	[sflag:s21] =	ssyncset.done $0x0  }
0x51: {  	s22 =	sadd.s32 $0x1, s22  }
0x52: {  	[sflag:s21] =	ssyncadd.s32 $0xFFFFC000;
	p0 =	sne.s32 s22, s11  }
.Ltmp4:
0x53: {  	[bflag:$0x0] =	sbarrier.arrive $0xFFFF;
	(pc) =	sbr.rel @p0 .LBB2_1-.Ltmp4, $4  }
0x54: {  	[hbm:s10], [sflag:s7] =	dma.local [spmem:s12], $0x2780  }
0x55: {  	_ =	swait.ge [sflag:s13], $0x2780  }
0x56: {  	[sflag:s13] =	ssyncset.done $0x0  }
0x57: {  	[sflag:s13] =	ssyncadd.s32 $0xFFFFD880  }
0x58: {  	_ =	sfence.sel $0x180000  }
0x59: {  	[bflag:$0x0] =	sbarrier.arrive $0xFFFF  }
0x5a: {  	p0 =	sne.s32 s0, $0x0;
	_ =	strace $0x90000047  }
0x5b: {  	s0 =	sadd.s32 @!p0 $0x100000, s1;
	[bflag:$0x2] =	sbarrier.arrive $0xFFFF  }
0x5c: {  	[sflag:s0] =	ssyncadd.tile.s32 @!p0 $0x1;
	_ =	shalt  }
.Lfunc_end2:
_tile_overlayer_lowered:
.L_overlay_start_2:
0x5d: {  	(tag) =	ssettag $0x2  }
0x5e: {  	s0 =	rddreg [dreg:$0x0];
	s2 =	stileid.u32  }
0x5f: {  	s1 =	rddreg [dreg:$0x1];
	p0 =	sne.s32 s2, $0x0  }
0x60: {  	s3 =	rddreg [dreg:$0x2];
	[bflag:$0x3] =	sbarrier.arrive $0xFFFF;
	s2 =	simm.s32 @!p0 $0x1C02  }
0x61: {  	[timem:s3], [sflag:s2] =	dma.local @!p0 [hbm:s0], s1  }
0x62: {  	s0 =	simm.s32 @!p0 $0x2  }
0x63: {  	_ =	swait.ge @!p0 [sflag:s0], s1  }
0x64: {  	s1 =	ssub.s32 @!p0 $0x0, s1;
	[sflag:s0] =	ssyncset.done @!p0 $0x0  }
0x65: {  	[sflag:s0] =	ssyncadd.s32 @!p0 s1  }
0x66: {  	[bflag:$0x3] =	sbarrier.arrive $0xFFFF  }
0x67: {  	_ =	shalt  }

// kernel: kernel.15.cloned.1.call-start
scs
__scs_entry_jumppad:
0x0: {  	(pc) =	sbr.rel $0x88, $3  }
0x1: {  	(tag) =	ssettag $0x0;
	lr =	simm.s32 $0x1  }
0x2: {  	[smem:$0x3F9E] =	sst lr;
	_ =	strace $0xD0000000  }
0x3: {  	_ = 	snop  }
0x4: {  	_ = 	snop  }
0x5: {  	_ = 	snop  }
0x6: {  	_ = 	snop  }
0x7: {  	_ = 	snop  }
__scs_overlays_trampoline_lowered:
0x8: {  	[smem:$0x3FAD] =	sst s0  }
0x9: {  	[smem:$0x3FAE] =	sst s1  }
0xa: {  	[smem:$0x3FAF] =	sst s2  }
0xb: {  	[smem:$0x3FB0] =	sst s3  }
0xc: {  	[smem:$0x3FB1] =	sst s4  }
0xd: {  	[smem:$0x3FB2] =	sst s5  }
0xe: {  	[smem:$0x3FB3] =	sst s6  }
0xf: {  	[smem:$0x3FB4] =	sst s7  }
0x10: {  	[smem:$0x3FB5] =	sst s8  }
0x11: {  	[smem:$0x3FB6] =	sst s9;
	s0 =	simm.s32 @!p0 $0x0  }
0x12: {  	s1 =	sld [smem:$0x3F9C];
	s0 =	simm.s32 @p0 $0x1  }
0x13: {  	[smem:$0x3FB7] =	sst s0;
	s0 =	simm.s32 @!p1 $0x0  }
0x14: {  	s2 =	sld [smem:$0x3F9B];
	s0 =	simm.s32 @p1 $0x1  }
0x15: {  	[smem:$0x3FB8] =	sst s0;
	s0 =	simm.s32 @!p2 $0x0  }
0x16: {  	s3 =	sld [smem:$0x3FDB];
	s0 =	simm.s32 @p2 $0x1  }
0x17: {  	s4 =	simm.s32 $0x1BF5;
	[smem:$0x3FBA] =	sst s0  }
0x18: {  	s0 =	sld [smem:$0x3F9D];
	_ =	swait.ge [sflag:s4], $0x0  }
0x19: {  	s7 =	sld [smem:$0x3F9E]  }
0x1a: {  	s8 =	sadd.s32 $0xFFFFE003, lr  }
0x1b: {  	s9 =	sadd.s32 $0xFFFFFEF7, lr;
	s5 =	simm.s32 $0xFFFFFFFF;
	p2 =	slt.u32 s8, $0xFFFFF086  }
0x1c: {  	p1 =	slt.u32 s9, $0xF7A;
	s5 =	simm.s32 @!p2 $0x0  }
0x1d: {  	s5 =	simm.s32 @p1 $0x1;
	p0 =	seq.s32 s7, s2  }
0x1e: {  	s7 =	smul.u32 @!p0 $0xF7A, s2;
	p2 =	seq.s32 @!p0 s5, $0x0  }
0x1f: {  	s9 =	smul.u32 $0xF7A, s1;
	s8 =	simm.s32 @!p0 $0x1BF5;
	p2 =	por !p2, p0  }
0x20: {  	[sflag:s8] =	ssyncset.s32 @!p0 $0xFFFFF086;
	s6 =	sadd.s32 @!p0 s3, s7;
	s7 =	simm.s32 @!p0 $0x108  }
0x21: {  	s3 =	sadd.s32 s3, s9;
	s6 =	sadd.s32 @!p0 $0x88, s6;
	s7 =	simm.s32 @p2 $0x1082  }
0x22: {  	[simem:s7], [sflag:s8] =	dma.local @!p0 [hbm:s6], $0xF7A  }
0x23: {  	s9 =	sor.u32 $0xD0000000, s2;
	s6 =	simm.s32 $0x108;
	_ =	swait.ge @!p0 [sflag:s8], $0x0  }
0x24: {  	s3 =	sadd.s32 $0x88, s3;
	s6 =	simm.s32 @!p1 $0x1082;
	[sflag:s4] =	ssyncset.s32 $0xFFFFF086  }
0x25: {  	[simem:s6], [sflag:s4] =	dma.local [hbm:s3], $0xF7A  }
0x26: {  	[smem:$0x3F9E] =	sst s1;
	(tag) =	ssettag s2;
	_ =	strace s9  }
0x27: {  	s1 =	sld [smem:$0x3FAE]  }
0x28: {  	s2 =	sld [smem:$0x3FAF]  }
0x29: {  	s4 =	sld [smem:$0x3FB1]  }
0x2a: {  	p0 =	seq.s32 s5, $0x0;
	s5 =	sld [smem:$0x3FB2]  }
0x2b: {  	s6 =	sld [smem:$0x3FB3]  }
0x2c: {  	s7 =	sld [smem:$0x3FB4]  }
0x2d: {  	s3 =	simm.s32 $0x108;
	s8 =	sld [smem:$0x3FB5]  }
0x2e: {  	s3 =	simm.s32 @!p0 $0x1082;
	s9 =	sld [smem:$0x3FB6]  }
0x2f: {  	lr =	sadd.s32 s0, s3;
	s0 =	sld [smem:$0x3FAD]  }
0x30: {  	s3 =	sld [smem:$0x3FB0]  }
0x31: {  	[smem:$0x3FB9] =	sst s10  }
0x32: {  	s10 =	sld [smem:$0x3FB7];
	_ =	sdelay $0x3  }
0x33: {  	p0 =	seq.s32 s10, $0x1;
	s10 =	sld [smem:$0x3FB9];
	_ =	sdelay $0x3  }
0x34: {  	[smem:$0x3FB9] =	sst s10  }
0x35: {  	s10 =	sld [smem:$0x3FB8];
	_ =	sdelay $0x3  }
0x36: {  	p1 =	seq.s32 s10, $0x1;
	s10 =	sld [smem:$0x3FB9];
	_ =	sdelay $0x3  }
0x37: {  	[smem:$0x3FB9] =	sst s10  }
0x38: {  	s10 =	sld [smem:$0x3FBA]  }
0x39: {  	_ = 	snop;
	(pc) =	sbr.ind lr, $3  }
0x3a: {  	_ = 	snop  }
0x3b: {  	_ = 	snop  }
0x3c: {  	p2 =	seq.s32 s10, $0x1;
	s10 =	sld [smem:$0x3FB9]  }
0x3d: {  	_ =	shalt  }
0x3e: {  	_ =	shalt  }
0x3f: {  	_ =	shalt  }
0x40: {  	_ =	shalt  }
0x41: {  	_ =	shalt  }
0x42: {  	_ =	shalt  }
0x43: {  	_ =	shalt  }
0x44: {  	_ =	shalt  }
0x45: {  	_ =	shalt  }
0x46: {  	_ =	shalt  }
0x47: {  	_ =	shalt  }
0x48: {  	_ =	shalt  }
0x49: {  	_ =	shalt  }
0x4a: {  	_ =	shalt  }
0x4b: {  	_ =	shalt  }
0x4c: {  	_ =	shalt  }
0x4d: {  	_ =	shalt  }
0x4e: {  	_ =	shalt  }
0x4f: {  	_ =	shalt  }
0x50: {  	_ =	shalt  }
0x51: {  	_ =	shalt  }
0x52: {  	_ =	shalt  }
0x53: {  	_ =	shalt  }
0x54: {  	_ =	shalt  }
0x55: {  	_ =	shalt  }
0x56: {  	_ =	shalt  }
0x57: {  	_ =	shalt  }
0x58: {  	_ =	shalt  }
0x59: {  	_ =	shalt  }
0x5a: {  	_ =	shalt  }
0x5b: {  	_ =	shalt  }
0x5c: {  	_ =	shalt  }
0x5d: {  	_ =	shalt  }
0x5e: {  	_ =	shalt  }
0x5f: {  	_ =	shalt  }
0x60: {  	_ =	shalt  }
0x61: {  	_ =	shalt  }
0x62: {  	_ =	shalt  }
0x63: {  	_ =	shalt  }
0x64: {  	_ =	shalt  }
0x65: {  	_ =	shalt  }
0x66: {  	_ =	shalt  }
0x67: {  	_ =	shalt  }
0x68: {  	_ =	shalt  }
0x69: {  	_ =	shalt  }
0x6a: {  	_ =	shalt  }
0x6b: {  	_ =	shalt  }
0x6c: {  	_ =	shalt  }
0x6d: {  	_ =	shalt  }
0x6e: {  	_ =	shalt  }
0x6f: {  	_ =	shalt  }
0x70: {  	_ =	shalt  }
0x71: {  	_ =	shalt  }
0x72: {  	_ =	shalt  }
0x73: {  	_ =	shalt  }
0x74: {  	_ =	shalt  }
0x75: {  	_ =	shalt  }
0x76: {  	_ =	shalt  }
0x77: {  	_ =	shalt  }
0x78: {  	_ =	shalt  }
0x79: {  	_ =	shalt  }
0x7a: {  	_ =	shalt  }
0x7b: {  	_ =	shalt  }
0x7c: {  	_ =	shalt  }
0x7d: {  	_ =	shalt  }
0x7e: {  	_ =	shalt  }
0x7f: {  	_ =	shalt  }
0x80: {  	_ =	shalt  }
0x81: {  	_ =	shalt  }
0x82: {  	_ =	shalt  }
0x83: {  	_ =	shalt  }
0x84: {  	_ =	shalt  }
0x85: {  	_ =	shalt  }
0x86: {  	_ =	shalt  }
0x87: {  	_ =	shalt  }
.Lfunc_end0:
.L_simem_size_0:
called_computation.1_lowered:
.L_overlay_start_0:
0x88: {  	s2 =	sld [smem:$0x3FD9]  }
0x89: {  	s3 =	sld [smem:$0x3FFE];
	_ =	sdelay $0x1  }
0x8a: {  	s1 =	srdreg.scid  }
0x8b: {  	s0 =	sand.u32 $0x1, s1  }
0x8c: {  	s17 =	sshll.u32 s0, $0xA;
	s2 =	sadd.s32 s3, s2  }
0x8d: {  	s2 =	sadd.s32 s2, s17  }
0x8e: {  	[smem:$0x3FC5] =	sst s2  }
0x8f: {  	_ = 	snop  }
0x90: {  	s2 =	sld [smem:$0x3FD0];
	(tm) =	ssettm $0x1  }
0x91: {  	s18 =	sld [smem:$0x3FFB];
	_ =	sdelay $0x3  }
0x92: {  	_ =	strace s18  }
0x93: {  	s3 =	sld [smem:$0x3FFC];
	_ =	sdelay $0x3  }
0x94: {  	_ =	strace s3  }
0x95: {  	s3 =	sld [smem:$0x3FFD];
	_ =	sdelay $0x3  }
0x96: {  	_ =	strace s3  }
0x97: {  	_ =	strace $0x8FFFFFFF  }
0x98: {  	s19 =	sld [smem:$0x3FDB];
	_ =	sdelay $0x1  }
0x99: {  	s4 =	simm.s32 $_scs_section_size  }
0x9a: {  	s5 =	simm.s32 $_size__tile_overlayer_lowered;
	s6 =	simm.s32 $_tile_overlayer_lowered  }
0x9b: {  	s22 =	simm.s32 $0x1BFF;
	s21 =	sshll.u32 s6, $0x1;
	s3 =	sadd.s32 s4, s19  }
0x9c: {  	s7 =	simm.s32 $0x0;
	s20 =	sshll.u32 s5, $0x1;
	s5 =	sadd.s32 s21, s3  }
0x9d: {  	[timem:s7], [sflag:s22] =	dma.local [hbm:s5], s20  }
0x9e: {  	_ =	swait.ge [sflag:s22], s20  }
0x9f: {  	s4 =	ssub.s32 $0x0, s20;
	[sflag:s22] =	ssyncset.done $0x0  }
0xa0: {  	[sflag:s22] =	ssyncadd.s32 s4;
	_ =	sdelay $0x1  }
0xa1: {  	s23 =	simm.s32 $0x1B8B  }
0xa2: {  	_ =	swait.ge [sflag:s23], $0x1  }
0xa3: {  	[sflag:s23] =	ssyncset.done $0x0  }
0xa4: {  	s25 =	simm.s32 $0x1B8E;
	s24 =	sld [smem:$0x3FFE];
	[sflag:s23] =	ssyncadd.s32 $0xFFFFFFFF  }
0xa5: {  	s26 =	simm.s32 $execute0_lowered;
	[smem:$0x3FD2] =	sst s25  }
0xa6: {  	s5 =	sshll.u32 s26, $0x1;
	_ =	strace $0x80000049;
	[dreg:$0x1] =	wrdreg $0xFFFFFFFF  }
0xa7: {  	s28 =	simm.s32 $_size_execute0_lowered;
	s3 =	sadd.s32 s3, s5;
	[dreg:$0x0] =	wrdreg $0x0  }
0xa8: {  	s5 =	sshll.u32 s28, $0x1;
	[dreg:$0x2] =	wrdreg s3  }
0xa9: {  	[dreg:$0x3] =	wrdreg s5  }
0xaa: {  	[dreg:$0x4] =	wrdreg $0xC0  }
0xab: {  	_ =	task [dreg:s7], $0x5FFFF  }
0xac: {  	[dreg:$0x1] =	wrdreg $0xFFFFFFFF  }
0xad: {  	[dreg:$0x0] =	wrdreg $0x60  }
0xae: {  	[dreg:$0x2] =	wrdreg s24  }
0xaf: {  	[dreg:$0x3] =	wrdreg s2  }
0xb0: {  	[dreg:$0x4] =	wrdreg $0xC3000  }
0xb1: {  	[dreg:$0x5] =	wrdreg $0x9  }
0xb2: {  	_ =	task.clear_ibuf [dreg:s7], $0x6FFFF;
	_ =	strace $0x90000049  }
0xb3: {  	s29 =	simm.s32 $0x9;
	_ =	strace $0x8000004B  }
0xb4: {  	_ =	swait.ge [sflag:s29], $0x1  }
0xb5: {  	[sflag:s29] =	ssyncadd.s32 $0xFFFFFFFF  }
0xb6: {  	_ =	strace $0x9000004B  }
0xb7: {  	_ =	sfence  }
0xb8: {  	s30 =	sld [smem:$0x0];
	_ =	sdelay $0x2  }
0xb9: {  	s31 =	sshll.u32 s1, $0xD;
	s1 =	sshrl.u32 s1, $0x2  }
0xba: {  	s3 =	sand.u32 $0x4000, s31;
	s1 =	sadd.s32 s1, s30  }
0xbb: {  	s0 =	sor.u32 s3, s0;
	s1 =	sshll.u32 s1, $0x11  }
0xbc: {  	s0 =	sor.u32 s1, s0  }
0xbd: {  	s0 =	sadd.s32 $0x8F2B, s0  }
0xbe: {  	[sflag:s0] =	ssyncadd.remote.s32 $0x1  }
0xbf: {  	_ =	sfence.sel $0xFFFF  }
0xc0: {  	[dreg:$0x0] =	wrdreg $0xFFFFFFFF;
	(pc) =	sbr.abs _section_cstart, $3  }
0xc1: {  	[dreg:$0x1] =	wrdreg $0xFFFFFFFF  }
0xc2: {  	_ =	task.clear_ibuf [dreg:s7], $0x2FFFF;
	_ =	strace $0x9FFFFFFF  }
0xc3: {  	(tm) =	ssettm $0x7FFFFFFF  }
tec
execute0_lowered:
.L_overlay_start_1:
0x0: {  	(tag) =	ssettag $0x1  }
0x1: {  	s0 =	rddreg [dreg:$0x0]  }
0x2: {  	s3 =	rddreg [dreg:$0x1]  }
0x3: {  	s1 =	rddreg [dreg:$0x2];
	s2 =	simm.s32 $0x0  }
0x4: {  	s6 =	srdreg.scid;
	s16 =	stileid.u32;
	s30 =	simm.s32 $0x1  }
0x5: {  	s31 =	simm.s32 $0x2;
	s29 =	simm.s32 $0x100;
	[smem:$0x7FF] =	sst s2  }
0x6: {  	s4 =	sadd.s32 $0x25E00, s0;
	s5 =	sadd.s32 $0x1AE00, s0;
	s7 =	sand.u32 $0x1, s6  }
0x7: {  	s6 =	sadd.s32 $0x3600, s0;
	s9 =	smul.u32 $0x4F000, s16;
	s0 =	sadd.s32 $0x1A600, s0  }
0x8: {  	s11 =	sshll.u32 s16, $0x6;
	_ =	strace $0x8000004A;
	s8 =	ssub.s32 $0x2, s7  }
0x9: {  	[dreg:$0x4] =	wrdreg s0;
	s10 =	sshll.u32 s7, $0x4;
	s19 =	sor.u32 $0x1C0D, s11  }
0xa: {  	s7 =	smul.u32 $0x13C000, s7;
	s11 =	simm.s32 $0x3;
	s21 =	sshrl.u32 s8, $0x1  }
0xb: {  	s22 =	sshrl.u32 s9, $0x2;
	s23 =	sor.u32 s16, s10;
	s16 =	smul.u32 $0x13C00, s16  }
0xc: {  	s10 =	simm.s32 $0xB;
	s9 =	simm.s32 $0x0;
	[dreg:$0x5] =	wrdreg s19  }
0xd: {  	s0 =	ssub.s32 s8, s21;
	s24 =	sadd.s32 s22, s1;
	s8 =	smul.u32 $0x2C00, s23  }
0xe: {  	s25 =	sadd.s32 $0x4000, s24;
	s26 =	sadd.s32 $0x8000, s24;
	s12 =	sadd.s32 $0xC000, s24  }
0xf: {  	s14 =	sadd.s32 $0x10000, s24;
	s7 =	sadd.s32 s16, s7;
	s0 =	smax.u32 s0, $0x1  }
0x10: {  	s16 =	simm.s32 $0x300;
	s13 =	sshrl.u32 s8, $0x3;
	s7 =	sshrl.u32 s7, $0x3  }
0x11: {  	[dreg:$0xe] =	wrdreg s0;
	s23 =	sshrl.u32 s25, $0x3;
	s25 =	sshrl.u32 s26, $0x3  }
0x12: {  	s26 =	sshrl.u32 s12, $0x3;
	s0 =	simm.s32 $0x4300;
	[dreg:$0x10] =	wrdreg s23  }
0x13: {  	s15 =	sor.u32 $0x10, s13;
	s18 =	sadd.s32 s5, s13;
	[dreg:$0x11] =	wrdreg s25  }
0x14: {  	s28 =	sor.u32 $0x20, s13;
	s13 =	sadd.s32 s6, s13;
	[dreg:$0x12] =	wrdreg s26  }
0x15: {  	s12 =	simm.s32 $0x8300;
	s3 =	sadd.s32 s3, s7;
	[dreg:$0x9] =	wrdreg s13  }
0x16: {  	s25 =	simm.s32 $0x80;
	s23 =	simm.s32 $0xC;
	[dreg:$0x6] =	wrdreg s18  }
0x17: {  	s17 =	sadd.s32 s5, s15;
	s20 =	sadd.s32 s5, s28;
	[dreg:$0xd] =	wrdreg s3  }
0x18: {  	s21 =	sadd.s32 s6, s28;
	s22 =	sadd.s32 $0x30, s18;
	[dreg:$0x7] =	wrdreg s17  }
0x19: {  	s28 =	sshrl.u32 s14, $0x3;
	s3 =	simm.s32 $0x280;
	[dreg:$0x8] =	wrdreg s20  }
0x1a: {  	s13 =	simm.s32 $0x7;
	s14 =	simm.s32 $0x4;
	[dreg:$0xb] =	wrdreg s21  }
0x1b: {  	s18 =	simm.s32 $0x5;
	s20 =	sadd.s32 s6, s15;
	[dreg:$0xc] =	wrdreg s22  }
0x1c: {  	[dreg:$0x13] =	wrdreg s28;
	s15 =	simm.s32 $0xA;
	s17 =	simm.s32 $0x8  }
0x1d: {  	s21 =	simm.s32 $0x9;
	[dreg:$0xa] =	wrdreg s20;
	s20 =	sshrl.u32 s24, $0x3  }
0x1e: {  	s22 =	simm.s32 $0x6;
	s24 =	simm.s32 $0xD;
	[dreg:$0xf] =	wrdreg s20  }
.LBB2_1:
0x1f: {  	[dreg:$0x14] =	wrdreg s9  }
0x20: {  	s7 =	rddreg [dreg:$0x4]  }
0x21: {  	[spmem:s20], [sflag:s19] =	dma.local [hbm:s7], $0x800  }
0x22: {  	_ =	swait.ge [sflag:s24], $0x800  }
0x23: {  	[sflag:s24] =	ssyncset.done $0x0  }
0x24: {  	s28 =	rddreg [dreg:$0x10];
	[sflag:s24] =	ssyncadd.s32 $0xFFFFF800  }
0x25: {  	[spmem:s28], [sflag:s19] =	dma.local [hbm:s7], $0x800  }
0x26: {  	_ =	swait.ge [sflag:s24], $0x800  }
0x27: {  	[sflag:s24] =	ssyncset.done $0x0  }
0x28: {  	s20 =	rddreg [dreg:$0x11];
	[sflag:s24] =	ssyncadd.s32 $0xFFFFF800  }
0x29: {  	[spmem:s20], [sflag:s19] =	dma.local [hbm:s7], $0x800  }
0x2a: {  	_ =	swait.ge [sflag:s24], $0x800  }
0x2b: {  	[sflag:s24] =	ssyncset.done $0x0  }
0x2c: {  	s26 =	rddreg [dreg:$0x12];
	[sflag:s24] =	ssyncadd.s32 $0xFFFFF800  }
0x2d: {  	[spmem:s26], [sflag:s19] =	dma.local [hbm:s7], $0x800  }
0x2e: {  	_ =	swait.ge [sflag:s24], $0x800  }
0x2f: {  	[sflag:s24] =	ssyncset.done $0x0  }
0x30: {  	s28 =	rddreg [dreg:$0x13];
	[sflag:s24] =	ssyncadd.s32 $0xFFFFF800  }
0x31: {  	[spmem:s28], [sflag:s19] =	dma.local [hbm:s7], $0x780  }
0x32: {  	_ =	swait.ge [sflag:s24], $0x780  }
0x33: {  	[sflag:s24] =	ssyncset.done $0x0  }
0x34: {  	[sflag:s24] =	ssyncadd.s32 $0xFFFFF880  }
0x35: {  	[bflag:$0x0] =	sbarrier.arrive $0xFFFF  }
0x36: {  	s9 =	rddreg [dreg:$0x6]  }
0x37: {  	[tilespmem:s2], [sflag:$0x1] =	stream.linear.gather [hbm4b:s9+s2], $0x80, $0x38;
	[tilespmem:$0x1FF00] =	vst v63  }
0x38: {  	s19 =	rddreg [dreg:$0x7]  }
0x39: {  	[tilespmem:s25], [sflag:$0x2] =	stream.linear.gather [hbm4b:s19+s2], $0x80, $0x38;
	[tilespmem:$0x1FF00] =	vst v63  }
0x3a: {  	s20 =	rddreg [dreg:$0x8];
	s19 =	simm.s32 $0x100  }
0x3b: {  	[tilespmem:s19], [sflag:$0x3] =	stream.linear.gather [hbm4b:s20+s2], $0x80, $0x38;
	[tilespmem:$0x1FF00] =	vst v63  }
0x3c: {  	s24 =	rddreg [dreg:$0x9];
	s20 =	simm.s32 $0x180  }
0x3d: {  	[tilespmem:s20], [sflag:$0x4] =	stream.linear.gather [hbm4b:s24+s2], $0x80, $0x38;
	[tilespmem:$0x1FF00] =	vst v63  }
0x3e: {  	s26 =	rddreg [dreg:$0xa];
	s24 =	simm.s32 $0x200  }
0x3f: {  	[tilespmem:s24], [sflag:$0x5] =	stream.linear.gather [hbm4b:s26+s2], $0x80, $0x38;
	[tilespmem:$0x1FF00] =	vst v63  }
0x40: {  	_ =	swait.ge [sflag:s30], $0x80  }
0x41: {  	[sflag:s30] =	ssyncset.done $0x0  }
0x42: {  	[sflag:s30] =	ssyncadd.s32 $0xFFFFFF80  }
0x43: {  	[tilespmem:s16], [sflag:$0x7] =	stream.indirect.gather [hbm4b:s4+s25], $0x80, s2, s25, $0xb8;
	[tilespmem:$0x1FF00] =	vst v63  }
0x44: {  	_ =	swait.ge [sflag:s31], $0x80  }
0x45: {  	[sflag:s31] =	ssyncset.done $0x0  }
0x46: {  	[sflag:s31] =	ssyncadd.s32 $0xFFFFFF80  }
0x47: {  	[tilespmem:s0], [sflag:$0x8] =	stream.indirect.gather [hbm4b:s4+s25], $0x80, s25, s25, $0xb8;
	[tilespmem:$0x1FF00] =	vst v63  }
0x48: {  	s28 =	rddreg [dreg:$0xb]  }
0x49: {  	[tilespmem:s3], [sflag:$0x6] =	stream.linear.gather [hbm4b:s28+s2], $0x80, $0x38;
	[tilespmem:$0x1FF00] =	vst v63  }
0x4a: {  	_ =	swait.ge [sflag:s11], $0x80  }
0x4b: {  	[sflag:s11] =	ssyncset.done $0x0  }
0x4c: {  	[sflag:s11] =	ssyncadd.s32 $0xFFFFFF80  }
0x4d: {  	[tilespmem:s12], [sflag:$0x9] =	stream.indirect.gather [hbm4b:s4+s25], $0x80, s19, s25, $0xb8;
	[tilespmem:$0x1FF00] =	vst v63  }
0x4e: {  	_ =	swait.ge [sflag:s13], $0x4000  }
0x4f: {  	[sflag:s13] =	ssyncset.done $0x0  }
0x50: {  	[sflag:s13] =	ssyncadd.s32 $0xFFFFC000  }
0x51: {  	_ =	swait.ge [sflag:s14], $0x80  }
0x52: {  	[sflag:s14] =	ssyncset.done $0x0  }
0x53: {  	s26 =	simm.s32 $0x180;
	[sflag:s14] =	ssyncadd.s32 $0xFFFFFF80  }
0x54: {  	[spmem:s1] =	stream.indirect.scatter.add.f32 [tilespmem:s16], [sflag:$0xA], $0x80, s20, s25, $0xb8;
	[tilespmem:$0x1FF00] =	vst v63  }
0x55: {  	s28 =	sand.u32 $0x7C00, s26;
	s9 =	rddreg [dreg:$0xc]  }
0x56: {  	[tilespmem:s2], [sflag:$0x1] =	stream.linear.gather [hbm4b:s9+s2], $0x80, $0x38;
	[tilespmem:$0x1FF00] =	vst v63  }
0x57: {  	s7 =	sand.u32 $0x380, s26;
	s9 =	sadd.s32 s8, s28  }
0x58: {  	s7 =	sor.u32 s7, s9;
	_ =	swait.ge [sflag:s15], $0x4000  }
0x59: {  	s7 =	sshrl.u32 s7, $0x3;
	[sflag:s15] =	ssyncset.done $0x0  }
0x5a: {  	s7 =	sadd.s32 s6, s7;
	[sflag:s15] =	ssyncadd.s32 $0xFFFFC000  }
0x5b: {  	[tilespmem:s20], [sflag:$0x4] =	stream.linear.gather [hbm4b:s7+s2], $0x80, $0x38;
	[tilespmem:$0x1FF00] =	vst v63  }
0x5c: {  	_ =	swait.ge [sflag:s30], $0x80  }
0x5d: {  	[sflag:s30] =	ssyncset.done $0x0  }
0x5e: {  	[sflag:s30] =	ssyncadd.s32 $0xFFFFFF80  }
0x5f: {  	[tilespmem:s16], [sflag:$0x7] =	stream.indirect.gather [hbm4b:s4+s25], $0x80, s2, s25, $0xb8;
	[tilespmem:$0x1FF00] =	vst v63  }
0x60: {  	_ =	swait.ge [sflag:s17], $0x4000  }
0x61: {  	s26 =	simm.s32 $0x200;
	[sflag:s17] =	ssyncset.done $0x0  }
0x62: {  	s28 =	sand.u32 $0xFC00, s26;
	[sflag:s17] =	ssyncadd.s32 $0xFFFFC000  }
0x63: {  	s9 =	sadd.s32 s8, s28;
	s7 =	sand.u32 $0x380, s26;
	_ =	swait.ge [sflag:s18], $0x80  }
0x64: {  	s7 =	sor.u32 s7, s9;
	[sflag:s18] =	ssyncset.done $0x0  }
0x65: {  	s7 =	sshrl.u32 s7, $0x3;
	[sflag:s18] =	ssyncadd.s32 $0xFFFFFF80  }
0x66: {  	[spmem:s1] =	stream.indirect.scatter.add.f32 [tilespmem:s0], [sflag:$0xB], $0x80, s24, s25, $0xb8;
	[tilespmem:$0x1FF00] =	vst v63  }
0x67: {  	s20 =	sadd.s32 s5, s7  }
0x68: {  	[tilespmem:s25], [sflag:$0x2] =	stream.linear.gather [hbm4b:s20+s2], $0x80, $0x38;
	[tilespmem:$0x1FF00] =	vst v63  }
0x69: {  	_ =	swait.ge [sflag:s10], $0x4000  }
0x6a: {  	[sflag:s10] =	ssyncset.done $0x0  }
0x6b: {  	s7 =	sadd.s32 s6, s7;
	[sflag:s10] =	ssyncadd.s32 $0xFFFFC000  }
0x6c: {  	[tilespmem:s24], [sflag:$0x5] =	stream.linear.gather [hbm4b:s7+s2], $0x80, $0x38;
	[tilespmem:$0x1FF00] =	vst v63  }
0x6d: {  	_ =	swait.ge [sflag:s31], $0x80  }
0x6e: {  	[sflag:s31] =	ssyncset.done $0x0  }
0x6f: {  	[sflag:s31] =	ssyncadd.s32 $0xFFFFFF80  }
0x70: {  	[tilespmem:s0], [sflag:$0x8] =	stream.indirect.gather [hbm4b:s4+s25], $0x80, s25, s25, $0xb8;
	[tilespmem:$0x1FF00] =	vst v63  }
0x71: {  	_ =	swait.ge [sflag:s21], $0x4000  }
0x72: {  	s24 =	simm.s32 $0x280;
	[sflag:s21] =	ssyncset.done $0x0  }
0x73: {  	s26 =	sand.u32 $0xFC00, s24;
	[sflag:s21] =	ssyncadd.s32 $0xFFFFC000  }
0x74: {  	s7 =	sand.u32 $0x380, s24;
	s9 =	sadd.s32 s8, s26;
	_ =	swait.ge [sflag:s22], $0x80  }
0x75: {  	s7 =	sor.u32 s7, s9;
	[sflag:s22] =	ssyncset.done $0x0  }
0x76: {  	s7 =	sshrl.u32 s7, $0x3;
	[sflag:s22] =	ssyncadd.s32 $0xFFFFFF80  }
0x77: {  	[spmem:s1] =	stream.indirect.scatter.add.f32 [tilespmem:s12], [sflag:$0xC], $0x80, s3, s25, $0xb8;
	[tilespmem:$0x1FF00] =	vst v63  }
0x78: {  	s28 =	sadd.s32 s5, s7  }
0x79: {  	[tilespmem:s19], [sflag:$0x3] =	stream.linear.gather [hbm4b:s28+s2], $0x80, $0x38;
	[tilespmem:$0x1FF00] =	vst v63  }
0x7a: {  	_ =	swait.ge [sflag:s23], $0x4000  }
0x7b: {  	[sflag:s23] =	ssyncset.done $0x0  }
0x7c: {  	p0 =	por $0x0, $0x0;
	s7 =	sadd.s32 s6, s7;
	[sflag:s23] =	ssyncadd.s32 $0xFFFFC000  }
0x7d: {  	[tilespmem:s3], [sflag:$0x6] =	stream.linear.gather [hbm4b:s7+s2], $0x80, $0x38;
	[tilespmem:$0x1FF00] =	vst v63  }
0x7e: {  	s24 =	simm.s32 $0x300;
	s9 =	simm.s32 $0x600;
	s7 =	simm.s32 $0x300  }
0x7f: {  	s19 =	simm.s32 $0x480;
	_ =	swait.ge [sflag:s11], $0x80;
	s7 =	simm.s32 @p0 $0x0  }
.LBB2_2:
0x80: {  	s20 =	sand.u32 $0x7C00, s24;
	[sflag:s11] =	ssyncset.done $0x0  }
0x81: {  	s28 =	sand.u32 $0xFC00, s7;
	s26 =	smov.u32 s19;
	s19 =	smov.u32 s9  }
0x82: {  	s24 =	sand.u32 $0x380, s24;
	s20 =	sadd.s32 s8, s20;
	[sflag:s11] =	ssyncadd.s32 $0xFFFFFF80  }
0x83: {  	[tilespmem:s12], [sflag:$0x9] =	stream.indirect.gather [hbm4b:s4+s25], $0x80, s29, s25, $0xb8;
	[tilespmem:$0x1FF00] =	vst v63  }
0x84: {  	s7 =	sand.u32 $0x380, s7;
	s24 =	sor.u32 s24, s20;
	_ =	swait.ge [sflag:s13], $0x4000  }
0x85: {  	s28 =	sadd.s32 s8, s28;
	s20 =	sadd.s32 $0x180, s9;
	[sflag:s13] =	ssyncset.done $0x0  }
0x86: {  	s7 =	sor.u32 s7, s28;
	s24 =	sshrl.u32 s24, $0x3;
	[sflag:s13] =	ssyncadd.s32 $0xFFFFC000  }
0x87: {  	p0 =	sne.s32 s9, $0x2880;
	s7 =	sshrl.u32 s7, $0x3;
	_ =	swait.ge [sflag:s14], $0x80  }
0x88: {  	s9 =	sadd.s32 s6, s24;
	[sflag:s14] =	ssyncset.done $0x0  }
0x89: {  	s24 =	simm.s32 $0x180;
	[sflag:s14] =	ssyncadd.s32 $0xFFFFFF80  }
0x8a: {  	[spmem:s1] =	stream.indirect.scatter.add.f32 [tilespmem:s16], [sflag:$0xA], $0x80, s24, s25, $0xb8;
	[tilespmem:$0x1FF00] =	vst v63  }
0x8b: {  	s7 =	sadd.s32 s5, s7  }
0x8c: {  	[tilespmem:s2], [sflag:$0x1] =	stream.linear.gather [hbm4b:s7+s2], $0x80, $0x38;
	[tilespmem:$0x1FF00] =	vst v63  }
0x8d: {  	_ =	swait.ge [sflag:s15], $0x4000  }
0x8e: {  	[sflag:s15] =	ssyncset.done $0x0  }
0x8f: {  	s7 =	sadd.s32 $0xFFFFFF00, s26;
	[sflag:s15] =	ssyncadd.s32 $0xFFFFC000  }
0x90: {  	[tilespmem:s24], [sflag:$0x4] =	stream.linear.gather [hbm4b:s9+s2], $0x80, $0x38;
	[tilespmem:$0x1FF00] =	vst v63  }
0x91: {  	s9 =	sand.u32 $0xFC00, s7;
	s7 =	sand.u32 $0x380, s7;
	_ =	swait.ge [sflag:s30], $0x80  }
0x92: {  	s9 =	sadd.s32 s8, s9;
	[sflag:s30] =	ssyncset.done $0x0  }
0x93: {  	s7 =	sor.u32 s7, s9;
	[sflag:s30] =	ssyncadd.s32 $0xFFFFFF80  }
0x94: {  	[tilespmem:s16], [sflag:$0x7] =	stream.indirect.gather [hbm4b:s4+s25], $0x80, s2, s25, $0xb8;
	[tilespmem:$0x1FF00] =	vst v63  }
0x95: {  	_ =	swait.ge [sflag:s17], $0x4000  }
0x96: {  	[sflag:s17] =	ssyncset.done $0x0  }
0x97: {  	[sflag:s17] =	ssyncadd.s32 $0xFFFFC000  }
0x98: {  	s7 =	sshrl.u32 s7, $0x3;
	_ =	swait.ge [sflag:s18], $0x80  }
0x99: {  	s9 =	sadd.s32 s5, s7;
	[sflag:s18] =	ssyncset.done $0x0  }
0x9a: {  	s24 =	simm.s32 $0x200;
	[sflag:s18] =	ssyncadd.s32 $0xFFFFFF80  }
0x9b: {  	[spmem:s1] =	stream.indirect.scatter.add.f32 [tilespmem:s0], [sflag:$0xB], $0x80, s24, s25, $0xb8;
	[tilespmem:$0x1FF00] =	vst v63  }
0x9c: {  	_ = 	snop  }
0x9d: {  	[tilespmem:s25], [sflag:$0x2] =	stream.linear.gather [hbm4b:s9+s2], $0x80, $0x38;
	[tilespmem:$0x1FF00] =	vst v63  }
0x9e: {  	_ =	swait.ge [sflag:s10], $0x4000  }
0x9f: {  	[sflag:s10] =	ssyncset.done $0x0  }
0xa0: {  	s7 =	sadd.s32 s6, s7;
	[sflag:s10] =	ssyncadd.s32 $0xFFFFC000  }
0xa1: {  	[tilespmem:s24], [sflag:$0x5] =	stream.linear.gather [hbm4b:s7+s2], $0x80, $0x38;
	[tilespmem:$0x1FF00] =	vst v63  }
0xa2: {  	s7 =	sadd.s32 $0xFFFFFF80, s26;
	_ =	swait.ge [sflag:s31], $0x80  }
0xa3: {  	s9 =	sand.u32 $0xFC00, s7;
	[sflag:s31] =	ssyncset.done $0x0  }
0xa4: {  	s7 =	sand.u32 $0x380, s7;
	s9 =	sadd.s32 s8, s9;
	[sflag:s31] =	ssyncadd.s32 $0xFFFFFF80  }
0xa5: {  	s7 =	sor.u32 s7, s9  }
0xa6: {  	[tilespmem:s0], [sflag:$0x8] =	stream.indirect.gather [hbm4b:s4+s25], $0x80, s25, s25, $0xb8;
	[tilespmem:$0x1FF00] =	vst v63  }
0xa7: {  	s7 =	sshrl.u32 s7, $0x3;
	_ =	swait.ge [sflag:s21], $0x4000  }
0xa8: {  	s9 =	sadd.s32 s5, s7;
	[sflag:s21] =	ssyncset.done $0x0  }
0xa9: {  	[sflag:s21] =	ssyncadd.s32 $0xFFFFC000  }
0xaa: {  	_ =	swait.ge [sflag:s22], $0x80  }
0xab: {  	[sflag:s22] =	ssyncset.done $0x0  }
0xac: {  	[sflag:s22] =	ssyncadd.s32 $0xFFFFFF80  }
0xad: {  	[spmem:s1] =	stream.indirect.scatter.add.f32 [tilespmem:s12], [sflag:$0xC], $0x80, s3, s25, $0xb8;
	[tilespmem:$0x1FF00] =	vst v63  }
0xae: {  	s7 =	sadd.s32 s6, s7  }
0xaf: {  	[tilespmem:s29], [sflag:$0x3] =	stream.linear.gather [hbm4b:s9+s2], $0x80, $0x38;
	[tilespmem:$0x1FF00] =	vst v63  }
0xb0: {  	_ =	swait.ge [sflag:s23], $0x4000  }
.Ltmp0:
0xb1: {  	[sflag:s23] =	ssyncset.done $0x0;
	(pc) =	sbr.rel @p0 .LBB2_2-.Ltmp0, $4  }
0xb2: {  	p1 =	seq.s32 s26, $0x2880;
	[sflag:s23] =	ssyncadd.s32 $0xFFFFC000  }
0xb3: {  	[tilespmem:s3], [sflag:$0x6] =	stream.linear.gather [hbm4b:s7+s2], $0x80, $0x38;
	[tilespmem:$0x1FF00] =	vst v63  }
0xb4: {  	s24 =	sadd.s32 $0xFFFFFE80, s19;
	s7 =	smov.u32 s26  }
0xb5: {  	s9 =	smov.u32 s20;
	_ =	swait.ge [sflag:s11], $0x80;
	s7 =	simm.s32 @p1 $0x0  }
0xb6: {  	[sflag:s11] =	ssyncset.done $0x0  }
0xb7: {  	s20 =	simm.s32 $0x100;
	[sflag:s11] =	ssyncadd.s32 $0xFFFFFF80  }
0xb8: {  	[tilespmem:s12], [sflag:$0x9] =	stream.indirect.gather [hbm4b:s4+s25], $0x80, s20, s25, $0xb8;
	[tilespmem:$0x1FF00] =	vst v63  }
0xb9: {  	_ =	swait.ge [sflag:s13], $0x4000  }
0xba: {  	[sflag:s13] =	ssyncset.done $0x0  }
0xbb: {  	s9 =	sand.u32 $0xFC00, s7;
	[sflag:s13] =	ssyncadd.s32 $0xFFFFC000  }
0xbc: {  	s28 =	sand.u32 $0x380, s7;
	s9 =	sadd.s32 s8, s9;
	_ =	swait.ge [sflag:s14], $0x80  }
0xbd: {  	s7 =	sor.u32 s28, s9;
	[sflag:s14] =	ssyncset.done $0x0  }
0xbe: {  	s26 =	simm.s32 $0x180;
	s7 =	sshrl.u32 s7, $0x3;
	[sflag:s14] =	ssyncadd.s32 $0xFFFFFF80  }
0xbf: {  	[spmem:s1] =	stream.indirect.scatter.add.f32 [tilespmem:s16], [sflag:$0xA], $0x80, s26, s25, $0xb8;
	[tilespmem:$0x1FF00] =	vst v63  }
0xc0: {  	s9 =	sand.u32 $0x7C00, s24;
	s7 =	sadd.s32 s5, s7  }
0xc1: {  	[tilespmem:s2], [sflag:$0x1] =	stream.linear.gather [hbm4b:s7+s2], $0x80, $0x38;
	[tilespmem:$0x1FF00] =	vst v63  }
0xc2: {  	s28 =	sand.u32 $0x380, s24;
	s7 =	sadd.s32 s8, s9  }
0xc3: {  	s7 =	sor.u32 s28, s7;
	_ =	swait.ge [sflag:s15], $0x4000  }
0xc4: {  	s7 =	sshrl.u32 s7, $0x3;
	[sflag:s15] =	ssyncset.done $0x0  }
0xc5: {  	s7 =	sadd.s32 s6, s7;
	[sflag:s15] =	ssyncadd.s32 $0xFFFFC000  }
0xc6: {  	[tilespmem:s26], [sflag:$0x4] =	stream.linear.gather [hbm4b:s7+s2], $0x80, $0x38;
	[tilespmem:$0x1FF00] =	vst v63  }
0xc7: {  	_ =	swait.ge [sflag:s30], $0x80  }
0xc8: {  	[sflag:s30] =	ssyncset.done $0x0  }
0xc9: {  	[sflag:s30] =	ssyncadd.s32 $0xFFFFFF80  }
0xca: {  	[tilespmem:s16], [sflag:$0x7] =	stream.indirect.gather [hbm4b:s4+s25], $0x80, s2, s25, $0xb8;
	[tilespmem:$0x1FF00] =	vst v63  }
0xcb: {  	_ =	swait.ge [sflag:s17], $0x4000  }
0xcc: {  	s9 =	sadd.s32 $0xFFFFFF00, s19;
	[sflag:s17] =	ssyncset.done $0x0  }
0xcd: {  	s24 =	sand.u32 $0xFC00, s9;
	[sflag:s17] =	ssyncadd.s32 $0xFFFFC000  }
0xce: {  	s7 =	sand.u32 $0x380, s9;
	s9 =	sadd.s32 s8, s24;
	_ =	swait.ge [sflag:s18], $0x80  }
0xcf: {  	s7 =	sor.u32 s7, s9;
	[sflag:s18] =	ssyncset.done $0x0  }
0xd0: {  	s24 =	simm.s32 $0x200;
	s7 =	sshrl.u32 s7, $0x3;
	[sflag:s18] =	ssyncadd.s32 $0xFFFFFF80  }
0xd1: {  	[spmem:s1] =	stream.indirect.scatter.add.f32 [tilespmem:s0], [sflag:$0xB], $0x80, s24, s25, $0xb8;
	[tilespmem:$0x1FF00] =	vst v63  }
0xd2: {  	s28 =	sadd.s32 s5, s7  }
0xd3: {  	[tilespmem:s25], [sflag:$0x2] =	stream.linear.gather [hbm4b:s28+s2], $0x80, $0x38;
	[tilespmem:$0x1FF00] =	vst v63  }
0xd4: {  	_ =	swait.ge [sflag:s10], $0x4000  }
0xd5: {  	[sflag:s10] =	ssyncset.done $0x0  }
0xd6: {  	s7 =	sadd.s32 s6, s7;
	[sflag:s10] =	ssyncadd.s32 $0xFFFFC000  }
0xd7: {  	[tilespmem:s24], [sflag:$0x5] =	stream.linear.gather [hbm4b:s7+s2], $0x80, $0x38;
	[tilespmem:$0x1FF00] =	vst v63  }
0xd8: {  	_ =	swait.ge [sflag:s31], $0x80  }
0xd9: {  	[sflag:s31] =	ssyncset.done $0x0  }
0xda: {  	[sflag:s31] =	ssyncadd.s32 $0xFFFFFF80  }
0xdb: {  	[tilespmem:s0], [sflag:$0x8] =	stream.indirect.gather [hbm4b:s4+s25], $0x80, s25, s25, $0xb8;
	[tilespmem:$0x1FF00] =	vst v63  }
0xdc: {  	_ =	swait.ge [sflag:s21], $0x4000  }
0xdd: {  	s7 =	sadd.s32 $0xFFFFFF80, s19;
	[sflag:s21] =	ssyncset.done $0x0  }
0xde: {  	s28 =	sand.u32 $0xFC00, s7;
	[sflag:s21] =	ssyncadd.s32 $0xFFFFC000  }
0xdf: {  	s7 =	sand.u32 $0x380, s7;
	s9 =	sadd.s32 s8, s28;
	_ =	swait.ge [sflag:s22], $0x80  }
0xe0: {  	s7 =	sor.u32 s7, s9;
	[sflag:s22] =	ssyncset.done $0x0  }
0xe1: {  	s7 =	sshrl.u32 s7, $0x3;
	[sflag:s22] =	ssyncadd.s32 $0xFFFFFF80  }
0xe2: {  	[spmem:s1] =	stream.indirect.scatter.add.f32 [tilespmem:s12], [sflag:$0xC], $0x80, s3, s25, $0xb8;
	[tilespmem:$0x1FF00] =	vst v63  }
0xe3: {  	s28 =	sadd.s32 s5, s7  }
0xe4: {  	[tilespmem:s20], [sflag:$0x3] =	stream.linear.gather [hbm4b:s28+s2], $0x80, $0x38;
	[tilespmem:$0x1FF00] =	vst v63  }
0xe5: {  	_ =	swait.ge [sflag:s23], $0x4000  }
0xe6: {  	[sflag:s23] =	ssyncset.done $0x0  }
0xe7: {  	s7 =	sadd.s32 s6, s7;
	[sflag:s23] =	ssyncadd.s32 $0xFFFFC000  }
0xe8: {  	[tilespmem:s3], [sflag:$0x6] =	stream.linear.gather [hbm4b:s7+s2], $0x80, $0x38;
	[tilespmem:$0x1FF00] =	vst v63  }
0xe9: {  	_ =	swait.ge [sflag:s11], $0x80  }
0xea: {  	[sflag:s11] =	ssyncset.done $0x0  }
0xeb: {  	[sflag:s11] =	ssyncadd.s32 $0xFFFFFF80  }
0xec: {  	[tilespmem:s12], [sflag:$0x9] =	stream.indirect.gather [hbm4b:s4+s25], $0x80, s20, s25, $0xb8;
	[tilespmem:$0x1FF00] =	vst v63  }
0xed: {  	p0 =	seq.s32 s19, $0x2880;
	_ =	swait.ge [sflag:s13], $0x4000  }
0xee: {  	s19 =	simm.s32 @p0 $0x0;
	[sflag:s13] =	ssyncset.done $0x0  }
0xef: {  	s9 =	sand.u32 $0xFC00, s19;
	[sflag:s13] =	ssyncadd.s32 $0xFFFFC000  }
0xf0: {  	s7 =	sadd.s32 s8, s9;
	s20 =	sand.u32 $0x380, s19;
	_ =	swait.ge [sflag:s14], $0x80  }
0xf1: {  	s7 =	sor.u32 s20, s7;
	[sflag:s14] =	ssyncset.done $0x0  }
0xf2: {  	s7 =	sshrl.u32 s7, $0x3;
	[sflag:s14] =	ssyncadd.s32 $0xFFFFFF80  }
0xf3: {  	[spmem:s1] =	stream.indirect.scatter.add.f32 [tilespmem:s16], [sflag:$0xA], $0x80, s26, s25, $0xb8;
	[tilespmem:$0x1FF00] =	vst v63  }
0xf4: {  	s7 =	sadd.s32 s5, s7  }
0xf5: {  	[tilespmem:s2], [sflag:$0x1] =	stream.linear.gather [hbm4b:s7+s2], $0x80, $0x38;
	[tilespmem:$0x1FF00] =	vst v63  }
0xf6: {  	_ =	swait.ge [sflag:s17], $0x4000  }
0xf7: {  	[sflag:s17] =	ssyncset.done $0x0  }
0xf8: {  	[sflag:s17] =	ssyncadd.s32 $0xFFFFC000  }
0xf9: {  	_ =	swait.ge [sflag:s18], $0x80  }
0xfa: {  	[sflag:s18] =	ssyncset.done $0x0  }
0xfb: {  	[sflag:s18] =	ssyncadd.s32 $0xFFFFFF80  }
0xfc: {  	[spmem:s1] =	stream.indirect.scatter.add.f32 [tilespmem:s0], [sflag:$0xB], $0x80, s24, s25, $0xb8;
	[tilespmem:$0x1FF00] =	vst v63  }
0xfd: {  	_ =	swait.ge [sflag:s21], $0x4000  }
0xfe: {  	[sflag:s21] =	ssyncset.done $0x0  }
0xff: {  	[sflag:s21] =	ssyncadd.s32 $0xFFFFC000  }
0x100: {  	_ =	swait.ge [sflag:s22], $0x80  }
0x101: {  	[sflag:s22] =	ssyncset.done $0x0  }
0x102: {  	[sflag:s22] =	ssyncadd.s32 $0xFFFFFF80  }
0x103: {  	[spmem:s1] =	stream.indirect.scatter.add.f32 [tilespmem:s12], [sflag:$0xC], $0x80, s3, s25, $0xb8;
	[tilespmem:$0x1FF00] =	vst v63  }
0x104: {  	_ =	swait.ge [sflag:s15], $0x4000  }
0x105: {  	[sflag:s15] =	ssyncset.done $0x0  }
0x106: {  	[sflag:s15] =	ssyncadd.s32 $0xFFFFC000  }
0x107: {  	_ =	swait.ge [sflag:s10], $0x4000  }
0x108: {  	[sflag:s10] =	ssyncset.done $0x0  }
0x109: {  	[sflag:s10] =	ssyncadd.s32 $0xFFFFC000  }
0x10a: {  	_ =	swait.ge [sflag:s23], $0x4000  }
0x10b: {  	[sflag:s23] =	ssyncset.done $0x0  }
0x10c: {  	[sflag:s23] =	ssyncadd.s32 $0xFFFFC000  }
0x10d: {  	_ =	swait.ge [sflag:s30], $0x80  }
0x10e: {  	[sflag:s30] =	ssyncset.done $0x0  }
0x10f: {  	[sflag:s30] =	ssyncadd.s32 $0xFFFFFF80  }
0x110: {  	[bflag:$0x0] =	sbarrier.arrive $0xFFFF  }
0x111: {  	s19 =	rddreg [dreg:$0x5]  }
0x112: {  	s24 =	rddreg [dreg:$0xd]  }
0x113: {  	s20 =	rddreg [dreg:$0xf]  }
0x114: {  	[hbm:s24], [sflag:s19] =	dma.local [spmem:s20], $0x2780  }
0x115: {  	s24 =	simm.s32 $0xD  }
0x116: {  	_ =	swait.ge [sflag:s24], $0x2780  }
0x117: {  	s26 =	rddreg [dreg:$0x14]  }
0x118: {  	s28 =	rddreg [dreg:$0xe];
	s9 =	sadd.s32 $0x1, s26  }
0x119: {  	p0 =	sne.s32 s9, s28  }
.Ltmp1:
0x11a: {  	_ = 	snop;
	(pc) =	sbr.rel @p0 .LBB2_1-.Ltmp1, $3  }
0x11b: {  	_ =	sdelay $0x1  }
0x11c: {  	[sflag:s24] =	ssyncset.done $0x0  }
0x11d: {  	[sflag:s24] =	ssyncadd.s32 $0xFFFFD880  }
0x11e: {  	_ =	sfence.sel $0x180000  }
0x11f: {  	[bflag:$0x0] =	sbarrier.arrive $0xFFFF  }
0x120: {  	_ =	strace $0x9000004A  }
0x121: {  	s0 =	stileid.u32;
	[bflag:$0x2] =	sbarrier.arrive $0xFFFF  }
0x122: {  	p0 =	sne.s32 s0, $0x0;
	s0 =	rddreg [dreg:$0x3]  }
0x123: {  	s0 =	sadd.s32 @!p0 $0x100000, s0  }
0x124: {  	[sflag:s0] =	ssyncadd.tile.s32 @!p0 $0x1;
	_ =	shalt  }
.Lfunc_end2:
_tile_overlayer_lowered:
.L_overlay_start_2:
0x125: {  	(tag) =	ssettag $0x2  }
0x126: {  	s0 =	rddreg [dreg:$0x0];
	s2 =	stileid.u32  }
0x127: {  	s1 =	rddreg [dreg:$0x1];
	p0 =	sne.s32 s2, $0x0  }
0x128: {  	s3 =	rddreg [dreg:$0x2];
	[bflag:$0x3] =	sbarrier.arrive $0xFFFF;
	s2 =	simm.s32 @!p0 $0x1C0D  }
0x129: {  	[timem:s3], [sflag:s2] =	dma.local @!p0 [hbm:s0], s1  }
0x12a: {  	s0 =	simm.s32 @!p0 $0xD  }
0x12b: {  	_ =	swait.ge @!p0 [sflag:s0], s1  }
0x12c: {  	s1 =	ssub.s32 @!p0 $0x0, s1;
	[sflag:s0] =	ssyncset.done @!p0 $0x0  }
0x12d: {  	[sflag:s0] =	ssyncadd.s32 @!p0 s1  }
0x12e: {  	[bflag:$0x3] =	sbarrier.arrive $0xFFFF  }
0x12f: {  	_ =	shalt  }

// kernel: kernel.18.cloned.1.call-start
scs
__scs_entry_jumppad:
0x0: {  	(pc) =	sbr.rel $0x88, $3  }
0x1: {  	(tag) =	ssettag $0x0;
	lr =	simm.s32 $0x1  }
0x2: {  	[smem:$0x3F9E] =	sst lr;
	_ =	strace $0xD0000000  }
0x3: {  	_ = 	snop  }
0x4: {  	_ = 	snop  }
0x5: {  	_ = 	snop  }
0x6: {  	_ = 	snop  }
0x7: {  	_ = 	snop  }
__scs_overlays_trampoline_lowered:
0x8: {  	[smem:$0x3FAD] =	sst s0  }
0x9: {  	[smem:$0x3FAE] =	sst s1  }
0xa: {  	[smem:$0x3FAF] =	sst s2  }
0xb: {  	[smem:$0x3FB0] =	sst s3  }
0xc: {  	[smem:$0x3FB1] =	sst s4  }
0xd: {  	[smem:$0x3FB2] =	sst s5  }
0xe: {  	[smem:$0x3FB3] =	sst s6  }
0xf: {  	[smem:$0x3FB4] =	sst s7  }
0x10: {  	[smem:$0x3FB5] =	sst s8  }
0x11: {  	[smem:$0x3FB6] =	sst s9;
	s0 =	simm.s32 @!p0 $0x0  }
0x12: {  	s1 =	sld [smem:$0x3F9C];
	s0 =	simm.s32 @p0 $0x1  }
0x13: {  	[smem:$0x3FB7] =	sst s0;
	s0 =	simm.s32 @!p1 $0x0  }
0x14: {  	s2 =	sld [smem:$0x3F9B];
	s0 =	simm.s32 @p1 $0x1  }
0x15: {  	[smem:$0x3FB8] =	sst s0;
	s0 =	simm.s32 @!p2 $0x0  }
0x16: {  	s3 =	sld [smem:$0x3FDB];
	s0 =	simm.s32 @p2 $0x1  }
0x17: {  	s4 =	simm.s32 $0x1BF5;
	[smem:$0x3FBA] =	sst s0  }
0x18: {  	s0 =	sld [smem:$0x3F9D];
	_ =	swait.ge [sflag:s4], $0x0  }
0x19: {  	s7 =	sld [smem:$0x3F9E]  }
0x1a: {  	s8 =	sadd.s32 $0xFFFFE003, lr  }
0x1b: {  	s9 =	sadd.s32 $0xFFFFFEF7, lr;
	s5 =	simm.s32 $0xFFFFFFFF;
	p2 =	slt.u32 s8, $0xFFFFF086  }
0x1c: {  	p1 =	slt.u32 s9, $0xF7A;
	s5 =	simm.s32 @!p2 $0x0  }
0x1d: {  	s5 =	simm.s32 @p1 $0x1;
	p0 =	seq.s32 s7, s2  }
0x1e: {  	s7 =	smul.u32 @!p0 $0xF7A, s2;
	p2 =	seq.s32 @!p0 s5, $0x0  }
0x1f: {  	s9 =	smul.u32 $0xF7A, s1;
	s8 =	simm.s32 @!p0 $0x1BF5;
	p2 =	por !p2, p0  }
0x20: {  	[sflag:s8] =	ssyncset.s32 @!p0 $0xFFFFF086;
	s6 =	sadd.s32 @!p0 s3, s7;
	s7 =	simm.s32 @!p0 $0x108  }
0x21: {  	s3 =	sadd.s32 s3, s9;
	s6 =	sadd.s32 @!p0 $0x88, s6;
	s7 =	simm.s32 @p2 $0x1082  }
0x22: {  	[simem:s7], [sflag:s8] =	dma.local @!p0 [hbm:s6], $0xF7A  }
0x23: {  	s9 =	sor.u32 $0xD0000000, s2;
	s6 =	simm.s32 $0x108;
	_ =	swait.ge @!p0 [sflag:s8], $0x0  }
0x24: {  	s3 =	sadd.s32 $0x88, s3;
	s6 =	simm.s32 @!p1 $0x1082;
	[sflag:s4] =	ssyncset.s32 $0xFFFFF086  }
0x25: {  	[simem:s6], [sflag:s4] =	dma.local [hbm:s3], $0xF7A  }
0x26: {  	[smem:$0x3F9E] =	sst s1;
	(tag) =	ssettag s2;
	_ =	strace s9  }
0x27: {  	s1 =	sld [smem:$0x3FAE]  }
0x28: {  	s2 =	sld [smem:$0x3FAF]  }
0x29: {  	s4 =	sld [smem:$0x3FB1]  }
0x2a: {  	p0 =	seq.s32 s5, $0x0;
	s5 =	sld [smem:$0x3FB2]  }
0x2b: {  	s6 =	sld [smem:$0x3FB3]  }
0x2c: {  	s7 =	sld [smem:$0x3FB4]  }
0x2d: {  	s3 =	simm.s32 $0x108;
	s8 =	sld [smem:$0x3FB5]  }
0x2e: {  	s3 =	simm.s32 @!p0 $0x1082;
	s9 =	sld [smem:$0x3FB6]  }
0x2f: {  	lr =	sadd.s32 s0, s3;
	s0 =	sld [smem:$0x3FAD]  }
0x30: {  	s3 =	sld [smem:$0x3FB0]  }
0x31: {  	[smem:$0x3FB9] =	sst s10  }
0x32: {  	s10 =	sld [smem:$0x3FB7];
	_ =	sdelay $0x3  }
0x33: {  	p0 =	seq.s32 s10, $0x1;
	s10 =	sld [smem:$0x3FB9];
	_ =	sdelay $0x3  }
0x34: {  	[smem:$0x3FB9] =	sst s10  }
0x35: {  	s10 =	sld [smem:$0x3FB8];
	_ =	sdelay $0x3  }
0x36: {  	p1 =	seq.s32 s10, $0x1;
	s10 =	sld [smem:$0x3FB9];
	_ =	sdelay $0x3  }
0x37: {  	[smem:$0x3FB9] =	sst s10  }
0x38: {  	s10 =	sld [smem:$0x3FBA]  }
0x39: {  	_ = 	snop;
	(pc) =	sbr.ind lr, $3  }
0x3a: {  	_ = 	snop  }
0x3b: {  	_ = 	snop  }
0x3c: {  	p2 =	seq.s32 s10, $0x1;
	s10 =	sld [smem:$0x3FB9]  }
0x3d: {  	_ =	shalt  }
0x3e: {  	_ =	shalt  }
0x3f: {  	_ =	shalt  }
0x40: {  	_ =	shalt  }
0x41: {  	_ =	shalt  }
0x42: {  	_ =	shalt  }
0x43: {  	_ =	shalt  }
0x44: {  	_ =	shalt  }
0x45: {  	_ =	shalt  }
0x46: {  	_ =	shalt  }
0x47: {  	_ =	shalt  }
0x48: {  	_ =	shalt  }
0x49: {  	_ =	shalt  }
0x4a: {  	_ =	shalt  }
0x4b: {  	_ =	shalt  }
0x4c: {  	_ =	shalt  }
0x4d: {  	_ =	shalt  }
0x4e: {  	_ =	shalt  }
0x4f: {  	_ =	shalt  }
0x50: {  	_ =	shalt  }
0x51: {  	_ =	shalt  }
0x52: {  	_ =	shalt  }
0x53: {  	_ =	shalt  }
0x54: {  	_ =	shalt  }
0x55: {  	_ =	shalt  }
0x56: {  	_ =	shalt  }
0x57: {  	_ =	shalt  }
0x58: {  	_ =	shalt  }
0x59: {  	_ =	shalt  }
0x5a: {  	_ =	shalt  }
0x5b: {  	_ =	shalt  }
0x5c: {  	_ =	shalt  }
0x5d: {  	_ =	shalt  }
0x5e: {  	_ =	shalt  }
0x5f: {  	_ =	shalt  }
0x60: {  	_ =	shalt  }
0x61: {  	_ =	shalt  }
0x62: {  	_ =	shalt  }
0x63: {  	_ =	shalt  }
0x64: {  	_ =	shalt  }
0x65: {  	_ =	shalt  }
0x66: {  	_ =	shalt  }
0x67: {  	_ =	shalt  }
0x68: {  	_ =	shalt  }
0x69: {  	_ =	shalt  }
0x6a: {  	_ =	shalt  }
0x6b: {  	_ =	shalt  }
0x6c: {  	_ =	shalt  }
0x6d: {  	_ =	shalt  }
0x6e: {  	_ =	shalt  }
0x6f: {  	_ =	shalt  }
0x70: {  	_ =	shalt  }
0x71: {  	_ =	shalt  }
0x72: {  	_ =	shalt  }
0x73: {  	_ =	shalt  }
0x74: {  	_ =	shalt  }
0x75: {  	_ =	shalt  }
0x76: {  	_ =	shalt  }
0x77: {  	_ =	shalt  }
0x78: {  	_ =	shalt  }
0x79: {  	_ =	shalt  }
0x7a: {  	_ =	shalt  }
0x7b: {  	_ =	shalt  }
0x7c: {  	_ =	shalt  }
0x7d: {  	_ =	shalt  }
0x7e: {  	_ =	shalt  }
0x7f: {  	_ =	shalt  }
0x80: {  	_ =	shalt  }
0x81: {  	_ =	shalt  }
0x82: {  	_ =	shalt  }
0x83: {  	_ =	shalt  }
0x84: {  	_ =	shalt  }
0x85: {  	_ =	shalt  }
0x86: {  	_ =	shalt  }
0x87: {  	_ =	shalt  }
.Lfunc_end0:
.L_simem_size_0:
called_computation.2_lowered:
.L_overlay_start_0:
0x88: {  	s2 =	sld [smem:$0x3FD9]  }
0x89: {  	s3 =	sld [smem:$0x3FFE];
	_ =	sdelay $0x1  }
0x8a: {  	s1 =	srdreg.scid  }
0x8b: {  	s0 =	sand.u32 $0x1, s1  }
0x8c: {  	s17 =	sshll.u32 s0, $0xA;
	s2 =	sadd.s32 s3, s2  }
0x8d: {  	s2 =	sadd.s32 s2, s17  }
0x8e: {  	[smem:$0x3FC5] =	sst s2  }
0x8f: {  	_ = 	snop  }
0x90: {  	s2 =	sld [smem:$0x3FD0];
	(tm) =	ssettm $0x1  }
0x91: {  	s18 =	sld [smem:$0x3FFB];
	_ =	sdelay $0x3  }
0x92: {  	_ =	strace s18  }
0x93: {  	s3 =	sld [smem:$0x3FFC];
	_ =	sdelay $0x3  }
0x94: {  	_ =	strace s3  }
0x95: {  	s3 =	sld [smem:$0x3FFD];
	_ =	sdelay $0x3  }
0x96: {  	_ =	strace s3  }
0x97: {  	_ =	strace $0x8FFFFFFF  }
0x98: {  	s19 =	sld [smem:$0x3FDB];
	_ =	sdelay $0x1  }
0x99: {  	s4 =	simm.s32 $_scs_section_size  }
0x9a: {  	s5 =	simm.s32 $_size__tile_overlayer_lowered;
	s6 =	simm.s32 $_tile_overlayer_lowered  }
0x9b: {  	s22 =	simm.s32 $0x1BFF;
	s21 =	sshll.u32 s6, $0x1;
	s3 =	sadd.s32 s4, s19  }
0x9c: {  	s7 =	simm.s32 $0x0;
	s20 =	sshll.u32 s5, $0x1;
	s5 =	sadd.s32 s21, s3  }
0x9d: {  	[timem:s7], [sflag:s22] =	dma.local [hbm:s5], s20  }
0x9e: {  	_ =	swait.ge [sflag:s22], s20  }
0x9f: {  	s4 =	ssub.s32 $0x0, s20;
	[sflag:s22] =	ssyncset.done $0x0  }
0xa0: {  	[sflag:s22] =	ssyncadd.s32 s4;
	_ =	sdelay $0x1  }
0xa1: {  	s23 =	simm.s32 $0x1B8B  }
0xa2: {  	_ =	swait.ge [sflag:s23], $0x1  }
0xa3: {  	[sflag:s23] =	ssyncset.done $0x0  }
0xa4: {  	s25 =	simm.s32 $0x1B8E;
	s24 =	sld [smem:$0x3FFE];
	[sflag:s23] =	ssyncadd.s32 $0xFFFFFFFF  }
0xa5: {  	s26 =	simm.s32 $execute0_lowered;
	[smem:$0x3FD2] =	sst s25  }
0xa6: {  	s5 =	sshll.u32 s26, $0x1;
	_ =	strace $0x8000004C;
	[dreg:$0x1] =	wrdreg $0xFFFFFFFF  }
0xa7: {  	s28 =	simm.s32 $_size_execute0_lowered;
	s3 =	sadd.s32 s3, s5;
	[dreg:$0x0] =	wrdreg $0x0  }
0xa8: {  	s5 =	sshll.u32 s28, $0x1;
	[dreg:$0x2] =	wrdreg s3  }
0xa9: {  	[dreg:$0x3] =	wrdreg s5  }
0xaa: {  	[dreg:$0x4] =	wrdreg $0xC0  }
0xab: {  	_ =	task [dreg:s7], $0x5FFFF  }
0xac: {  	[dreg:$0x1] =	wrdreg $0xFFFFFFFF  }
0xad: {  	[dreg:$0x0] =	wrdreg $0x60  }
0xae: {  	[dreg:$0x2] =	wrdreg s24  }
0xaf: {  	[dreg:$0x3] =	wrdreg s2  }
0xb0: {  	[dreg:$0x4] =	wrdreg $0xC3000  }
0xb1: {  	[dreg:$0x5] =	wrdreg $0x9  }
0xb2: {  	_ =	task.clear_ibuf [dreg:s7], $0x6FFFF;
	_ =	strace $0x9000004C  }
0xb3: {  	s29 =	simm.s32 $0x9;
	_ =	strace $0x8000004E  }
0xb4: {  	_ =	swait.ge [sflag:s29], $0x1  }
0xb5: {  	[sflag:s29] =	ssyncadd.s32 $0xFFFFFFFF  }
0xb6: {  	_ =	strace $0x9000004E  }
0xb7: {  	_ =	sfence  }
0xb8: {  	s30 =	sld [smem:$0x0];
	_ =	sdelay $0x2  }
0xb9: {  	s31 =	sshll.u32 s1, $0xD;
	s1 =	sshrl.u32 s1, $0x2  }
0xba: {  	s3 =	sand.u32 $0x4000, s31;
	s1 =	sadd.s32 s1, s30  }
0xbb: {  	s0 =	sor.u32 s3, s0;
	s1 =	sshll.u32 s1, $0x11  }
0xbc: {  	s0 =	sor.u32 s1, s0  }
0xbd: {  	s0 =	sadd.s32 $0x8F2B, s0  }
0xbe: {  	[sflag:s0] =	ssyncadd.remote.s32 $0x1  }
0xbf: {  	_ =	sfence.sel $0xFFFF  }
0xc0: {  	[dreg:$0x0] =	wrdreg $0xFFFFFFFF;
	(pc) =	sbr.abs _section_cstart, $3  }
0xc1: {  	[dreg:$0x1] =	wrdreg $0xFFFFFFFF  }
0xc2: {  	_ =	task.clear_ibuf [dreg:s7], $0x2FFFF;
	_ =	strace $0x9FFFFFFF  }
0xc3: {  	(tm) =	ssettm $0x7FFFFFFF  }
tec
execute0_lowered:
.L_overlay_start_1:
0x0: {  	(tag) =	ssettag $0x1  }
0x1: {  	s0 =	rddreg [dreg:$0x0]  }
0x2: {  	s3 =	rddreg [dreg:$0x1]  }
0x3: {  	s1 =	rddreg [dreg:$0x2];
	s2 =	simm.s32 $0x0  }
0x4: {  	s6 =	srdreg.scid;
	s16 =	stileid.u32;
	s30 =	simm.s32 $0x1  }
0x5: {  	s31 =	simm.s32 $0x2;
	s29 =	simm.s32 $0x100;
	[smem:$0x7FF] =	sst s2  }
0x6: {  	s4 =	sadd.s32 $0x25E00, s0;
	s5 =	sadd.s32 $0x1AE00, s0;
	s7 =	sand.u32 $0x1, s6  }
0x7: {  	s6 =	sadd.s32 $0x3600, s0;
	s9 =	smul.u32 $0x4F000, s16;
	s0 =	sadd.s32 $0x1A600, s0  }
0x8: {  	s11 =	sshll.u32 s16, $0x6;
	_ =	strace $0x8000004D;
	s8 =	ssub.s32 $0x2, s7  }
0x9: {  	[dreg:$0x4] =	wrdreg s0;
	s10 =	sshll.u32 s7, $0x4;
	s19 =	sor.u32 $0x1C0D, s11  }
0xa: {  	s7 =	smul.u32 $0x13C000, s7;
	s11 =	simm.s32 $0x3;
	s21 =	sshrl.u32 s8, $0x1  }
0xb: {  	s22 =	sshrl.u32 s9, $0x2;
	s23 =	sor.u32 s16, s10;
	s16 =	smul.u32 $0x13C00, s16  }
0xc: {  	s10 =	simm.s32 $0xB;
	s9 =	simm.s32 $0x0;
	[dreg:$0x5] =	wrdreg s19  }
0xd: {  	s0 =	ssub.s32 s8, s21;
	s24 =	sadd.s32 s22, s1;
	s8 =	smul.u32 $0x2C00, s23  }
0xe: {  	s25 =	sadd.s32 $0x4000, s24;
	s26 =	sadd.s32 $0x8000, s24;
	s12 =	sadd.s32 $0xC000, s24  }
0xf: {  	s14 =	sadd.s32 $0x10000, s24;
	s7 =	sadd.s32 s16, s7;
	s0 =	smax.u32 s0, $0x1  }
0x10: {  	s16 =	simm.s32 $0x300;
	s13 =	sshrl.u32 s8, $0x3;
	s7 =	sshrl.u32 s7, $0x3  }
0x11: {  	[dreg:$0xe] =	wrdreg s0;
	s23 =	sshrl.u32 s25, $0x3;
	s25 =	sshrl.u32 s26, $0x3  }
0x12: {  	s26 =	sshrl.u32 s12, $0x3;
	s0 =	simm.s32 $0x4300;
	[dreg:$0x10] =	wrdreg s23  }
0x13: {  	s15 =	sor.u32 $0x10, s13;
	s18 =	sadd.s32 s5, s13;
	[dreg:$0x11] =	wrdreg s25  }
0x14: {  	s28 =	sor.u32 $0x20, s13;
	s13 =	sadd.s32 s6, s13;
	[dreg:$0x12] =	wrdreg s26  }
0x15: {  	s12 =	simm.s32 $0x8300;
	s3 =	sadd.s32 s3, s7;
	[dreg:$0x9] =	wrdreg s13  }
0x16: {  	s25 =	simm.s32 $0x80;
	s23 =	simm.s32 $0xC;
	[dreg:$0x6] =	wrdreg s18  }
0x17: {  	s17 =	sadd.s32 s5, s15;
	s20 =	sadd.s32 s5, s28;
	[dreg:$0xd] =	wrdreg s3  }
0x18: {  	s21 =	sadd.s32 s6, s28;
	s22 =	sadd.s32 $0x30, s18;
	[dreg:$0x7] =	wrdreg s17  }
0x19: {  	s28 =	sshrl.u32 s14, $0x3;
	s3 =	simm.s32 $0x280;
	[dreg:$0x8] =	wrdreg s20  }
0x1a: {  	s13 =	simm.s32 $0x7;
	s14 =	simm.s32 $0x4;
	[dreg:$0xb] =	wrdreg s21  }
0x1b: {  	s18 =	simm.s32 $0x5;
	s20 =	sadd.s32 s6, s15;
	[dreg:$0xc] =	wrdreg s22  }
0x1c: {  	[dreg:$0x13] =	wrdreg s28;
	s15 =	simm.s32 $0xA;
	s17 =	simm.s32 $0x8  }
0x1d: {  	s21 =	simm.s32 $0x9;
	[dreg:$0xa] =	wrdreg s20;
	s20 =	sshrl.u32 s24, $0x3  }
0x1e: {  	s22 =	simm.s32 $0x6;
	s24 =	simm.s32 $0xD;
	[dreg:$0xf] =	wrdreg s20  }
.LBB2_1:
0x1f: {  	[dreg:$0x14] =	wrdreg s9  }
0x20: {  	s7 =	rddreg [dreg:$0x4]  }
0x21: {  	[spmem:s20], [sflag:s19] =	dma.local [hbm:s7], $0x800  }
0x22: {  	_ =	swait.ge [sflag:s24], $0x800  }
0x23: {  	[sflag:s24] =	ssyncset.done $0x0  }
0x24: {  	s28 =	rddreg [dreg:$0x10];
	[sflag:s24] =	ssyncadd.s32 $0xFFFFF800  }
0x25: {  	[spmem:s28], [sflag:s19] =	dma.local [hbm:s7], $0x800  }
0x26: {  	_ =	swait.ge [sflag:s24], $0x800  }
0x27: {  	[sflag:s24] =	ssyncset.done $0x0  }
0x28: {  	s20 =	rddreg [dreg:$0x11];
	[sflag:s24] =	ssyncadd.s32 $0xFFFFF800  }
0x29: {  	[spmem:s20], [sflag:s19] =	dma.local [hbm:s7], $0x800  }
0x2a: {  	_ =	swait.ge [sflag:s24], $0x800  }
0x2b: {  	[sflag:s24] =	ssyncset.done $0x0  }
0x2c: {  	s26 =	rddreg [dreg:$0x12];
	[sflag:s24] =	ssyncadd.s32 $0xFFFFF800  }
0x2d: {  	[spmem:s26], [sflag:s19] =	dma.local [hbm:s7], $0x800  }
0x2e: {  	_ =	swait.ge [sflag:s24], $0x800  }
0x2f: {  	[sflag:s24] =	ssyncset.done $0x0  }
0x30: {  	s28 =	rddreg [dreg:$0x13];
	[sflag:s24] =	ssyncadd.s32 $0xFFFFF800  }
0x31: {  	[spmem:s28], [sflag:s19] =	dma.local [hbm:s7], $0x780  }
0x32: {  	_ =	swait.ge [sflag:s24], $0x780  }
0x33: {  	[sflag:s24] =	ssyncset.done $0x0  }
0x34: {  	[sflag:s24] =	ssyncadd.s32 $0xFFFFF880  }
0x35: {  	[bflag:$0x0] =	sbarrier.arrive $0xFFFF  }
0x36: {  	s9 =	rddreg [dreg:$0x6]  }
0x37: {  	[tilespmem:s2], [sflag:$0x1] =	stream.linear.gather [hbm4b:s9+s2], $0x80, $0x38;
	[tilespmem:$0x1FF00] =	vst v63  }
0x38: {  	s19 =	rddreg [dreg:$0x7]  }
0x39: {  	[tilespmem:s25], [sflag:$0x2] =	stream.linear.gather [hbm4b:s19+s2], $0x80, $0x38;
	[tilespmem:$0x1FF00] =	vst v63  }
0x3a: {  	s20 =	rddreg [dreg:$0x8];
	s19 =	simm.s32 $0x100  }
0x3b: {  	[tilespmem:s19], [sflag:$0x3] =	stream.linear.gather [hbm4b:s20+s2], $0x80, $0x38;
	[tilespmem:$0x1FF00] =	vst v63  }
0x3c: {  	s24 =	rddreg [dreg:$0x9];
	s20 =	simm.s32 $0x180  }
0x3d: {  	[tilespmem:s20], [sflag:$0x4] =	stream.linear.gather [hbm4b:s24+s2], $0x80, $0x38;
	[tilespmem:$0x1FF00] =	vst v63  }
0x3e: {  	s26 =	rddreg [dreg:$0xa];
	s24 =	simm.s32 $0x200  }
0x3f: {  	[tilespmem:s24], [sflag:$0x5] =	stream.linear.gather [hbm4b:s26+s2], $0x80, $0x38;
	[tilespmem:$0x1FF00] =	vst v63  }
0x40: {  	_ =	swait.ge [sflag:s30], $0x80  }
0x41: {  	[sflag:s30] =	ssyncset.done $0x0  }
0x42: {  	[sflag:s30] =	ssyncadd.s32 $0xFFFFFF80  }
0x43: {  	[tilespmem:s16], [sflag:$0x7] =	stream.indirect.gather [hbm4b:s4+s25], $0x80, s2, s25, $0xb8;
	[tilespmem:$0x1FF00] =	vst v63  }
0x44: {  	_ =	swait.ge [sflag:s31], $0x80  }
0x45: {  	[sflag:s31] =	ssyncset.done $0x0  }
0x46: {  	[sflag:s31] =	ssyncadd.s32 $0xFFFFFF80  }
0x47: {  	[tilespmem:s0], [sflag:$0x8] =	stream.indirect.gather [hbm4b:s4+s25], $0x80, s25, s25, $0xb8;
	[tilespmem:$0x1FF00] =	vst v63  }
0x48: {  	s28 =	rddreg [dreg:$0xb]  }
0x49: {  	[tilespmem:s3], [sflag:$0x6] =	stream.linear.gather [hbm4b:s28+s2], $0x80, $0x38;
	[tilespmem:$0x1FF00] =	vst v63  }
0x4a: {  	_ =	swait.ge [sflag:s11], $0x80  }
0x4b: {  	[sflag:s11] =	ssyncset.done $0x0  }
0x4c: {  	[sflag:s11] =	ssyncadd.s32 $0xFFFFFF80  }
0x4d: {  	[tilespmem:s12], [sflag:$0x9] =	stream.indirect.gather [hbm4b:s4+s25], $0x80, s19, s25, $0xb8;
	[tilespmem:$0x1FF00] =	vst v63  }
0x4e: {  	_ =	swait.ge [sflag:s13], $0x4000  }
0x4f: {  	[sflag:s13] =	ssyncset.done $0x0  }
0x50: {  	[sflag:s13] =	ssyncadd.s32 $0xFFFFC000  }
0x51: {  	_ =	swait.ge [sflag:s14], $0x80  }
0x52: {  	[sflag:s14] =	ssyncset.done $0x0  }
0x53: {  	s26 =	simm.s32 $0x180;
	[sflag:s14] =	ssyncadd.s32 $0xFFFFFF80  }
0x54: {  	[spmem:s1] =	stream.indirect.scatter.add.f32 [tilespmem:s16], [sflag:$0xA], $0x80, s20, s25, $0xb8;
	[tilespmem:$0x1FF00] =	vst v63  }
0x55: {  	s28 =	sand.u32 $0x7C00, s26;
	s9 =	rddreg [dreg:$0xc]  }
0x56: {  	[tilespmem:s2], [sflag:$0x1] =	stream.linear.gather [hbm4b:s9+s2], $0x80, $0x38;
	[tilespmem:$0x1FF00] =	vst v63  }
0x57: {  	s7 =	sand.u32 $0x380, s26;
	s9 =	sadd.s32 s8, s28  }
0x58: {  	s7 =	sor.u32 s7, s9;
	_ =	swait.ge [sflag:s15], $0x4000  }
0x59: {  	s7 =	sshrl.u32 s7, $0x3;
	[sflag:s15] =	ssyncset.done $0x0  }
0x5a: {  	s7 =	sadd.s32 s6, s7;
	[sflag:s15] =	ssyncadd.s32 $0xFFFFC000  }
0x5b: {  	[tilespmem:s20], [sflag:$0x4] =	stream.linear.gather [hbm4b:s7+s2], $0x80, $0x38;
	[tilespmem:$0x1FF00] =	vst v63  }
0x5c: {  	_ =	swait.ge [sflag:s30], $0x80  }
0x5d: {  	[sflag:s30] =	ssyncset.done $0x0  }
0x5e: {  	[sflag:s30] =	ssyncadd.s32 $0xFFFFFF80  }
0x5f: {  	[tilespmem:s16], [sflag:$0x7] =	stream.indirect.gather [hbm4b:s4+s25], $0x80, s2, s25, $0xb8;
	[tilespmem:$0x1FF00] =	vst v63  }
0x60: {  	_ =	swait.ge [sflag:s17], $0x4000  }
0x61: {  	s26 =	simm.s32 $0x200;
	[sflag:s17] =	ssyncset.done $0x0  }
0x62: {  	s28 =	sand.u32 $0xFC00, s26;
	[sflag:s17] =	ssyncadd.s32 $0xFFFFC000  }
0x63: {  	s9 =	sadd.s32 s8, s28;
	s7 =	sand.u32 $0x380, s26;
	_ =	swait.ge [sflag:s18], $0x80  }
0x64: {  	s7 =	sor.u32 s7, s9;
	[sflag:s18] =	ssyncset.done $0x0  }
0x65: {  	s7 =	sshrl.u32 s7, $0x3;
	[sflag:s18] =	ssyncadd.s32 $0xFFFFFF80  }
0x66: {  	[spmem:s1] =	stream.indirect.scatter.add.f32 [tilespmem:s0], [sflag:$0xB], $0x80, s24, s25, $0xb8;
	[tilespmem:$0x1FF00] =	vst v63  }
0x67: {  	s20 =	sadd.s32 s5, s7  }
0x68: {  	[tilespmem:s25], [sflag:$0x2] =	stream.linear.gather [hbm4b:s20+s2], $0x80, $0x38;
	[tilespmem:$0x1FF00] =	vst v63  }
0x69: {  	_ =	swait.ge [sflag:s10], $0x4000  }
0x6a: {  	[sflag:s10] =	ssyncset.done $0x0  }
0x6b: {  	s7 =	sadd.s32 s6, s7;
	[sflag:s10] =	ssyncadd.s32 $0xFFFFC000  }
0x6c: {  	[tilespmem:s24], [sflag:$0x5] =	stream.linear.gather [hbm4b:s7+s2], $0x80, $0x38;
	[tilespmem:$0x1FF00] =	vst v63  }
0x6d: {  	_ =	swait.ge [sflag:s31], $0x80  }
0x6e: {  	[sflag:s31] =	ssyncset.done $0x0  }
0x6f: {  	[sflag:s31] =	ssyncadd.s32 $0xFFFFFF80  }
0x70: {  	[tilespmem:s0], [sflag:$0x8] =	stream.indirect.gather [hbm4b:s4+s25], $0x80, s25, s25, $0xb8;
	[tilespmem:$0x1FF00] =	vst v63  }
0x71: {  	_ =	swait.ge [sflag:s21], $0x4000  }
0x72: {  	s24 =	simm.s32 $0x280;
	[sflag:s21] =	ssyncset.done $0x0  }
0x73: {  	s26 =	sand.u32 $0xFC00, s24;
	[sflag:s21] =	ssyncadd.s32 $0xFFFFC000  }
0x74: {  	s7 =	sand.u32 $0x380, s24;
	s9 =	sadd.s32 s8, s26;
	_ =	swait.ge [sflag:s22], $0x80  }
0x75: {  	s7 =	sor.u32 s7, s9;
	[sflag:s22] =	ssyncset.done $0x0  }
0x76: {  	s7 =	sshrl.u32 s7, $0x3;
	[sflag:s22] =	ssyncadd.s32 $0xFFFFFF80  }
0x77: {  	[spmem:s1] =	stream.indirect.scatter.add.f32 [tilespmem:s12], [sflag:$0xC], $0x80, s3, s25, $0xb8;
	[tilespmem:$0x1FF00] =	vst v63  }
0x78: {  	s28 =	sadd.s32 s5, s7  }
0x79: {  	[tilespmem:s19], [sflag:$0x3] =	stream.linear.gather [hbm4b:s28+s2], $0x80, $0x38;
	[tilespmem:$0x1FF00] =	vst v63  }
0x7a: {  	_ =	swait.ge [sflag:s23], $0x4000  }
0x7b: {  	[sflag:s23] =	ssyncset.done $0x0  }
0x7c: {  	p0 =	por $0x0, $0x0;
	s7 =	sadd.s32 s6, s7;
	[sflag:s23] =	ssyncadd.s32 $0xFFFFC000  }
0x7d: {  	[tilespmem:s3], [sflag:$0x6] =	stream.linear.gather [hbm4b:s7+s2], $0x80, $0x38;
	[tilespmem:$0x1FF00] =	vst v63  }
0x7e: {  	s24 =	simm.s32 $0x300;
	s9 =	simm.s32 $0x600;
	s7 =	simm.s32 $0x300  }
0x7f: {  	s19 =	simm.s32 $0x480;
	_ =	swait.ge [sflag:s11], $0x80;
	s7 =	simm.s32 @p0 $0x0  }
.LBB2_2:
0x80: {  	s20 =	sand.u32 $0x7C00, s24;
	[sflag:s11] =	ssyncset.done $0x0  }
0x81: {  	s28 =	sand.u32 $0xFC00, s7;
	s26 =	smov.u32 s19;
	s19 =	smov.u32 s9  }
0x82: {  	s24 =	sand.u32 $0x380, s24;
	s20 =	sadd.s32 s8, s20;
	[sflag:s11] =	ssyncadd.s32 $0xFFFFFF80  }
0x83: {  	[tilespmem:s12], [sflag:$0x9] =	stream.indirect.gather [hbm4b:s4+s25], $0x80, s29, s25, $0xb8;
	[tilespmem:$0x1FF00] =	vst v63  }
0x84: {  	s7 =	sand.u32 $0x380, s7;
	s24 =	sor.u32 s24, s20;
	_ =	swait.ge [sflag:s13], $0x4000  }
0x85: {  	s28 =	sadd.s32 s8, s28;
	s20 =	sadd.s32 $0x180, s9;
	[sflag:s13] =	ssyncset.done $0x0  }
0x86: {  	s7 =	sor.u32 s7, s28;
	s24 =	sshrl.u32 s24, $0x3;
	[sflag:s13] =	ssyncadd.s32 $0xFFFFC000  }
0x87: {  	p0 =	sne.s32 s9, $0x2880;
	s7 =	sshrl.u32 s7, $0x3;
	_ =	swait.ge [sflag:s14], $0x80  }
0x88: {  	s9 =	sadd.s32 s6, s24;
	[sflag:s14] =	ssyncset.done $0x0  }
0x89: {  	s24 =	simm.s32 $0x180;
	[sflag:s14] =	ssyncadd.s32 $0xFFFFFF80  }
0x8a: {  	[spmem:s1] =	stream.indirect.scatter.add.f32 [tilespmem:s16], [sflag:$0xA], $0x80, s24, s25, $0xb8;
	[tilespmem:$0x1FF00] =	vst v63  }
0x8b: {  	s7 =	sadd.s32 s5, s7  }
0x8c: {  	[tilespmem:s2], [sflag:$0x1] =	stream.linear.gather [hbm4b:s7+s2], $0x80, $0x38;
	[tilespmem:$0x1FF00] =	vst v63  }
0x8d: {  	_ =	swait.ge [sflag:s15], $0x4000  }
0x8e: {  	[sflag:s15] =	ssyncset.done $0x0  }
0x8f: {  	s7 =	sadd.s32 $0xFFFFFF00, s26;
	[sflag:s15] =	ssyncadd.s32 $0xFFFFC000  }
0x90: {  	[tilespmem:s24], [sflag:$0x4] =	stream.linear.gather [hbm4b:s9+s2], $0x80, $0x38;
	[tilespmem:$0x1FF00] =	vst v63  }
0x91: {  	s9 =	sand.u32 $0xFC00, s7;
	s7 =	sand.u32 $0x380, s7;
	_ =	swait.ge [sflag:s30], $0x80  }
0x92: {  	s9 =	sadd.s32 s8, s9;
	[sflag:s30] =	ssyncset.done $0x0  }
0x93: {  	s7 =	sor.u32 s7, s9;
	[sflag:s30] =	ssyncadd.s32 $0xFFFFFF80  }
0x94: {  	[tilespmem:s16], [sflag:$0x7] =	stream.indirect.gather [hbm4b:s4+s25], $0x80, s2, s25, $0xb8;
	[tilespmem:$0x1FF00] =	vst v63  }
0x95: {  	_ =	swait.ge [sflag:s17], $0x4000  }
0x96: {  	[sflag:s17] =	ssyncset.done $0x0  }
0x97: {  	[sflag:s17] =	ssyncadd.s32 $0xFFFFC000  }
0x98: {  	s7 =	sshrl.u32 s7, $0x3;
	_ =	swait.ge [sflag:s18], $0x80  }
0x99: {  	s9 =	sadd.s32 s5, s7;
	[sflag:s18] =	ssyncset.done $0x0  }
0x9a: {  	s24 =	simm.s32 $0x200;
	[sflag:s18] =	ssyncadd.s32 $0xFFFFFF80  }
0x9b: {  	[spmem:s1] =	stream.indirect.scatter.add.f32 [tilespmem:s0], [sflag:$0xB], $0x80, s24, s25, $0xb8;
	[tilespmem:$0x1FF00] =	vst v63  }
0x9c: {  	_ = 	snop  }
0x9d: {  	[tilespmem:s25], [sflag:$0x2] =	stream.linear.gather [hbm4b:s9+s2], $0x80, $0x38;
	[tilespmem:$0x1FF00] =	vst v63  }
0x9e: {  	_ =	swait.ge [sflag:s10], $0x4000  }
0x9f: {  	[sflag:s10] =	ssyncset.done $0x0  }
0xa0: {  	s7 =	sadd.s32 s6, s7;
	[sflag:s10] =	ssyncadd.s32 $0xFFFFC000  }
0xa1: {  	[tilespmem:s24], [sflag:$0x5] =	stream.linear.gather [hbm4b:s7+s2], $0x80, $0x38;
	[tilespmem:$0x1FF00] =	vst v63  }
0xa2: {  	s7 =	sadd.s32 $0xFFFFFF80, s26;
	_ =	swait.ge [sflag:s31], $0x80  }
0xa3: {  	s9 =	sand.u32 $0xFC00, s7;
	[sflag:s31] =	ssyncset.done $0x0  }
0xa4: {  	s7 =	sand.u32 $0x380, s7;
	s9 =	sadd.s32 s8, s9;
	[sflag:s31] =	ssyncadd.s32 $0xFFFFFF80  }
0xa5: {  	s7 =	sor.u32 s7, s9  }
0xa6: {  	[tilespmem:s0], [sflag:$0x8] =	stream.indirect.gather [hbm4b:s4+s25], $0x80, s25, s25, $0xb8;
	[tilespmem:$0x1FF00] =	vst v63  }
0xa7: {  	s7 =	sshrl.u32 s7, $0x3;
	_ =	swait.ge [sflag:s21], $0x4000  }
0xa8: {  	s9 =	sadd.s32 s5, s7;
	[sflag:s21] =	ssyncset.done $0x0  }
0xa9: {  	[sflag:s21] =	ssyncadd.s32 $0xFFFFC000  }
0xaa: {  	_ =	swait.ge [sflag:s22], $0x80  }
0xab: {  	[sflag:s22] =	ssyncset.done $0x0  }
0xac: {  	[sflag:s22] =	ssyncadd.s32 $0xFFFFFF80  }
0xad: {  	[spmem:s1] =	stream.indirect.scatter.add.f32 [tilespmem:s12], [sflag:$0xC], $0x80, s3, s25, $0xb8;
	[tilespmem:$0x1FF00] =	vst v63  }
0xae: {  	s7 =	sadd.s32 s6, s7  }
0xaf: {  	[tilespmem:s29], [sflag:$0x3] =	stream.linear.gather [hbm4b:s9+s2], $0x80, $0x38;
	[tilespmem:$0x1FF00] =	vst v63  }
0xb0: {  	_ =	swait.ge [sflag:s23], $0x4000  }
.Ltmp0:
0xb1: {  	[sflag:s23] =	ssyncset.done $0x0;
	(pc) =	sbr.rel @p0 .LBB2_2-.Ltmp0, $4  }
0xb2: {  	p1 =	seq.s32 s26, $0x2880;
	[sflag:s23] =	ssyncadd.s32 $0xFFFFC000  }
0xb3: {  	[tilespmem:s3], [sflag:$0x6] =	stream.linear.gather [hbm4b:s7+s2], $0x80, $0x38;
	[tilespmem:$0x1FF00] =	vst v63  }
0xb4: {  	s24 =	sadd.s32 $0xFFFFFE80, s19;
	s7 =	smov.u32 s26  }
0xb5: {  	s9 =	smov.u32 s20;
	_ =	swait.ge [sflag:s11], $0x80;
	s7 =	simm.s32 @p1 $0x0  }
0xb6: {  	[sflag:s11] =	ssyncset.done $0x0  }
0xb7: {  	s20 =	simm.s32 $0x100;
	[sflag:s11] =	ssyncadd.s32 $0xFFFFFF80  }
0xb8: {  	[tilespmem:s12], [sflag:$0x9] =	stream.indirect.gather [hbm4b:s4+s25], $0x80, s20, s25, $0xb8;
	[tilespmem:$0x1FF00] =	vst v63  }
0xb9: {  	_ =	swait.ge [sflag:s13], $0x4000  }
0xba: {  	[sflag:s13] =	ssyncset.done $0x0  }
0xbb: {  	s9 =	sand.u32 $0xFC00, s7;
	[sflag:s13] =	ssyncadd.s32 $0xFFFFC000  }
0xbc: {  	s28 =	sand.u32 $0x380, s7;
	s9 =	sadd.s32 s8, s9;
	_ =	swait.ge [sflag:s14], $0x80  }
0xbd: {  	s7 =	sor.u32 s28, s9;
	[sflag:s14] =	ssyncset.done $0x0  }
0xbe: {  	s26 =	simm.s32 $0x180;
	s7 =	sshrl.u32 s7, $0x3;
	[sflag:s14] =	ssyncadd.s32 $0xFFFFFF80  }
0xbf: {  	[spmem:s1] =	stream.indirect.scatter.add.f32 [tilespmem:s16], [sflag:$0xA], $0x80, s26, s25, $0xb8;
	[tilespmem:$0x1FF00] =	vst v63  }
0xc0: {  	s9 =	sand.u32 $0x7C00, s24;
	s7 =	sadd.s32 s5, s7  }
0xc1: {  	[tilespmem:s2], [sflag:$0x1] =	stream.linear.gather [hbm4b:s7+s2], $0x80, $0x38;
	[tilespmem:$0x1FF00] =	vst v63  }
0xc2: {  	s28 =	sand.u32 $0x380, s24;
	s7 =	sadd.s32 s8, s9  }
0xc3: {  	s7 =	sor.u32 s28, s7;
	_ =	swait.ge [sflag:s15], $0x4000  }
0xc4: {  	s7 =	sshrl.u32 s7, $0x3;
	[sflag:s15] =	ssyncset.done $0x0  }
0xc5: {  	s7 =	sadd.s32 s6, s7;
	[sflag:s15] =	ssyncadd.s32 $0xFFFFC000  }
0xc6: {  	[tilespmem:s26], [sflag:$0x4] =	stream.linear.gather [hbm4b:s7+s2], $0x80, $0x38;
	[tilespmem:$0x1FF00] =	vst v63  }
0xc7: {  	_ =	swait.ge [sflag:s30], $0x80  }
0xc8: {  	[sflag:s30] =	ssyncset.done $0x0  }
0xc9: {  	[sflag:s30] =	ssyncadd.s32 $0xFFFFFF80  }
0xca: {  	[tilespmem:s16], [sflag:$0x7] =	stream.indirect.gather [hbm4b:s4+s25], $0x80, s2, s25, $0xb8;
	[tilespmem:$0x1FF00] =	vst v63  }
0xcb: {  	_ =	swait.ge [sflag:s17], $0x4000  }
0xcc: {  	s9 =	sadd.s32 $0xFFFFFF00, s19;
	[sflag:s17] =	ssyncset.done $0x0  }
0xcd: {  	s24 =	sand.u32 $0xFC00, s9;
	[sflag:s17] =	ssyncadd.s32 $0xFFFFC000  }
0xce: {  	s7 =	sand.u32 $0x380, s9;
	s9 =	sadd.s32 s8, s24;
	_ =	swait.ge [sflag:s18], $0x80  }
0xcf: {  	s7 =	sor.u32 s7, s9;
	[sflag:s18] =	ssyncset.done $0x0  }
0xd0: {  	s24 =	simm.s32 $0x200;
	s7 =	sshrl.u32 s7, $0x3;
	[sflag:s18] =	ssyncadd.s32 $0xFFFFFF80  }
0xd1: {  	[spmem:s1] =	stream.indirect.scatter.add.f32 [tilespmem:s0], [sflag:$0xB], $0x80, s24, s25, $0xb8;
	[tilespmem:$0x1FF00] =	vst v63  }
0xd2: {  	s28 =	sadd.s32 s5, s7  }
0xd3: {  	[tilespmem:s25], [sflag:$0x2] =	stream.linear.gather [hbm4b:s28+s2], $0x80, $0x38;
	[tilespmem:$0x1FF00] =	vst v63  }
0xd4: {  	_ =	swait.ge [sflag:s10], $0x4000  }
0xd5: {  	[sflag:s10] =	ssyncset.done $0x0  }
0xd6: {  	s7 =	sadd.s32 s6, s7;
	[sflag:s10] =	ssyncadd.s32 $0xFFFFC000  }
0xd7: {  	[tilespmem:s24], [sflag:$0x5] =	stream.linear.gather [hbm4b:s7+s2], $0x80, $0x38;
	[tilespmem:$0x1FF00] =	vst v63  }
0xd8: {  	_ =	swait.ge [sflag:s31], $0x80  }
0xd9: {  	[sflag:s31] =	ssyncset.done $0x0  }
0xda: {  	[sflag:s31] =	ssyncadd.s32 $0xFFFFFF80  }
0xdb: {  	[tilespmem:s0], [sflag:$0x8] =	stream.indirect.gather [hbm4b:s4+s25], $0x80, s25, s25, $0xb8;
	[tilespmem:$0x1FF00] =	vst v63  }
0xdc: {  	_ =	swait.ge [sflag:s21], $0x4000  }
0xdd: {  	s7 =	sadd.s32 $0xFFFFFF80, s19;
	[sflag:s21] =	ssyncset.done $0x0  }
0xde: {  	s28 =	sand.u32 $0xFC00, s7;
	[sflag:s21] =	ssyncadd.s32 $0xFFFFC000  }
0xdf: {  	s7 =	sand.u32 $0x380, s7;
	s9 =	sadd.s32 s8, s28;
	_ =	swait.ge [sflag:s22], $0x80  }
0xe0: {  	s7 =	sor.u32 s7, s9;
	[sflag:s22] =	ssyncset.done $0x0  }
0xe1: {  	s7 =	sshrl.u32 s7, $0x3;
	[sflag:s22] =	ssyncadd.s32 $0xFFFFFF80  }
0xe2: {  	[spmem:s1] =	stream.indirect.scatter.add.f32 [tilespmem:s12], [sflag:$0xC], $0x80, s3, s25, $0xb8;
	[tilespmem:$0x1FF00] =	vst v63  }
0xe3: {  	s28 =	sadd.s32 s5, s7  }
0xe4: {  	[tilespmem:s20], [sflag:$0x3] =	stream.linear.gather [hbm4b:s28+s2], $0x80, $0x38;
	[tilespmem:$0x1FF00] =	vst v63  }
0xe5: {  	_ =	swait.ge [sflag:s23], $0x4000  }
0xe6: {  	[sflag:s23] =	ssyncset.done $0x0  }
0xe7: {  	s7 =	sadd.s32 s6, s7;
	[sflag:s23] =	ssyncadd.s32 $0xFFFFC000  }
0xe8: {  	[tilespmem:s3], [sflag:$0x6] =	stream.linear.gather [hbm4b:s7+s2], $0x80, $0x38;
	[tilespmem:$0x1FF00] =	vst v63  }
0xe9: {  	_ =	swait.ge [sflag:s11], $0x80  }
0xea: {  	[sflag:s11] =	ssyncset.done $0x0  }
0xeb: {  	[sflag:s11] =	ssyncadd.s32 $0xFFFFFF80  }
0xec: {  	[tilespmem:s12], [sflag:$0x9] =	stream.indirect.gather [hbm4b:s4+s25], $0x80, s20, s25, $0xb8;
	[tilespmem:$0x1FF00] =	vst v63  }
0xed: {  	p0 =	seq.s32 s19, $0x2880;
	_ =	swait.ge [sflag:s13], $0x4000  }
0xee: {  	s19 =	simm.s32 @p0 $0x0;
	[sflag:s13] =	ssyncset.done $0x0  }
0xef: {  	s9 =	sand.u32 $0xFC00, s19;
	[sflag:s13] =	ssyncadd.s32 $0xFFFFC000  }
0xf0: {  	s7 =	sadd.s32 s8, s9;
	s20 =	sand.u32 $0x380, s19;
	_ =	swait.ge [sflag:s14], $0x80  }
0xf1: {  	s7 =	sor.u32 s20, s7;
	[sflag:s14] =	ssyncset.done $0x0  }
0xf2: {  	s7 =	sshrl.u32 s7, $0x3;
	[sflag:s14] =	ssyncadd.s32 $0xFFFFFF80  }
0xf3: {  	[spmem:s1] =	stream.indirect.scatter.add.f32 [tilespmem:s16], [sflag:$0xA], $0x80, s26, s25, $0xb8;
	[tilespmem:$0x1FF00] =	vst v63  }
0xf4: {  	s7 =	sadd.s32 s5, s7  }
0xf5: {  	[tilespmem:s2], [sflag:$0x1] =	stream.linear.gather [hbm4b:s7+s2], $0x80, $0x38;
	[tilespmem:$0x1FF00] =	vst v63  }
0xf6: {  	_ =	swait.ge [sflag:s17], $0x4000  }
0xf7: {  	[sflag:s17] =	ssyncset.done $0x0  }
0xf8: {  	[sflag:s17] =	ssyncadd.s32 $0xFFFFC000  }
0xf9: {  	_ =	swait.ge [sflag:s18], $0x80  }
0xfa: {  	[sflag:s18] =	ssyncset.done $0x0  }
0xfb: {  	[sflag:s18] =	ssyncadd.s32 $0xFFFFFF80  }
0xfc: {  	[spmem:s1] =	stream.indirect.scatter.add.f32 [tilespmem:s0], [sflag:$0xB], $0x80, s24, s25, $0xb8;
	[tilespmem:$0x1FF00] =	vst v63  }
0xfd: {  	_ =	swait.ge [sflag:s21], $0x4000  }
0xfe: {  	[sflag:s21] =	ssyncset.done $0x0  }
0xff: {  	[sflag:s21] =	ssyncadd.s32 $0xFFFFC000  }
0x100: {  	_ =	swait.ge [sflag:s22], $0x80  }
0x101: {  	[sflag:s22] =	ssyncset.done $0x0  }
0x102: {  	[sflag:s22] =	ssyncadd.s32 $0xFFFFFF80  }
0x103: {  	[spmem:s1] =	stream.indirect.scatter.add.f32 [tilespmem:s12], [sflag:$0xC], $0x80, s3, s25, $0xb8;
	[tilespmem:$0x1FF00] =	vst v63  }
0x104: {  	_ =	swait.ge [sflag:s15], $0x4000  }
0x105: {  	[sflag:s15] =	ssyncset.done $0x0  }
0x106: {  	[sflag:s15] =	ssyncadd.s32 $0xFFFFC000  }
0x107: {  	_ =	swait.ge [sflag:s10], $0x4000  }
0x108: {  	[sflag:s10] =	ssyncset.done $0x0  }
0x109: {  	[sflag:s10] =	ssyncadd.s32 $0xFFFFC000  }
0x10a: {  	_ =	swait.ge [sflag:s23], $0x4000  }
0x10b: {  	[sflag:s23] =	ssyncset.done $0x0  }
0x10c: {  	[sflag:s23] =	ssyncadd.s32 $0xFFFFC000  }
0x10d: {  	_ =	swait.ge [sflag:s30], $0x80  }
0x10e: {  	[sflag:s30] =	ssyncset.done $0x0  }
0x10f: {  	[sflag:s30] =	ssyncadd.s32 $0xFFFFFF80  }
0x110: {  	[bflag:$0x0] =	sbarrier.arrive $0xFFFF  }
0x111: {  	s19 =	rddreg [dreg:$0x5]  }
0x112: {  	s24 =	rddreg [dreg:$0xd]  }
0x113: {  	s20 =	rddreg [dreg:$0xf]  }
0x114: {  	[hbm:s24], [sflag:s19] =	dma.local [spmem:s20], $0x2780  }
0x115: {  	s24 =	simm.s32 $0xD  }
0x116: {  	_ =	swait.ge [sflag:s24], $0x2780  }
0x117: {  	s26 =	rddreg [dreg:$0x14]  }
0x118: {  	s28 =	rddreg [dreg:$0xe];
	s9 =	sadd.s32 $0x1, s26  }
0x119: {  	p0 =	sne.s32 s9, s28  }
.Ltmp1:
0x11a: {  	_ = 	snop;
	(pc) =	sbr.rel @p0 .LBB2_1-.Ltmp1, $3  }
0x11b: {  	_ =	sdelay $0x1  }
0x11c: {  	[sflag:s24] =	ssyncset.done $0x0  }
0x11d: {  	[sflag:s24] =	ssyncadd.s32 $0xFFFFD880  }
0x11e: {  	_ =	sfence.sel $0x180000  }
0x11f: {  	[bflag:$0x0] =	sbarrier.arrive $0xFFFF  }
0x120: {  	_ =	strace $0x9000004D  }
0x121: {  	s0 =	stileid.u32;
	[bflag:$0x2] =	sbarrier.arrive $0xFFFF  }
0x122: {  	p0 =	sne.s32 s0, $0x0;
	s0 =	rddreg [dreg:$0x3]  }
0x123: {  	s0 =	sadd.s32 @!p0 $0x100000, s0  }
0x124: {  	[sflag:s0] =	ssyncadd.tile.s32 @!p0 $0x1;
	_ =	shalt  }
.Lfunc_end2:
_tile_overlayer_lowered:
.L_overlay_start_2:
0x125: {  	(tag) =	ssettag $0x2  }
0x126: {  	s0 =	rddreg [dreg:$0x0];
	s2 =	stileid.u32  }
0x127: {  	s1 =	rddreg [dreg:$0x1];
	p0 =	sne.s32 s2, $0x0  }
0x128: {  	s3 =	rddreg [dreg:$0x2];
	[bflag:$0x3] =	sbarrier.arrive $0xFFFF;
	s2 =	simm.s32 @!p0 $0x1C0D  }
0x129: {  	[timem:s3], [sflag:s2] =	dma.local @!p0 [hbm:s0], s1  }
0x12a: {  	s0 =	simm.s32 @!p0 $0xD  }
0x12b: {  	_ =	swait.ge @!p0 [sflag:s0], s1  }
0x12c: {  	s1 =	ssub.s32 @!p0 $0x0, s1;
	[sflag:s0] =	ssyncset.done @!p0 $0x0  }
0x12d: {  	[sflag:s0] =	ssyncadd.s32 @!p0 s1  }
0x12e: {  	[bflag:$0x3] =	sbarrier.arrive $0xFFFF  }
0x12f: {  	_ =	shalt  }

// kernel: kernel.21.cloned.1.call-start
scs
__scs_entry_jumppad:
0x0: {  	(pc) =	sbr.rel $0x88, $3  }
0x1: {  	(tag) =	ssettag $0x0;
	lr =	simm.s32 $0x1  }
0x2: {  	[smem:$0x3F9E] =	sst lr;
	_ =	strace $0xD0000000  }
0x3: {  	_ = 	snop  }
0x4: {  	_ = 	snop  }
0x5: {  	_ = 	snop  }
0x6: {  	_ = 	snop  }
0x7: {  	_ = 	snop  }
__scs_overlays_trampoline_lowered:
0x8: {  	[smem:$0x3FAD] =	sst s0  }
0x9: {  	[smem:$0x3FAE] =	sst s1  }
0xa: {  	[smem:$0x3FAF] =	sst s2  }
0xb: {  	[smem:$0x3FB0] =	sst s3  }
0xc: {  	[smem:$0x3FB1] =	sst s4  }
0xd: {  	[smem:$0x3FB2] =	sst s5  }
0xe: {  	[smem:$0x3FB3] =	sst s6  }
0xf: {  	[smem:$0x3FB4] =	sst s7  }
0x10: {  	[smem:$0x3FB5] =	sst s8  }
0x11: {  	[smem:$0x3FB6] =	sst s9;
	s0 =	simm.s32 @!p0 $0x0  }
0x12: {  	s1 =	sld [smem:$0x3F9C];
	s0 =	simm.s32 @p0 $0x1  }
0x13: {  	[smem:$0x3FB7] =	sst s0;
	s0 =	simm.s32 @!p1 $0x0  }
0x14: {  	s2 =	sld [smem:$0x3F9B];
	s0 =	simm.s32 @p1 $0x1  }
0x15: {  	[smem:$0x3FB8] =	sst s0;
	s0 =	simm.s32 @!p2 $0x0  }
0x16: {  	s3 =	sld [smem:$0x3FDB];
	s0 =	simm.s32 @p2 $0x1  }
0x17: {  	s4 =	simm.s32 $0x1BF5;
	[smem:$0x3FBA] =	sst s0  }
0x18: {  	s0 =	sld [smem:$0x3F9D];
	_ =	swait.ge [sflag:s4], $0x0  }
0x19: {  	s7 =	sld [smem:$0x3F9E]  }
0x1a: {  	s8 =	sadd.s32 $0xFFFFE003, lr  }
0x1b: {  	s9 =	sadd.s32 $0xFFFFFEF7, lr;
	s5 =	simm.s32 $0xFFFFFFFF;
	p2 =	slt.u32 s8, $0xFFFFF086  }
0x1c: {  	p1 =	slt.u32 s9, $0xF7A;
	s5 =	simm.s32 @!p2 $0x0  }
0x1d: {  	s5 =	simm.s32 @p1 $0x1;
	p0 =	seq.s32 s7, s2  }
0x1e: {  	s7 =	smul.u32 @!p0 $0xF7A, s2;
	p2 =	seq.s32 @!p0 s5, $0x0  }
0x1f: {  	s9 =	smul.u32 $0xF7A, s1;
	s8 =	simm.s32 @!p0 $0x1BF5;
	p2 =	por !p2, p0  }
0x20: {  	[sflag:s8] =	ssyncset.s32 @!p0 $0xFFFFF086;
	s6 =	sadd.s32 @!p0 s3, s7;
	s7 =	simm.s32 @!p0 $0x108  }
0x21: {  	s3 =	sadd.s32 s3, s9;
	s6 =	sadd.s32 @!p0 $0x88, s6;
	s7 =	simm.s32 @p2 $0x1082  }
0x22: {  	[simem:s7], [sflag:s8] =	dma.local @!p0 [hbm:s6], $0xF7A  }
0x23: {  	s9 =	sor.u32 $0xD0000000, s2;
	s6 =	simm.s32 $0x108;
	_ =	swait.ge @!p0 [sflag:s8], $0x0  }
0x24: {  	s3 =	sadd.s32 $0x88, s3;
	s6 =	simm.s32 @!p1 $0x1082;
	[sflag:s4] =	ssyncset.s32 $0xFFFFF086  }
0x25: {  	[simem:s6], [sflag:s4] =	dma.local [hbm:s3], $0xF7A  }
0x26: {  	[smem:$0x3F9E] =	sst s1;
	(tag) =	ssettag s2;
	_ =	strace s9  }
0x27: {  	s1 =	sld [smem:$0x3FAE]  }
0x28: {  	s2 =	sld [smem:$0x3FAF]  }
0x29: {  	s4 =	sld [smem:$0x3FB1]  }
0x2a: {  	p0 =	seq.s32 s5, $0x0;
	s5 =	sld [smem:$0x3FB2]  }
0x2b: {  	s6 =	sld [smem:$0x3FB3]  }
0x2c: {  	s7 =	sld [smem:$0x3FB4]  }
0x2d: {  	s3 =	simm.s32 $0x108;
	s8 =	sld [smem:$0x3FB5]  }
0x2e: {  	s3 =	simm.s32 @!p0 $0x1082;
	s9 =	sld [smem:$0x3FB6]  }
0x2f: {  	lr =	sadd.s32 s0, s3;
	s0 =	sld [smem:$0x3FAD]  }
0x30: {  	s3 =	sld [smem:$0x3FB0]  }
0x31: {  	[smem:$0x3FB9] =	sst s10  }
0x32: {  	s10 =	sld [smem:$0x3FB7];
	_ =	sdelay $0x3  }
0x33: {  	p0 =	seq.s32 s10, $0x1;
	s10 =	sld [smem:$0x3FB9];
	_ =	sdelay $0x3  }
0x34: {  	[smem:$0x3FB9] =	sst s10  }
0x35: {  	s10 =	sld [smem:$0x3FB8];
	_ =	sdelay $0x3  }
0x36: {  	p1 =	seq.s32 s10, $0x1;
	s10 =	sld [smem:$0x3FB9];
	_ =	sdelay $0x3  }
0x37: {  	[smem:$0x3FB9] =	sst s10  }
0x38: {  	s10 =	sld [smem:$0x3FBA]  }
0x39: {  	_ = 	snop;
	(pc) =	sbr.ind lr, $3  }
0x3a: {  	_ = 	snop  }
0x3b: {  	_ = 	snop  }
0x3c: {  	p2 =	seq.s32 s10, $0x1;
	s10 =	sld [smem:$0x3FB9]  }
0x3d: {  	_ =	shalt  }
0x3e: {  	_ =	shalt  }
0x3f: {  	_ =	shalt  }
0x40: {  	_ =	shalt  }
0x41: {  	_ =	shalt  }
0x42: {  	_ =	shalt  }
0x43: {  	_ =	shalt  }
0x44: {  	_ =	shalt  }
0x45: {  	_ =	shalt  }
0x46: {  	_ =	shalt  }
0x47: {  	_ =	shalt  }
0x48: {  	_ =	shalt  }
0x49: {  	_ =	shalt  }
0x4a: {  	_ =	shalt  }
0x4b: {  	_ =	shalt  }
0x4c: {  	_ =	shalt  }
0x4d: {  	_ =	shalt  }
0x4e: {  	_ =	shalt  }
0x4f: {  	_ =	shalt  }
0x50: {  	_ =	shalt  }
0x51: {  	_ =	shalt  }
0x52: {  	_ =	shalt  }
0x53: {  	_ =	shalt  }
0x54: {  	_ =	shalt  }
0x55: {  	_ =	shalt  }
0x56: {  	_ =	shalt  }
0x57: {  	_ =	shalt  }
0x58: {  	_ =	shalt  }
0x59: {  	_ =	shalt  }
0x5a: {  	_ =	shalt  }
0x5b: {  	_ =	shalt  }
0x5c: {  	_ =	shalt  }
0x5d: {  	_ =	shalt  }
0x5e: {  	_ =	shalt  }
0x5f: {  	_ =	shalt  }
0x60: {  	_ =	shalt  }
0x61: {  	_ =	shalt  }
0x62: {  	_ =	shalt  }
0x63: {  	_ =	shalt  }
0x64: {  	_ =	shalt  }
0x65: {  	_ =	shalt  }
0x66: {  	_ =	shalt  }
0x67: {  	_ =	shalt  }
0x68: {  	_ =	shalt  }
0x69: {  	_ =	shalt  }
0x6a: {  	_ =	shalt  }
0x6b: {  	_ =	shalt  }
0x6c: {  	_ =	shalt  }
0x6d: {  	_ =	shalt  }
0x6e: {  	_ =	shalt  }
0x6f: {  	_ =	shalt  }
0x70: {  	_ =	shalt  }
0x71: {  	_ =	shalt  }
0x72: {  	_ =	shalt  }
0x73: {  	_ =	shalt  }
0x74: {  	_ =	shalt  }
0x75: {  	_ =	shalt  }
0x76: {  	_ =	shalt  }
0x77: {  	_ =	shalt  }
0x78: {  	_ =	shalt  }
0x79: {  	_ =	shalt  }
0x7a: {  	_ =	shalt  }
0x7b: {  	_ =	shalt  }
0x7c: {  	_ =	shalt  }
0x7d: {  	_ =	shalt  }
0x7e: {  	_ =	shalt  }
0x7f: {  	_ =	shalt  }
0x80: {  	_ =	shalt  }
0x81: {  	_ =	shalt  }
0x82: {  	_ =	shalt  }
0x83: {  	_ =	shalt  }
0x84: {  	_ =	shalt  }
0x85: {  	_ =	shalt  }
0x86: {  	_ =	shalt  }
0x87: {  	_ =	shalt  }
.Lfunc_end0:
.L_simem_size_0:
called_computation.3_lowered:
.L_overlay_start_0:
0x88: {  	s2 =	sld [smem:$0x3FD9]  }
0x89: {  	s3 =	sld [smem:$0x3FFE];
	_ =	sdelay $0x1  }
0x8a: {  	s1 =	srdreg.scid  }
0x8b: {  	s0 =	sand.u32 $0x1, s1  }
0x8c: {  	s17 =	sshll.u32 s0, $0xA;
	s2 =	sadd.s32 s3, s2  }
0x8d: {  	s2 =	sadd.s32 s2, s17  }
0x8e: {  	[smem:$0x3FC5] =	sst s2  }
0x8f: {  	_ = 	snop  }
0x90: {  	s2 =	sld [smem:$0x3FD0];
	(tm) =	ssettm $0x1  }
0x91: {  	s18 =	sld [smem:$0x3FFB];
	_ =	sdelay $0x3  }
0x92: {  	_ =	strace s18  }
0x93: {  	s3 =	sld [smem:$0x3FFC];
	_ =	sdelay $0x3  }
0x94: {  	_ =	strace s3  }
0x95: {  	s3 =	sld [smem:$0x3FFD];
	_ =	sdelay $0x3  }
0x96: {  	_ =	strace s3  }
0x97: {  	_ =	strace $0x8FFFFFFF  }
0x98: {  	s19 =	sld [smem:$0x3FDB];
	_ =	sdelay $0x1  }
0x99: {  	s4 =	simm.s32 $_scs_section_size  }
0x9a: {  	s5 =	simm.s32 $_size__tile_overlayer_lowered;
	s6 =	simm.s32 $_tile_overlayer_lowered  }
0x9b: {  	s22 =	simm.s32 $0x1BFF;
	s21 =	sshll.u32 s6, $0x1;
	s3 =	sadd.s32 s4, s19  }
0x9c: {  	s7 =	simm.s32 $0x0;
	s20 =	sshll.u32 s5, $0x1;
	s5 =	sadd.s32 s21, s3  }
0x9d: {  	[timem:s7], [sflag:s22] =	dma.local [hbm:s5], s20  }
0x9e: {  	_ =	swait.ge [sflag:s22], s20  }
0x9f: {  	s4 =	ssub.s32 $0x0, s20;
	[sflag:s22] =	ssyncset.done $0x0  }
0xa0: {  	[sflag:s22] =	ssyncadd.s32 s4;
	_ =	sdelay $0x1  }
0xa1: {  	s23 =	simm.s32 $0x1B8B  }
0xa2: {  	_ =	swait.ge [sflag:s23], $0x1  }
0xa3: {  	[sflag:s23] =	ssyncset.done $0x0  }
0xa4: {  	s25 =	simm.s32 $0x1B8E;
	s24 =	sld [smem:$0x3FFE];
	[sflag:s23] =	ssyncadd.s32 $0xFFFFFFFF  }
0xa5: {  	s26 =	simm.s32 $execute0_lowered;
	[smem:$0x3FD2] =	sst s25  }
0xa6: {  	s5 =	sshll.u32 s26, $0x1;
	_ =	strace $0x8000004F;
	[dreg:$0x1] =	wrdreg $0xFFFFFFFF  }
0xa7: {  	s28 =	simm.s32 $_size_execute0_lowered;
	s3 =	sadd.s32 s3, s5;
	[dreg:$0x0] =	wrdreg $0x0  }
0xa8: {  	s5 =	sshll.u32 s28, $0x1;
	[dreg:$0x2] =	wrdreg s3  }
0xa9: {  	[dreg:$0x3] =	wrdreg s5  }
0xaa: {  	[dreg:$0x4] =	wrdreg $0xC0  }
0xab: {  	_ =	task [dreg:s7], $0x5FFFF  }
0xac: {  	[dreg:$0x1] =	wrdreg $0xFFFFFFFF  }
0xad: {  	[dreg:$0x0] =	wrdreg $0x60  }
0xae: {  	[dreg:$0x2] =	wrdreg s24  }
0xaf: {  	[dreg:$0x3] =	wrdreg s2  }
0xb0: {  	[dreg:$0x4] =	wrdreg $0xC3000  }
0xb1: {  	[dreg:$0x5] =	wrdreg $0x9  }
0xb2: {  	_ =	task.clear_ibuf [dreg:s7], $0x6FFFF;
	_ =	strace $0x9000004F  }
0xb3: {  	s29 =	simm.s32 $0x9;
	_ =	strace $0x80000051  }
0xb4: {  	_ =	swait.ge [sflag:s29], $0x1  }
0xb5: {  	[sflag:s29] =	ssyncadd.s32 $0xFFFFFFFF  }
0xb6: {  	_ =	strace $0x90000051  }
0xb7: {  	_ =	sfence  }
0xb8: {  	s30 =	sld [smem:$0x0];
	_ =	sdelay $0x2  }
0xb9: {  	s31 =	sshll.u32 s1, $0xD;
	s1 =	sshrl.u32 s1, $0x2  }
0xba: {  	s3 =	sand.u32 $0x4000, s31;
	s1 =	sadd.s32 s1, s30  }
0xbb: {  	s0 =	sor.u32 s3, s0;
	s1 =	sshll.u32 s1, $0x11  }
0xbc: {  	s0 =	sor.u32 s1, s0  }
0xbd: {  	s0 =	sadd.s32 $0x8F2B, s0  }
0xbe: {  	[sflag:s0] =	ssyncadd.remote.s32 $0x1  }
0xbf: {  	_ =	sfence.sel $0xFFFF  }
0xc0: {  	[dreg:$0x0] =	wrdreg $0xFFFFFFFF;
	(pc) =	sbr.abs _section_cstart, $3  }
0xc1: {  	[dreg:$0x1] =	wrdreg $0xFFFFFFFF  }
0xc2: {  	_ =	task.clear_ibuf [dreg:s7], $0x2FFFF;
	_ =	strace $0x9FFFFFFF  }
0xc3: {  	(tm) =	ssettm $0x7FFFFFFF  }
tec
execute0_lowered:
.L_overlay_start_1:
0x0: {  	(tag) =	ssettag $0x1  }
0x1: {  	s0 =	rddreg [dreg:$0x0]  }
0x2: {  	s3 =	rddreg [dreg:$0x1]  }
0x3: {  	s1 =	rddreg [dreg:$0x2];
	s2 =	simm.s32 $0x0  }
0x4: {  	s6 =	srdreg.scid;
	s16 =	stileid.u32;
	s30 =	simm.s32 $0x1  }
0x5: {  	s31 =	simm.s32 $0x2;
	s29 =	simm.s32 $0x100;
	[smem:$0x7FF] =	sst s2  }
0x6: {  	s4 =	sadd.s32 $0x25E00, s0;
	s5 =	sadd.s32 $0x1AE00, s0;
	s7 =	sand.u32 $0x1, s6  }
0x7: {  	s6 =	sadd.s32 $0x3600, s0;
	s9 =	smul.u32 $0x4F000, s16;
	s0 =	sadd.s32 $0x1A600, s0  }
0x8: {  	s11 =	sshll.u32 s16, $0x6;
	_ =	strace $0x80000050;
	s8 =	ssub.s32 $0x2, s7  }
0x9: {  	[dreg:$0x4] =	wrdreg s0;
	s10 =	sshll.u32 s7, $0x4;
	s19 =	sor.u32 $0x1C0D, s11  }
0xa: {  	s7 =	smul.u32 $0x13C000, s7;
	s11 =	simm.s32 $0x3;
	s21 =	sshrl.u32 s8, $0x1  }
0xb: {  	s22 =	sshrl.u32 s9, $0x2;
	s23 =	sor.u32 s16, s10;
	s16 =	smul.u32 $0x13C00, s16  }
0xc: {  	s10 =	simm.s32 $0xB;
	s9 =	simm.s32 $0x0;
	[dreg:$0x5] =	wrdreg s19  }
0xd: {  	s0 =	ssub.s32 s8, s21;
	s24 =	sadd.s32 s22, s1;
	s8 =	smul.u32 $0x2C00, s23  }
0xe: {  	s25 =	sadd.s32 $0x4000, s24;
	s26 =	sadd.s32 $0x8000, s24;
	s12 =	sadd.s32 $0xC000, s24  }
0xf: {  	s14 =	sadd.s32 $0x10000, s24;
	s7 =	sadd.s32 s16, s7;
	s0 =	smax.u32 s0, $0x1  }
0x10: {  	s16 =	simm.s32 $0x300;
	s13 =	sshrl.u32 s8, $0x3;
	s7 =	sshrl.u32 s7, $0x3  }
0x11: {  	[dreg:$0xe] =	wrdreg s0;
	s23 =	sshrl.u32 s25, $0x3;
	s25 =	sshrl.u32 s26, $0x3  }
0x12: {  	s26 =	sshrl.u32 s12, $0x3;
	s0 =	simm.s32 $0x4300;
	[dreg:$0x10] =	wrdreg s23  }
0x13: {  	s15 =	sor.u32 $0x10, s13;
	s18 =	sadd.s32 s5, s13;
	[dreg:$0x11] =	wrdreg s25  }
0x14: {  	s28 =	sor.u32 $0x20, s13;
	s13 =	sadd.s32 s6, s13;
	[dreg:$0x12] =	wrdreg s26  }
0x15: {  	s12 =	simm.s32 $0x8300;
	s3 =	sadd.s32 s3, s7;
	[dreg:$0x9] =	wrdreg s13  }
0x16: {  	s25 =	simm.s32 $0x80;
	s23 =	simm.s32 $0xC;
	[dreg:$0x6] =	wrdreg s18  }
0x17: {  	s17 =	sadd.s32 s5, s15;
	s20 =	sadd.s32 s5, s28;
	[dreg:$0xd] =	wrdreg s3  }
0x18: {  	s21 =	sadd.s32 s6, s28;
	s22 =	sadd.s32 $0x30, s18;
	[dreg:$0x7] =	wrdreg s17  }
0x19: {  	s28 =	sshrl.u32 s14, $0x3;
	s3 =	simm.s32 $0x280;
	[dreg:$0x8] =	wrdreg s20  }
0x1a: {  	s13 =	simm.s32 $0x7;
	s14 =	simm.s32 $0x4;
	[dreg:$0xb] =	wrdreg s21  }
0x1b: {  	s18 =	simm.s32 $0x5;
	s20 =	sadd.s32 s6, s15;
	[dreg:$0xc] =	wrdreg s22  }
0x1c: {  	[dreg:$0x13] =	wrdreg s28;
	s15 =	simm.s32 $0xA;
	s17 =	simm.s32 $0x8  }
0x1d: {  	s21 =	simm.s32 $0x9;
	[dreg:$0xa] =	wrdreg s20;
	s20 =	sshrl.u32 s24, $0x3  }
0x1e: {  	s22 =	simm.s32 $0x6;
	s24 =	simm.s32 $0xD;
	[dreg:$0xf] =	wrdreg s20  }
.LBB2_1:
0x1f: {  	[dreg:$0x14] =	wrdreg s9  }
0x20: {  	s7 =	rddreg [dreg:$0x4]  }
0x21: {  	[spmem:s20], [sflag:s19] =	dma.local [hbm:s7], $0x800  }
0x22: {  	_ =	swait.ge [sflag:s24], $0x800  }
0x23: {  	[sflag:s24] =	ssyncset.done $0x0  }
0x24: {  	s28 =	rddreg [dreg:$0x10];
	[sflag:s24] =	ssyncadd.s32 $0xFFFFF800  }
0x25: {  	[spmem:s28], [sflag:s19] =	dma.local [hbm:s7], $0x800  }
0x26: {  	_ =	swait.ge [sflag:s24], $0x800  }
0x27: {  	[sflag:s24] =	ssyncset.done $0x0  }
0x28: {  	s20 =	rddreg [dreg:$0x11];
	[sflag:s24] =	ssyncadd.s32 $0xFFFFF800  }
0x29: {  	[spmem:s20], [sflag:s19] =	dma.local [hbm:s7], $0x800  }
0x2a: {  	_ =	swait.ge [sflag:s24], $0x800  }
0x2b: {  	[sflag:s24] =	ssyncset.done $0x0  }
0x2c: {  	s26 =	rddreg [dreg:$0x12];
	[sflag:s24] =	ssyncadd.s32 $0xFFFFF800  }
0x2d: {  	[spmem:s26], [sflag:s19] =	dma.local [hbm:s7], $0x800  }
0x2e: {  	_ =	swait.ge [sflag:s24], $0x800  }
0x2f: {  	[sflag:s24] =	ssyncset.done $0x0  }
0x30: {  	s28 =	rddreg [dreg:$0x13];
	[sflag:s24] =	ssyncadd.s32 $0xFFFFF800  }
0x31: {  	[spmem:s28], [sflag:s19] =	dma.local [hbm:s7], $0x780  }
0x32: {  	_ =	swait.ge [sflag:s24], $0x780  }
0x33: {  	[sflag:s24] =	ssyncset.done $0x0  }
0x34: {  	[sflag:s24] =	ssyncadd.s32 $0xFFFFF880  }
0x35: {  	[bflag:$0x0] =	sbarrier.arrive $0xFFFF  }
0x36: {  	s9 =	rddreg [dreg:$0x6]  }
0x37: {  	[tilespmem:s2], [sflag:$0x1] =	stream.linear.gather [hbm4b:s9+s2], $0x80, $0x38;
	[tilespmem:$0x1FF00] =	vst v63  }
0x38: {  	s19 =	rddreg [dreg:$0x7]  }
0x39: {  	[tilespmem:s25], [sflag:$0x2] =	stream.linear.gather [hbm4b:s19+s2], $0x80, $0x38;
	[tilespmem:$0x1FF00] =	vst v63  }
0x3a: {  	s20 =	rddreg [dreg:$0x8];
	s19 =	simm.s32 $0x100  }
0x3b: {  	[tilespmem:s19], [sflag:$0x3] =	stream.linear.gather [hbm4b:s20+s2], $0x80, $0x38;
	[tilespmem:$0x1FF00] =	vst v63  }
0x3c: {  	s24 =	rddreg [dreg:$0x9];
	s20 =	simm.s32 $0x180  }
0x3d: {  	[tilespmem:s20], [sflag:$0x4] =	stream.linear.gather [hbm4b:s24+s2], $0x80, $0x38;
	[tilespmem:$0x1FF00] =	vst v63  }
0x3e: {  	s26 =	rddreg [dreg:$0xa];
	s24 =	simm.s32 $0x200  }
0x3f: {  	[tilespmem:s24], [sflag:$0x5] =	stream.linear.gather [hbm4b:s26+s2], $0x80, $0x38;
	[tilespmem:$0x1FF00] =	vst v63  }
0x40: {  	_ =	swait.ge [sflag:s30], $0x80  }
0x41: {  	[sflag:s30] =	ssyncset.done $0x0  }
0x42: {  	[sflag:s30] =	ssyncadd.s32 $0xFFFFFF80  }
0x43: {  	[tilespmem:s16], [sflag:$0x7] =	stream.indirect.gather [hbm4b:s4+s25], $0x80, s2, s25, $0xb8;
	[tilespmem:$0x1FF00] =	vst v63  }
0x44: {  	_ =	swait.ge [sflag:s31], $0x80  }
0x45: {  	[sflag:s31] =	ssyncset.done $0x0  }
0x46: {  	[sflag:s31] =	ssyncadd.s32 $0xFFFFFF80  }
0x47: {  	[tilespmem:s0], [sflag:$0x8] =	stream.indirect.gather [hbm4b:s4+s25], $0x80, s25, s25, $0xb8;
	[tilespmem:$0x1FF00] =	vst v63  }
0x48: {  	s28 =	rddreg [dreg:$0xb]  }
0x49: {  	[tilespmem:s3], [sflag:$0x6] =	stream.linear.gather [hbm4b:s28+s2], $0x80, $0x38;
	[tilespmem:$0x1FF00] =	vst v63  }
0x4a: {  	_ =	swait.ge [sflag:s11], $0x80  }
0x4b: {  	[sflag:s11] =	ssyncset.done $0x0  }
0x4c: {  	[sflag:s11] =	ssyncadd.s32 $0xFFFFFF80  }
0x4d: {  	[tilespmem:s12], [sflag:$0x9] =	stream.indirect.gather [hbm4b:s4+s25], $0x80, s19, s25, $0xb8;
	[tilespmem:$0x1FF00] =	vst v63  }
0x4e: {  	_ =	swait.ge [sflag:s13], $0x4000  }
0x4f: {  	[sflag:s13] =	ssyncset.done $0x0  }
0x50: {  	[sflag:s13] =	ssyncadd.s32 $0xFFFFC000  }
0x51: {  	_ =	swait.ge [sflag:s14], $0x80  }
0x52: {  	[sflag:s14] =	ssyncset.done $0x0  }
0x53: {  	s26 =	simm.s32 $0x180;
	[sflag:s14] =	ssyncadd.s32 $0xFFFFFF80  }
0x54: {  	[spmem:s1] =	stream.indirect.scatter.add.f32 [tilespmem:s16], [sflag:$0xA], $0x80, s20, s25, $0xb8;
	[tilespmem:$0x1FF00] =	vst v63  }
0x55: {  	s28 =	sand.u32 $0x7C00, s26;
	s9 =	rddreg [dreg:$0xc]  }
0x56: {  	[tilespmem:s2], [sflag:$0x1] =	stream.linear.gather [hbm4b:s9+s2], $0x80, $0x38;
	[tilespmem:$0x1FF00] =	vst v63  }
0x57: {  	s7 =	sand.u32 $0x380, s26;
	s9 =	sadd.s32 s8, s28  }
0x58: {  	s7 =	sor.u32 s7, s9;
	_ =	swait.ge [sflag:s15], $0x4000  }
0x59: {  	s7 =	sshrl.u32 s7, $0x3;
	[sflag:s15] =	ssyncset.done $0x0  }
0x5a: {  	s7 =	sadd.s32 s6, s7;
	[sflag:s15] =	ssyncadd.s32 $0xFFFFC000  }
0x5b: {  	[tilespmem:s20], [sflag:$0x4] =	stream.linear.gather [hbm4b:s7+s2], $0x80, $0x38;
	[tilespmem:$0x1FF00] =	vst v63  }
0x5c: {  	_ =	swait.ge [sflag:s30], $0x80  }
0x5d: {  	[sflag:s30] =	ssyncset.done $0x0  }
0x5e: {  	[sflag:s30] =	ssyncadd.s32 $0xFFFFFF80  }
0x5f: {  	[tilespmem:s16], [sflag:$0x7] =	stream.indirect.gather [hbm4b:s4+s25], $0x80, s2, s25, $0xb8;
	[tilespmem:$0x1FF00] =	vst v63  }
0x60: {  	_ =	swait.ge [sflag:s17], $0x4000  }
0x61: {  	s26 =	simm.s32 $0x200;
	[sflag:s17] =	ssyncset.done $0x0  }
0x62: {  	s28 =	sand.u32 $0xFC00, s26;
	[sflag:s17] =	ssyncadd.s32 $0xFFFFC000  }
0x63: {  	s9 =	sadd.s32 s8, s28;
	s7 =	sand.u32 $0x380, s26;
	_ =	swait.ge [sflag:s18], $0x80  }
0x64: {  	s7 =	sor.u32 s7, s9;
	[sflag:s18] =	ssyncset.done $0x0  }
0x65: {  	s7 =	sshrl.u32 s7, $0x3;
	[sflag:s18] =	ssyncadd.s32 $0xFFFFFF80  }
0x66: {  	[spmem:s1] =	stream.indirect.scatter.add.f32 [tilespmem:s0], [sflag:$0xB], $0x80, s24, s25, $0xb8;
	[tilespmem:$0x1FF00] =	vst v63  }
0x67: {  	s20 =	sadd.s32 s5, s7  }
0x68: {  	[tilespmem:s25], [sflag:$0x2] =	stream.linear.gather [hbm4b:s20+s2], $0x80, $0x38;
	[tilespmem:$0x1FF00] =	vst v63  }
0x69: {  	_ =	swait.ge [sflag:s10], $0x4000  }
0x6a: {  	[sflag:s10] =	ssyncset.done $0x0  }
0x6b: {  	s7 =	sadd.s32 s6, s7;
	[sflag:s10] =	ssyncadd.s32 $0xFFFFC000  }
0x6c: {  	[tilespmem:s24], [sflag:$0x5] =	stream.linear.gather [hbm4b:s7+s2], $0x80, $0x38;
	[tilespmem:$0x1FF00] =	vst v63  }
0x6d: {  	_ =	swait.ge [sflag:s31], $0x80  }
0x6e: {  	[sflag:s31] =	ssyncset.done $0x0  }
0x6f: {  	[sflag:s31] =	ssyncadd.s32 $0xFFFFFF80  }
0x70: {  	[tilespmem:s0], [sflag:$0x8] =	stream.indirect.gather [hbm4b:s4+s25], $0x80, s25, s25, $0xb8;
	[tilespmem:$0x1FF00] =	vst v63  }
0x71: {  	_ =	swait.ge [sflag:s21], $0x4000  }
0x72: {  	s24 =	simm.s32 $0x280;
	[sflag:s21] =	ssyncset.done $0x0  }
0x73: {  	s26 =	sand.u32 $0xFC00, s24;
	[sflag:s21] =	ssyncadd.s32 $0xFFFFC000  }
0x74: {  	s7 =	sand.u32 $0x380, s24;
	s9 =	sadd.s32 s8, s26;
	_ =	swait.ge [sflag:s22], $0x80  }
0x75: {  	s7 =	sor.u32 s7, s9;
	[sflag:s22] =	ssyncset.done $0x0  }
0x76: {  	s7 =	sshrl.u32 s7, $0x3;
	[sflag:s22] =	ssyncadd.s32 $0xFFFFFF80  }
0x77: {  	[spmem:s1] =	stream.indirect.scatter.add.f32 [tilespmem:s12], [sflag:$0xC], $0x80, s3, s25, $0xb8;
	[tilespmem:$0x1FF00] =	vst v63  }
0x78: {  	s28 =	sadd.s32 s5, s7  }
0x79: {  	[tilespmem:s19], [sflag:$0x3] =	stream.linear.gather [hbm4b:s28+s2], $0x80, $0x38;
	[tilespmem:$0x1FF00] =	vst v63  }
0x7a: {  	_ =	swait.ge [sflag:s23], $0x4000  }
0x7b: {  	[sflag:s23] =	ssyncset.done $0x0  }
0x7c: {  	p0 =	por $0x0, $0x0;
	s7 =	sadd.s32 s6, s7;
	[sflag:s23] =	ssyncadd.s32 $0xFFFFC000  }
0x7d: {  	[tilespmem:s3], [sflag:$0x6] =	stream.linear.gather [hbm4b:s7+s2], $0x80, $0x38;
	[tilespmem:$0x1FF00] =	vst v63  }
0x7e: {  	s24 =	simm.s32 $0x300;
	s9 =	simm.s32 $0x600;
	s7 =	simm.s32 $0x300  }
0x7f: {  	s19 =	simm.s32 $0x480;
	_ =	swait.ge [sflag:s11], $0x80;
	s7 =	simm.s32 @p0 $0x0  }
.LBB2_2:
0x80: {  	s20 =	sand.u32 $0x7C00, s24;
	[sflag:s11] =	ssyncset.done $0x0  }
0x81: {  	s28 =	sand.u32 $0xFC00, s7;
	s26 =	smov.u32 s19;
	s19 =	smov.u32 s9  }
0x82: {  	s24 =	sand.u32 $0x380, s24;
	s20 =	sadd.s32 s8, s20;
	[sflag:s11] =	ssyncadd.s32 $0xFFFFFF80  }
0x83: {  	[tilespmem:s12], [sflag:$0x9] =	stream.indirect.gather [hbm4b:s4+s25], $0x80, s29, s25, $0xb8;
	[tilespmem:$0x1FF00] =	vst v63  }
0x84: {  	s7 =	sand.u32 $0x380, s7;
	s24 =	sor.u32 s24, s20;
	_ =	swait.ge [sflag:s13], $0x4000  }
0x85: {  	s28 =	sadd.s32 s8, s28;
	s20 =	sadd.s32 $0x180, s9;
	[sflag:s13] =	ssyncset.done $0x0  }
0x86: {  	s7 =	sor.u32 s7, s28;
	s24 =	sshrl.u32 s24, $0x3;
	[sflag:s13] =	ssyncadd.s32 $0xFFFFC000  }
0x87: {  	p0 =	sne.s32 s9, $0x2880;
	s7 =	sshrl.u32 s7, $0x3;
	_ =	swait.ge [sflag:s14], $0x80  }
0x88: {  	s9 =	sadd.s32 s6, s24;
	[sflag:s14] =	ssyncset.done $0x0  }
0x89: {  	s24 =	simm.s32 $0x180;
	[sflag:s14] =	ssyncadd.s32 $0xFFFFFF80  }
0x8a: {  	[spmem:s1] =	stream.indirect.scatter.add.f32 [tilespmem:s16], [sflag:$0xA], $0x80, s24, s25, $0xb8;
	[tilespmem:$0x1FF00] =	vst v63  }
0x8b: {  	s7 =	sadd.s32 s5, s7  }
0x8c: {  	[tilespmem:s2], [sflag:$0x1] =	stream.linear.gather [hbm4b:s7+s2], $0x80, $0x38;
	[tilespmem:$0x1FF00] =	vst v63  }
0x8d: {  	_ =	swait.ge [sflag:s15], $0x4000  }
0x8e: {  	[sflag:s15] =	ssyncset.done $0x0  }
0x8f: {  	s7 =	sadd.s32 $0xFFFFFF00, s26;
	[sflag:s15] =	ssyncadd.s32 $0xFFFFC000  }
0x90: {  	[tilespmem:s24], [sflag:$0x4] =	stream.linear.gather [hbm4b:s9+s2], $0x80, $0x38;
	[tilespmem:$0x1FF00] =	vst v63  }
0x91: {  	s9 =	sand.u32 $0xFC00, s7;
	s7 =	sand.u32 $0x380, s7;
	_ =	swait.ge [sflag:s30], $0x80  }
0x92: {  	s9 =	sadd.s32 s8, s9;
	[sflag:s30] =	ssyncset.done $0x0  }
0x93: {  	s7 =	sor.u32 s7, s9;
	[sflag:s30] =	ssyncadd.s32 $0xFFFFFF80  }
0x94: {  	[tilespmem:s16], [sflag:$0x7] =	stream.indirect.gather [hbm4b:s4+s25], $0x80, s2, s25, $0xb8;
	[tilespmem:$0x1FF00] =	vst v63  }
0x95: {  	_ =	swait.ge [sflag:s17], $0x4000  }
0x96: {  	[sflag:s17] =	ssyncset.done $0x0  }
0x97: {  	[sflag:s17] =	ssyncadd.s32 $0xFFFFC000  }
0x98: {  	s7 =	sshrl.u32 s7, $0x3;
	_ =	swait.ge [sflag:s18], $0x80  }
0x99: {  	s9 =	sadd.s32 s5, s7;
	[sflag:s18] =	ssyncset.done $0x0  }
0x9a: {  	s24 =	simm.s32 $0x200;
	[sflag:s18] =	ssyncadd.s32 $0xFFFFFF80  }
0x9b: {  	[spmem:s1] =	stream.indirect.scatter.add.f32 [tilespmem:s0], [sflag:$0xB], $0x80, s24, s25, $0xb8;
	[tilespmem:$0x1FF00] =	vst v63  }
0x9c: {  	_ = 	snop  }
0x9d: {  	[tilespmem:s25], [sflag:$0x2] =	stream.linear.gather [hbm4b:s9+s2], $0x80, $0x38;
	[tilespmem:$0x1FF00] =	vst v63  }
0x9e: {  	_ =	swait.ge [sflag:s10], $0x4000  }
0x9f: {  	[sflag:s10] =	ssyncset.done $0x0  }
0xa0: {  	s7 =	sadd.s32 s6, s7;
	[sflag:s10] =	ssyncadd.s32 $0xFFFFC000  }
0xa1: {  	[tilespmem:s24], [sflag:$0x5] =	stream.linear.gather [hbm4b:s7+s2], $0x80, $0x38;
	[tilespmem:$0x1FF00] =	vst v63  }
0xa2: {  	s7 =	sadd.s32 $0xFFFFFF80, s26;
	_ =	swait.ge [sflag:s31], $0x80  }
0xa3: {  	s9 =	sand.u32 $0xFC00, s7;
	[sflag:s31] =	ssyncset.done $0x0  }
0xa4: {  	s7 =	sand.u32 $0x380, s7;
	s9 =	sadd.s32 s8, s9;
	[sflag:s31] =	ssyncadd.s32 $0xFFFFFF80  }
0xa5: {  	s7 =	sor.u32 s7, s9  }
0xa6: {  	[tilespmem:s0], [sflag:$0x8] =	stream.indirect.gather [hbm4b:s4+s25], $0x80, s25, s25, $0xb8;
	[tilespmem:$0x1FF00] =	vst v63  }
0xa7: {  	s7 =	sshrl.u32 s7, $0x3;
	_ =	swait.ge [sflag:s21], $0x4000  }
0xa8: {  	s9 =	sadd.s32 s5, s7;
	[sflag:s21] =	ssyncset.done $0x0  }
0xa9: {  	[sflag:s21] =	ssyncadd.s32 $0xFFFFC000  }
0xaa: {  	_ =	swait.ge [sflag:s22], $0x80  }
0xab: {  	[sflag:s22] =	ssyncset.done $0x0  }
0xac: {  	[sflag:s22] =	ssyncadd.s32 $0xFFFFFF80  }
0xad: {  	[spmem:s1] =	stream.indirect.scatter.add.f32 [tilespmem:s12], [sflag:$0xC], $0x80, s3, s25, $0xb8;
	[tilespmem:$0x1FF00] =	vst v63  }
0xae: {  	s7 =	sadd.s32 s6, s7  }
0xaf: {  	[tilespmem:s29], [sflag:$0x3] =	stream.linear.gather [hbm4b:s9+s2], $0x80, $0x38;
	[tilespmem:$0x1FF00] =	vst v63  }
0xb0: {  	_ =	swait.ge [sflag:s23], $0x4000  }
.Ltmp0:
0xb1: {  	[sflag:s23] =	ssyncset.done $0x0;
	(pc) =	sbr.rel @p0 .LBB2_2-.Ltmp0, $4  }
0xb2: {  	p1 =	seq.s32 s26, $0x2880;
	[sflag:s23] =	ssyncadd.s32 $0xFFFFC000  }
0xb3: {  	[tilespmem:s3], [sflag:$0x6] =	stream.linear.gather [hbm4b:s7+s2], $0x80, $0x38;
	[tilespmem:$0x1FF00] =	vst v63  }
0xb4: {  	s24 =	sadd.s32 $0xFFFFFE80, s19;
	s7 =	smov.u32 s26  }
0xb5: {  	s9 =	smov.u32 s20;
	_ =	swait.ge [sflag:s11], $0x80;
	s7 =	simm.s32 @p1 $0x0  }
0xb6: {  	[sflag:s11] =	ssyncset.done $0x0  }
0xb7: {  	s20 =	simm.s32 $0x100;
	[sflag:s11] =	ssyncadd.s32 $0xFFFFFF80  }
0xb8: {  	[tilespmem:s12], [sflag:$0x9] =	stream.indirect.gather [hbm4b:s4+s25], $0x80, s20, s25, $0xb8;
	[tilespmem:$0x1FF00] =	vst v63  }
0xb9: {  	_ =	swait.ge [sflag:s13], $0x4000  }
0xba: {  	[sflag:s13] =	ssyncset.done $0x0  }
0xbb: {  	s9 =	sand.u32 $0xFC00, s7;
	[sflag:s13] =	ssyncadd.s32 $0xFFFFC000  }
0xbc: {  	s28 =	sand.u32 $0x380, s7;
	s9 =	sadd.s32 s8, s9;
	_ =	swait.ge [sflag:s14], $0x80  }
0xbd: {  	s7 =	sor.u32 s28, s9;
	[sflag:s14] =	ssyncset.done $0x0  }
0xbe: {  	s26 =	simm.s32 $0x180;
	s7 =	sshrl.u32 s7, $0x3;
	[sflag:s14] =	ssyncadd.s32 $0xFFFFFF80  }
0xbf: {  	[spmem:s1] =	stream.indirect.scatter.add.f32 [tilespmem:s16], [sflag:$0xA], $0x80, s26, s25, $0xb8;
	[tilespmem:$0x1FF00] =	vst v63  }
0xc0: {  	s9 =	sand.u32 $0x7C00, s24;
	s7 =	sadd.s32 s5, s7  }
0xc1: {  	[tilespmem:s2], [sflag:$0x1] =	stream.linear.gather [hbm4b:s7+s2], $0x80, $0x38;
	[tilespmem:$0x1FF00] =	vst v63  }
0xc2: {  	s28 =	sand.u32 $0x380, s24;
	s7 =	sadd.s32 s8, s9  }
0xc3: {  	s7 =	sor.u32 s28, s7;
	_ =	swait.ge [sflag:s15], $0x4000  }
0xc4: {  	s7 =	sshrl.u32 s7, $0x3;
	[sflag:s15] =	ssyncset.done $0x0  }
0xc5: {  	s7 =	sadd.s32 s6, s7;
	[sflag:s15] =	ssyncadd.s32 $0xFFFFC000  }
0xc6: {  	[tilespmem:s26], [sflag:$0x4] =	stream.linear.gather [hbm4b:s7+s2], $0x80, $0x38;
	[tilespmem:$0x1FF00] =	vst v63  }
0xc7: {  	_ =	swait.ge [sflag:s30], $0x80  }
0xc8: {  	[sflag:s30] =	ssyncset.done $0x0  }
0xc9: {  	[sflag:s30] =	ssyncadd.s32 $0xFFFFFF80  }
0xca: {  	[tilespmem:s16], [sflag:$0x7] =	stream.indirect.gather [hbm4b:s4+s25], $0x80, s2, s25, $0xb8;
	[tilespmem:$0x1FF00] =	vst v63  }
0xcb: {  	_ =	swait.ge [sflag:s17], $0x4000  }
0xcc: {  	s9 =	sadd.s32 $0xFFFFFF00, s19;
	[sflag:s17] =	ssyncset.done $0x0  }
0xcd: {  	s24 =	sand.u32 $0xFC00, s9;
	[sflag:s17] =	ssyncadd.s32 $0xFFFFC000  }
0xce: {  	s7 =	sand.u32 $0x380, s9;
	s9 =	sadd.s32 s8, s24;
	_ =	swait.ge [sflag:s18], $0x80  }
0xcf: {  	s7 =	sor.u32 s7, s9;
	[sflag:s18] =	ssyncset.done $0x0  }
0xd0: {  	s24 =	simm.s32 $0x200;
	s7 =	sshrl.u32 s7, $0x3;
	[sflag:s18] =	ssyncadd.s32 $0xFFFFFF80  }
0xd1: {  	[spmem:s1] =	stream.indirect.scatter.add.f32 [tilespmem:s0], [sflag:$0xB], $0x80, s24, s25, $0xb8;
	[tilespmem:$0x1FF00] =	vst v63  }
0xd2: {  	s28 =	sadd.s32 s5, s7  }
0xd3: {  	[tilespmem:s25], [sflag:$0x2] =	stream.linear.gather [hbm4b:s28+s2], $0x80, $0x38;
	[tilespmem:$0x1FF00] =	vst v63  }
0xd4: {  	_ =	swait.ge [sflag:s10], $0x4000  }
0xd5: {  	[sflag:s10] =	ssyncset.done $0x0  }
0xd6: {  	s7 =	sadd.s32 s6, s7;
	[sflag:s10] =	ssyncadd.s32 $0xFFFFC000  }
0xd7: {  	[tilespmem:s24], [sflag:$0x5] =	stream.linear.gather [hbm4b:s7+s2], $0x80, $0x38;
	[tilespmem:$0x1FF00] =	vst v63  }
0xd8: {  	_ =	swait.ge [sflag:s31], $0x80  }
0xd9: {  	[sflag:s31] =	ssyncset.done $0x0  }
0xda: {  	[sflag:s31] =	ssyncadd.s32 $0xFFFFFF80  }
0xdb: {  	[tilespmem:s0], [sflag:$0x8] =	stream.indirect.gather [hbm4b:s4+s25], $0x80, s25, s25, $0xb8;
	[tilespmem:$0x1FF00] =	vst v63  }
0xdc: {  	_ =	swait.ge [sflag:s21], $0x4000  }
0xdd: {  	s7 =	sadd.s32 $0xFFFFFF80, s19;
	[sflag:s21] =	ssyncset.done $0x0  }
0xde: {  	s28 =	sand.u32 $0xFC00, s7;
	[sflag:s21] =	ssyncadd.s32 $0xFFFFC000  }
0xdf: {  	s7 =	sand.u32 $0x380, s7;
	s9 =	sadd.s32 s8, s28;
	_ =	swait.ge [sflag:s22], $0x80  }
0xe0: {  	s7 =	sor.u32 s7, s9;
	[sflag:s22] =	ssyncset.done $0x0  }
0xe1: {  	s7 =	sshrl.u32 s7, $0x3;
	[sflag:s22] =	ssyncadd.s32 $0xFFFFFF80  }
0xe2: {  	[spmem:s1] =	stream.indirect.scatter.add.f32 [tilespmem:s12], [sflag:$0xC], $0x80, s3, s25, $0xb8;
	[tilespmem:$0x1FF00] =	vst v63  }
0xe3: {  	s28 =	sadd.s32 s5, s7  }
0xe4: {  	[tilespmem:s20], [sflag:$0x3] =	stream.linear.gather [hbm4b:s28+s2], $0x80, $0x38;
	[tilespmem:$0x1FF00] =	vst v63  }
0xe5: {  	_ =	swait.ge [sflag:s23], $0x4000  }
0xe6: {  	[sflag:s23] =	ssyncset.done $0x0  }
0xe7: {  	s7 =	sadd.s32 s6, s7;
	[sflag:s23] =	ssyncadd.s32 $0xFFFFC000  }
0xe8: {  	[tilespmem:s3], [sflag:$0x6] =	stream.linear.gather [hbm4b:s7+s2], $0x80, $0x38;
	[tilespmem:$0x1FF00] =	vst v63  }
0xe9: {  	_ =	swait.ge [sflag:s11], $0x80  }
0xea: {  	[sflag:s11] =	ssyncset.done $0x0  }
0xeb: {  	[sflag:s11] =	ssyncadd.s32 $0xFFFFFF80  }
0xec: {  	[tilespmem:s12], [sflag:$0x9] =	stream.indirect.gather [hbm4b:s4+s25], $0x80, s20, s25, $0xb8;
	[tilespmem:$0x1FF00] =	vst v63  }
0xed: {  	p0 =	seq.s32 s19, $0x2880;
	_ =	swait.ge [sflag:s13], $0x4000  }
0xee: {  	s19 =	simm.s32 @p0 $0x0;
	[sflag:s13] =	ssyncset.done $0x0  }
0xef: {  	s9 =	sand.u32 $0xFC00, s19;
	[sflag:s13] =	ssyncadd.s32 $0xFFFFC000  }
0xf0: {  	s7 =	sadd.s32 s8, s9;
	s20 =	sand.u32 $0x380, s19;
	_ =	swait.ge [sflag:s14], $0x80  }
0xf1: {  	s7 =	sor.u32 s20, s7;
	[sflag:s14] =	ssyncset.done $0x0  }
0xf2: {  	s7 =	sshrl.u32 s7, $0x3;
	[sflag:s14] =	ssyncadd.s32 $0xFFFFFF80  }
0xf3: {  	[spmem:s1] =	stream.indirect.scatter.add.f32 [tilespmem:s16], [sflag:$0xA], $0x80, s26, s25, $0xb8;
	[tilespmem:$0x1FF00] =	vst v63  }
0xf4: {  	s7 =	sadd.s32 s5, s7  }
0xf5: {  	[tilespmem:s2], [sflag:$0x1] =	stream.linear.gather [hbm4b:s7+s2], $0x80, $0x38;
	[tilespmem:$0x1FF00] =	vst v63  }
0xf6: {  	_ =	swait.ge [sflag:s17], $0x4000  }
0xf7: {  	[sflag:s17] =	ssyncset.done $0x0  }
0xf8: {  	[sflag:s17] =	ssyncadd.s32 $0xFFFFC000  }
0xf9: {  	_ =	swait.ge [sflag:s18], $0x80  }
0xfa: {  	[sflag:s18] =	ssyncset.done $0x0  }
0xfb: {  	[sflag:s18] =	ssyncadd.s32 $0xFFFFFF80  }
0xfc: {  	[spmem:s1] =	stream.indirect.scatter.add.f32 [tilespmem:s0], [sflag:$0xB], $0x80, s24, s25, $0xb8;
	[tilespmem:$0x1FF00] =	vst v63  }
0xfd: {  	_ =	swait.ge [sflag:s21], $0x4000  }
0xfe: {  	[sflag:s21] =	ssyncset.done $0x0  }
0xff: {  	[sflag:s21] =	ssyncadd.s32 $0xFFFFC000  }
0x100: {  	_ =	swait.ge [sflag:s22], $0x80  }
0x101: {  	[sflag:s22] =	ssyncset.done $0x0  }
0x102: {  	[sflag:s22] =	ssyncadd.s32 $0xFFFFFF80  }
0x103: {  	[spmem:s1] =	stream.indirect.scatter.add.f32 [tilespmem:s12], [sflag:$0xC], $0x80, s3, s25, $0xb8;
	[tilespmem:$0x1FF00] =	vst v63  }
0x104: {  	_ =	swait.ge [sflag:s15], $0x4000  }
0x105: {  	[sflag:s15] =	ssyncset.done $0x0  }
0x106: {  	[sflag:s15] =	ssyncadd.s32 $0xFFFFC000  }
0x107: {  	_ =	swait.ge [sflag:s10], $0x4000  }
0x108: {  	[sflag:s10] =	ssyncset.done $0x0  }
0x109: {  	[sflag:s10] =	ssyncadd.s32 $0xFFFFC000  }
0x10a: {  	_ =	swait.ge [sflag:s23], $0x4000  }
0x10b: {  	[sflag:s23] =	ssyncset.done $0x0  }
0x10c: {  	[sflag:s23] =	ssyncadd.s32 $0xFFFFC000  }
0x10d: {  	_ =	swait.ge [sflag:s30], $0x80  }
0x10e: {  	[sflag:s30] =	ssyncset.done $0x0  }
0x10f: {  	[sflag:s30] =	ssyncadd.s32 $0xFFFFFF80  }
0x110: {  	[bflag:$0x0] =	sbarrier.arrive $0xFFFF  }
0x111: {  	s19 =	rddreg [dreg:$0x5]  }
0x112: {  	s24 =	rddreg [dreg:$0xd]  }
0x113: {  	s20 =	rddreg [dreg:$0xf]  }
0x114: {  	[hbm:s24], [sflag:s19] =	dma.local [spmem:s20], $0x2780  }
0x115: {  	s24 =	simm.s32 $0xD  }
0x116: {  	_ =	swait.ge [sflag:s24], $0x2780  }
0x117: {  	s26 =	rddreg [dreg:$0x14]  }
0x118: {  	s28 =	rddreg [dreg:$0xe];
	s9 =	sadd.s32 $0x1, s26  }
0x119: {  	p0 =	sne.s32 s9, s28  }
.Ltmp1:
0x11a: {  	_ = 	snop;
	(pc) =	sbr.rel @p0 .LBB2_1-.Ltmp1, $3  }
0x11b: {  	_ =	sdelay $0x1  }
0x11c: {  	[sflag:s24] =	ssyncset.done $0x0  }
0x11d: {  	[sflag:s24] =	ssyncadd.s32 $0xFFFFD880  }
0x11e: {  	_ =	sfence.sel $0x180000  }
0x11f: {  	[bflag:$0x0] =	sbarrier.arrive $0xFFFF  }
0x120: {  	_ =	strace $0x90000050  }
0x121: {  	s0 =	stileid.u32;
	[bflag:$0x2] =	sbarrier.arrive $0xFFFF  }
0x122: {  	p0 =	sne.s32 s0, $0x0;
	s0 =	rddreg [dreg:$0x3]  }
0x123: {  	s0 =	sadd.s32 @!p0 $0x100000, s0  }
0x124: {  	[sflag:s0] =	ssyncadd.tile.s32 @!p0 $0x1;
	_ =	shalt  }
.Lfunc_end2:
_tile_overlayer_lowered:
.L_overlay_start_2:
0x125: {  	(tag) =	ssettag $0x2  }
0x126: {  	s0 =	rddreg [dreg:$0x0];
	s2 =	stileid.u32  }
0x127: {  	s1 =	rddreg [dreg:$0x1];
	p0 =	sne.s32 s2, $0x0  }
0x128: {  	s3 =	rddreg [dreg:$0x2];
	[bflag:$0x3] =	sbarrier.arrive $0xFFFF;
	s2 =	simm.s32 @!p0 $0x1C0D  }
0x129: {  	[timem:s3], [sflag:s2] =	dma.local @!p0 [hbm:s0], s1  }
0x12a: {  	s0 =	simm.s32 @!p0 $0xD  }
0x12b: {  	_ =	swait.ge @!p0 [sflag:s0], s1  }
0x12c: {  	s1 =	ssub.s32 @!p0 $0x0, s1;
	[sflag:s0] =	ssyncset.done @!p0 $0x0  }
0x12d: {  	[sflag:s0] =	ssyncadd.s32 @!p0 s1  }
0x12e: {  	[bflag:$0x3] =	sbarrier.arrive $0xFFFF  }
0x12f: {  	_ =	shalt  }

// kernel: kernel.24.cloned.1.call-start
scs
__scs_entry_jumppad:
0x0: {  	(pc) =	sbr.rel $0x88, $3  }
0x1: {  	(tag) =	ssettag $0x0;
	lr =	simm.s32 $0x1  }
0x2: {  	[smem:$0x3F9E] =	sst lr;
	_ =	strace $0xD0000000  }
0x3: {  	_ = 	snop  }
0x4: {  	_ = 	snop  }
0x5: {  	_ = 	snop  }
0x6: {  	_ = 	snop  }
0x7: {  	_ = 	snop  }
__scs_overlays_trampoline_lowered:
0x8: {  	[smem:$0x3FAD] =	sst s0  }
0x9: {  	[smem:$0x3FAE] =	sst s1  }
0xa: {  	[smem:$0x3FAF] =	sst s2  }
0xb: {  	[smem:$0x3FB0] =	sst s3  }
0xc: {  	[smem:$0x3FB1] =	sst s4  }
0xd: {  	[smem:$0x3FB2] =	sst s5  }
0xe: {  	[smem:$0x3FB3] =	sst s6  }
0xf: {  	[smem:$0x3FB4] =	sst s7  }
0x10: {  	[smem:$0x3FB5] =	sst s8  }
0x11: {  	[smem:$0x3FB6] =	sst s9;
	s0 =	simm.s32 @!p0 $0x0  }
0x12: {  	s1 =	sld [smem:$0x3F9C];
	s0 =	simm.s32 @p0 $0x1  }
0x13: {  	[smem:$0x3FB7] =	sst s0;
	s0 =	simm.s32 @!p1 $0x0  }
0x14: {  	s2 =	sld [smem:$0x3F9B];
	s0 =	simm.s32 @p1 $0x1  }
0x15: {  	[smem:$0x3FB8] =	sst s0;
	s0 =	simm.s32 @!p2 $0x0  }
0x16: {  	s3 =	sld [smem:$0x3FDB];
	s0 =	simm.s32 @p2 $0x1  }
0x17: {  	s4 =	simm.s32 $0x1BF5;
	[smem:$0x3FBA] =	sst s0  }
0x18: {  	s0 =	sld [smem:$0x3F9D];
	_ =	swait.ge [sflag:s4], $0x0  }
0x19: {  	s7 =	sld [smem:$0x3F9E]  }
0x1a: {  	s8 =	sadd.s32 $0xFFFFE003, lr  }
0x1b: {  	s9 =	sadd.s32 $0xFFFFFEF7, lr;
	s5 =	simm.s32 $0xFFFFFFFF;
	p2 =	slt.u32 s8, $0xFFFFF086  }
0x1c: {  	p1 =	slt.u32 s9, $0xF7A;
	s5 =	simm.s32 @!p2 $0x0  }
0x1d: {  	s5 =	simm.s32 @p1 $0x1;
	p0 =	seq.s32 s7, s2  }
0x1e: {  	s7 =	smul.u32 @!p0 $0xF7A, s2;
	p2 =	seq.s32 @!p0 s5, $0x0  }
0x1f: {  	s9 =	smul.u32 $0xF7A, s1;
	s8 =	simm.s32 @!p0 $0x1BF5;
	p2 =	por !p2, p0  }
0x20: {  	[sflag:s8] =	ssyncset.s32 @!p0 $0xFFFFF086;
	s6 =	sadd.s32 @!p0 s3, s7;
	s7 =	simm.s32 @!p0 $0x108  }
0x21: {  	s3 =	sadd.s32 s3, s9;
	s6 =	sadd.s32 @!p0 $0x88, s6;
	s7 =	simm.s32 @p2 $0x1082  }
0x22: {  	[simem:s7], [sflag:s8] =	dma.local @!p0 [hbm:s6], $0xF7A  }
0x23: {  	s9 =	sor.u32 $0xD0000000, s2;
	s6 =	simm.s32 $0x108;
	_ =	swait.ge @!p0 [sflag:s8], $0x0  }
0x24: {  	s3 =	sadd.s32 $0x88, s3;
	s6 =	simm.s32 @!p1 $0x1082;
	[sflag:s4] =	ssyncset.s32 $0xFFFFF086  }
0x25: {  	[simem:s6], [sflag:s4] =	dma.local [hbm:s3], $0xF7A  }
0x26: {  	[smem:$0x3F9E] =	sst s1;
	(tag) =	ssettag s2;
	_ =	strace s9  }
0x27: {  	s1 =	sld [smem:$0x3FAE]  }
0x28: {  	s2 =	sld [smem:$0x3FAF]  }
0x29: {  	s4 =	sld [smem:$0x3FB1]  }
0x2a: {  	p0 =	seq.s32 s5, $0x0;
	s5 =	sld [smem:$0x3FB2]  }
0x2b: {  	s6 =	sld [smem:$0x3FB3]  }
0x2c: {  	s7 =	sld [smem:$0x3FB4]  }
0x2d: {  	s3 =	simm.s32 $0x108;
	s8 =	sld [smem:$0x3FB5]  }
0x2e: {  	s3 =	simm.s32 @!p0 $0x1082;
	s9 =	sld [smem:$0x3FB6]  }
0x2f: {  	lr =	sadd.s32 s0, s3;
	s0 =	sld [smem:$0x3FAD]  }
0x30: {  	s3 =	sld [smem:$0x3FB0]  }
0x31: {  	[smem:$0x3FB9] =	sst s10  }
0x32: {  	s10 =	sld [smem:$0x3FB7];
	_ =	sdelay $0x3  }
0x33: {  	p0 =	seq.s32 s10, $0x1;
	s10 =	sld [smem:$0x3FB9];
	_ =	sdelay $0x3  }
0x34: {  	[smem:$0x3FB9] =	sst s10  }
0x35: {  	s10 =	sld [smem:$0x3FB8];
	_ =	sdelay $0x3  }
0x36: {  	p1 =	seq.s32 s10, $0x1;
	s10 =	sld [smem:$0x3FB9];
	_ =	sdelay $0x3  }
0x37: {  	[smem:$0x3FB9] =	sst s10  }
0x38: {  	s10 =	sld [smem:$0x3FBA]  }
0x39: {  	_ = 	snop;
	(pc) =	sbr.ind lr, $3  }
0x3a: {  	_ = 	snop  }
0x3b: {  	_ = 	snop  }
0x3c: {  	p2 =	seq.s32 s10, $0x1;
	s10 =	sld [smem:$0x3FB9]  }
0x3d: {  	_ =	shalt  }
0x3e: {  	_ =	shalt  }
0x3f: {  	_ =	shalt  }
0x40: {  	_ =	shalt  }
0x41: {  	_ =	shalt  }
0x42: {  	_ =	shalt  }
0x43: {  	_ =	shalt  }
0x44: {  	_ =	shalt  }
0x45: {  	_ =	shalt  }
0x46: {  	_ =	shalt  }
0x47: {  	_ =	shalt  }
0x48: {  	_ =	shalt  }
0x49: {  	_ =	shalt  }
0x4a: {  	_ =	shalt  }
0x4b: {  	_ =	shalt  }
0x4c: {  	_ =	shalt  }
0x4d: {  	_ =	shalt  }
0x4e: {  	_ =	shalt  }
0x4f: {  	_ =	shalt  }
0x50: {  	_ =	shalt  }
0x51: {  	_ =	shalt  }
0x52: {  	_ =	shalt  }
0x53: {  	_ =	shalt  }
0x54: {  	_ =	shalt  }
0x55: {  	_ =	shalt  }
0x56: {  	_ =	shalt  }
0x57: {  	_ =	shalt  }
0x58: {  	_ =	shalt  }
0x59: {  	_ =	shalt  }
0x5a: {  	_ =	shalt  }
0x5b: {  	_ =	shalt  }
0x5c: {  	_ =	shalt  }
0x5d: {  	_ =	shalt  }
0x5e: {  	_ =	shalt  }
0x5f: {  	_ =	shalt  }
0x60: {  	_ =	shalt  }
0x61: {  	_ =	shalt  }
0x62: {  	_ =	shalt  }
0x63: {  	_ =	shalt  }
0x64: {  	_ =	shalt  }
0x65: {  	_ =	shalt  }
0x66: {  	_ =	shalt  }
0x67: {  	_ =	shalt  }
0x68: {  	_ =	shalt  }
0x69: {  	_ =	shalt  }
0x6a: {  	_ =	shalt  }
0x6b: {  	_ =	shalt  }
0x6c: {  	_ =	shalt  }
0x6d: {  	_ =	shalt  }
0x6e: {  	_ =	shalt  }
0x6f: {  	_ =	shalt  }
0x70: {  	_ =	shalt  }
0x71: {  	_ =	shalt  }
0x72: {  	_ =	shalt  }
0x73: {  	_ =	shalt  }
0x74: {  	_ =	shalt  }
0x75: {  	_ =	shalt  }
0x76: {  	_ =	shalt  }
0x77: {  	_ =	shalt  }
0x78: {  	_ =	shalt  }
0x79: {  	_ =	shalt  }
0x7a: {  	_ =	shalt  }
0x7b: {  	_ =	shalt  }
0x7c: {  	_ =	shalt  }
0x7d: {  	_ =	shalt  }
0x7e: {  	_ =	shalt  }
0x7f: {  	_ =	shalt  }
0x80: {  	_ =	shalt  }
0x81: {  	_ =	shalt  }
0x82: {  	_ =	shalt  }
0x83: {  	_ =	shalt  }
0x84: {  	_ =	shalt  }
0x85: {  	_ =	shalt  }
0x86: {  	_ =	shalt  }
0x87: {  	_ =	shalt  }
.Lfunc_end0:
.L_simem_size_0:
called_computation.4_lowered:
.L_overlay_start_0:
0x88: {  	s2 =	sld [smem:$0x3FD9]  }
0x89: {  	s3 =	sld [smem:$0x3FFE];
	_ =	sdelay $0x1  }
0x8a: {  	s1 =	srdreg.scid  }
0x8b: {  	s0 =	sand.u32 $0x1, s1  }
0x8c: {  	s17 =	sshll.u32 s0, $0xA;
	s2 =	sadd.s32 s3, s2  }
0x8d: {  	s2 =	sadd.s32 s2, s17  }
0x8e: {  	[smem:$0x3FC5] =	sst s2  }
0x8f: {  	_ = 	snop  }
0x90: {  	s2 =	sld [smem:$0x3FD0];
	(tm) =	ssettm $0x1  }
0x91: {  	s18 =	sld [smem:$0x3FFB];
	_ =	sdelay $0x3  }
0x92: {  	_ =	strace s18  }
0x93: {  	s3 =	sld [smem:$0x3FFC];
	_ =	sdelay $0x3  }
0x94: {  	_ =	strace s3  }
0x95: {  	s3 =	sld [smem:$0x3FFD];
	_ =	sdelay $0x3  }
0x96: {  	_ =	strace s3  }
0x97: {  	_ =	strace $0x8FFFFFFF  }
0x98: {  	s19 =	sld [smem:$0x3FDB];
	_ =	sdelay $0x1  }
0x99: {  	s4 =	simm.s32 $_scs_section_size  }
0x9a: {  	s5 =	simm.s32 $_size__tile_overlayer_lowered;
	s6 =	simm.s32 $_tile_overlayer_lowered  }
0x9b: {  	s22 =	simm.s32 $0x1BFF;
	s21 =	sshll.u32 s6, $0x1;
	s3 =	sadd.s32 s4, s19  }
0x9c: {  	s7 =	simm.s32 $0x0;
	s20 =	sshll.u32 s5, $0x1;
	s5 =	sadd.s32 s21, s3  }
0x9d: {  	[timem:s7], [sflag:s22] =	dma.local [hbm:s5], s20  }
0x9e: {  	_ =	swait.ge [sflag:s22], s20  }
0x9f: {  	s4 =	ssub.s32 $0x0, s20;
	[sflag:s22] =	ssyncset.done $0x0  }
0xa0: {  	[sflag:s22] =	ssyncadd.s32 s4;
	_ =	sdelay $0x1  }
0xa1: {  	s23 =	simm.s32 $0x1B8B  }
0xa2: {  	_ =	swait.ge [sflag:s23], $0x1  }
0xa3: {  	[sflag:s23] =	ssyncset.done $0x0  }
0xa4: {  	s25 =	simm.s32 $0x1B8E;
	s24 =	sld [smem:$0x3FFE];
	[sflag:s23] =	ssyncadd.s32 $0xFFFFFFFF  }
0xa5: {  	s26 =	simm.s32 $execute0_lowered;
	[smem:$0x3FD2] =	sst s25  }
0xa6: {  	s5 =	sshll.u32 s26, $0x1;
	_ =	strace $0x80000052;
	[dreg:$0x1] =	wrdreg $0xFFFFFFFF  }
0xa7: {  	s28 =	simm.s32 $_size_execute0_lowered;
	s3 =	sadd.s32 s3, s5;
	[dreg:$0x0] =	wrdreg $0x0  }
0xa8: {  	s5 =	sshll.u32 s28, $0x1;
	[dreg:$0x2] =	wrdreg s3  }
0xa9: {  	[dreg:$0x3] =	wrdreg s5  }
0xaa: {  	[dreg:$0x4] =	wrdreg $0xC0  }
0xab: {  	_ =	task [dreg:s7], $0x5FFFF  }
0xac: {  	[dreg:$0x1] =	wrdreg $0xFFFFFFFF  }
0xad: {  	[dreg:$0x0] =	wrdreg $0x60  }
0xae: {  	[dreg:$0x2] =	wrdreg s2  }
0xaf: {  	[dreg:$0x3] =	wrdreg s24  }
0xb0: {  	[dreg:$0x4] =	wrdreg $0xC3000  }
0xb1: {  	[dreg:$0x5] =	wrdreg $0x9  }
0xb2: {  	_ =	task.clear_ibuf [dreg:s7], $0x6FFFF;
	_ =	strace $0x90000052  }
0xb3: {  	s29 =	simm.s32 $0x9;
	_ =	strace $0x80000054  }
0xb4: {  	_ =	swait.ge [sflag:s29], $0x1  }
0xb5: {  	[sflag:s29] =	ssyncadd.s32 $0xFFFFFFFF  }
0xb6: {  	_ =	strace $0x90000054  }
0xb7: {  	_ =	sfence  }
0xb8: {  	s30 =	sld [smem:$0x0];
	_ =	sdelay $0x2  }
0xb9: {  	s31 =	sshll.u32 s1, $0xD;
	s1 =	sshrl.u32 s1, $0x2  }
0xba: {  	s3 =	sand.u32 $0x4000, s31;
	s1 =	sadd.s32 s1, s30  }
0xbb: {  	s0 =	sor.u32 s3, s0;
	s1 =	sshll.u32 s1, $0x11  }
0xbc: {  	s0 =	sor.u32 s1, s0  }
0xbd: {  	s0 =	sadd.s32 $0x8F2B, s0  }
0xbe: {  	[sflag:s0] =	ssyncadd.remote.s32 $0x1  }
0xbf: {  	_ =	sfence.sel $0xFFFF  }
0xc0: {  	[dreg:$0x0] =	wrdreg $0xFFFFFFFF;
	(pc) =	sbr.abs _section_cstart, $3  }
0xc1: {  	[dreg:$0x1] =	wrdreg $0xFFFFFFFF  }
0xc2: {  	_ =	task.clear_ibuf [dreg:s7], $0x2FFFF;
	_ =	strace $0x9FFFFFFF  }
0xc3: {  	(tm) =	ssettm $0x7FFFFFFF  }
tec
execute0_lowered:
.L_overlay_start_1:
0x0: {  	(tag) =	ssettag $0x1  }
0x1: {  	s1 =	rddreg [dreg:$0x0]  }
0x2: {  	s0 =	rddreg [dreg:$0x1]  }
0x3: {  	s2 =	rddreg [dreg:$0x2];
	s3 =	srdreg.scid  }
0x4: {  	s4 =	simm.s32 $0x0;
	s11 =	stileid.u32;
	s24 =	simm.s32 $0xD  }
0x5: {  	s30 =	simm.s32 $0x1;
	s31 =	simm.s32 $0x2;
	s29 =	simm.s32 $0x100  }
0x6: {  	s3 =	sand.u32 $0x1, s3;
	[smem:$0x7FF] =	sst s4;
	s8 =	smul.u32 $0x13C00, s11  }
0x7: {  	s5 =	sadd.s32 $0x1AE00, s0;
	s6 =	sadd.s32 $0x3600, s0;
	s20 =	smul.u32 $0x4F000, s11  }
0x8: {  	s19 =	sadd.s32 $0x1A600, s0;
	s7 =	smul.u32 $0x13C000, s3;
	_ =	strace $0x80000053  }
0x9: {  	[dreg:$0x4] =	wrdreg s19;
	s21 =	ssub.s32 $0x2, s3;
	s3 =	sshll.u32 s3, $0x4  }
0xa: {  	s9 =	sshrl.u32 s21, $0x1;
	s3 =	sor.u32 s11, s3;
	s11 =	sshll.u32 s11, $0x6  }
0xb: {  	s7 =	sadd.s32 s8, s7;
	s8 =	sshrl.u32 s20, $0x2;
	s22 =	ssub.s32 s21, s9  }
0xc: {  	s19 =	sor.u32 $0x1C0D, s11;
	s11 =	simm.s32 $0x3;
	s9 =	simm.s32 $0x0  }
0xd: {  	s7 =	sshrl.u32 s7, $0x3;
	s10 =	sadd.s32 s8, s2;
	s8 =	smul.u32 $0x2C00, s3  }
0xe: {  	s22 =	smax.u32 s22, $0x1;
	s3 =	simm.s32 $0x280;
	[dreg:$0x5] =	wrdreg s19  }
0xf: {  	s0 =	sadd.s32 s7, s0;
	s23 =	sadd.s32 $0x4000, s10;
	s25 =	sadd.s32 $0x8000, s10  }
0x10: {  	s26 =	sadd.s32 $0xC000, s10;
	[dreg:$0xe] =	wrdreg s22;
	s0 =	sadd.s32 $0x9C600, s0  }
0x11: {  	s12 =	sshrl.u32 s8, $0x3;
	s23 =	sshrl.u32 s23, $0x3;
	[dreg:$0xd] =	wrdreg s0  }
0x12: {  	s25 =	sshrl.u32 s25, $0x3;
	s26 =	sshrl.u32 s26, $0x3;
	[dreg:$0x10] =	wrdreg s23  }
0x13: {  	s14 =	sor.u32 $0x10, s12;
	s15 =	sor.u32 $0x20, s12;
	[dreg:$0x11] =	wrdreg s25  }
0x14: {  	s16 =	sadd.s32 s5, s12;
	s12 =	sadd.s32 s6, s12;
	[dreg:$0x12] =	wrdreg s26  }
0x15: {  	s13 =	sadd.s32 $0x10000, s10;
	s22 =	simm.s32 $0x9;
	[dreg:$0x9] =	wrdreg s12  }
0x16: {  	s25 =	simm.s32 $0x80;
	s17 =	sadd.s32 s5, s14;
	[dreg:$0x6] =	wrdreg s16  }
0x17: {  	s0 =	simm.s32 $0x4300;
	s28 =	sadd.s32 s5, s15;
	[dreg:$0x7] =	wrdreg s17  }
0x18: {  	s23 =	simm.s32 $0x6;
	s18 =	sadd.s32 s6, s14;
	[dreg:$0x8] =	wrdreg s28  }
0x19: {  	s20 =	sadd.s32 s6, s15;
	s21 =	sadd.s32 $0x30, s16;
	[dreg:$0xa] =	wrdreg s18  }
0x1a: {  	s12 =	simm.s32 $0x8300;
	s14 =	simm.s32 $0x4;
	[dreg:$0xb] =	wrdreg s20  }
0x1b: {  	s15 =	simm.s32 $0xA;
	s16 =	simm.s32 $0x300;
	[dreg:$0xc] =	wrdreg s21  }
0x1c: {  	s20 =	sshrl.u32 s10, $0x3;
	s28 =	sshrl.u32 s13, $0x3;
	s13 =	simm.s32 $0x7  }
0x1d: {  	s17 =	simm.s32 $0x8;
	s18 =	simm.s32 $0x5;
	[dreg:$0x13] =	wrdreg s28  }
0x1e: {  	s21 =	simm.s32 $0xB;
	s10 =	simm.s32 $0xC;
	[dreg:$0xf] =	wrdreg s20  }
.LBB2_1:
0x1f: {  	[dreg:$0x14] =	wrdreg s9  }
0x20: {  	s7 =	rddreg [dreg:$0x4]  }
0x21: {  	[spmem:s20], [sflag:s19] =	dma.local [hbm:s7], $0x800  }
0x22: {  	_ =	swait.ge [sflag:s24], $0x800  }
0x23: {  	[sflag:s24] =	ssyncset.done $0x0  }
0x24: {  	s28 =	rddreg [dreg:$0x10];
	[sflag:s24] =	ssyncadd.s32 $0xFFFFF800  }
0x25: {  	[spmem:s28], [sflag:s19] =	dma.local [hbm:s7], $0x800  }
0x26: {  	_ =	swait.ge [sflag:s24], $0x800  }
0x27: {  	[sflag:s24] =	ssyncset.done $0x0  }
0x28: {  	s20 =	rddreg [dreg:$0x11];
	[sflag:s24] =	ssyncadd.s32 $0xFFFFF800  }
0x29: {  	[spmem:s20], [sflag:s19] =	dma.local [hbm:s7], $0x800  }
0x2a: {  	_ =	swait.ge [sflag:s24], $0x800  }
0x2b: {  	[sflag:s24] =	ssyncset.done $0x0  }
0x2c: {  	s26 =	rddreg [dreg:$0x12];
	[sflag:s24] =	ssyncadd.s32 $0xFFFFF800  }
0x2d: {  	[spmem:s26], [sflag:s19] =	dma.local [hbm:s7], $0x800  }
0x2e: {  	_ =	swait.ge [sflag:s24], $0x800  }
0x2f: {  	[sflag:s24] =	ssyncset.done $0x0  }
0x30: {  	s28 =	rddreg [dreg:$0x13];
	[sflag:s24] =	ssyncadd.s32 $0xFFFFF800  }
0x31: {  	[spmem:s28], [sflag:s19] =	dma.local [hbm:s7], $0x780  }
0x32: {  	_ =	swait.ge [sflag:s24], $0x780  }
0x33: {  	[sflag:s24] =	ssyncset.done $0x0  }
0x34: {  	[sflag:s24] =	ssyncadd.s32 $0xFFFFF880  }
0x35: {  	[bflag:$0x0] =	sbarrier.arrive $0xFFFF  }
0x36: {  	s9 =	rddreg [dreg:$0x6]  }
0x37: {  	[tilespmem:s4], [sflag:$0x1] =	stream.linear.gather [hbm4b:s9+s4], $0x80, $0x38;
	[tilespmem:$0x1FF00] =	vst v63  }
0x38: {  	s19 =	rddreg [dreg:$0x7]  }
0x39: {  	[tilespmem:s25], [sflag:$0x2] =	stream.linear.gather [hbm4b:s19+s4], $0x80, $0x38;
	[tilespmem:$0x1FF00] =	vst v63  }
0x3a: {  	s20 =	rddreg [dreg:$0x8];
	s19 =	simm.s32 $0x100  }
0x3b: {  	[tilespmem:s19], [sflag:$0x3] =	stream.linear.gather [hbm4b:s20+s4], $0x80, $0x38;
	[tilespmem:$0x1FF00] =	vst v63  }
0x3c: {  	s24 =	rddreg [dreg:$0x9];
	s20 =	simm.s32 $0x180  }
0x3d: {  	[tilespmem:s20], [sflag:$0x4] =	stream.linear.gather [hbm4b:s24+s4], $0x80, $0x38;
	[tilespmem:$0x1FF00] =	vst v63  }
0x3e: {  	s26 =	rddreg [dreg:$0xa];
	s24 =	simm.s32 $0x200  }
0x3f: {  	[tilespmem:s24], [sflag:$0x5] =	stream.linear.gather [hbm4b:s26+s4], $0x80, $0x38;
	[tilespmem:$0x1FF00] =	vst v63  }
0x40: {  	_ =	swait.ge [sflag:s30], $0x80  }
0x41: {  	[sflag:s30] =	ssyncset.done $0x0  }
0x42: {  	[sflag:s30] =	ssyncadd.s32 $0xFFFFFF80  }
0x43: {  	[tilespmem:s16], [sflag:$0x7] =	stream.indirect.gather [hbm4b:s1+s25], $0x80, s4, s25, $0xb8;
	[tilespmem:$0x1FF00] =	vst v63  }
0x44: {  	_ =	swait.ge [sflag:s31], $0x80  }
0x45: {  	[sflag:s31] =	ssyncset.done $0x0  }
0x46: {  	[sflag:s31] =	ssyncadd.s32 $0xFFFFFF80  }
0x47: {  	[tilespmem:s0], [sflag:$0x8] =	stream.indirect.gather [hbm4b:s1+s25], $0x80, s25, s25, $0xb8;
	[tilespmem:$0x1FF00] =	vst v63  }
0x48: {  	s28 =	rddreg [dreg:$0xb]  }
0x49: {  	[tilespmem:s3], [sflag:$0x6] =	stream.linear.gather [hbm4b:s28+s4], $0x80, $0x38;
	[tilespmem:$0x1FF00] =	vst v63  }
0x4a: {  	_ =	swait.ge [sflag:s11], $0x80  }
0x4b: {  	[sflag:s11] =	ssyncset.done $0x0  }
0x4c: {  	[sflag:s11] =	ssyncadd.s32 $0xFFFFFF80  }
0x4d: {  	[tilespmem:s12], [sflag:$0x9] =	stream.indirect.gather [hbm4b:s1+s25], $0x80, s19, s25, $0xb8;
	[tilespmem:$0x1FF00] =	vst v63  }
0x4e: {  	_ =	swait.ge [sflag:s13], $0x4000  }
0x4f: {  	[sflag:s13] =	ssyncset.done $0x0  }
0x50: {  	[sflag:s13] =	ssyncadd.s32 $0xFFFFC000  }
0x51: {  	_ =	swait.ge [sflag:s14], $0x80  }
0x52: {  	[sflag:s14] =	ssyncset.done $0x0  }
0x53: {  	s26 =	simm.s32 $0x180;
	[sflag:s14] =	ssyncadd.s32 $0xFFFFFF80  }
0x54: {  	[spmem:s2] =	stream.indirect.scatter.add.f32 [tilespmem:s16], [sflag:$0xA], $0x80, s20, s25, $0xb8;
	[tilespmem:$0x1FF00] =	vst v63  }
0x55: {  	s28 =	sand.u32 $0x7C00, s26;
	s9 =	rddreg [dreg:$0xc]  }
0x56: {  	[tilespmem:s4], [sflag:$0x1] =	stream.linear.gather [hbm4b:s9+s4], $0x80, $0x38;
	[tilespmem:$0x1FF00] =	vst v63  }
0x57: {  	s7 =	sand.u32 $0x380, s26;
	s9 =	sadd.s32 s8, s28  }
0x58: {  	s7 =	sor.u32 s7, s9;
	_ =	swait.ge [sflag:s15], $0x4000  }
0x59: {  	s7 =	sshrl.u32 s7, $0x3;
	[sflag:s15] =	ssyncset.done $0x0  }
0x5a: {  	s7 =	sadd.s32 s6, s7;
	[sflag:s15] =	ssyncadd.s32 $0xFFFFC000  }
0x5b: {  	[tilespmem:s20], [sflag:$0x4] =	stream.linear.gather [hbm4b:s7+s4], $0x80, $0x38;
	[tilespmem:$0x1FF00] =	vst v63  }
0x5c: {  	_ =	swait.ge [sflag:s30], $0x80  }
0x5d: {  	[sflag:s30] =	ssyncset.done $0x0  }
0x5e: {  	[sflag:s30] =	ssyncadd.s32 $0xFFFFFF80  }
0x5f: {  	[tilespmem:s16], [sflag:$0x7] =	stream.indirect.gather [hbm4b:s1+s25], $0x80, s4, s25, $0xb8;
	[tilespmem:$0x1FF00] =	vst v63  }
0x60: {  	_ =	swait.ge [sflag:s17], $0x4000  }
0x61: {  	s26 =	simm.s32 $0x200;
	[sflag:s17] =	ssyncset.done $0x0  }
0x62: {  	s28 =	sand.u32 $0xFC00, s26;
	[sflag:s17] =	ssyncadd.s32 $0xFFFFC000  }
0x63: {  	s9 =	sadd.s32 s8, s28;
	s7 =	sand.u32 $0x380, s26;
	_ =	swait.ge [sflag:s18], $0x80  }
0x64: {  	s7 =	sor.u32 s7, s9;
	[sflag:s18] =	ssyncset.done $0x0  }
0x65: {  	s7 =	sshrl.u32 s7, $0x3;
	[sflag:s18] =	ssyncadd.s32 $0xFFFFFF80  }
0x66: {  	[spmem:s2] =	stream.indirect.scatter.add.f32 [tilespmem:s0], [sflag:$0xB], $0x80, s24, s25, $0xb8;
	[tilespmem:$0x1FF00] =	vst v63  }
0x67: {  	s20 =	sadd.s32 s5, s7  }
0x68: {  	[tilespmem:s25], [sflag:$0x2] =	stream.linear.gather [hbm4b:s20+s4], $0x80, $0x38;
	[tilespmem:$0x1FF00] =	vst v63  }
0x69: {  	_ =	swait.ge [sflag:s21], $0x4000  }
0x6a: {  	[sflag:s21] =	ssyncset.done $0x0  }
0x6b: {  	s7 =	sadd.s32 s6, s7;
	[sflag:s21] =	ssyncadd.s32 $0xFFFFC000  }
0x6c: {  	[tilespmem:s24], [sflag:$0x5] =	stream.linear.gather [hbm4b:s7+s4], $0x80, $0x38;
	[tilespmem:$0x1FF00] =	vst v63  }
0x6d: {  	_ =	swait.ge [sflag:s31], $0x80  }
0x6e: {  	[sflag:s31] =	ssyncset.done $0x0  }
0x6f: {  	[sflag:s31] =	ssyncadd.s32 $0xFFFFFF80  }
0x70: {  	[tilespmem:s0], [sflag:$0x8] =	stream.indirect.gather [hbm4b:s1+s25], $0x80, s25, s25, $0xb8;
	[tilespmem:$0x1FF00] =	vst v63  }
0x71: {  	_ =	swait.ge [sflag:s22], $0x4000  }
0x72: {  	s24 =	simm.s32 $0x280;
	[sflag:s22] =	ssyncset.done $0x0  }
0x73: {  	s26 =	sand.u32 $0xFC00, s24;
	[sflag:s22] =	ssyncadd.s32 $0xFFFFC000  }
0x74: {  	s7 =	sand.u32 $0x380, s24;
	s9 =	sadd.s32 s8, s26;
	_ =	swait.ge [sflag:s23], $0x80  }
0x75: {  	s7 =	sor.u32 s7, s9;
	[sflag:s23] =	ssyncset.done $0x0  }
0x76: {  	s7 =	sshrl.u32 s7, $0x3;
	[sflag:s23] =	ssyncadd.s32 $0xFFFFFF80  }
0x77: {  	[spmem:s2] =	stream.indirect.scatter.add.f32 [tilespmem:s12], [sflag:$0xC], $0x80, s3, s25, $0xb8;
	[tilespmem:$0x1FF00] =	vst v63  }
0x78: {  	s28 =	sadd.s32 s5, s7  }
0x79: {  	[tilespmem:s19], [sflag:$0x3] =	stream.linear.gather [hbm4b:s28+s4], $0x80, $0x38;
	[tilespmem:$0x1FF00] =	vst v63  }
0x7a: {  	_ =	swait.ge [sflag:s10], $0x4000  }
0x7b: {  	[sflag:s10] =	ssyncset.done $0x0  }
0x7c: {  	p0 =	por $0x0, $0x0;
	s7 =	sadd.s32 s6, s7;
	[sflag:s10] =	ssyncadd.s32 $0xFFFFC000  }
0x7d: {  	[tilespmem:s3], [sflag:$0x6] =	stream.linear.gather [hbm4b:s7+s4], $0x80, $0x38;
	[tilespmem:$0x1FF00] =	vst v63  }
0x7e: {  	s24 =	simm.s32 $0x300;
	s9 =	simm.s32 $0x600;
	s7 =	simm.s32 $0x300  }
0x7f: {  	s19 =	simm.s32 $0x480;
	_ =	swait.ge [sflag:s11], $0x80;
	s7 =	simm.s32 @p0 $0x0  }
.LBB2_2:
0x80: {  	s20 =	sand.u32 $0x7C00, s24;
	[sflag:s11] =	ssyncset.done $0x0  }
0x81: {  	s28 =	sand.u32 $0xFC00, s7;
	s26 =	smov.u32 s19;
	s19 =	smov.u32 s9  }
0x82: {  	s24 =	sand.u32 $0x380, s24;
	s20 =	sadd.s32 s8, s20;
	[sflag:s11] =	ssyncadd.s32 $0xFFFFFF80  }
0x83: {  	[tilespmem:s12], [sflag:$0x9] =	stream.indirect.gather [hbm4b:s1+s25], $0x80, s29, s25, $0xb8;
	[tilespmem:$0x1FF00] =	vst v63  }
0x84: {  	s7 =	sand.u32 $0x380, s7;
	s24 =	sor.u32 s24, s20;
	_ =	swait.ge [sflag:s13], $0x4000  }
0x85: {  	s28 =	sadd.s32 s8, s28;
	s20 =	sadd.s32 $0x180, s9;
	[sflag:s13] =	ssyncset.done $0x0  }
0x86: {  	s7 =	sor.u32 s7, s28;
	s24 =	sshrl.u32 s24, $0x3;
	[sflag:s13] =	ssyncadd.s32 $0xFFFFC000  }
0x87: {  	p0 =	sne.s32 s9, $0x2880;
	s7 =	sshrl.u32 s7, $0x3;
	_ =	swait.ge [sflag:s14], $0x80  }
0x88: {  	s9 =	sadd.s32 s6, s24;
	[sflag:s14] =	ssyncset.done $0x0  }
0x89: {  	s24 =	simm.s32 $0x180;
	[sflag:s14] =	ssyncadd.s32 $0xFFFFFF80  }
0x8a: {  	[spmem:s2] =	stream.indirect.scatter.add.f32 [tilespmem:s16], [sflag:$0xA], $0x80, s24, s25, $0xb8;
	[tilespmem:$0x1FF00] =	vst v63  }
0x8b: {  	s7 =	sadd.s32 s5, s7  }
0x8c: {  	[tilespmem:s4], [sflag:$0x1] =	stream.linear.gather [hbm4b:s7+s4], $0x80, $0x38;
	[tilespmem:$0x1FF00] =	vst v63  }
0x8d: {  	_ =	swait.ge [sflag:s15], $0x4000  }
0x8e: {  	[sflag:s15] =	ssyncset.done $0x0  }
0x8f: {  	s7 =	sadd.s32 $0xFFFFFF00, s26;
	[sflag:s15] =	ssyncadd.s32 $0xFFFFC000  }
0x90: {  	[tilespmem:s24], [sflag:$0x4] =	stream.linear.gather [hbm4b:s9+s4], $0x80, $0x38;
	[tilespmem:$0x1FF00] =	vst v63  }
0x91: {  	s9 =	sand.u32 $0xFC00, s7;
	s7 =	sand.u32 $0x380, s7;
	_ =	swait.ge [sflag:s30], $0x80  }
0x92: {  	s9 =	sadd.s32 s8, s9;
	[sflag:s30] =	ssyncset.done $0x0  }
0x93: {  	s7 =	sor.u32 s7, s9;
	[sflag:s30] =	ssyncadd.s32 $0xFFFFFF80  }
0x94: {  	[tilespmem:s16], [sflag:$0x7] =	stream.indirect.gather [hbm4b:s1+s25], $0x80, s4, s25, $0xb8;
	[tilespmem:$0x1FF00] =	vst v63  }
0x95: {  	_ =	swait.ge [sflag:s17], $0x4000  }
0x96: {  	[sflag:s17] =	ssyncset.done $0x0  }
0x97: {  	[sflag:s17] =	ssyncadd.s32 $0xFFFFC000  }
0x98: {  	s7 =	sshrl.u32 s7, $0x3;
	_ =	swait.ge [sflag:s18], $0x80  }
0x99: {  	s9 =	sadd.s32 s5, s7;
	[sflag:s18] =	ssyncset.done $0x0  }
0x9a: {  	s24 =	simm.s32 $0x200;
	[sflag:s18] =	ssyncadd.s32 $0xFFFFFF80  }
0x9b: {  	[spmem:s2] =	stream.indirect.scatter.add.f32 [tilespmem:s0], [sflag:$0xB], $0x80, s24, s25, $0xb8;
	[tilespmem:$0x1FF00] =	vst v63  }
0x9c: {  	_ = 	snop  }
0x9d: {  	[tilespmem:s25], [sflag:$0x2] =	stream.linear.gather [hbm4b:s9+s4], $0x80, $0x38;
	[tilespmem:$0x1FF00] =	vst v63  }
0x9e: {  	_ =	swait.ge [sflag:s21], $0x4000  }
0x9f: {  	[sflag:s21] =	ssyncset.done $0x0  }
0xa0: {  	s7 =	sadd.s32 s6, s7;
	[sflag:s21] =	ssyncadd.s32 $0xFFFFC000  }
0xa1: {  	[tilespmem:s24], [sflag:$0x5] =	stream.linear.gather [hbm4b:s7+s4], $0x80, $0x38;
	[tilespmem:$0x1FF00] =	vst v63  }
0xa2: {  	s7 =	sadd.s32 $0xFFFFFF80, s26;
	_ =	swait.ge [sflag:s31], $0x80  }
0xa3: {  	s9 =	sand.u32 $0xFC00, s7;
	[sflag:s31] =	ssyncset.done $0x0  }
0xa4: {  	s7 =	sand.u32 $0x380, s7;
	s9 =	sadd.s32 s8, s9;
	[sflag:s31] =	ssyncadd.s32 $0xFFFFFF80  }
0xa5: {  	s7 =	sor.u32 s7, s9  }
0xa6: {  	[tilespmem:s0], [sflag:$0x8] =	stream.indirect.gather [hbm4b:s1+s25], $0x80, s25, s25, $0xb8;
	[tilespmem:$0x1FF00] =	vst v63  }
0xa7: {  	s7 =	sshrl.u32 s7, $0x3;
	_ =	swait.ge [sflag:s22], $0x4000  }
0xa8: {  	s9 =	sadd.s32 s5, s7;
	[sflag:s22] =	ssyncset.done $0x0  }
0xa9: {  	[sflag:s22] =	ssyncadd.s32 $0xFFFFC000  }
0xaa: {  	_ =	swait.ge [sflag:s23], $0x80  }
0xab: {  	[sflag:s23] =	ssyncset.done $0x0  }
0xac: {  	[sflag:s23] =	ssyncadd.s32 $0xFFFFFF80  }
0xad: {  	[spmem:s2] =	stream.indirect.scatter.add.f32 [tilespmem:s12], [sflag:$0xC], $0x80, s3, s25, $0xb8;
	[tilespmem:$0x1FF00] =	vst v63  }
0xae: {  	s7 =	sadd.s32 s6, s7  }
0xaf: {  	[tilespmem:s29], [sflag:$0x3] =	stream.linear.gather [hbm4b:s9+s4], $0x80, $0x38;
	[tilespmem:$0x1FF00] =	vst v63  }
0xb0: {  	_ =	swait.ge [sflag:s10], $0x4000  }
.Ltmp0:
0xb1: {  	[sflag:s10] =	ssyncset.done $0x0;
	(pc) =	sbr.rel @p0 .LBB2_2-.Ltmp0, $4  }
0xb2: {  	p1 =	seq.s32 s26, $0x2880;
	[sflag:s10] =	ssyncadd.s32 $0xFFFFC000  }
0xb3: {  	[tilespmem:s3], [sflag:$0x6] =	stream.linear.gather [hbm4b:s7+s4], $0x80, $0x38;
	[tilespmem:$0x1FF00] =	vst v63  }
0xb4: {  	s24 =	sadd.s32 $0xFFFFFE80, s19;
	s7 =	smov.u32 s26  }
0xb5: {  	s9 =	smov.u32 s20;
	_ =	swait.ge [sflag:s11], $0x80;
	s7 =	simm.s32 @p1 $0x0  }
0xb6: {  	[sflag:s11] =	ssyncset.done $0x0  }
0xb7: {  	s20 =	simm.s32 $0x100;
	[sflag:s11] =	ssyncadd.s32 $0xFFFFFF80  }
0xb8: {  	[tilespmem:s12], [sflag:$0x9] =	stream.indirect.gather [hbm4b:s1+s25], $0x80, s20, s25, $0xb8;
	[tilespmem:$0x1FF00] =	vst v63  }
0xb9: {  	_ =	swait.ge [sflag:s13], $0x4000  }
0xba: {  	[sflag:s13] =	ssyncset.done $0x0  }
0xbb: {  	s9 =	sand.u32 $0xFC00, s7;
	[sflag:s13] =	ssyncadd.s32 $0xFFFFC000  }
0xbc: {  	s28 =	sand.u32 $0x380, s7;
	s9 =	sadd.s32 s8, s9;
	_ =	swait.ge [sflag:s14], $0x80  }
0xbd: {  	s7 =	sor.u32 s28, s9;
	[sflag:s14] =	ssyncset.done $0x0  }
0xbe: {  	s26 =	simm.s32 $0x180;
	s7 =	sshrl.u32 s7, $0x3;
	[sflag:s14] =	ssyncadd.s32 $0xFFFFFF80  }
0xbf: {  	[spmem:s2] =	stream.indirect.scatter.add.f32 [tilespmem:s16], [sflag:$0xA], $0x80, s26, s25, $0xb8;
	[tilespmem:$0x1FF00] =	vst v63  }
0xc0: {  	s9 =	sand.u32 $0x7C00, s24;
	s7 =	sadd.s32 s5, s7  }
0xc1: {  	[tilespmem:s4], [sflag:$0x1] =	stream.linear.gather [hbm4b:s7+s4], $0x80, $0x38;
	[tilespmem:$0x1FF00] =	vst v63  }
0xc2: {  	s28 =	sand.u32 $0x380, s24;
	s7 =	sadd.s32 s8, s9  }
0xc3: {  	s7 =	sor.u32 s28, s7;
	_ =	swait.ge [sflag:s15], $0x4000  }
0xc4: {  	s7 =	sshrl.u32 s7, $0x3;
	[sflag:s15] =	ssyncset.done $0x0  }
0xc5: {  	s7 =	sadd.s32 s6, s7;
	[sflag:s15] =	ssyncadd.s32 $0xFFFFC000  }
0xc6: {  	[tilespmem:s26], [sflag:$0x4] =	stream.linear.gather [hbm4b:s7+s4], $0x80, $0x38;
	[tilespmem:$0x1FF00] =	vst v63  }
0xc7: {  	_ =	swait.ge [sflag:s30], $0x80  }
0xc8: {  	[sflag:s30] =	ssyncset.done $0x0  }
0xc9: {  	[sflag:s30] =	ssyncadd.s32 $0xFFFFFF80  }
0xca: {  	[tilespmem:s16], [sflag:$0x7] =	stream.indirect.gather [hbm4b:s1+s25], $0x80, s4, s25, $0xb8;
	[tilespmem:$0x1FF00] =	vst v63  }
0xcb: {  	_ =	swait.ge [sflag:s17], $0x4000  }
0xcc: {  	s9 =	sadd.s32 $0xFFFFFF00, s19;
	[sflag:s17] =	ssyncset.done $0x0  }
0xcd: {  	s24 =	sand.u32 $0xFC00, s9;
	[sflag:s17] =	ssyncadd.s32 $0xFFFFC000  }
0xce: {  	s7 =	sand.u32 $0x380, s9;
	s9 =	sadd.s32 s8, s24;
	_ =	swait.ge [sflag:s18], $0x80  }
0xcf: {  	s7 =	sor.u32 s7, s9;
	[sflag:s18] =	ssyncset.done $0x0  }
0xd0: {  	s24 =	simm.s32 $0x200;
	s7 =	sshrl.u32 s7, $0x3;
	[sflag:s18] =	ssyncadd.s32 $0xFFFFFF80  }
0xd1: {  	[spmem:s2] =	stream.indirect.scatter.add.f32 [tilespmem:s0], [sflag:$0xB], $0x80, s24, s25, $0xb8;
	[tilespmem:$0x1FF00] =	vst v63  }
0xd2: {  	s28 =	sadd.s32 s5, s7  }
0xd3: {  	[tilespmem:s25], [sflag:$0x2] =	stream.linear.gather [hbm4b:s28+s4], $0x80, $0x38;
	[tilespmem:$0x1FF00] =	vst v63  }
0xd4: {  	_ =	swait.ge [sflag:s21], $0x4000  }
0xd5: {  	[sflag:s21] =	ssyncset.done $0x0  }
0xd6: {  	s7 =	sadd.s32 s6, s7;
	[sflag:s21] =	ssyncadd.s32 $0xFFFFC000  }
0xd7: {  	[tilespmem:s24], [sflag:$0x5] =	stream.linear.gather [hbm4b:s7+s4], $0x80, $0x38;
	[tilespmem:$0x1FF00] =	vst v63  }
0xd8: {  	_ =	swait.ge [sflag:s31], $0x80  }
0xd9: {  	[sflag:s31] =	ssyncset.done $0x0  }
0xda: {  	[sflag:s31] =	ssyncadd.s32 $0xFFFFFF80  }
0xdb: {  	[tilespmem:s0], [sflag:$0x8] =	stream.indirect.gather [hbm4b:s1+s25], $0x80, s25, s25, $0xb8;
	[tilespmem:$0x1FF00] =	vst v63  }
0xdc: {  	_ =	swait.ge [sflag:s22], $0x4000  }
0xdd: {  	s7 =	sadd.s32 $0xFFFFFF80, s19;
	[sflag:s22] =	ssyncset.done $0x0  }
0xde: {  	s28 =	sand.u32 $0xFC00, s7;
	[sflag:s22] =	ssyncadd.s32 $0xFFFFC000  }
0xdf: {  	s7 =	sand.u32 $0x380, s7;
	s9 =	sadd.s32 s8, s28;
	_ =	swait.ge [sflag:s23], $0x80  }
0xe0: {  	s7 =	sor.u32 s7, s9;
	[sflag:s23] =	ssyncset.done $0x0  }
0xe1: {  	s7 =	sshrl.u32 s7, $0x3;
	[sflag:s23] =	ssyncadd.s32 $0xFFFFFF80  }
0xe2: {  	[spmem:s2] =	stream.indirect.scatter.add.f32 [tilespmem:s12], [sflag:$0xC], $0x80, s3, s25, $0xb8;
	[tilespmem:$0x1FF00] =	vst v63  }
0xe3: {  	s28 =	sadd.s32 s5, s7  }
0xe4: {  	[tilespmem:s20], [sflag:$0x3] =	stream.linear.gather [hbm4b:s28+s4], $0x80, $0x38;
	[tilespmem:$0x1FF00] =	vst v63  }
0xe5: {  	_ =	swait.ge [sflag:s10], $0x4000  }
0xe6: {  	[sflag:s10] =	ssyncset.done $0x0  }
0xe7: {  	s7 =	sadd.s32 s6, s7;
	[sflag:s10] =	ssyncadd.s32 $0xFFFFC000  }
0xe8: {  	[tilespmem:s3], [sflag:$0x6] =	stream.linear.gather [hbm4b:s7+s4], $0x80, $0x38;
	[tilespmem:$0x1FF00] =	vst v63  }
0xe9: {  	_ =	swait.ge [sflag:s11], $0x80  }
0xea: {  	[sflag:s11] =	ssyncset.done $0x0  }
0xeb: {  	[sflag:s11] =	ssyncadd.s32 $0xFFFFFF80  }
0xec: {  	[tilespmem:s12], [sflag:$0x9] =	stream.indirect.gather [hbm4b:s1+s25], $0x80, s20, s25, $0xb8;
	[tilespmem:$0x1FF00] =	vst v63  }
0xed: {  	p0 =	seq.s32 s19, $0x2880;
	_ =	swait.ge [sflag:s13], $0x4000  }
0xee: {  	s19 =	simm.s32 @p0 $0x0;
	[sflag:s13] =	ssyncset.done $0x0  }
0xef: {  	s9 =	sand.u32 $0xFC00, s19;
	[sflag:s13] =	ssyncadd.s32 $0xFFFFC000  }
0xf0: {  	s7 =	sadd.s32 s8, s9;
	s20 =	sand.u32 $0x380, s19;
	_ =	swait.ge [sflag:s14], $0x80  }
0xf1: {  	s7 =	sor.u32 s20, s7;
	[sflag:s14] =	ssyncset.done $0x0  }
0xf2: {  	s7 =	sshrl.u32 s7, $0x3;
	[sflag:s14] =	ssyncadd.s32 $0xFFFFFF80  }
0xf3: {  	[spmem:s2] =	stream.indirect.scatter.add.f32 [tilespmem:s16], [sflag:$0xA], $0x80, s26, s25, $0xb8;
	[tilespmem:$0x1FF00] =	vst v63  }
0xf4: {  	s7 =	sadd.s32 s5, s7  }
0xf5: {  	[tilespmem:s4], [sflag:$0x1] =	stream.linear.gather [hbm4b:s7+s4], $0x80, $0x38;
	[tilespmem:$0x1FF00] =	vst v63  }
0xf6: {  	_ =	swait.ge [sflag:s17], $0x4000  }
0xf7: {  	[sflag:s17] =	ssyncset.done $0x0  }
0xf8: {  	[sflag:s17] =	ssyncadd.s32 $0xFFFFC000  }
0xf9: {  	_ =	swait.ge [sflag:s18], $0x80  }
0xfa: {  	[sflag:s18] =	ssyncset.done $0x0  }
0xfb: {  	[sflag:s18] =	ssyncadd.s32 $0xFFFFFF80  }
0xfc: {  	[spmem:s2] =	stream.indirect.scatter.add.f32 [tilespmem:s0], [sflag:$0xB], $0x80, s24, s25, $0xb8;
	[tilespmem:$0x1FF00] =	vst v63  }
0xfd: {  	_ =	swait.ge [sflag:s22], $0x4000  }
0xfe: {  	[sflag:s22] =	ssyncset.done $0x0  }
0xff: {  	[sflag:s22] =	ssyncadd.s32 $0xFFFFC000  }
0x100: {  	_ =	swait.ge [sflag:s23], $0x80  }
0x101: {  	[sflag:s23] =	ssyncset.done $0x0  }
0x102: {  	[sflag:s23] =	ssyncadd.s32 $0xFFFFFF80  }
0x103: {  	[spmem:s2] =	stream.indirect.scatter.add.f32 [tilespmem:s12], [sflag:$0xC], $0x80, s3, s25, $0xb8;
	[tilespmem:$0x1FF00] =	vst v63  }
0x104: {  	_ =	swait.ge [sflag:s15], $0x4000  }
0x105: {  	[sflag:s15] =	ssyncset.done $0x0  }
0x106: {  	[sflag:s15] =	ssyncadd.s32 $0xFFFFC000  }
0x107: {  	_ =	swait.ge [sflag:s21], $0x4000  }
0x108: {  	[sflag:s21] =	ssyncset.done $0x0  }
0x109: {  	[sflag:s21] =	ssyncadd.s32 $0xFFFFC000  }
0x10a: {  	_ =	swait.ge [sflag:s10], $0x4000  }
0x10b: {  	[sflag:s10] =	ssyncset.done $0x0  }
0x10c: {  	[sflag:s10] =	ssyncadd.s32 $0xFFFFC000  }
0x10d: {  	_ =	swait.ge [sflag:s30], $0x80  }
0x10e: {  	[sflag:s30] =	ssyncset.done $0x0  }
0x10f: {  	[sflag:s30] =	ssyncadd.s32 $0xFFFFFF80  }
0x110: {  	[bflag:$0x0] =	sbarrier.arrive $0xFFFF  }
0x111: {  	s19 =	rddreg [dreg:$0x5]  }
0x112: {  	s24 =	rddreg [dreg:$0xd]  }
0x113: {  	s20 =	rddreg [dreg:$0xf]  }
0x114: {  	[hbm:s24], [sflag:s19] =	dma.local [spmem:s20], $0x2780  }
0x115: {  	s24 =	simm.s32 $0xD  }
0x116: {  	_ =	swait.ge [sflag:s24], $0x2780  }
0x117: {  	s26 =	rddreg [dreg:$0x14]  }
0x118: {  	s28 =	rddreg [dreg:$0xe];
	s9 =	sadd.s32 $0x1, s26  }
0x119: {  	p0 =	sne.s32 s9, s28  }
.Ltmp1:
0x11a: {  	_ = 	snop;
	(pc) =	sbr.rel @p0 .LBB2_1-.Ltmp1, $3  }
0x11b: {  	_ =	sdelay $0x1  }
0x11c: {  	[sflag:s24] =	ssyncset.done $0x0  }
0x11d: {  	[sflag:s24] =	ssyncadd.s32 $0xFFFFD880  }
0x11e: {  	_ =	sfence.sel $0x180000  }
0x11f: {  	[bflag:$0x0] =	sbarrier.arrive $0xFFFF  }
0x120: {  	_ =	strace $0x90000053  }
0x121: {  	s0 =	stileid.u32;
	[bflag:$0x2] =	sbarrier.arrive $0xFFFF  }
0x122: {  	p0 =	sne.s32 s0, $0x0;
	s0 =	rddreg [dreg:$0x3]  }
0x123: {  	s0 =	sadd.s32 @!p0 $0x100000, s0  }
0x124: {  	[sflag:s0] =	ssyncadd.tile.s32 @!p0 $0x1;
	_ =	shalt  }
.Lfunc_end2:
_tile_overlayer_lowered:
.L_overlay_start_2:
0x125: {  	(tag) =	ssettag $0x2  }
0x126: {  	s0 =	rddreg [dreg:$0x0];
	s2 =	stileid.u32  }
0x127: {  	s1 =	rddreg [dreg:$0x1];
	p0 =	sne.s32 s2, $0x0  }
0x128: {  	s3 =	rddreg [dreg:$0x2];
	[bflag:$0x3] =	sbarrier.arrive $0xFFFF;
	s2 =	simm.s32 @!p0 $0x1C0D  }
0x129: {  	[timem:s3], [sflag:s2] =	dma.local @!p0 [hbm:s0], s1  }
0x12a: {  	s0 =	simm.s32 @!p0 $0xD  }
0x12b: {  	_ =	swait.ge @!p0 [sflag:s0], s1  }
0x12c: {  	s1 =	ssub.s32 @!p0 $0x0, s1;
	[sflag:s0] =	ssyncset.done @!p0 $0x0  }
0x12d: {  	[sflag:s0] =	ssyncadd.s32 @!p0 s1  }
0x12e: {  	[bflag:$0x3] =	sbarrier.arrive $0xFFFF  }
0x12f: {  	_ =	shalt  }

</sc_bundles>
